<compile_context>
chip_gen: v7x
topology: tpu7x:2x2x1
jax: 0.10.2.dev20260603
libtpu: 0.0.44.dev20260713+nightly
codegen_flags: <defaults>
</compile_context>

<pallas_src>
import functools
import jax
import jax.numpy as jnp
from jax import lax
from jax.experimental import pallas as pl
from jax.experimental.pallas import tpu as pltpu, tpu_sc as plsc

B = 2
N = 4096
CH = 64
K = 16
N_CLASSES = 13
NW = 32
L = 16


NCK = 16
CKS = N // NCK


def _phase2(kd, P, pv_ref, piv_ref, pw_ref, idx_ref):
    sl = pl.ds(0, P)
    pw_ref[sl, :] = pv_ref[sl, :]

    def step(j, _):
        pw = pw_ref[sl, :]
        piv = piv_ref[sl, :]
        m = jnp.max(pw, axis=0, keepdims=True)
        sel = jnp.min(jnp.where(pw == m, piv, N), axis=0, keepdims=True)
        idx_ref[0, pl.ds(j, 1), :] = sel
        pw_ref[sl, :] = jnp.where((pw == m) & (piv == sel), -jnp.inf, pw)
        return 0

    lax.fori_loop(0, kd, step, 0)


def _knn_body(kd, R, prec, ptsall_ref, ptsblkT_ref, sqall_ref, idx_ref,
              nd_ref, pv_ref, piv_ref, pw_ref, done_ref):
    P = NCK * kd
    m0 = pl.cdiv(kd, NCK)
    VR = NCK * min(kd, m0 + 8)
    pts_all = ptsall_ref[0]
    pts_blkT = ptsblkT_ref[0]
    inner = -2.0 * jnp.dot(pts_all, pts_blkT, preferred_element_type=jnp.float32,
                           precision=prec)
    sq_all = sqall_ref[0]
    sq_blk = jnp.sum(pts_blkT * pts_blkT, axis=0, keepdims=True)
    nd_ref[...] = -((sq_blk + inner) + sq_all)
    pv_ref[...] = jnp.full((P, R), -jnp.inf, jnp.float32)
    piv_ref[...] = jnp.zeros((P, R), jnp.int32)
    done_ref[0, 0] = 0
    done_ref[0, 1] = m0
    kiota = lax.broadcasted_iota(jnp.int32, (CKS, NCK, R), 0)
    coff = lax.broadcasted_iota(jnp.int32, (NCK, R), 0)

    def round_(r):
        nd3 = nd_ref[...].reshape(CKS, NCK, R)
        cm = jnp.max(nd3, axis=0)
        am = jnp.min(jnp.where(nd3 == cm[None], kiota, CKS), axis=0)
        pv_ref[pl.ds(NCK * r, NCK), :] = cm
        piv_ref[pl.ds(NCK * r, NCK), :] = am * NCK + coff
        nd_ref[...] = jnp.where(kiota == am[None], -jnp.inf, nd3).reshape(N, R)

    for r in range(m0):
        round_(r)

    def more(r, _):
        @pl.when(done_ref[0, 0] == 0)
        def _check():
            nd3 = nd_ref[...].reshape(CKS, NCK, R)
            cm = jnp.max(nd3, axis=0)
            rem = jnp.max(cm, axis=0)
            cnt = jnp.sum((pv_ref[...] > rem[None, :]).astype(jnp.float32),
                          axis=0)
            needs = jnp.any(cnt < kd)
            done_ref[0, 0] = jnp.where(needs, 0, 1).astype(jnp.int32)

            @pl.when(needs)
            def _extra():
                am = jnp.min(jnp.where(nd3 == cm[None], kiota, CKS), axis=0)
                pv_ref[pl.ds(NCK * r, NCK), :] = cm
                piv_ref[pl.ds(NCK * r, NCK), :] = am * NCK + coff
                nd_ref[...] = jnp.where(kiota == am[None], -jnp.inf,
                                        nd3).reshape(N, R)
                done_ref[0, 1] = r + 1

        return 0

    lax.fori_loop(m0, kd, more, 0, unroll=False)

    if VR < P:
        @pl.when(done_ref[0, 1] * NCK <= VR)
        def _common():
            _phase2(kd, VR, pv_ref, piv_ref, pw_ref, idx_ref)

        @pl.when(done_ref[0, 1] * NCK > VR)
        def _rare():
            _phase2(kd, P, pv_ref, piv_ref, pw_ref, idx_ref)
    else:
        _phase2(kd, P, pv_ref, piv_ref, pw_ref, idx_ref)


def _knn_topk_idx(pts, kd, R=128, prec=lax.Precision.DEFAULT):
    b, n, c = pts.shape
    assert n == N
    P = NCK * kd
    ptsT = jnp.transpose(pts, (0, 2, 1))
    sqall = jnp.sum(pts * pts, axis=2, keepdims=True)
    body = functools.partial(_knn_body, kd, R, prec)
    return pl.pallas_call(
        body,
        grid=(b, n // R),
        in_specs=[
            pl.BlockSpec((1, n, c), lambda bi, i: (bi, 0, 0)),
            pl.BlockSpec((1, c, R), lambda bi, i: (bi, 0, i)),
            pl.BlockSpec((1, n, 1), lambda bi, i: (bi, 0, 0)),
        ],
        out_specs=pl.BlockSpec((1, kd, R), lambda bi, i: (bi, 0, i)),
        out_shape=jax.ShapeDtypeStruct((b, kd, n), jnp.int32),
        scratch_shapes=[
            pltpu.VMEM((n, R), jnp.float32),
            pltpu.VMEM((P, R), jnp.float32),
            pltpu.VMEM((P, R), jnp.int32),
            pltpu.VMEM((P, R), jnp.float32),
            pltpu.SMEM((1, 2), jnp.int32),
        ],
    )(pts, ptsT, sqall)



def _sg_body(rpw, chunk, nch, x_hbm, idxf_hbm, out_hbm, idx_v, rows_v, sem):
    wid = lax.axis_index("s") * 2 + lax.axis_index("c")
    base = wid * rpw

    def do_chunk(ci, _):
        r0 = base + ci * chunk
        pltpu.sync_copy(idxf_hbm.at[pl.ds(r0 * K, chunk * K)], idx_v)
        pltpu.async_copy(x_hbm.at[idx_v], rows_v, sem).wait()
        pltpu.sync_copy(rows_v, out_hbm.at[pl.ds(r0 * K, chunk * K)])
        return 0

    lax.fori_loop(0, nch, do_chunk, 0, unroll=False)


def _sc_gather_rows(x, idxT):
    nb = x.shape[0]
    rows = nb * N
    c = x.shape[2]
    rpw = rows // NW
    chunk = 32
    nch = rpw // chunk
    xf = jnp.pad(x.reshape(rows, c), ((0, 0), (0, 128 - c)))
    idxg = (jnp.transpose(idxT, (0, 2, 1))
            + (jnp.arange(nb, dtype=jnp.int32) * N)[:, None, None])
    idxf = idxg.reshape(rows * K)
    mesh = plsc.VectorSubcoreMesh(core_axis_name="c", subcore_axis_name="s")
    body = functools.partial(_sg_body, rpw, chunk, nch)
    out = pl.kernel(
        body,
        out_type=jax.ShapeDtypeStruct((rows * K, 128), jnp.float32),
        mesh=mesh,
        scratch_types=[
            pltpu.VMEM((chunk * K,), jnp.int32),
            pltpu.VMEM((chunk * K, 128), jnp.float32),
            pltpu.SemaphoreType.DMA,
        ],
    )(xf, idxf)
    return out.reshape(nb, N, K, 128)


def _ec_body(c, co, has_res, x_ref, xj_ref, w_ref, b_ref, res_ref, out_ref):
    R = x_ref.shape[1]
    xi = x_ref[0]
    xj = xj_ref[0].reshape(R, K, 128)[:, :, :c]
    d = xj - xi[:, None, :]
    h = jnp.concatenate(
        [jnp.broadcast_to(xi[:, None, :], (R, K, c)), d], axis=2)
    h = h.reshape(R * K, 2 * c)
    g = jnp.dot(h, w_ref[...], preferred_element_type=jnp.float32) + b_ref[...]
    g = jnp.maximum(g, 0.0).reshape(R, K, co)
    o = jnp.max(g, axis=1)
    if has_res:
        o = o + res_ref[0]
    out_ref[0] = o


def _edge_conv(x, xj, W, bias, res, R=256):
    nb, n, c = x.shape
    co = W.shape[0]
    WT = jnp.transpose(W)
    xjf = xj.reshape(nb, n * K, 128)
    resx = res if res is not None else x
    body = functools.partial(_ec_body, c, co, res is not None)
    return pl.pallas_call(
        body,
        grid=(nb, n // R),
        in_specs=[
            pl.BlockSpec((1, R, c), lambda b, i: (b, i, 0)),
            pl.BlockSpec((1, R * K, 128), lambda b, i: (b, i, 0)),
            pl.BlockSpec((2 * c, co), lambda b, i: (0, 0)),
            pl.BlockSpec((1, co), lambda b, i: (0, 0)),
            pl.BlockSpec((1, R, resx.shape[2]), lambda b, i: (b, i, 0)),
        ],
        out_specs=pl.BlockSpec((1, R, co), lambda b, i: (b, i, 0)),
        out_shape=jax.ShapeDtypeStruct((nb, n, co), jnp.float32),
    )(x, xjf, WT, bias.reshape(1, co), resx)


def _head_body(f_ref, wf_ref, bf_ref, w1_ref, w1c_ref, b1_ref, w2_ref, b2_ref,
               w3_ref, b3_ref, out_ref):
    f = f_ref[0]
    fused = jnp.maximum(
        jnp.dot(f, wf_ref[...], preferred_element_type=jnp.float32) + bf_ref[...], 0.0)
    fmax = jnp.max(fused, axis=1, keepdims=True)
    h1 = jnp.dot(f, w1_ref[...], preferred_element_type=jnp.float32)
    h1 = jnp.maximum(h1 + fmax * w1c_ref[...] + b1_ref[...], 0.0)
    h2 = jnp.maximum(
        jnp.dot(h1, w2_ref[...], preferred_element_type=jnp.float32) + b2_ref[...], 0.0)
    lg = jnp.dot(h2, w3_ref[...], preferred_element_type=jnp.float32) + b3_ref[...]
    mx = jnp.max(lg, axis=1, keepdims=True)
    s = lg - mx
    lse = jnp.log(jnp.sum(jnp.exp(s), axis=1, keepdims=True))
    out_ref[0] = s - lse


def _head(feats, Wf, bf, Wp1, bp1, Wp2, bp2, Wp3, bp3, R=512):
    _, n, cf = feats.shape
    WfT = jnp.transpose(Wf)
    W1aT = jnp.transpose(Wp1[:, :cf])
    w1col = Wp1[:, cf].reshape(1, -1)
    W2T = jnp.transpose(Wp2)
    W3T = jnp.transpose(Wp3)
    full = lambda shape: pl.BlockSpec(shape, lambda b, i: tuple(0 for _ in shape))
    return pl.pallas_call(
        _head_body,
        grid=(B, n // R),
        in_specs=[
            pl.BlockSpec((1, R, cf), lambda b, i: (b, i, 0)),
            full(WfT.shape), full((1, 1024)),
            full(W1aT.shape), full(w1col.shape), full((1, 512)),
            full(W2T.shape), full((1, 256)),
            full(W3T.shape), full((1, N_CLASSES)),
        ],
        out_specs=pl.BlockSpec((1, R, N_CLASSES), lambda b, i: (b, i, 0)),
        out_shape=jax.ShapeDtypeStruct((B, n, N_CLASSES), jnp.float32),
    )(feats, WfT, bf.reshape(1, -1), W1aT, w1col, bp1.reshape(1, -1),
      W2T, bp2.reshape(1, -1), W3T, bp3.reshape(1, -1))


def kernel(inputs, W0, b0, W1, b1, W2, b2, W3, b3, Wf, bf, Wp1, bp1, Wp2, bp2, Wp3, bp3):
    x = jnp.transpose(inputs[:, :, :, 0], (0, 2, 1))
    per_batch = []
    for b in range(B):
        xb = x[b:b + 1]
        idxT = _knn_topk_idx(xb[:, :, 0:3], K)
        f = _edge_conv(xb, _sc_gather_rows(xb, idxT), W0, b0, None)
        fs = [f]
        for i, (W, bias) in enumerate([(W1, b1), (W2, b2), (W3, b3)]):
            d = i + 1
            idxT = _knn_topk_idx(f, K * d)[:, ::d, :]
            f = _edge_conv(f, _sc_gather_rows(f, idxT), W, bias, f)
            fs.append(f)
        per_batch.append(jnp.concatenate(fs, axis=-1))
    feats = jnp.concatenate(per_batch, axis=0)
    out = _head(feats, Wf, bf, Wp1, bp1, Wp2, bp2, Wp3, bp3)
    return jnp.transpose(out, (0, 2, 1))

# --- scband reference (transcript-rebuilt; emitter-appended) ---
"""Pipeline reference for scband-dense-deep-gcn-58282706207002 (READ-ONLY COPY).

The authoritative reference and input builder live on the scoring server;
editing this copy changes nothing except your own understanding.
"""

import jax, jax.numpy as jnp
import numpy as np

B = 2
N = 4096
C_IN = 9
CH = 64
K = 16
N_BLOCKS = 4
N_CLASSES = 13


def conv1x1(x, W, b):
    # x: [B, C_in, N, k]; W: [C_out, C_in]; b: [C_out]
    return jnp.einsum('oc,bcnk->bonk', W, x) + b[None, :, None, None]


def knn_idx(x, k):
    # x: [B, C, N, 1] -> edge_index int32 [2, B, N, k] (nn_idx, center_idx)
    pts = jnp.transpose(jnp.squeeze(x, -1), (0, 2, 1))  # [B, N, C]
    pts = jax.lax.stop_gradient(pts)  # torch computes knn under no_grad
    inner = -2.0 * jnp.matmul(pts, jnp.transpose(pts, (0, 2, 1)))
    sq = jnp.sum(pts * pts, axis=-1, keepdims=True)
    dist = sq + inner + jnp.transpose(sq, (0, 2, 1))
    _, nn_idx = jax.lax.top_k(-dist, k)  # [B, N, k]
    n = pts.shape[1]
    center = jnp.broadcast_to(jnp.arange(n, dtype=nn_idx.dtype)[None, :, None], nn_idx.shape)
    return jnp.stack([nn_idx, center], axis=0)


def dilated_knn(x, k, d):
    ei = knn_idx(x, k * d)
    return ei[:, :, :, ::d]


def batched_index_select(x, idx):
    # x: [B, C, N, 1]; idx: [B, N, k] -> [B, C, N, k]
    xs = jnp.squeeze(x, -1)
    return jax.vmap(lambda xb, ib: xb[:, ib])(xs, idx)


def edge_conv(x, ei, W, b):
    x_i = batched_index_select(x, ei[1])
    x_j = batched_index_select(x, ei[0])
    h = jnp.concatenate([x_i, x_j - x_i], axis=1)
    h = jax.nn.relu(conv1x1(h, W, b))
    return jnp.max(h, axis=-1, keepdims=True)


def setup_inputs(seed: int = 0) -> dict:
    key = jax.random.key(seed)
    ks = jax.random.split(key, 20)
    def w(k_, fo, fi):
        return jax.random.normal(k_, (fo, fi), dtype=jnp.float32) * (2.0 / fi) ** 0.5
    inputs = jax.random.normal(ks[0], (B, C_IN, N, 1), dtype=jnp.float32)
    d = {'inputs': inputs}
    d['W0'] = w(ks[1], CH, 2 * C_IN); d['b0'] = jnp.zeros((CH,), jnp.float32)
    d['W1'] = w(ks[2], CH, 2 * CH);   d['b1'] = jnp.zeros((CH,), jnp.float32)
    d['W2'] = w(ks[3], CH, 2 * CH);   d['b2'] = jnp.zeros((CH,), jnp.float32)
    d['W3'] = w(ks[4], CH, 2 * CH);   d['b3'] = jnp.zeros((CH,), jnp.float32)
    fused = CH * N_BLOCKS
    d['Wf'] = w(ks[5], 1024, fused);  d['bf'] = jnp.zeros((1024,), jnp.float32)
    d['Wp1'] = w(ks[6], 512, fused + 1); d['bp1'] = jnp.zeros((512,), jnp.float32)
    d['Wp2'] = w(ks[7], 256, 512);    d['bp2'] = jnp.zeros((256,), jnp.float32)
    d['Wp3'] = w(ks[8], N_CLASSES, 256); d['bp3'] = jnp.zeros((N_CLASSES,), jnp.float32)
    return d


def reference(inputs, W0, b0, W1, b1, W2, b2, W3, b3, Wf, bf, Wp1, bp1, Wp2, bp2, Wp3, bp3):
    # head: knn on xyz coords, EdgeConv on full 9-channel features
    ei0 = dilated_knn(inputs[:, 0:3], K, 1)
    feats = [edge_conv(inputs, ei0, W0, b0)]
    # res backbone: dynamic knn on features, dilation = block_idx + 1
    for i, (W, b) in enumerate([(W1, b1), (W2, b2), (W3, b3)]):
        x = feats[-1]
        ei = dilated_knn(x, K, i + 1)
        feats.append(edge_conv(x, ei, W, b) + x)  # res_scale = 1
    feats = jnp.concatenate(feats, axis=1)  # [B, 256, N, 1]
    fusion = jax.nn.relu(conv1x1(feats, Wf, bf))
    fusion = jnp.max(fusion, axis=1, keepdims=True)  # [B, 1, N, 1]
    h = jnp.concatenate([feats, fusion], axis=1)
    h = jax.nn.relu(conv1x1(h, Wp1, bp1))
    h = jax.nn.relu(conv1x1(h, Wp2, bp2))
    out = conv1x1(h, Wp3, bp3)  # act=None on last BasicConv
    out = jnp.squeeze(out, -1)  # [B, n_classes, N]
    return jax.nn.log_softmax(out, axis=1)

if __name__ == "__main__":
    import jax
    _d = setup_inputs()
    print(jax.jit(kernel)(*tuple(_d.values())))

</pallas_src>

<mosaic_0001>
#map = affine_map<(d0, d1) -> (0, 0)>
#map1 = affine_map<(d0, d1) -> (0)>
module attributes {stable_mosaic.version = 14 : i64} {
  func.func @_sg_body(%arg0: i32, %arg1: i32, %arg2: memref<4096x128xf32, #tpu.memory_space<hbm>>, %arg3: memref<65536xi32, #tpu.memory_space<hbm>>, %arg4: memref<65536x128xf32, #tpu.memory_space<hbm>>, %arg5: memref<512xi32, #tpu.memory_space<vmem>>, %arg6: memref<512x128xf32, #tpu.memory_space<vmem>>, %arg7: memref<!tpu.dma_semaphore, #tpu.memory_space<semaphore_mem>>) attributes {dimension_semantics = [#tpu.dimension_semantics<core_parallel>, #tpu.dimension_semantics<subcore_parallel>], iteration_bounds = array<i64: 2, 16>, scalar_prefetch = 0 : i64, scratch_operands = 3 : i64, tpu.core_type = #tpu.core_type<sc_vector_subcore>, window_params = [{transform_indices = #map}, {transform_indices = #map1}, {transform_indices = #map}]} {
    %mul3A = arith.constant 2 : i32
    %mul3A_0 = arith.muli %arg1, %mul3A : i32
    %add3A = arith.addi %mul3A_0, %arg0 : i32
    %mul3A_1 = arith.constant 128 : i32
    %mul3A_2 = arith.muli %add3A, %mul3A_1 : i32
    %scan3A = arith.constant 0 : i32
    %scan3A_3 = arith.constant 0 : i32
    %scan3A_4 = arith.constant 4 : i32
    %scan3A_5 = arith.addi %scan3A_3, %scan3A_4 : i32
    %scan3A_6 = arith.constant 1 : i32
    %scan3A_7 = scf.for %scan3A_9 = %scan3A_3 to %scan3A_5 step %scan3A_6 iter_args(%scan3A_10 = %scan3A) -> (i32)  : i32 {
      %mul3A_11 = arith.constant 32 : i32
      %mul3A_12 = arith.muli %scan3A_9, %mul3A_11 : i32
      %add3A_13 = arith.addi %mul3A_2, %mul3A_12 : i32
      %mul3A_14 = arith.constant 16 : i32
      %mul3A_15 = arith.muli %add3A_13, %mul3A_14 : i32
      "tpu.region"() ({
        %run_scoped3A = tpu.sem_alloc : memref<!tpu.dma_semaphore, #tpu.memory_space<semaphore_mem>>
        %dma_start3A_23 = tpu.memref_slice %arg3[%mul3A_15] : memref<65536xi32, #tpu.memory_space<hbm>> -> memref<512xi32, #tpu.memory_space<hbm>>
        %dma_start3A_24 = tpu.memref_slice %arg3[%mul3A_15] : memref<65536xi32, #tpu.memory_space<hbm>> -> memref<512xi32, #tpu.memory_space<hbm>>
        tpu.enqueue_dma source(%dma_start3A_24 : memref<512xi32, #tpu.memory_space<hbm>>) target(%arg5 : memref<512xi32, #tpu.memory_space<vmem>>) target_semaphore(%run_scoped3A : memref<!tpu.dma_semaphore, #tpu.memory_space<semaphore_mem>>)
        %dma_wait3A_25 = tpu.memref_slice %arg3[%mul3A_15] : memref<65536xi32, #tpu.memory_space<hbm>> -> memref<512xi32, #tpu.memory_space<hbm>>
        %dma_wait3A_26 = tpu.memref_slice %arg3[%mul3A_15] : memref<65536xi32, #tpu.memory_space<hbm>> -> memref<512xi32, #tpu.memory_space<hbm>>
        tpu.wait_dma2 semaphore(%run_scoped3A : memref<!tpu.dma_semaphore, #tpu.memory_space<semaphore_mem>>) src(%dma_wait3A_26 : memref<512xi32, #tpu.memory_space<hbm>>) dst(%arg5 : memref<512xi32, #tpu.memory_space<vmem>>)
        tpu.yield
      }) : () -> ()
      %dma_start3A = arith.constant 0 : i32
      %dma_start3A_16 = arith.constant 0 : i32
      %dma_start3A_17 = tpu.memref_slice %arg2[%dma_start3A, %dma_start3A_16] : memref<4096x128xf32, #tpu.memory_space<hbm>> -> memref<4096x128xf32, #tpu.memory_space<hbm>>
      tpu.enqueue_indirect_dma source(%dma_start3A_17 : memref<4096x128xf32, #tpu.memory_space<hbm>>) target(%arg6 : memref<512x128xf32, #tpu.memory_space<vmem>>) offsets(%arg5 : memref<512xi32, #tpu.memory_space<vmem>>) semaphore(%arg7 : memref<!tpu.dma_semaphore, #tpu.memory_space<semaphore_mem>>)
      %dma_wait3A = arith.constant 0 : i32
      %dma_wait3A_18 = arith.constant 0 : i32
      %dma_wait3A_19 = tpu.memref_slice %arg2[%dma_wait3A, %dma_wait3A_18] : memref<4096x128xf32, #tpu.memory_space<hbm>> -> memref<4096x128xf32, #tpu.memory_space<hbm>>
      tpu.wait_indirect_dma semaphore(%arg7 : memref<!tpu.dma_semaphore, #tpu.memory_space<semaphore_mem>>) src(%dma_wait3A_19 : memref<4096x128xf32, #tpu.memory_space<hbm>>) dst(%arg6 : memref<512x128xf32, #tpu.memory_space<vmem>>)
      %mul3A_20 = arith.constant 16 : i32
      %mul3A_21 = arith.muli %add3A_13, %mul3A_20 : i32
      "tpu.region"() ({
        %run_scoped3A = tpu.sem_alloc : memref<!tpu.dma_semaphore, #tpu.memory_space<semaphore_mem>>
        %dma_start3A_23 = arith.constant 0 : i32
        %dma_start3A_24 = tpu.memref_slice %arg4[%mul3A_21, %dma_start3A_23] : memref<65536x128xf32, #tpu.memory_space<hbm>> -> memref<512x128xf32, #tpu.memory_space<hbm>>
        %dma_start3A_25 = arith.constant 0 : i32
        %dma_start3A_26 = tpu.memref_slice %arg4[%mul3A_21, %dma_start3A_25] : memref<65536x128xf32, #tpu.memory_space<hbm>> -> memref<512x128xf32, #tpu.memory_space<hbm>>
        tpu.enqueue_dma source(%arg6 : memref<512x128xf32, #tpu.memory_space<vmem>>) target(%dma_start3A_26 : memref<512x128xf32, #tpu.memory_space<hbm>>) target_semaphore(%run_scoped3A : memref<!tpu.dma_semaphore, #tpu.memory_space<semaphore_mem>>)
        %dma_wait3A_27 = arith.constant 0 : i32
        %dma_wait3A_28 = tpu.memref_slice %arg4[%mul3A_21, %dma_wait3A_27] : memref<65536x128xf32, #tpu.memory_space<hbm>> -> memref<512x128xf32, #tpu.memory_space<hbm>>
        %dma_wait3A_29 = arith.constant 0 : i32
        %dma_wait3A_30 = tpu.memref_slice %arg4[%mul3A_21, %dma_wait3A_29] : memref<65536x128xf32, #tpu.memory_space<hbm>> -> memref<512x128xf32, #tpu.memory_space<hbm>>
        tpu.wait_dma2 semaphore(%run_scoped3A : memref<!tpu.dma_semaphore, #tpu.memory_space<semaphore_mem>>) src(%arg6 : memref<512x128xf32, #tpu.memory_space<vmem>>) dst(%dma_wait3A_30 : memref<512x128xf32, #tpu.memory_space<hbm>>)
        tpu.yield
      }) : () -> ()
      %scan3A_22 = arith.constant 0 : i32
      scf.yield %scan3A_22 : i32
    }
    %scan3A_8 = arith.constant 4 : i32
    return
  }
}

#map = affine_map<(d0, d1) -> (0, 0)>
#map1 = affine_map<(d0, d1) -> (0)>
module attributes {stable_mosaic.version = 14 : i64} {
  func.func @_sg_body(%arg0: i32, %arg1: i32, %arg2: memref<4096x128xf32, #tpu.memory_space<hbm>>, %arg3: memref<65536xi32, #tpu.memory_space<hbm>>, %arg4: memref<65536x128xf32, #tpu.memory_space<hbm>>, %arg5: memref<512xi32, #tpu.memory_space<vmem>>, %arg6: memref<512x128xf32, #tpu.memory_space<vmem>>, %arg7: memref<!tpu.dma_semaphore, #tpu.memory_space<semaphore_mem>>) attributes {dimension_semantics = [#tpu.dimension_semantics<core_parallel>, #tpu.dimension_semantics<subcore_parallel>], iteration_bounds = array<i64: 2, 16>, scalar_prefetch = 0 : i64, scratch_operands = 3 : i64, tpu.core_type = #tpu.core_type<sc_vector_subcore>, window_params = [{transform_indices = #map}, {transform_indices = #map1}, {transform_indices = #map}]} {
    %mul3A = arith.constant 2 : i32
    %mul3A_0 = arith.muli %arg1, %mul3A : i32
    %add3A = arith.addi %mul3A_0, %arg0 : i32
    %mul3A_1 = arith.constant 128 : i32
    %mul3A_2 = arith.muli %add3A, %mul3A_1 : i32
    %scan3A = arith.constant 0 : i32
    %scan3A_3 = arith.constant 0 : i32
    %scan3A_4 = arith.constant 4 : i32
    %scan3A_5 = arith.addi %scan3A_3, %scan3A_4 : i32
    %scan3A_6 = arith.constant 1 : i32
    %scan3A_7 = scf.for %scan3A_9 = %scan3A_3 to %scan3A_5 step %scan3A_6 iter_args(%scan3A_10 = %scan3A) -> (i32)  : i32 {
      %mul3A_11 = arith.constant 32 : i32
      %mul3A_12 = arith.muli %scan3A_9, %mul3A_11 : i32
      %add3A_13 = arith.addi %mul3A_2, %mul3A_12 : i32
      %mul3A_14 = arith.constant 16 : i32
      %mul3A_15 = arith.muli %add3A_13, %mul3A_14 : i32
      "tpu.region"() ({
        %run_scoped3A = tpu.sem_alloc : memref<!tpu.dma_semaphore, #tpu.memory_space<semaphore_mem>>
        %dma_start3A_23 = tpu.memref_slice %arg3[%mul3A_15] : memref<65536xi32, #tpu.memory_space<hbm>> -> memref<512xi32, #tpu.memory_space<hbm>>
        %dma_start3A_24 = tpu.memref_slice %arg3[%mul3A_15] : memref<65536xi32, #tpu.memory_space<hbm>> -> memref<512xi32, #tpu.memory_space<hbm>>
        tpu.enqueue_dma source(%dma_start3A_24 : memref<512xi32, #tpu.memory_space<hbm>>) target(%arg5 : memref<512xi32, #tpu.memory_space<vmem>>) target_semaphore(%run_scoped3A : memref<!tpu.dma_semaphore, #tpu.memory_space<semaphore_mem>>)
        %dma_wait3A_25 = tpu.memref_slice %arg3[%mul3A_15] : memref<65536xi32, #tpu.memory_space<hbm>> -> memref<512xi32, #tpu.memory_space<hbm>>
        %dma_wait3A_26 = tpu.memref_slice %arg3[%mul3A_15] : memref<65536xi32, #tpu.memory_space<hbm>> -> memref<512xi32, #tpu.memory_space<hbm>>
        tpu.wait_dma2 semaphore(%run_scoped3A : memref<!tpu.dma_semaphore, #tpu.memory_space<semaphore_mem>>) src(%dma_wait3A_26 : memref<512xi32, #tpu.memory_space<hbm>>) dst(%arg5 : memref<512xi32, #tpu.memory_space<vmem>>)
        tpu.yield
      }) : () -> ()
      %dma_start3A = arith.constant 0 : i32
      %dma_start3A_16 = arith.constant 0 : i32
      %dma_start3A_17 = tpu.memref_slice %arg2[%dma_start3A, %dma_start3A_16] : memref<4096x128xf32, #tpu.memory_space<hbm>> -> memref<4096x128xf32, #tpu.memory_space<hbm>>
      tpu.enqueue_indirect_dma source(%dma_start3A_17 : memref<4096x128xf32, #tpu.memory_space<hbm>>) target(%arg6 : memref<512x128xf32, #tpu.memory_space<vmem>>) offsets(%arg5 : memref<512xi32, #tpu.memory_space<vmem>>) semaphore(%arg7 : memref<!tpu.dma_semaphore, #tpu.memory_space<semaphore_mem>>)
      %dma_wait3A = arith.constant 0 : i32
      %dma_wait3A_18 = arith.constant 0 : i32
      %dma_wait3A_19 = tpu.memref_slice %arg2[%dma_wait3A, %dma_wait3A_18] : memref<4096x128xf32, #tpu.memory_space<hbm>> -> memref<4096x128xf32, #tpu.memory_space<hbm>>
      tpu.wait_indirect_dma semaphore(%arg7 : memref<!tpu.dma_semaphore, #tpu.memory_space<semaphore_mem>>) src(%dma_wait3A_19 : memref<4096x128xf32, #tpu.memory_space<hbm>>) dst(%arg6 : memref<512x128xf32, #tpu.memory_space<vmem>>)
      %mul3A_20 = arith.constant 16 : i32
      %mul3A_21 = arith.muli %add3A_13, %mul3A_20 : i32
      "tpu.region"() ({
        %run_scoped3A = tpu.sem_alloc : memref<!tpu.dma_semaphore, #tpu.memory_space<semaphore_mem>>
        %dma_start3A_23 = arith.constant 0 : i32
        %dma_start3A_24 = tpu.memref_slice %arg4[%mul3A_21, %dma_start3A_23] : memref<65536x128xf32, #tpu.memory_space<hbm>> -> memref<512x128xf32, #tpu.memory_space<hbm>>
        %dma_start3A_25 = arith.constant 0 : i32
        %dma_start3A_26 = tpu.memref_slice %arg4[%mul3A_21, %dma_start3A_25] : memref<65536x128xf32, #tpu.memory_space<hbm>> -> memref<512x128xf32, #tpu.memory_space<hbm>>
        tpu.enqueue_dma source(%arg6 : memref<512x128xf32, #tpu.memory_space<vmem>>) target(%dma_start3A_26 : memref<512x128xf32, #tpu.memory_space<hbm>>) target_semaphore(%run_scoped3A : memref<!tpu.dma_semaphore, #tpu.memory_space<semaphore_mem>>)
        %dma_wait3A_27 = arith.constant 0 : i32
        %dma_wait3A_28 = tpu.memref_slice %arg4[%mul3A_21, %dma_wait3A_27] : memref<65536x128xf32, #tpu.memory_space<hbm>> -> memref<512x128xf32, #tpu.memory_space<hbm>>
        %dma_wait3A_29 = arith.constant 0 : i32
        %dma_wait3A_30 = tpu.memref_slice %arg4[%mul3A_21, %dma_wait3A_29] : memref<65536x128xf32, #tpu.memory_space<hbm>> -> memref<512x128xf32, #tpu.memory_space<hbm>>
        tpu.wait_dma2 semaphore(%run_scoped3A : memref<!tpu.dma_semaphore, #tpu.memory_space<semaphore_mem>>) src(%arg6 : memref<512x128xf32, #tpu.memory_space<vmem>>) dst(%dma_wait3A_30 : memref<512x128xf32, #tpu.memory_space<hbm>>)
        tpu.yield
      }) : () -> ()
      %scan3A_22 = arith.constant 0 : i32
      scf.yield %scan3A_22 : i32
    }
    %scan3A_8 = arith.constant 4 : i32
    return
  }
}

#map = affine_map<(d0, d1) -> (0, 0)>
#map1 = affine_map<(d0, d1) -> (0)>
module attributes {stable_mosaic.version = 14 : i64} {
  func.func @_sg_body(%arg0: i32, %arg1: i32, %arg2: memref<4096x128xf32, #tpu.memory_space<hbm>>, %arg3: memref<65536xi32, #tpu.memory_space<hbm>>, %arg4: memref<65536x128xf32, #tpu.memory_space<hbm>>, %arg5: memref<512xi32, #tpu.memory_space<vmem>>, %arg6: memref<512x128xf32, #tpu.memory_space<vmem>>, %arg7: memref<!tpu.dma_semaphore, #tpu.memory_space<semaphore_mem>>) attributes {dimension_semantics = [#tpu.dimension_semantics<core_parallel>, #tpu.dimension_semantics<subcore_parallel>], iteration_bounds = array<i64: 2, 16>, scalar_prefetch = 0 : i64, scratch_operands = 3 : i64, tpu.core_type = #tpu.core_type<sc_vector_subcore>, window_params = [{transform_indices = #map}, {transform_indices = #map1}, {transform_indices = #map}]} {
    %mul3A = arith.constant 2 : i32
    %mul3A_0 = arith.muli %arg1, %mul3A : i32
    %add3A = arith.addi %mul3A_0, %arg0 : i32
    %mul3A_1 = arith.constant 128 : i32
    %mul3A_2 = arith.muli %add3A, %mul3A_1 : i32
    %scan3A = arith.constant 0 : i32
    %scan3A_3 = arith.constant 0 : i32
    %scan3A_4 = arith.constant 4 : i32
    %scan3A_5 = arith.addi %scan3A_3, %scan3A_4 : i32
    %scan3A_6 = arith.constant 1 : i32
    %scan3A_7 = scf.for %scan3A_9 = %scan3A_3 to %scan3A_5 step %scan3A_6 iter_args(%scan3A_10 = %scan3A) -> (i32)  : i32 {
      %mul3A_11 = arith.constant 32 : i32
      %mul3A_12 = arith.muli %scan3A_9, %mul3A_11 : i32
      %add3A_13 = arith.addi %mul3A_2, %mul3A_12 : i32
      %mul3A_14 = arith.constant 16 : i32
      %mul3A_15 = arith.muli %add3A_13, %mul3A_14 : i32
      "tpu.region"() ({
        %run_scoped3A = tpu.sem_alloc : memref<!tpu.dma_semaphore, #tpu.memory_space<semaphore_mem>>
        %dma_start3A_23 = tpu.memref_slice %arg3[%mul3A_15] : memref<65536xi32, #tpu.memory_space<hbm>> -> memref<512xi32, #tpu.memory_space<hbm>>
        %dma_start3A_24 = tpu.memref_slice %arg3[%mul3A_15] : memref<65536xi32, #tpu.memory_space<hbm>> -> memref<512xi32, #tpu.memory_space<hbm>>
        tpu.enqueue_dma source(%dma_start3A_24 : memref<512xi32, #tpu.memory_space<hbm>>) target(%arg5 : memref<512xi32, #tpu.memory_space<vmem>>) target_semaphore(%run_scoped3A : memref<!tpu.dma_semaphore, #tpu.memory_space<semaphore_mem>>)
        %dma_wait3A_25 = tpu.memref_slice %arg3[%mul3A_15] : memref<65536xi32, #tpu.memory_space<hbm>> -> memref<512xi32, #tpu.memory_space<hbm>>
        %dma_wait3A_26 = tpu.memref_slice %arg3[%mul3A_15] : memref<65536xi32, #tpu.memory_space<hbm>> -> memref<512xi32, #tpu.memory_space<hbm>>
        tpu.wait_dma2 semaphore(%run_scoped3A : memref<!tpu.dma_semaphore, #tpu.memory_space<semaphore_mem>>) src(%dma_wait3A_26 : memref<512xi32, #tpu.memory_space<hbm>>) dst(%arg5 : memref<512xi32, #tpu.memory_space<vmem>>)
        tpu.yield
      }) : () -> ()
      %dma_start3A = arith.constant 0 : i32
      %dma_start3A_16 = arith.constant 0 : i32
      %dma_start3A_17 = tpu.memref_slice %arg2[%dma_start3A, %dma_start3A_16] : memref<4096x128xf32, #tpu.memory_space<hbm>> -> memref<4096x128xf32, #tpu.memory_space<hbm>>
      tpu.enqueue_indirect_dma source(%dma_start3A_17 : memref<4096x128xf32, #tpu.memory_space<hbm>>) target(%arg6 : memref<512x128xf32, #tpu.memory_space<vmem>>) offsets(%arg5 : memref<512xi32, #tpu.memory_space<vmem>>) semaphore(%arg7 : memref<!tpu.dma_semaphore, #tpu.memory_space<semaphore_mem>>)
      %dma_wait3A = arith.constant 0 : i32
      %dma_wait3A_18 = arith.constant 0 : i32
      %dma_wait3A_19 = tpu.memref_slice %arg2[%dma_wait3A, %dma_wait3A_18] : memref<4096x128xf32, #tpu.memory_space<hbm>> -> memref<4096x128xf32, #tpu.memory_space<hbm>>
      tpu.wait_indirect_dma semaphore(%arg7 : memref<!tpu.dma_semaphore, #tpu.memory_space<semaphore_mem>>) src(%dma_wait3A_19 : memref<4096x128xf32, #tpu.memory_space<hbm>>) dst(%arg6 : memref<512x128xf32, #tpu.memory_space<vmem>>)
      %mul3A_20 = arith.constant 16 : i32
      %mul3A_21 = arith.muli %add3A_13, %mul3A_20 : i32
      "tpu.region"() ({
        %run_scoped3A = tpu.sem_alloc : memref<!tpu.dma_semaphore, #tpu.memory_space<semaphore_mem>>
        %dma_start3A_23 = arith.constant 0 : i32
        %dma_start3A_24 = tpu.memref_slice %arg4[%mul3A_21, %dma_start3A_23] : memref<65536x128xf32, #tpu.memory_space<hbm>> -> memref<512x128xf32, #tpu.memory_space<hbm>>
        %dma_start3A_25 = arith.constant 0 : i32
        %dma_start3A_26 = tpu.memref_slice %arg4[%mul3A_21, %dma_start3A_25] : memref<65536x128xf32, #tpu.memory_space<hbm>> -> memref<512x128xf32, #tpu.memory_space<hbm>>
        tpu.enqueue_dma source(%arg6 : memref<512x128xf32, #tpu.memory_space<vmem>>) target(%dma_start3A_26 : memref<512x128xf32, #tpu.memory_space<hbm>>) target_semaphore(%run_scoped3A : memref<!tpu.dma_semaphore, #tpu.memory_space<semaphore_mem>>)
        %dma_wait3A_27 = arith.constant 0 : i32
        %dma_wait3A_28 = tpu.memref_slice %arg4[%mul3A_21, %dma_wait3A_27] : memref<65536x128xf32, #tpu.memory_space<hbm>> -> memref<512x128xf32, #tpu.memory_space<hbm>>
        %dma_wait3A_29 = arith.constant 0 : i32
        %dma_wait3A_30 = tpu.memref_slice %arg4[%mul3A_21, %dma_wait3A_29] : memref<65536x128xf32, #tpu.memory_space<hbm>> -> memref<512x128xf32, #tpu.memory_space<hbm>>
        tpu.wait_dma2 semaphore(%run_scoped3A : memref<!tpu.dma_semaphore, #tpu.memory_space<semaphore_mem>>) src(%arg6 : memref<512x128xf32, #tpu.memory_space<vmem>>) dst(%dma_wait3A_30 : memref<512x128xf32, #tpu.memory_space<hbm>>)
        tpu.yield
      }) : () -> ()
      %scan3A_22 = arith.constant 0 : i32
      scf.yield %scan3A_22 : i32
    }
    %scan3A_8 = arith.constant 4 : i32
    return
  }
}

#map = affine_map<(d0, d1) -> (0, 0)>
#map1 = affine_map<(d0, d1) -> (0)>
module attributes {stable_mosaic.version = 14 : i64} {
  func.func @_sg_body(%arg0: i32, %arg1: i32, %arg2: memref<4096x128xf32, #tpu.memory_space<hbm>>, %arg3: memref<65536xi32, #tpu.memory_space<hbm>>, %arg4: memref<65536x128xf32, #tpu.memory_space<hbm>>, %arg5: memref<512xi32, #tpu.memory_space<vmem>>, %arg6: memref<512x128xf32, #tpu.memory_space<vmem>>, %arg7: memref<!tpu.dma_semaphore, #tpu.memory_space<semaphore_mem>>) attributes {dimension_semantics = [#tpu.dimension_semantics<core_parallel>, #tpu.dimension_semantics<subcore_parallel>], iteration_bounds = array<i64: 2, 16>, scalar_prefetch = 0 : i64, scratch_operands = 3 : i64, tpu.core_type = #tpu.core_type<sc_vector_subcore>, window_params = [{transform_indices = #map}, {transform_indices = #map1}, {transform_indices = #map}]} {
    %mul3A = arith.constant 2 : i32
    %mul3A_0 = arith.muli %arg1, %mul3A : i32
    %add3A = arith.addi %mul3A_0, %arg0 : i32
    %mul3A_1 = arith.constant 128 : i32
    %mul3A_2 = arith.muli %add3A, %mul3A_1 : i32
    %scan3A = arith.constant 0 : i32
    %scan3A_3 = arith.constant 0 : i32
    %scan3A_4 = arith.constant 4 : i32
    %scan3A_5 = arith.addi %scan3A_3, %scan3A_4 : i32
    %scan3A_6 = arith.constant 1 : i32
    %scan3A_7 = scf.for %scan3A_9 = %scan3A_3 to %scan3A_5 step %scan3A_6 iter_args(%scan3A_10 = %scan3A) -> (i32)  : i32 {
      %mul3A_11 = arith.constant 32 : i32
      %mul3A_12 = arith.muli %scan3A_9, %mul3A_11 : i32
      %add3A_13 = arith.addi %mul3A_2, %mul3A_12 : i32
      %mul3A_14 = arith.constant 16 : i32
      %mul3A_15 = arith.muli %add3A_13, %mul3A_14 : i32
      "tpu.region"() ({
        %run_scoped3A = tpu.sem_alloc : memref<!tpu.dma_semaphore, #tpu.memory_space<semaphore_mem>>
        %dma_start3A_23 = tpu.memref_slice %arg3[%mul3A_15] : memref<65536xi32, #tpu.memory_space<hbm>> -> memref<512xi32, #tpu.memory_space<hbm>>
        %dma_start3A_24 = tpu.memref_slice %arg3[%mul3A_15] : memref<65536xi32, #tpu.memory_space<hbm>> -> memref<512xi32, #tpu.memory_space<hbm>>
        tpu.enqueue_dma source(%dma_start3A_24 : memref<512xi32, #tpu.memory_space<hbm>>) target(%arg5 : memref<512xi32, #tpu.memory_space<vmem>>) target_semaphore(%run_scoped3A : memref<!tpu.dma_semaphore, #tpu.memory_space<semaphore_mem>>)
        %dma_wait3A_25 = tpu.memref_slice %arg3[%mul3A_15] : memref<65536xi32, #tpu.memory_space<hbm>> -> memref<512xi32, #tpu.memory_space<hbm>>
        %dma_wait3A_26 = tpu.memref_slice %arg3[%mul3A_15] : memref<65536xi32, #tpu.memory_space<hbm>> -> memref<512xi32, #tpu.memory_space<hbm>>
        tpu.wait_dma2 semaphore(%run_scoped3A : memref<!tpu.dma_semaphore, #tpu.memory_space<semaphore_mem>>) src(%dma_wait3A_26 : memref<512xi32, #tpu.memory_space<hbm>>) dst(%arg5 : memref<512xi32, #tpu.memory_space<vmem>>)
        tpu.yield
      }) : () -> ()
      %dma_start3A = arith.constant 0 : i32
      %dma_start3A_16 = arith.constant 0 : i32
      %dma_start3A_17 = tpu.memref_slice %arg2[%dma_start3A, %dma_start3A_16] : memref<4096x128xf32, #tpu.memory_space<hbm>> -> memref<4096x128xf32, #tpu.memory_space<hbm>>
      tpu.enqueue_indirect_dma source(%dma_start3A_17 : memref<4096x128xf32, #tpu.memory_space<hbm>>) target(%arg6 : memref<512x128xf32, #tpu.memory_space<vmem>>) offsets(%arg5 : memref<512xi32, #tpu.memory_space<vmem>>) semaphore(%arg7 : memref<!tpu.dma_semaphore, #tpu.memory_space<semaphore_mem>>)
      %dma_wait3A = arith.constant 0 : i32
      %dma_wait3A_18 = arith.constant 0 : i32
      %dma_wait3A_19 = tpu.memref_slice %arg2[%dma_wait3A, %dma_wait3A_18] : memref<4096x128xf32, #tpu.memory_space<hbm>> -> memref<4096x128xf32, #tpu.memory_space<hbm>>
      tpu.wait_indirect_dma semaphore(%arg7 : memref<!tpu.dma_semaphore, #tpu.memory_space<semaphore_mem>>) src(%dma_wait3A_19 : memref<4096x128xf32, #tpu.memory_space<hbm>>) dst(%arg6 : memref<512x128xf32, #tpu.memory_space<vmem>>)
      %mul3A_20 = arith.constant 16 : i32
      %mul3A_21 = arith.muli %add3A_13, %mul3A_20 : i32
      "tpu.region"() ({
        %run_scoped3A = tpu.sem_alloc : memref<!tpu.dma_semaphore, #tpu.memory_space<semaphore_mem>>
        %dma_start3A_23 = arith.constant 0 : i32
        %dma_start3A_24 = tpu.memref_slice %arg4[%mul3A_21, %dma_start3A_23] : memref<65536x128xf32, #tpu.memory_space<hbm>> -> memref<512x128xf32, #tpu.memory_space<hbm>>
        %dma_start3A_25 = arith.constant 0 : i32
        %dma_start3A_26 = tpu.memref_slice %arg4[%mul3A_21, %dma_start3A_25] : memref<65536x128xf32, #tpu.memory_space<hbm>> -> memref<512x128xf32, #tpu.memory_space<hbm>>
        tpu.enqueue_dma source(%arg6 : memref<512x128xf32, #tpu.memory_space<vmem>>) target(%dma_start3A_26 : memref<512x128xf32, #tpu.memory_space<hbm>>) target_semaphore(%run_scoped3A : memref<!tpu.dma_semaphore, #tpu.memory_space<semaphore_mem>>)
        %dma_wait3A_27 = arith.constant 0 : i32
        %dma_wait3A_28 = tpu.memref_slice %arg4[%mul3A_21, %dma_wait3A_27] : memref<65536x128xf32, #tpu.memory_space<hbm>> -> memref<512x128xf32, #tpu.memory_space<hbm>>
        %dma_wait3A_29 = arith.constant 0 : i32
        %dma_wait3A_30 = tpu.memref_slice %arg4[%mul3A_21, %dma_wait3A_29] : memref<65536x128xf32, #tpu.memory_space<hbm>> -> memref<512x128xf32, #tpu.memory_space<hbm>>
        tpu.wait_dma2 semaphore(%run_scoped3A : memref<!tpu.dma_semaphore, #tpu.memory_space<semaphore_mem>>) src(%arg6 : memref<512x128xf32, #tpu.memory_space<vmem>>) dst(%dma_wait3A_30 : memref<512x128xf32, #tpu.memory_space<hbm>>)
        tpu.yield
      }) : () -> ()
      %scan3A_22 = arith.constant 0 : i32
      scf.yield %scan3A_22 : i32
    }
    %scan3A_8 = arith.constant 4 : i32
    return
  }
}

#map = affine_map<(d0, d1) -> (0, 0)>
#map1 = affine_map<(d0, d1) -> (0)>
module attributes {stable_mosaic.version = 14 : i64} {
  func.func @_sg_body(%arg0: i32, %arg1: i32, %arg2: memref<4096x128xf32, #tpu.memory_space<hbm>>, %arg3: memref<65536xi32, #tpu.memory_space<hbm>>, %arg4: memref<65536x128xf32, #tpu.memory_space<hbm>>, %arg5: memref<512xi32, #tpu.memory_space<vmem>>, %arg6: memref<512x128xf32, #tpu.memory_space<vmem>>, %arg7: memref<!tpu.dma_semaphore, #tpu.memory_space<semaphore_mem>>) attributes {dimension_semantics = [#tpu.dimension_semantics<core_parallel>, #tpu.dimension_semantics<subcore_parallel>], iteration_bounds = array<i64: 2, 16>, scalar_prefetch = 0 : i64, scratch_operands = 3 : i64, tpu.core_type = #tpu.core_type<sc_vector_subcore>, window_params = [{transform_indices = #map}, {transform_indices = #map1}, {transform_indices = #map}]} {
    %mul3A = arith.constant 2 : i32
    %mul3A_0 = arith.muli %arg1, %mul3A : i32
    %add3A = arith.addi %mul3A_0, %arg0 : i32
    %mul3A_1 = arith.constant 128 : i32
    %mul3A_2 = arith.muli %add3A, %mul3A_1 : i32
    %scan3A = arith.constant 0 : i32
    %scan3A_3 = arith.constant 0 : i32
    %scan3A_4 = arith.constant 4 : i32
    %scan3A_5 = arith.addi %scan3A_3, %scan3A_4 : i32
    %scan3A_6 = arith.constant 1 : i32
    %scan3A_7 = scf.for %scan3A_9 = %scan3A_3 to %scan3A_5 step %scan3A_6 iter_args(%scan3A_10 = %scan3A) -> (i32)  : i32 {
      %mul3A_11 = arith.constant 32 : i32
      %mul3A_12 = arith.muli %scan3A_9, %mul3A_11 : i32
      %add3A_13 = arith.addi %mul3A_2, %mul3A_12 : i32
      %mul3A_14 = arith.constant 16 : i32
      %mul3A_15 = arith.muli %add3A_13, %mul3A_14 : i32
      "tpu.region"() ({
        %run_scoped3A = tpu.sem_alloc : memref<!tpu.dma_semaphore, #tpu.memory_space<semaphore_mem>>
        %dma_start3A_23 = tpu.memref_slice %arg3[%mul3A_15] : memref<65536xi32, #tpu.memory_space<hbm>> -> memref<512xi32, #tpu.memory_space<hbm>>
        %dma_start3A_24 = tpu.memref_slice %arg3[%mul3A_15] : memref<65536xi32, #tpu.memory_space<hbm>> -> memref<512xi32, #tpu.memory_space<hbm>>
        tpu.enqueue_dma source(%dma_start3A_24 : memref<512xi32, #tpu.memory_space<hbm>>) target(%arg5 : memref<512xi32, #tpu.memory_space<vmem>>) target_semaphore(%run_scoped3A : memref<!tpu.dma_semaphore, #tpu.memory_space<semaphore_mem>>)
        %dma_wait3A_25 = tpu.memref_slice %arg3[%mul3A_15] : memref<65536xi32, #tpu.memory_space<hbm>> -> memref<512xi32, #tpu.memory_space<hbm>>
        %dma_wait3A_26 = tpu.memref_slice %arg3[%mul3A_15] : memref<65536xi32, #tpu.memory_space<hbm>> -> memref<512xi32, #tpu.memory_space<hbm>>
        tpu.wait_dma2 semaphore(%run_scoped3A : memref<!tpu.dma_semaphore, #tpu.memory_space<semaphore_mem>>) src(%dma_wait3A_26 : memref<512xi32, #tpu.memory_space<hbm>>) dst(%arg5 : memref<512xi32, #tpu.memory_space<vmem>>)
        tpu.yield
      }) : () -> ()
      %dma_start3A = arith.constant 0 : i32
      %dma_start3A_16 = arith.constant 0 : i32
      %dma_start3A_17 = tpu.memref_slice %arg2[%dma_start3A, %dma_start3A_16] : memref<4096x128xf32, #tpu.memory_space<hbm>> -> memref<4096x128xf32, #tpu.memory_space<hbm>>
      tpu.enqueue_indirect_dma source(%dma_start3A_17 : memref<4096x128xf32, #tpu.memory_space<hbm>>) target(%arg6 : memref<512x128xf32, #tpu.memory_space<vmem>>) offsets(%arg5 : memref<512xi32, #tpu.memory_space<vmem>>) semaphore(%arg7 : memref<!tpu.dma_semaphore, #tpu.memory_space<semaphore_mem>>)
      %dma_wait3A = arith.constant 0 : i32
      %dma_wait3A_18 = arith.constant 0 : i32
      %dma_wait3A_19 = tpu.memref_slice %arg2[%dma_wait3A, %dma_wait3A_18] : memref<4096x128xf32, #tpu.memory_space<hbm>> -> memref<4096x128xf32, #tpu.memory_space<hbm>>
      tpu.wait_indirect_dma semaphore(%arg7 : memref<!tpu.dma_semaphore, #tpu.memory_space<semaphore_mem>>) src(%dma_wait3A_19 : memref<4096x128xf32, #tpu.memory_space<hbm>>) dst(%arg6 : memref<512x128xf32, #tpu.memory_space<vmem>>)
      %mul3A_20 = arith.constant 16 : i32
      %mul3A_21 = arith.muli %add3A_13, %mul3A_20 : i32
      "tpu.region"() ({
        %run_scoped3A = tpu.sem_alloc : memref<!tpu.dma_semaphore, #tpu.memory_space<semaphore_mem>>
        %dma_start3A_23 = arith.constant 0 : i32
        %dma_start3A_24 = tpu.memref_slice %arg4[%mul3A_21, %dma_start3A_23] : memref<65536x128xf32, #tpu.memory_space<hbm>> -> memref<512x128xf32, #tpu.memory_space<hbm>>
        %dma_start3A_25 = arith.constant 0 : i32
        %dma_start3A_26 = tpu.memref_slice %arg4[%mul3A_21, %dma_start3A_25] : memref<65536x128xf32, #tpu.memory_space<hbm>> -> memref<512x128xf32, #tpu.memory_space<hbm>>
        tpu.enqueue_dma source(%arg6 : memref<512x128xf32, #tpu.memory_space<vmem>>) target(%dma_start3A_26 : memref<512x128xf32, #tpu.memory_space<hbm>>) target_semaphore(%run_scoped3A : memref<!tpu.dma_semaphore, #tpu.memory_space<semaphore_mem>>)
        %dma_wait3A_27 = arith.constant 0 : i32
        %dma_wait3A_28 = tpu.memref_slice %arg4[%mul3A_21, %dma_wait3A_27] : memref<65536x128xf32, #tpu.memory_space<hbm>> -> memref<512x128xf32, #tpu.memory_space<hbm>>
        %dma_wait3A_29 = arith.constant 0 : i32
        %dma_wait3A_30 = tpu.memref_slice %arg4[%mul3A_21, %dma_wait3A_29] : memref<65536x128xf32, #tpu.memory_space<hbm>> -> memref<512x128xf32, #tpu.memory_space<hbm>>
        tpu.wait_dma2 semaphore(%run_scoped3A : memref<!tpu.dma_semaphore, #tpu.memory_space<semaphore_mem>>) src(%arg6 : memref<512x128xf32, #tpu.memory_space<vmem>>) dst(%dma_wait3A_30 : memref<512x128xf32, #tpu.memory_space<hbm>>)
        tpu.yield
      }) : () -> ()
      %scan3A_22 = arith.constant 0 : i32
      scf.yield %scan3A_22 : i32
    }
    %scan3A_8 = arith.constant 4 : i32
    return
  }
}

#map = affine_map<(d0, d1) -> (0, 0)>
#map1 = affine_map<(d0, d1) -> (0)>
module attributes {stable_mosaic.version = 14 : i64} {
  func.func @_sg_body(%arg0: i32, %arg1: i32, %arg2: memref<4096x128xf32, #tpu.memory_space<hbm>>, %arg3: memref<65536xi32, #tpu.memory_space<hbm>>, %arg4: memref<65536x128xf32, #tpu.memory_space<hbm>>, %arg5: memref<512xi32, #tpu.memory_space<vmem>>, %arg6: memref<512x128xf32, #tpu.memory_space<vmem>>, %arg7: memref<!tpu.dma_semaphore, #tpu.memory_space<semaphore_mem>>) attributes {dimension_semantics = [#tpu.dimension_semantics<core_parallel>, #tpu.dimension_semantics<subcore_parallel>], iteration_bounds = array<i64: 2, 16>, scalar_prefetch = 0 : i64, scratch_operands = 3 : i64, tpu.core_type = #tpu.core_type<sc_vector_subcore>, window_params = [{transform_indices = #map}, {transform_indices = #map1}, {transform_indices = #map}]} {
    %mul3A = arith.constant 2 : i32
    %mul3A_0 = arith.muli %arg1, %mul3A : i32
    %add3A = arith.addi %mul3A_0, %arg0 : i32
    %mul3A_1 = arith.constant 128 : i32
    %mul3A_2 = arith.muli %add3A, %mul3A_1 : i32
    %scan3A = arith.constant 0 : i32
    %scan3A_3 = arith.constant 0 : i32
    %scan3A_4 = arith.constant 4 : i32
    %scan3A_5 = arith.addi %scan3A_3, %scan3A_4 : i32
    %scan3A_6 = arith.constant 1 : i32
    %scan3A_7 = scf.for %scan3A_9 = %scan3A_3 to %scan3A_5 step %scan3A_6 iter_args(%scan3A_10 = %scan3A) -> (i32)  : i32 {
      %mul3A_11 = arith.constant 32 : i32
      %mul3A_12 = arith.muli %scan3A_9, %mul3A_11 : i32
      %add3A_13 = arith.addi %mul3A_2, %mul3A_12 : i32
      %mul3A_14 = arith.constant 16 : i32
      %mul3A_15 = arith.muli %add3A_13, %mul3A_14 : i32
      "tpu.region"() ({
        %run_scoped3A = tpu.sem_alloc : memref<!tpu.dma_semaphore, #tpu.memory_space<semaphore_mem>>
        %dma_start3A_23 = tpu.memref_slice %arg3[%mul3A_15] : memref<65536xi32, #tpu.memory_space<hbm>> -> memref<512xi32, #tpu.memory_space<hbm>>
        %dma_start3A_24 = tpu.memref_slice %arg3[%mul3A_15] : memref<65536xi32, #tpu.memory_space<hbm>> -> memref<512xi32, #tpu.memory_space<hbm>>
        tpu.enqueue_dma source(%dma_start3A_24 : memref<512xi32, #tpu.memory_space<hbm>>) target(%arg5 : memref<512xi32, #tpu.memory_space<vmem>>) target_semaphore(%run_scoped3A : memref<!tpu.dma_semaphore, #tpu.memory_space<semaphore_mem>>)
        %dma_wait3A_25 = tpu.memref_slice %arg3[%mul3A_15] : memref<65536xi32, #tpu.memory_space<hbm>> -> memref<512xi32, #tpu.memory_space<hbm>>
        %dma_wait3A_26 = tpu.memref_slice %arg3[%mul3A_15] : memref<65536xi32, #tpu.memory_space<hbm>> -> memref<512xi32, #tpu.memory_space<hbm>>
        tpu.wait_dma2 semaphore(%run_scoped3A : memref<!tpu.dma_semaphore, #tpu.memory_space<semaphore_mem>>) src(%dma_wait3A_26 : memref<512xi32, #tpu.memory_space<hbm>>) dst(%arg5 : memref<512xi32, #tpu.memory_space<vmem>>)
        tpu.yield
      }) : () -> ()
      %dma_start3A = arith.constant 0 : i32
      %dma_start3A_16 = arith.constant 0 : i32
      %dma_start3A_17 = tpu.memref_slice %arg2[%dma_start3A, %dma_start3A_16] : memref<4096x128xf32, #tpu.memory_space<hbm>> -> memref<4096x128xf32, #tpu.memory_space<hbm>>
      tpu.enqueue_indirect_dma source(%dma_start3A_17 : memref<4096x128xf32, #tpu.memory_space<hbm>>) target(%arg6 : memref<512x128xf32, #tpu.memory_space<vmem>>) offsets(%arg5 : memref<512xi32, #tpu.memory_space<vmem>>) semaphore(%arg7 : memref<!tpu.dma_semaphore, #tpu.memory_space<semaphore_mem>>)
      %dma_wait3A = arith.constant 0 : i32
      %dma_wait3A_18 = arith.constant 0 : i32
      %dma_wait3A_19 = tpu.memref_slice %arg2[%dma_wait3A, %dma_wait3A_18] : memref<4096x128xf32, #tpu.memory_space<hbm>> -> memref<4096x128xf32, #tpu.memory_space<hbm>>
      tpu.wait_indirect_dma semaphore(%arg7 : memref<!tpu.dma_semaphore, #tpu.memory_space<semaphore_mem>>) src(%dma_wait3A_19 : memref<4096x128xf32, #tpu.memory_space<hbm>>) dst(%arg6 : memref<512x128xf32, #tpu.memory_space<vmem>>)
      %mul3A_20 = arith.constant 16 : i32
      %mul3A_21 = arith.muli %add3A_13, %mul3A_20 : i32
      "tpu.region"() ({
        %run_scoped3A = tpu.sem_alloc : memref<!tpu.dma_semaphore, #tpu.memory_space<semaphore_mem>>
        %dma_start3A_23 = arith.constant 0 : i32
        %dma_start3A_24 = tpu.memref_slice %arg4[%mul3A_21, %dma_start3A_23] : memref<65536x128xf32, #tpu.memory_space<hbm>> -> memref<512x128xf32, #tpu.memory_space<hbm>>
        %dma_start3A_25 = arith.constant 0 : i32
        %dma_start3A_26 = tpu.memref_slice %arg4[%mul3A_21, %dma_start3A_25] : memref<65536x128xf32, #tpu.memory_space<hbm>> -> memref<512x128xf32, #tpu.memory_space<hbm>>
        tpu.enqueue_dma source(%arg6 : memref<512x128xf32, #tpu.memory_space<vmem>>) target(%dma_start3A_26 : memref<512x128xf32, #tpu.memory_space<hbm>>) target_semaphore(%run_scoped3A : memref<!tpu.dma_semaphore, #tpu.memory_space<semaphore_mem>>)
        %dma_wait3A_27 = arith.constant 0 : i32
        %dma_wait3A_28 = tpu.memref_slice %arg4[%mul3A_21, %dma_wait3A_27] : memref<65536x128xf32, #tpu.memory_space<hbm>> -> memref<512x128xf32, #tpu.memory_space<hbm>>
        %dma_wait3A_29 = arith.constant 0 : i32
        %dma_wait3A_30 = tpu.memref_slice %arg4[%mul3A_21, %dma_wait3A_29] : memref<65536x128xf32, #tpu.memory_space<hbm>> -> memref<512x128xf32, #tpu.memory_space<hbm>>
        tpu.wait_dma2 semaphore(%run_scoped3A : memref<!tpu.dma_semaphore, #tpu.memory_space<semaphore_mem>>) src(%arg6 : memref<512x128xf32, #tpu.memory_space<vmem>>) dst(%dma_wait3A_30 : memref<512x128xf32, #tpu.memory_space<hbm>>)
        tpu.yield
      }) : () -> ()
      %scan3A_22 = arith.constant 0 : i32
      scf.yield %scan3A_22 : i32
    }
    %scan3A_8 = arith.constant 4 : i32
    return
  }
}

#map = affine_map<(d0, d1) -> (0, 0)>
#map1 = affine_map<(d0, d1) -> (0)>
module attributes {stable_mosaic.version = 14 : i64} {
  func.func @_sg_body(%arg0: i32, %arg1: i32, %arg2: memref<4096x128xf32, #tpu.memory_space<hbm>>, %arg3: memref<65536xi32, #tpu.memory_space<hbm>>, %arg4: memref<65536x128xf32, #tpu.memory_space<hbm>>, %arg5: memref<512xi32, #tpu.memory_space<vmem>>, %arg6: memref<512x128xf32, #tpu.memory_space<vmem>>, %arg7: memref<!tpu.dma_semaphore, #tpu.memory_space<semaphore_mem>>) attributes {dimension_semantics = [#tpu.dimension_semantics<core_parallel>, #tpu.dimension_semantics<subcore_parallel>], iteration_bounds = array<i64: 2, 16>, scalar_prefetch = 0 : i64, scratch_operands = 3 : i64, tpu.core_type = #tpu.core_type<sc_vector_subcore>, window_params = [{transform_indices = #map}, {transform_indices = #map1}, {transform_indices = #map}]} {
    %mul3A = arith.constant 2 : i32
    %mul3A_0 = arith.muli %arg1, %mul3A : i32
    %add3A = arith.addi %mul3A_0, %arg0 : i32
    %mul3A_1 = arith.constant 128 : i32
    %mul3A_2 = arith.muli %add3A, %mul3A_1 : i32
    %scan3A = arith.constant 0 : i32
    %scan3A_3 = arith.constant 0 : i32
    %scan3A_4 = arith.constant 4 : i32
    %scan3A_5 = arith.addi %scan3A_3, %scan3A_4 : i32
    %scan3A_6 = arith.constant 1 : i32
    %scan3A_7 = scf.for %scan3A_9 = %scan3A_3 to %scan3A_5 step %scan3A_6 iter_args(%scan3A_10 = %scan3A) -> (i32)  : i32 {
      %mul3A_11 = arith.constant 32 : i32
      %mul3A_12 = arith.muli %scan3A_9, %mul3A_11 : i32
      %add3A_13 = arith.addi %mul3A_2, %mul3A_12 : i32
      %mul3A_14 = arith.constant 16 : i32
      %mul3A_15 = arith.muli %add3A_13, %mul3A_14 : i32
      "tpu.region"() ({
        %run_scoped3A = tpu.sem_alloc : memref<!tpu.dma_semaphore, #tpu.memory_space<semaphore_mem>>
        %dma_start3A_23 = tpu.memref_slice %arg3[%mul3A_15] : memref<65536xi32, #tpu.memory_space<hbm>> -> memref<512xi32, #tpu.memory_space<hbm>>
        %dma_start3A_24 = tpu.memref_slice %arg3[%mul3A_15] : memref<65536xi32, #tpu.memory_space<hbm>> -> memref<512xi32, #tpu.memory_space<hbm>>
        tpu.enqueue_dma source(%dma_start3A_24 : memref<512xi32, #tpu.memory_space<hbm>>) target(%arg5 : memref<512xi32, #tpu.memory_space<vmem>>) target_semaphore(%run_scoped3A : memref<!tpu.dma_semaphore, #tpu.memory_space<semaphore_mem>>)
        %dma_wait3A_25 = tpu.memref_slice %arg3[%mul3A_15] : memref<65536xi32, #tpu.memory_space<hbm>> -> memref<512xi32, #tpu.memory_space<hbm>>
        %dma_wait3A_26 = tpu.memref_slice %arg3[%mul3A_15] : memref<65536xi32, #tpu.memory_space<hbm>> -> memref<512xi32, #tpu.memory_space<hbm>>
        tpu.wait_dma2 semaphore(%run_scoped3A : memref<!tpu.dma_semaphore, #tpu.memory_space<semaphore_mem>>) src(%dma_wait3A_26 : memref<512xi32, #tpu.memory_space<hbm>>) dst(%arg5 : memref<512xi32, #tpu.memory_space<vmem>>)
        tpu.yield
      }) : () -> ()
      %dma_start3A = arith.constant 0 : i32
      %dma_start3A_16 = arith.constant 0 : i32
      %dma_start3A_17 = tpu.memref_slice %arg2[%dma_start3A, %dma_start3A_16] : memref<4096x128xf32, #tpu.memory_space<hbm>> -> memref<4096x128xf32, #tpu.memory_space<hbm>>
      tpu.enqueue_indirect_dma source(%dma_start3A_17 : memref<4096x128xf32, #tpu.memory_space<hbm>>) target(%arg6 : memref<512x128xf32, #tpu.memory_space<vmem>>) offsets(%arg5 : memref<512xi32, #tpu.memory_space<vmem>>) semaphore(%arg7 : memref<!tpu.dma_semaphore, #tpu.memory_space<semaphore_mem>>)
      %dma_wait3A = arith.constant 0 : i32
      %dma_wait3A_18 = arith.constant 0 : i32
      %dma_wait3A_19 = tpu.memref_slice %arg2[%dma_wait3A, %dma_wait3A_18] : memref<4096x128xf32, #tpu.memory_space<hbm>> -> memref<4096x128xf32, #tpu.memory_space<hbm>>
      tpu.wait_indirect_dma semaphore(%arg7 : memref<!tpu.dma_semaphore, #tpu.memory_space<semaphore_mem>>) src(%dma_wait3A_19 : memref<4096x128xf32, #tpu.memory_space<hbm>>) dst(%arg6 : memref<512x128xf32, #tpu.memory_space<vmem>>)
      %mul3A_20 = arith.constant 16 : i32
      %mul3A_21 = arith.muli %add3A_13, %mul3A_20 : i32
      "tpu.region"() ({
        %run_scoped3A = tpu.sem_alloc : memref<!tpu.dma_semaphore, #tpu.memory_space<semaphore_mem>>
        %dma_start3A_23 = arith.constant 0 : i32
        %dma_start3A_24 = tpu.memref_slice %arg4[%mul3A_21, %dma_start3A_23] : memref<65536x128xf32, #tpu.memory_space<hbm>> -> memref<512x128xf32, #tpu.memory_space<hbm>>
        %dma_start3A_25 = arith.constant 0 : i32
        %dma_start3A_26 = tpu.memref_slice %arg4[%mul3A_21, %dma_start3A_25] : memref<65536x128xf32, #tpu.memory_space<hbm>> -> memref<512x128xf32, #tpu.memory_space<hbm>>
        tpu.enqueue_dma source(%arg6 : memref<512x128xf32, #tpu.memory_space<vmem>>) target(%dma_start3A_26 : memref<512x128xf32, #tpu.memory_space<hbm>>) target_semaphore(%run_scoped3A : memref<!tpu.dma_semaphore, #tpu.memory_space<semaphore_mem>>)
        %dma_wait3A_27 = arith.constant 0 : i32
        %dma_wait3A_28 = tpu.memref_slice %arg4[%mul3A_21, %dma_wait3A_27] : memref<65536x128xf32, #tpu.memory_space<hbm>> -> memref<512x128xf32, #tpu.memory_space<hbm>>
        %dma_wait3A_29 = arith.constant 0 : i32
        %dma_wait3A_30 = tpu.memref_slice %arg4[%mul3A_21, %dma_wait3A_29] : memref<65536x128xf32, #tpu.memory_space<hbm>> -> memref<512x128xf32, #tpu.memory_space<hbm>>
        tpu.wait_dma2 semaphore(%run_scoped3A : memref<!tpu.dma_semaphore, #tpu.memory_space<semaphore_mem>>) src(%arg6 : memref<512x128xf32, #tpu.memory_space<vmem>>) dst(%dma_wait3A_30 : memref<512x128xf32, #tpu.memory_space<hbm>>)
        tpu.yield
      }) : () -> ()
      %scan3A_22 = arith.constant 0 : i32
      scf.yield %scan3A_22 : i32
    }
    %scan3A_8 = arith.constant 4 : i32
    return
  }
}

#map = affine_map<(d0, d1) -> (0, 0)>
#map1 = affine_map<(d0, d1) -> (0)>
module attributes {stable_mosaic.version = 14 : i64} {
  func.func @_sg_body(%arg0: i32, %arg1: i32, %arg2: memref<4096x128xf32, #tpu.memory_space<hbm>>, %arg3: memref<65536xi32, #tpu.memory_space<hbm>>, %arg4: memref<65536x128xf32, #tpu.memory_space<hbm>>, %arg5: memref<512xi32, #tpu.memory_space<vmem>>, %arg6: memref<512x128xf32, #tpu.memory_space<vmem>>, %arg7: memref<!tpu.dma_semaphore, #tpu.memory_space<semaphore_mem>>) attributes {dimension_semantics = [#tpu.dimension_semantics<core_parallel>, #tpu.dimension_semantics<subcore_parallel>], iteration_bounds = array<i64: 2, 16>, scalar_prefetch = 0 : i64, scratch_operands = 3 : i64, tpu.core_type = #tpu.core_type<sc_vector_subcore>, window_params = [{transform_indices = #map}, {transform_indices = #map1}, {transform_indices = #map}]} {
    %mul3A = arith.constant 2 : i32
    %mul3A_0 = arith.muli %arg1, %mul3A : i32
    %add3A = arith.addi %mul3A_0, %arg0 : i32
    %mul3A_1 = arith.constant 128 : i32
    %mul3A_2 = arith.muli %add3A, %mul3A_1 : i32
    %scan3A = arith.constant 0 : i32
    %scan3A_3 = arith.constant 0 : i32
    %scan3A_4 = arith.constant 4 : i32
    %scan3A_5 = arith.addi %scan3A_3, %scan3A_4 : i32
    %scan3A_6 = arith.constant 1 : i32
    %scan3A_7 = scf.for %scan3A_9 = %scan3A_3 to %scan3A_5 step %scan3A_6 iter_args(%scan3A_10 = %scan3A) -> (i32)  : i32 {
      %mul3A_11 = arith.constant 32 : i32
      %mul3A_12 = arith.muli %scan3A_9, %mul3A_11 : i32
      %add3A_13 = arith.addi %mul3A_2, %mul3A_12 : i32
      %mul3A_14 = arith.constant 16 : i32
      %mul3A_15 = arith.muli %add3A_13, %mul3A_14 : i32
      "tpu.region"() ({
        %run_scoped3A = tpu.sem_alloc : memref<!tpu.dma_semaphore, #tpu.memory_space<semaphore_mem>>
        %dma_start3A_23 = tpu.memref_slice %arg3[%mul3A_15] : memref<65536xi32, #tpu.memory_space<hbm>> -> memref<512xi32, #tpu.memory_space<hbm>>
        %dma_start3A_24 = tpu.memref_slice %arg3[%mul3A_15] : memref<65536xi32, #tpu.memory_space<hbm>> -> memref<512xi32, #tpu.memory_space<hbm>>
        tpu.enqueue_dma source(%dma_start3A_24 : memref<512xi32, #tpu.memory_space<hbm>>) target(%arg5 : memref<512xi32, #tpu.memory_space<vmem>>) target_semaphore(%run_scoped3A : memref<!tpu.dma_semaphore, #tpu.memory_space<semaphore_mem>>)
        %dma_wait3A_25 = tpu.memref_slice %arg3[%mul3A_15] : memref<65536xi32, #tpu.memory_space<hbm>> -> memref<512xi32, #tpu.memory_space<hbm>>
        %dma_wait3A_26 = tpu.memref_slice %arg3[%mul3A_15] : memref<65536xi32, #tpu.memory_space<hbm>> -> memref<512xi32, #tpu.memory_space<hbm>>
        tpu.wait_dma2 semaphore(%run_scoped3A : memref<!tpu.dma_semaphore, #tpu.memory_space<semaphore_mem>>) src(%dma_wait3A_26 : memref<512xi32, #tpu.memory_space<hbm>>) dst(%arg5 : memref<512xi32, #tpu.memory_space<vmem>>)
        tpu.yield
      }) : () -> ()
      %dma_start3A = arith.constant 0 : i32
      %dma_start3A_16 = arith.constant 0 : i32
      %dma_start3A_17 = tpu.memref_slice %arg2[%dma_start3A, %dma_start3A_16] : memref<4096x128xf32, #tpu.memory_space<hbm>> -> memref<4096x128xf32, #tpu.memory_space<hbm>>
      tpu.enqueue_indirect_dma source(%dma_start3A_17 : memref<4096x128xf32, #tpu.memory_space<hbm>>) target(%arg6 : memref<512x128xf32, #tpu.memory_space<vmem>>) offsets(%arg5 : memref<512xi32, #tpu.memory_space<vmem>>) semaphore(%arg7 : memref<!tpu.dma_semaphore, #tpu.memory_space<semaphore_mem>>)
      %dma_wait3A = arith.constant 0 : i32
      %dma_wait3A_18 = arith.constant 0 : i32
      %dma_wait3A_19 = tpu.memref_slice %arg2[%dma_wait3A, %dma_wait3A_18] : memref<4096x128xf32, #tpu.memory_space<hbm>> -> memref<4096x128xf32, #tpu.memory_space<hbm>>
      tpu.wait_indirect_dma semaphore(%arg7 : memref<!tpu.dma_semaphore, #tpu.memory_space<semaphore_mem>>) src(%dma_wait3A_19 : memref<4096x128xf32, #tpu.memory_space<hbm>>) dst(%arg6 : memref<512x128xf32, #tpu.memory_space<vmem>>)
      %mul3A_20 = arith.constant 16 : i32
      %mul3A_21 = arith.muli %add3A_13, %mul3A_20 : i32
      "tpu.region"() ({
        %run_scoped3A = tpu.sem_alloc : memref<!tpu.dma_semaphore, #tpu.memory_space<semaphore_mem>>
        %dma_start3A_23 = arith.constant 0 : i32
        %dma_start3A_24 = tpu.memref_slice %arg4[%mul3A_21, %dma_start3A_23] : memref<65536x128xf32, #tpu.memory_space<hbm>> -> memref<512x128xf32, #tpu.memory_space<hbm>>
        %dma_start3A_25 = arith.constant 0 : i32
        %dma_start3A_26 = tpu.memref_slice %arg4[%mul3A_21, %dma_start3A_25] : memref<65536x128xf32, #tpu.memory_space<hbm>> -> memref<512x128xf32, #tpu.memory_space<hbm>>
        tpu.enqueue_dma source(%arg6 : memref<512x128xf32, #tpu.memory_space<vmem>>) target(%dma_start3A_26 : memref<512x128xf32, #tpu.memory_space<hbm>>) target_semaphore(%run_scoped3A : memref<!tpu.dma_semaphore, #tpu.memory_space<semaphore_mem>>)
        %dma_wait3A_27 = arith.constant 0 : i32
        %dma_wait3A_28 = tpu.memref_slice %arg4[%mul3A_21, %dma_wait3A_27] : memref<65536x128xf32, #tpu.memory_space<hbm>> -> memref<512x128xf32, #tpu.memory_space<hbm>>
        %dma_wait3A_29 = arith.constant 0 : i32
        %dma_wait3A_30 = tpu.memref_slice %arg4[%mul3A_21, %dma_wait3A_29] : memref<65536x128xf32, #tpu.memory_space<hbm>> -> memref<512x128xf32, #tpu.memory_space<hbm>>
        tpu.wait_dma2 semaphore(%run_scoped3A : memref<!tpu.dma_semaphore, #tpu.memory_space<semaphore_mem>>) src(%arg6 : memref<512x128xf32, #tpu.memory_space<vmem>>) dst(%dma_wait3A_30 : memref<512x128xf32, #tpu.memory_space<hbm>>)
        tpu.yield
      }) : () -> ()
      %scan3A_22 = arith.constant 0 : i32
      scf.yield %scan3A_22 : i32
    }
    %scan3A_8 = arith.constant 4 : i32
    return
  }
}

module attributes {stable_mosaic.version = 14 : i64} {
  func.func @_knn_body(%arg0: i32, %arg1: i32, %arg2: memref<1x4096x3xf32, #tpu.memory_space<vmem>>, %arg3: memref<1x3x128xf32, #tpu.memory_space<vmem>>, %arg4: memref<1x4096x1xf32, #tpu.memory_space<vmem>>, %arg5: memref<1x16x128xi32, #tpu.memory_space<vmem>>, %arg6: memref<4096x128xf32, #tpu.memory_space<vmem>>, %arg7: memref<256x128xf32, #tpu.memory_space<vmem>>, %arg8: memref<256x128xi32, #tpu.memory_space<vmem>>, %arg9: memref<256x128xf32, #tpu.memory_space<vmem>>, %arg10: memref<1x2xi32, #tpu.memory_space<smem>>) attributes {dimension_semantics = [#tpu.dimension_semantics<arbitrary>, #tpu.dimension_semantics<arbitrary>], iteration_bounds = array<i64: 1, 32>, scalar_prefetch = 0 : i64, scratch_operands = 5 : i64, tpu.core_type = #tpu.core_type<tc>, window_params = [{transform_indices = @transform_0, window_bounds = array<i64: 1, 4096, 3>}, {transform_indices = @transform_1, window_bounds = array<i64: 1, 3, 128>}, {transform_indices = @transform_2, window_bounds = array<i64: 1, 4096, 1>}, {transform_indices = @transform_3, window_bounds = array<i64: 1, 16, 128>}]} {
    %get3A = arith.constant 0 : index
    %get3A_0 = arith.constant 0 : index
    %get3A_1 = arith.constant 0 : index
    %get3A_2 = vector.load %arg2[%get3A, %get3A_0, %get3A_1] : memref<1x4096x3xf32, #tpu.memory_space<vmem>>, vector<1x4096x3xf32>
    %get3A_3 = vector.shape_cast %get3A_2 : vector<1x4096x3xf32> to vector<4096x3xf32>
    %get3A_4 = arith.constant 0 : index
    %get3A_5 = arith.constant 0 : index
    %get3A_6 = arith.constant 0 : index
    %get3A_7 = vector.load %arg3[%get3A_4, %get3A_5, %get3A_6] : memref<1x3x128xf32, #tpu.memory_space<vmem>>, vector<1x3x128xf32>
    %get3A_8 = vector.shape_cast %get3A_7 : vector<1x3x128xf32> to vector<3x128xf32>
    %dot_general3A = arith.constant dense<0.000000e+00> : vector<4096x128xf32>
    %dot_general3A_9 = tpu.matmul %get3A_3, %get3A_8, %dot_general3A {dimension_numbers = #tpu.dot_dimension_numbers<[1], [0], [0], [1], [0, 0, 1, 1], [], []>, transpose_lhs_hint = false} : vector<4096x3xf32>, vector<3x128xf32>, vector<4096x128xf32> -> vector<4096x128xf32>
    %mul3A = arith.constant -2.000000e+00 : f32
    %mul3A_10 = vector.broadcast %mul3A : f32 to vector<4096x128xf32>
    %mul3A_11 = arith.mulf %mul3A_10, %dot_general3A_9 : vector<4096x128xf32>
    %get3A_12 = arith.constant 0 : index
    %get3A_13 = arith.constant 0 : index
    %get3A_14 = arith.constant 0 : index
    %get3A_15 = vector.load %arg4[%get3A_12, %get3A_13, %get3A_14] : memref<1x4096x1xf32, #tpu.memory_space<vmem>>, vector<1x4096x1xf32>
    %get3A_16 = vector.shape_cast %get3A_15 : vector<1x4096x1xf32> to vector<4096x1xf32>
    %mul3A_17 = arith.mulf %get3A_8, %get3A_8 : vector<3x128xf32>
    %reduce_sum3A = arith.constant dense<0.000000e+00> : vector<128xf32>
    %reduce_sum3A_18 = vector.multi_reduction <add>, %mul3A_17, %reduce_sum3A [0] : vector<3x128xf32> to vector<128xf32>
    %broadcast_in_dim3A = vector.shape_cast %reduce_sum3A_18 : vector<128xf32> to vector<1x128xf32>
    %add3A = vector.broadcast %broadcast_in_dim3A : vector<1x128xf32> to vector<4096x128xf32>
    %add3A_19 = arith.addf %add3A, %mul3A_11 : vector<4096x128xf32>
    %add3A_20 = vector.broadcast %get3A_16 : vector<4096x1xf32> to vector<4096x128xf32>
    %add3A_21 = arith.addf %add3A_19, %add3A_20 : vector<4096x128xf32>
    %neg3A = arith.constant 0.000000e+00 : f32
    %neg3A_22 = vector.broadcast %neg3A : f32 to vector<4096x128xf32>
    %neg3A_23 = arith.subf %neg3A_22, %add3A_21 : vector<4096x128xf32>
    %swap3A = arith.constant 0 : index
    %swap3A_24 = arith.constant 0 : index
    %swap3A_25 = vector.load %arg6[%swap3A, %swap3A_24] : memref<4096x128xf32, #tpu.memory_space<vmem>>, vector<4096x128xf32>
    tpu.vector_store %arg6[%swap3A, %swap3A_24], %neg3A_23 {strides = array<i32>} : memref<4096x128xf32, #tpu.memory_space<vmem>>, vector<4096x128xf32>,
    %broadcast_in_dim3A_26 = arith.constant 0xFF800000 : f32
    %broadcast_in_dim3A_27 = vector.broadcast %broadcast_in_dim3A_26 : f32 to vector<256x128xf32>
    %swap3A_28 = arith.constant 0 : index
    %swap3A_29 = arith.constant 0 : index
    %swap3A_30 = vector.load %arg7[%swap3A_28, %swap3A_29] : memref<256x128xf32, #tpu.memory_space<vmem>>, vector<256x128xf32>
    tpu.vector_store %arg7[%swap3A_28, %swap3A_29], %broadcast_in_dim3A_27 {strides = array<i32>} : memref<256x128xf32, #tpu.memory_space<vmem>>, vector<256x128xf32>,
    %broadcast_in_dim3A_31 = arith.constant 0 : i32
    %broadcast_in_dim3A_32 = vector.broadcast %broadcast_in_dim3A_31 : i32 to vector<256x128xi32>
    %swap3A_33 = arith.constant 0 : index
    %swap3A_34 = arith.constant 0 : index
    %swap3A_35 = vector.load %arg8[%swap3A_33, %swap3A_34] : memref<256x128xi32, #tpu.memory_space<vmem>>, vector<256x128xi32>
    tpu.vector_store %arg8[%swap3A_33, %swap3A_34], %broadcast_in_dim3A_32 {strides = array<i32>} : memref<256x128xi32, #tpu.memory_space<vmem>>, vector<256x128xi32>,
    %swap3A_36 = arith.constant 0 : i32
    %swap3A_37 = arith.constant 0 : index
    %swap3A_38 = arith.constant 0 : index
    %swap3A_39 = memref.load %arg10[%swap3A_37, %swap3A_38] : memref<1x2xi32, #tpu.memory_space<smem>>
    memref.store %swap3A_36, %arg10[%swap3A_37, %swap3A_38] : memref<1x2xi32, #tpu.memory_space<smem>>
    %swap3A_40 = arith.constant 1 : i32
    %swap3A_41 = arith.constant 0 : index
    %swap3A_42 = arith.constant 1 : index
    %swap3A_43 = memref.load %arg10[%swap3A_41, %swap3A_42] : memref<1x2xi32, #tpu.memory_space<smem>>
    memref.store %swap3A_40, %arg10[%swap3A_41, %swap3A_42] : memref<1x2xi32, #tpu.memory_space<smem>>
    %iota3A = tpu.iota {dimensions = array<i32: 0>} : vector<256x16x128xi32>
    %iota3A_44 = tpu.iota {dimensions = array<i32: 0>} : vector<16x128xi32>
    %get3A_45 = arith.constant 0 : index
    %get3A_46 = arith.constant 0 : index
    %get3A_47 = vector.load %arg6[%get3A_45, %get3A_46] : memref<4096x128xf32, #tpu.memory_space<vmem>>, vector<4096x128xf32>
    %reshape3A = vector.shape_cast %get3A_47 : vector<4096x128xf32> to vector<256x16x128xf32>
    %reduce_max3A = arith.constant dense<0xFF800000> : vector<16x128xf32>
    %reduce_max3A_48 = vector.multi_reduction <maximumf>, %reshape3A, %reduce_max3A [0] : vector<256x16x128xf32> to vector<16x128xf32>
    %broadcast_in_dim3A_49 = vector.shape_cast %reduce_max3A_48 : vector<16x128xf32> to vector<1x16x128xf32>
    %eq3A = vector.broadcast %broadcast_in_dim3A_49 : vector<1x16x128xf32> to vector<256x16x128xf32>
    %eq3A_50 = arith.cmpf oeq, %reshape3A, %eq3A : vector<256x16x128xf32>
    %jit3A = arith.constant 256 : i32
    %broadcast_in_dim3A_51 = vector.broadcast %jit3A : i32 to vector<256x16x128xi32>
    %select_n3A = arith.select %eq3A_50, %iota3A, %broadcast_in_dim3A_51 : vector<256x16x128xi1>, vector<256x16x128xi32>
    %reduce_min3A = arith.constant dense<2147483647> : vector<16x128xi32>
    %reduce_min3A_52 = vector.multi_reduction <minsi>, %select_n3A, %reduce_min3A [0] : vector<256x16x128xi32> to vector<16x128xi32>
    %swap3A_53 = arith.constant 0 : index
    %swap3A_54 = arith.constant 0 : index
    %swap3A_55 = vector.load %arg7[%swap3A_53, %swap3A_54] : memref<256x128xf32, #tpu.memory_space<vmem>>, vector<16x128xf32>
    tpu.vector_store %arg7[%swap3A_53, %swap3A_54], %reduce_max3A_48 {strides = array<i32>} : memref<256x128xf32, #tpu.memory_space<vmem>>, vector<16x128xf32>,
    %mul3A_56 = arith.constant 16 : i32
    %mul3A_57 = vector.broadcast %mul3A_56 : i32 to vector<16x128xi32>
    %mul3A_58 = arith.muli %reduce_min3A_52, %mul3A_57 : vector<16x128xi32>
    %add3A_59 = arith.addi %mul3A_58, %iota3A_44 : vector<16x128xi32>
    %swap3A_60 = arith.constant 0 : index
    %swap3A_61 = arith.constant 0 : index
    %swap3A_62 = vector.load %arg8[%swap3A_60, %swap3A_61] : memref<256x128xi32, #tpu.memory_space<vmem>>, vector<16x128xi32>
    tpu.vector_store %arg8[%swap3A_60, %swap3A_61], %add3A_59 {strides = array<i32>} : memref<256x128xi32, #tpu.memory_space<vmem>>, vector<16x128xi32>,
    %broadcast_in_dim3A_63 = vector.shape_cast %reduce_min3A_52 : vector<16x128xi32> to vector<1x16x128xi32>
    %eq3A_64 = vector.broadcast %broadcast_in_dim3A_63 : vector<1x16x128xi32> to vector<256x16x128xi32>
    %eq3A_65 = arith.cmpi eq, %iota3A, %eq3A_64 : vector<256x16x128xi32>
    %jit3A_66 = arith.constant 0xFF800000 : f32
    %broadcast_in_dim3A_67 = vector.broadcast %jit3A_66 : f32 to vector<256x16x128xf32>
    %select_n3A_68 = arith.select %eq3A_65, %broadcast_in_dim3A_67, %reshape3A : vector<256x16x128xi1>, vector<256x16x128xf32>
    %reshape3A_69 = vector.shape_cast %select_n3A_68 : vector<256x16x128xf32> to vector<4096x128xf32>
    %swap3A_70 = arith.constant 0 : index
    %swap3A_71 = arith.constant 0 : index
    %swap3A_72 = vector.load %arg6[%swap3A_70, %swap3A_71] : memref<4096x128xf32, #tpu.memory_space<vmem>>, vector<4096x128xf32>
    tpu.vector_store %arg6[%swap3A_70, %swap3A_71], %reshape3A_69 {strides = array<i32>} : memref<4096x128xf32, #tpu.memory_space<vmem>>, vector<4096x128xf32>,
    %scan3A = arith.constant 1 : i32
    %scan3A_73 = arith.constant 15 : i32
    %scan3A_74 = arith.addi %scan3A, %scan3A_73 : i32
    %scan3A_75 = arith.constant 1 : i32
    scf.for %scan3A_93 = %scan3A to %scan3A_74 step %scan3A_75  : i32 {
      %get3A_94 = arith.constant 0 : index
      %get3A_95 = arith.constant 0 : index
      %get3A_96 = memref.load %arg10[%get3A_94, %get3A_95] : memref<1x2xi32, #tpu.memory_space<smem>>
      %eq3A_97 = arith.constant 0 : i32
      %eq3A_98 = arith.cmpi eq, %get3A_96, %eq3A_97 : i32
      %convert_element_type3A_99 = arith.extui %eq3A_98 : i1 to i32
      %cond3A_100 = arith.constant 0 : i32
      %cond3A_101 = arith.cmpi ne, %convert_element_type3A_99, %cond3A_100 : i32
      scf.if %cond3A_101 {
        %get3A_102 = arith.constant 0 : index
        %get3A_103 = arith.constant 0 : index
        %get3A_104 = vector.load %arg6[%get3A_102, %get3A_103] : memref<4096x128xf32, #tpu.memory_space<vmem>>, vector<4096x128xf32>
        %reshape3A_105 = vector.shape_cast %get3A_104 : vector<4096x128xf32> to vector<256x16x128xf32>
        %reduce_max3A_106 = arith.constant dense<0xFF800000> : vector<16x128xf32>
        %reduce_max3A_107 = vector.multi_reduction <maximumf>, %reshape3A_105, %reduce_max3A_106 [0] : vector<256x16x128xf32> to vector<16x128xf32>
        %reduce_max3A_108 = arith.constant dense<0xFF800000> : vector<128xf32>
        %reduce_max3A_109 = vector.multi_reduction <maximumf>, %reduce_max3A_107, %reduce_max3A_108 [0] : vector<16x128xf32> to vector<128xf32>
        %get3A_110 = arith.constant 0 : index
        %get3A_111 = arith.constant 0 : index
        %get3A_112 = vector.load %arg7[%get3A_110, %get3A_111] : memref<256x128xf32, #tpu.memory_space<vmem>>, vector<256x128xf32>
        %broadcast_in_dim3A_113 = vector.shape_cast %reduce_max3A_109 : vector<128xf32> to vector<1x128xf32>
        %gt3A_114 = vector.broadcast %broadcast_in_dim3A_113 : vector<1x128xf32> to vector<256x128xf32>
        %gt3A_115 = arith.cmpf ogt, %get3A_112, %gt3A_114 : vector<256x128xf32>
        %convert_element_type3A_116 = arith.extui %gt3A_115 : vector<256x128xi1> to vector<256x128xi32>
        %convert_element_type3A_117 = arith.sitofp %convert_element_type3A_116 : vector<256x128xi32> to vector<256x128xf32>
        %reduce_sum3A_118 = arith.constant dense<0.000000e+00> : vector<128xf32>
        %reduce_sum3A_119 = vector.multi_reduction <add>, %convert_element_type3A_117, %reduce_sum3A_118 [0] : vector<256x128xf32> to vector<128xf32>
        %lt3A = arith.constant 1.600000e+01 : f32
        %lt3A_120 = vector.broadcast %lt3A : f32 to vector<128xf32>
        %lt3A_121 = arith.cmpf olt, %reduce_sum3A_119, %lt3A_120 : vector<128xf32>
        %reduce_or3A = arith.constant 1.000000e+00 : f32
        %reduce_or3A_122 = arith.constant 0.000000e+00 : f32
        %reduce_or3A_123 = vector.broadcast %reduce_or3A : f32 to vector<128xf32>
        %reduce_or3A_124 = vector.broadcast %reduce_or3A_122 : f32 to vector<128xf32>
        %reduce_or3A_125 = arith.select %lt3A_121, %reduce_or3A_123, %reduce_or3A_124 : vector<128xi1>, vector<128xf32>
        %reduce_or3A_126 = vector.shape_cast %reduce_or3A_125 : vector<128xf32> to vector<1x128xf32>
        %reduce_or3A_127 = arith.constant dense<0xFF800000> : vector<1xf32>
        %reduce_or3A_128 = vector.multi_reduction <maximumf>, %reduce_or3A_126, %reduce_or3A_127 [1] : vector<1x128xf32> to vector<1xf32>
        %reduce_or3A_129 = vector.shape_cast %reduce_or3A_128 : vector<1xf32> to vector<1x1xf32>
        %reduce_or3A_130 = vector.extract %reduce_or3A_129[0, 0] : f32 from vector<1x1xf32>
        %reduce_or3A_131 = arith.constant 0.000000e+00 : f32
        %reduce_or3A_132 = arith.cmpf ogt, %reduce_or3A_130, %reduce_or3A_131 : f32
        %jit3A_133 = arith.constant 0 : i32
        %jit3A_134 = arith.constant 1 : i32
        %select_n3A_135 = arith.select %reduce_or3A_132, %jit3A_133, %jit3A_134 : i32
        %swap3A_136 = arith.constant 0 : index
        %swap3A_137 = arith.constant 0 : index
        %swap3A_138 = memref.load %arg10[%swap3A_136, %swap3A_137] : memref<1x2xi32, #tpu.memory_space<smem>>
        memref.store %select_n3A_135, %arg10[%swap3A_136, %swap3A_137] : memref<1x2xi32, #tpu.memory_space<smem>>
        %convert_element_type3A_139 = arith.extui %reduce_or3A_132 : i1 to i32
        %cond3A_140 = arith.constant 0 : i32
        %cond3A_141 = arith.cmpi ne, %convert_element_type3A_139, %cond3A_140 : i32
        scf.if %cond3A_141 {
          %broadcast_in_dim3A_142 = vector.shape_cast %reduce_max3A_107 : vector<16x128xf32> to vector<1x16x128xf32>
          %eq3A_143 = vector.broadcast %broadcast_in_dim3A_142 : vector<1x16x128xf32> to vector<256x16x128xf32>
          %eq3A_144 = arith.cmpf oeq, %reshape3A_105, %eq3A_143 : vector<256x16x128xf32>
          %jit3A_145 = arith.constant 256 : i32
          %broadcast_in_dim3A_146 = vector.broadcast %jit3A_145 : i32 to vector<256x16x128xi32>
          %select_n3A_147 = arith.select %eq3A_144, %iota3A, %broadcast_in_dim3A_146 : vector<256x16x128xi1>, vector<256x16x128xi32>
          %reduce_min3A_148 = arith.constant dense<2147483647> : vector<16x128xi32>
          %reduce_min3A_149 = vector.multi_reduction <minsi>, %select_n3A_147, %reduce_min3A_148 [0] : vector<256x16x128xi32> to vector<16x128xi32>
          %mul3A_150 = arith.constant 16 : i32
          %mul3A_151 = arith.muli %mul3A_150, %scan3A_93 : i32
          %swap3A_152 = arith.index_cast %mul3A_151 : i32 to index
          %swap3A_153 = arith.constant 0 : index
          %swap3A_154 = vector.load %arg7[%swap3A_152, %swap3A_153] : memref<256x128xf32, #tpu.memory_space<vmem>>, vector<16x128xf32>
          tpu.vector_store %arg7[%swap3A_152, %swap3A_153], %reduce_max3A_107 {strides = array<i32>} : memref<256x128xf32, #tpu.memory_space<vmem>>, vector<16x128xf32>,
          %mul3A_155 = arith.constant 16 : i32
          %mul3A_156 = vector.broadcast %mul3A_155 : i32 to vector<16x128xi32>
          %mul3A_157 = arith.muli %reduce_min3A_149, %mul3A_156 : vector<16x128xi32>
          %add3A_158 = arith.addi %mul3A_157, %iota3A_44 : vector<16x128xi32>
          %mul3A_159 = arith.constant 16 : i32
          %mul3A_160 = arith.muli %mul3A_159, %scan3A_93 : i32
          %swap3A_161 = arith.index_cast %mul3A_160 : i32 to index
          %swap3A_162 = arith.constant 0 : index
          %swap3A_163 = vector.load %arg8[%swap3A_161, %swap3A_162] : memref<256x128xi32, #tpu.memory_space<vmem>>, vector<16x128xi32>
          tpu.vector_store %arg8[%swap3A_161, %swap3A_162], %add3A_158 {strides = array<i32>} : memref<256x128xi32, #tpu.memory_space<vmem>>, vector<16x128xi32>,
          %broadcast_in_dim3A_164 = vector.shape_cast %reduce_min3A_149 : vector<16x128xi32> to vector<1x16x128xi32>
          %eq3A_165 = vector.broadcast %broadcast_in_dim3A_164 : vector<1x16x128xi32> to vector<256x16x128xi32>
          %eq3A_166 = arith.cmpi eq, %iota3A, %eq3A_165 : vector<256x16x128xi32>
          %jit3A_167 = arith.constant 0xFF800000 : f32
          %broadcast_in_dim3A_168 = vector.broadcast %jit3A_167 : f32 to vector<256x16x128xf32>
          %select_n3A_169 = arith.select %eq3A_166, %broadcast_in_dim3A_168, %reshape3A_105 : vector<256x16x128xi1>, vector<256x16x128xf32>
          %reshape3A_170 = vector.shape_cast %select_n3A_169 : vector<256x16x128xf32> to vector<4096x128xf32>
          %swap3A_171 = arith.constant 0 : index
          %swap3A_172 = arith.constant 0 : index
          %swap3A_173 = vector.load %arg6[%swap3A_171, %swap3A_172] : memref<4096x128xf32, #tpu.memory_space<vmem>>, vector<4096x128xf32>
          tpu.vector_store %arg6[%swap3A_171, %swap3A_172], %reshape3A_170 {strides = array<i32>} : memref<4096x128xf32, #tpu.memory_space<vmem>>, vector<4096x128xf32>,
          %add3A_174 = arith.constant 1 : i32
          %add3A_175 = arith.addi %scan3A_93, %add3A_174 : i32
          %swap3A_176 = arith.constant 0 : index
          %swap3A_177 = arith.constant 1 : index
          %swap3A_178 = memref.load %arg10[%swap3A_176, %swap3A_177] : memref<1x2xi32, #tpu.memory_space<smem>>
          memref.store %add3A_175, %arg10[%swap3A_176, %swap3A_177] : memref<1x2xi32, #tpu.memory_space<smem>>
        } else {
        }
      } else {
      }
    }
    %scan3A_76 = arith.constant 15 : i32
    %get3A_77 = arith.constant 0 : index
    %get3A_78 = arith.constant 1 : index
    %get3A_79 = memref.load %arg10[%get3A_77, %get3A_78] : memref<1x2xi32, #tpu.memory_space<smem>>
    %mul3A_80 = arith.constant 16 : i32
    %mul3A_81 = arith.muli %get3A_79, %mul3A_80 : i32
    %le3A = arith.constant 144 : i32
    %le3A_82 = arith.cmpi sle, %mul3A_81, %le3A : i32
    %convert_element_type3A = arith.extui %le3A_82 : i1 to i32
    %cond3A = arith.constant 0 : i32
    %cond3A_83 = arith.cmpi ne, %convert_element_type3A, %cond3A : i32
    scf.if %cond3A_83 {
      %get3A_93 = arith.constant 0 : index
      %get3A_94 = arith.constant 0 : index
      %get3A_95 = vector.load %arg7[%get3A_93, %get3A_94] : memref<256x128xf32, #tpu.memory_space<vmem>>, vector<144x128xf32>
      %swap3A_96 = arith.constant 0 : index
      %swap3A_97 = arith.constant 0 : index
      %swap3A_98 = vector.load %arg9[%swap3A_96, %swap3A_97] : memref<256x128xf32, #tpu.memory_space<vmem>>, vector<144x128xf32>
      tpu.vector_store %arg9[%swap3A_96, %swap3A_97], %get3A_95 {strides = array<i32>} : memref<256x128xf32, #tpu.memory_space<vmem>>, vector<144x128xf32>,
      %scan3A_99 = arith.constant 0 : i32
      %scan3A_100 = arith.constant 16 : i32
      %scan3A_101 = arith.addi %scan3A_99, %scan3A_100 : i32
      %scan3A_102 = arith.constant 1 : i32
      scf.for %scan3A_104 = %scan3A_99 to %scan3A_101 step %scan3A_102  : i32 {
        %get3A_105 = arith.constant 0 : index
        %get3A_106 = arith.constant 0 : index
        %get3A_107 = vector.load %arg9[%get3A_105, %get3A_106] : memref<256x128xf32, #tpu.memory_space<vmem>>, vector<144x128xf32>
        %get3A_108 = arith.constant 0 : index
        %get3A_109 = arith.constant 0 : index
        %get3A_110 = vector.load %arg8[%get3A_108, %get3A_109] : memref<256x128xi32, #tpu.memory_space<vmem>>, vector<144x128xi32>
        %reduce_max3A_111 = arith.constant dense<0xFF800000> : vector<128xf32>
        %reduce_max3A_112 = vector.multi_reduction <maximumf>, %get3A_107, %reduce_max3A_111 [0] : vector<144x128xf32> to vector<128xf32>
        %broadcast_in_dim3A_113 = vector.shape_cast %reduce_max3A_112 : vector<128xf32> to vector<1x128xf32>
        %eq3A_114 = vector.broadcast %broadcast_in_dim3A_113 : vector<1x128xf32> to vector<144x128xf32>
        %eq3A_115 = arith.cmpf oeq, %get3A_107, %eq3A_114 : vector<144x128xf32>
        %jit3A_116 = arith.constant 4096 : i32
        %broadcast_in_dim3A_117 = vector.broadcast %jit3A_116 : i32 to vector<144x128xi32>
        %select_n3A_118 = arith.select %eq3A_115, %get3A_110, %broadcast_in_dim3A_117 : vector<144x128xi1>, vector<144x128xi32>
        %reduce_min3A_119 = arith.constant dense<2147483647> : vector<128xi32>
        %reduce_min3A_120 = vector.multi_reduction <minsi>, %select_n3A_118, %reduce_min3A_119 [0] : vector<144x128xi32> to vector<128xi32>
        %broadcast_in_dim3A_121 = vector.shape_cast %reduce_min3A_120 : vector<128xi32> to vector<1x128xi32>
        %swap3A_122 = arith.constant 0 : index
        %swap3A_123 = arith.index_cast %scan3A_104 : i32 to index
        %swap3A_124 = arith.constant 0 : index
        %swap3A_125 = vector.load %arg5[%swap3A_122, %swap3A_123, %swap3A_124] : memref<1x16x128xi32, #tpu.memory_space<vmem>>, vector<1x1x128xi32>
        %swap3A_126 = vector.shape_cast %swap3A_125 : vector<1x1x128xi32> to vector<1x128xi32>
        %swap3A_127 = vector.shape_cast %broadcast_in_dim3A_121 : vector<1x128xi32> to vector<1x1x128xi32>
        tpu.vector_store %arg5[%swap3A_122, %swap3A_123, %swap3A_124], %swap3A_127 {strides = array<i32>} : memref<1x16x128xi32, #tpu.memory_space<vmem>>, vector<1x1x128xi32>,
        %eq3A_128 = vector.broadcast %broadcast_in_dim3A_113 : vector<1x128xf32> to vector<144x128xf32>
        %eq3A_129 = arith.cmpf oeq, %get3A_107, %eq3A_128 : vector<144x128xf32>
        %eq3A_130 = vector.broadcast %broadcast_in_dim3A_121 : vector<1x128xi32> to vector<144x128xi32>
        %eq3A_131 = arith.cmpi eq, %get3A_110, %eq3A_130 : vector<144x128xi32>
        %and3A = arith.andi %eq3A_129, %eq3A_131 : vector<144x128xi1>
        %jit3A_132 = arith.constant 0xFF800000 : f32
        %broadcast_in_dim3A_133 = vector.broadcast %jit3A_132 : f32 to vector<144x128xf32>
        %select_n3A_134 = arith.select %and3A, %broadcast_in_dim3A_133, %get3A_107 : vector<144x128xi1>, vector<144x128xf32>
        %swap3A_135 = arith.constant 0 : index
        %swap3A_136 = arith.constant 0 : index
        %swap3A_137 = vector.load %arg9[%swap3A_135, %swap3A_136] : memref<256x128xf32, #tpu.memory_space<vmem>>, vector<144x128xf32>
        tpu.vector_store %arg9[%swap3A_135, %swap3A_136], %select_n3A_134 {strides = array<i32>} : memref<256x128xf32, #tpu.memory_space<vmem>>, vector<144x128xf32>,
      }
      %scan3A_103 = arith.constant 16 : i32
    } else {
    }
    %get3A_84 = arith.constant 0 : index
    %get3A_85 = arith.constant 1 : index
    %get3A_86 = memref.load %arg10[%get3A_84, %get3A_85] : memref<1x2xi32, #tpu.memory_space<smem>>
    %mul3A_87 = arith.constant 16 : i32
    %mul3A_88 = arith.muli %get3A_86, %mul3A_87 : i32
    %gt3A = arith.constant 144 : i32
    %gt3A_89 = arith.cmpi sgt, %mul3A_88, %gt3A : i32
    %convert_element_type3A_90 = arith.extui %gt3A_89 : i1 to i32
    %cond3A_91 = arith.constant 0 : i32
    %cond3A_92 = arith.cmpi ne, %convert_element_type3A_90, %cond3A_91 : i32
    scf.if %cond3A_92 {
      %get3A_93 = arith.constant 0 : index
      %get3A_94 = arith.constant 0 : index
      %get3A_95 = vector.load %arg7[%get3A_93, %get3A_94] : memref<256x128xf32, #tpu.memory_space<vmem>>, vector<256x128xf32>
      %swap3A_96 = arith.constant 0 : index
      %swap3A_97 = arith.constant 0 : index
      %swap3A_98 = vector.load %arg9[%swap3A_96, %swap3A_97] : memref<256x128xf32, #tpu.memory_space<vmem>>, vector<256x128xf32>
      tpu.vector_store %arg9[%swap3A_96, %swap3A_97], %get3A_95 {strides = array<i32>} : memref<256x128xf32, #tpu.memory_space<vmem>>, vector<256x128xf32>,
      %scan3A_99 = arith.constant 0 : i32
      %scan3A_100 = arith.constant 16 : i32
      %scan3A_101 = arith.addi %scan3A_99, %scan3A_100 : i32
      %scan3A_102 = arith.constant 1 : i32
      scf.for %scan3A_104 = %scan3A_99 to %scan3A_101 step %scan3A_102  : i32 {
        %get3A_105 = arith.constant 0 : index
        %get3A_106 = arith.constant 0 : index
        %get3A_107 = vector.load %arg9[%get3A_105, %get3A_106] : memref<256x128xf32, #tpu.memory_space<vmem>>, vector<256x128xf32>
        %get3A_108 = arith.constant 0 : index
        %get3A_109 = arith.constant 0 : index
        %get3A_110 = vector.load %arg8[%get3A_108, %get3A_109] : memref<256x128xi32, #tpu.memory_space<vmem>>, vector<256x128xi32>
        %reduce_max3A_111 = arith.constant dense<0xFF800000> : vector<128xf32>
        %reduce_max3A_112 = vector.multi_reduction <maximumf>, %get3A_107, %reduce_max3A_111 [0] : vector<256x128xf32> to vector<128xf32>
        %broadcast_in_dim3A_113 = vector.shape_cast %reduce_max3A_112 : vector<128xf32> to vector<1x128xf32>
        %eq3A_114 = vector.broadcast %broadcast_in_dim3A_113 : vector<1x128xf32> to vector<256x128xf32>
        %eq3A_115 = arith.cmpf oeq, %get3A_107, %eq3A_114 : vector<256x128xf32>
        %jit3A_116 = arith.constant 4096 : i32
        %broadcast_in_dim3A_117 = vector.broadcast %jit3A_116 : i32 to vector<256x128xi32>
        %select_n3A_118 = arith.select %eq3A_115, %get3A_110, %broadcast_in_dim3A_117 : vector<256x128xi1>, vector<256x128xi32>
        %reduce_min3A_119 = arith.constant dense<2147483647> : vector<128xi32>
        %reduce_min3A_120 = vector.multi_reduction <minsi>, %select_n3A_118, %reduce_min3A_119 [0] : vector<256x128xi32> to vector<128xi32>
        %broadcast_in_dim3A_121 = vector.shape_cast %reduce_min3A_120 : vector<128xi32> to vector<1x128xi32>
        %swap3A_122 = arith.constant 0 : index
        %swap3A_123 = arith.index_cast %scan3A_104 : i32 to index
        %swap3A_124 = arith.constant 0 : index
        %swap3A_125 = vector.load %arg5[%swap3A_122, %swap3A_123, %swap3A_124] : memref<1x16x128xi32, #tpu.memory_space<vmem>>, vector<1x1x128xi32>
        %swap3A_126 = vector.shape_cast %swap3A_125 : vector<1x1x128xi32> to vector<1x128xi32>
        %swap3A_127 = vector.shape_cast %broadcast_in_dim3A_121 : vector<1x128xi32> to vector<1x1x128xi32>
        tpu.vector_store %arg5[%swap3A_122, %swap3A_123, %swap3A_124], %swap3A_127 {strides = array<i32>} : memref<1x16x128xi32, #tpu.memory_space<vmem>>, vector<1x1x128xi32>,
        %eq3A_128 = vector.broadcast %broadcast_in_dim3A_113 : vector<1x128xf32> to vector<256x128xf32>
        %eq3A_129 = arith.cmpf oeq, %get3A_107, %eq3A_128 : vector<256x128xf32>
        %eq3A_130 = vector.broadcast %broadcast_in_dim3A_121 : vector<1x128xi32> to vector<256x128xi32>
        %eq3A_131 = arith.cmpi eq, %get3A_110, %eq3A_130 : vector<256x128xi32>
        %and3A = arith.andi %eq3A_129, %eq3A_131 : vector<256x128xi1>
        %jit3A_132 = arith.constant 0xFF800000 : f32
        %broadcast_in_dim3A_133 = vector.broadcast %jit3A_132 : f32 to vector<256x128xf32>
        %select_n3A_134 = arith.select %and3A, %broadcast_in_dim3A_133, %get3A_107 : vector<256x128xi1>, vector<256x128xf32>
        %swap3A_135 = arith.constant 0 : index
        %swap3A_136 = arith.constant 0 : index
        %swap3A_137 = vector.load %arg9[%swap3A_135, %swap3A_136] : memref<256x128xf32, #tpu.memory_space<vmem>>, vector<256x128xf32>
        tpu.vector_store %arg9[%swap3A_135, %swap3A_136], %select_n3A_134 {strides = array<i32>} : memref<256x128xf32, #tpu.memory_space<vmem>>, vector<256x128xf32>,
      }
      %scan3A_103 = arith.constant 16 : i32
    } else {
    }
    return
  }
  func.func @transform_0(%arg0: i32, %arg1: i32) -> (i32, i32, i32) {
    %c0_i32 = arith.constant 0 : i32
    %c0_i32_0 = arith.constant 0 : i32
    %c0_i32_1 = arith.constant 0 : i32
    return %arg0, %c0_i32, %c0_i32_0 : i32, i32, i32
  }
  func.func @transform_1(%arg0: i32, %arg1: i32) -> (i32, i32, i32) {
    %c0_i32 = arith.constant 0 : i32
    %c0_i32_0 = arith.constant 0 : i32
    return %arg0, %c0_i32, %arg1 : i32, i32, i32
  }
  func.func @transform_2(%arg0: i32, %arg1: i32) -> (i32, i32, i32) {
    %c0_i32 = arith.constant 0 : i32
    %c0_i32_0 = arith.constant 0 : i32
    %c0_i32_1 = arith.constant 0 : i32
    return %arg0, %c0_i32, %c0_i32_0 : i32, i32, i32
  }
  func.func @transform_3(%arg0: i32, %arg1: i32) -> (i32, i32, i32) {
    %c0_i32 = arith.constant 0 : i32
    %c0_i32_0 = arith.constant 0 : i32
    return %arg0, %c0_i32, %arg1 : i32, i32, i32
  }
}

module attributes {stable_mosaic.version = 14 : i64} {
  func.func @_ec_body(%arg0: i32, %arg1: i32, %arg2: memref<1x256x9xf32, #tpu.memory_space<vmem>>, %arg3: memref<1x4096x128xf32, #tpu.memory_space<vmem>>, %arg4: memref<18x64xf32, #tpu.memory_space<vmem>>, %arg5: memref<1x64xf32, #tpu.memory_space<vmem>>, %arg6: memref<1x256x9xf32, #tpu.memory_space<vmem>>, %arg7: memref<1x256x64xf32, #tpu.memory_space<vmem>>) attributes {dimension_semantics = [#tpu.dimension_semantics<arbitrary>, #tpu.dimension_semantics<arbitrary>], iteration_bounds = array<i64: 1, 16>, scalar_prefetch = 0 : i64, scratch_operands = 0 : i64, tpu.core_type = #tpu.core_type<tc>, window_params = [{transform_indices = @transform_0, window_bounds = array<i64: 1, 256, 9>}, {transform_indices = @transform_1, window_bounds = array<i64: 1, 4096, 128>}, {pipeline_mode = #tpu.pipeline_mode<synchronous>, transform_indices = @transform_2, window_bounds = array<i64: 18, 64>}, {pipeline_mode = #tpu.pipeline_mode<synchronous>, transform_indices = @transform_3, window_bounds = array<i64: 1, 64>}, {transform_indices = @transform_4, window_bounds = array<i64: 1, 256, 9>}, {transform_indices = @transform_5, window_bounds = array<i64: 1, 256, 64>}]} {
    %get3A = arith.constant 0 : index
    %get3A_0 = arith.constant 0 : index
    %get3A_1 = arith.constant 0 : index
    %get3A_2 = vector.load %arg2[%get3A, %get3A_0, %get3A_1] : memref<1x256x9xf32, #tpu.memory_space<vmem>>, vector<1x256x9xf32>
    %get3A_3 = vector.shape_cast %get3A_2 : vector<1x256x9xf32> to vector<256x9xf32>
    %get3A_4 = arith.constant 0 : index
    %get3A_5 = arith.constant 0 : index
    %get3A_6 = arith.constant 0 : index
    %get3A_7 = vector.load %arg3[%get3A_4, %get3A_5, %get3A_6] : memref<1x4096x128xf32, #tpu.memory_space<vmem>>, vector<1x4096x128xf32>
    %get3A_8 = vector.shape_cast %get3A_7 : vector<1x4096x128xf32> to vector<4096x128xf32>
    %reshape3A = vector.shape_cast %get3A_8 : vector<4096x128xf32> to vector<256x16x128xf32>
    %slice3A = vector.extract_strided_slice %reshape3A {offsets = [0, 0, 0], sizes = [256, 16, 9], strides = [1, 1, 1]} : vector<256x16x128xf32> to vector<256x16x9xf32>
    %broadcast_in_dim3A = vector.shape_cast %get3A_3 : vector<256x9xf32> to vector<256x1x9xf32>
    %sub3A = vector.broadcast %broadcast_in_dim3A : vector<256x1x9xf32> to vector<256x16x9xf32>
    %sub3A_9 = arith.subf %slice3A, %sub3A : vector<256x16x9xf32>
    %broadcast_in_dim3A_10 = vector.shape_cast %get3A_3 : vector<256x9xf32> to vector<256x1x9xf32>
    %broadcast_in_dim3A_11 = vector.shape_cast %broadcast_in_dim3A_10 : vector<256x1x9xf32> to vector<256x1x9xf32>
    %broadcast_in_dim3A_12 = vector.broadcast %broadcast_in_dim3A_11 : vector<256x1x9xf32> to vector<256x16x9xf32>
    %concatenate3A = tpu.concatenate %broadcast_in_dim3A_12, %sub3A_9 in 2 : vector<256x16x9xf32>, vector<256x16x9xf32> -> vector<256x16x18xf32>
    %reshape3A_13 = vector.shape_cast %concatenate3A : vector<256x16x18xf32> to vector<4096x18xf32>
    %get3A_14 = arith.constant 0 : index
    %get3A_15 = arith.constant 0 : index
    %get3A_16 = vector.load %arg4[%get3A_14, %get3A_15] : memref<18x64xf32, #tpu.memory_space<vmem>>, vector<18x64xf32>
    %dot_general3A = arith.constant dense<0.000000e+00> : vector<4096x64xf32>
    %dot_general3A_17 = tpu.matmul %reshape3A_13, %get3A_16, %dot_general3A {dimension_numbers = #tpu.dot_dimension_numbers<[1], [0], [0], [1], [0, 0, 1, 1], [], []>, transpose_lhs_hint = false} : vector<4096x18xf32>, vector<18x64xf32>, vector<4096x64xf32> -> vector<4096x64xf32>
    %get3A_18 = arith.constant 0 : index
    %get3A_19 = arith.constant 0 : index
    %get3A_20 = vector.load %arg5[%get3A_18, %get3A_19] : memref<1x64xf32, #tpu.memory_space<vmem>>, vector<1x64xf32>
    %add3A = vector.broadcast %get3A_20 : vector<1x64xf32> to vector<4096x64xf32>
    %add3A_21 = arith.addf %dot_general3A_17, %add3A : vector<4096x64xf32>
    %max3A = arith.constant 0.000000e+00 : f32
    %max3A_22 = vector.broadcast %max3A : f32 to vector<4096x64xf32>
    %max3A_23 = arith.maximumf %add3A_21, %max3A_22 : vector<4096x64xf32>
    %reshape3A_24 = vector.shape_cast %max3A_23 : vector<4096x64xf32> to vector<256x16x64xf32>
    %reduce_max3A = arith.constant dense<0xFF800000> : vector<256x64xf32>
    %reduce_max3A_25 = vector.multi_reduction <maximumf>, %reshape3A_24, %reduce_max3A [1] : vector<256x16x64xf32> to vector<256x64xf32>
    %swap3A = arith.constant 0 : index
    %swap3A_26 = arith.constant 0 : index
    %swap3A_27 = arith.constant 0 : index
    %swap3A_28 = vector.load %arg7[%swap3A, %swap3A_26, %swap3A_27] : memref<1x256x64xf32, #tpu.memory_space<vmem>>, vector<1x256x64xf32>
    %swap3A_29 = vector.shape_cast %swap3A_28 : vector<1x256x64xf32> to vector<256x64xf32>
    %swap3A_30 = vector.shape_cast %reduce_max3A_25 : vector<256x64xf32> to vector<1x256x64xf32>
    tpu.vector_store %arg7[%swap3A, %swap3A_26, %swap3A_27], %swap3A_30 {strides = array<i32>} : memref<1x256x64xf32, #tpu.memory_space<vmem>>, vector<1x256x64xf32>,
    return
  }
  func.func @transform_0(%arg0: i32, %arg1: i32) -> (i32, i32, i32) {
    %c0_i32 = arith.constant 0 : i32
    %c0_i32_0 = arith.constant 0 : i32
    return %arg0, %arg1, %c0_i32 : i32, i32, i32
  }
  func.func @transform_1(%arg0: i32, %arg1: i32) -> (i32, i32, i32) {
    %c0_i32 = arith.constant 0 : i32
    %c0_i32_0 = arith.constant 0 : i32
    return %arg0, %arg1, %c0_i32 : i32, i32, i32
  }
  func.func @transform_2(%arg0: i32, %arg1: i32) -> (i32, i32) {
    %c0_i32 = arith.constant 0 : i32
    %c0_i32_0 = arith.constant 0 : i32
    %c0_i32_1 = arith.constant 0 : i32
    return %c0_i32, %c0_i32_0 : i32, i32
  }
  func.func @transform_3(%arg0: i32, %arg1: i32) -> (i32, i32) {
    %c0_i32 = arith.constant 0 : i32
    %c0_i32_0 = arith.constant 0 : i32
    %c0_i32_1 = arith.constant 0 : i32
    return %c0_i32, %c0_i32_0 : i32, i32
  }
  func.func @transform_4(%arg0: i32, %arg1: i32) -> (i32, i32, i32) {
    %c0_i32 = arith.constant 0 : i32
    %c0_i32_0 = arith.constant 0 : i32
    return %arg0, %arg1, %c0_i32 : i32, i32, i32
  }
  func.func @transform_5(%arg0: i32, %arg1: i32) -> (i32, i32, i32) {
    %c0_i32 = arith.constant 0 : i32
    %c0_i32_0 = arith.constant 0 : i32
    return %arg0, %arg1, %c0_i32 : i32, i32, i32
  }
}

module attributes {stable_mosaic.version = 14 : i64} {
  func.func @_knn_body(%arg0: i32, %arg1: i32, %arg2: memref<1x4096x64xf32, #tpu.memory_space<vmem>>, %arg3: memref<1x64x128xf32, #tpu.memory_space<vmem>>, %arg4: memref<1x4096x1xf32, #tpu.memory_space<vmem>>, %arg5: memref<1x16x128xi32, #tpu.memory_space<vmem>>, %arg6: memref<4096x128xf32, #tpu.memory_space<vmem>>, %arg7: memref<256x128xf32, #tpu.memory_space<vmem>>, %arg8: memref<256x128xi32, #tpu.memory_space<vmem>>, %arg9: memref<256x128xf32, #tpu.memory_space<vmem>>, %arg10: memref<1x2xi32, #tpu.memory_space<smem>>) attributes {dimension_semantics = [#tpu.dimension_semantics<arbitrary>, #tpu.dimension_semantics<arbitrary>], iteration_bounds = array<i64: 1, 32>, scalar_prefetch = 0 : i64, scratch_operands = 5 : i64, tpu.core_type = #tpu.core_type<tc>, window_params = [{transform_indices = @transform_0, window_bounds = array<i64: 1, 4096, 64>}, {transform_indices = @transform_1, window_bounds = array<i64: 1, 64, 128>}, {transform_indices = @transform_2, window_bounds = array<i64: 1, 4096, 1>}, {transform_indices = @transform_3, window_bounds = array<i64: 1, 16, 128>}]} {
    %get3A = arith.constant 0 : index
    %get3A_0 = arith.constant 0 : index
    %get3A_1 = arith.constant 0 : index
    %get3A_2 = vector.load %arg2[%get3A, %get3A_0, %get3A_1] : memref<1x4096x64xf32, #tpu.memory_space<vmem>>, vector<1x4096x64xf32>
    %get3A_3 = vector.shape_cast %get3A_2 : vector<1x4096x64xf32> to vector<4096x64xf32>
    %get3A_4 = arith.constant 0 : index
    %get3A_5 = arith.constant 0 : index
    %get3A_6 = arith.constant 0 : index
    %get3A_7 = vector.load %arg3[%get3A_4, %get3A_5, %get3A_6] : memref<1x64x128xf32, #tpu.memory_space<vmem>>, vector<1x64x128xf32>
    %get3A_8 = vector.shape_cast %get3A_7 : vector<1x64x128xf32> to vector<64x128xf32>
    %dot_general3A = arith.constant dense<0.000000e+00> : vector<4096x128xf32>
    %dot_general3A_9 = tpu.matmul %get3A_3, %get3A_8, %dot_general3A {dimension_numbers = #tpu.dot_dimension_numbers<[1], [0], [0], [1], [0, 0, 1, 1], [], []>, transpose_lhs_hint = false} : vector<4096x64xf32>, vector<64x128xf32>, vector<4096x128xf32> -> vector<4096x128xf32>
    %mul3A = arith.constant -2.000000e+00 : f32
    %mul3A_10 = vector.broadcast %mul3A : f32 to vector<4096x128xf32>
    %mul3A_11 = arith.mulf %mul3A_10, %dot_general3A_9 : vector<4096x128xf32>
    %get3A_12 = arith.constant 0 : index
    %get3A_13 = arith.constant 0 : index
    %get3A_14 = arith.constant 0 : index
    %get3A_15 = vector.load %arg4[%get3A_12, %get3A_13, %get3A_14] : memref<1x4096x1xf32, #tpu.memory_space<vmem>>, vector<1x4096x1xf32>
    %get3A_16 = vector.shape_cast %get3A_15 : vector<1x4096x1xf32> to vector<4096x1xf32>
    %mul3A_17 = arith.mulf %get3A_8, %get3A_8 : vector<64x128xf32>
    %reduce_sum3A = arith.constant dense<0.000000e+00> : vector<128xf32>
    %reduce_sum3A_18 = vector.multi_reduction <add>, %mul3A_17, %reduce_sum3A [0] : vector<64x128xf32> to vector<128xf32>
    %broadcast_in_dim3A = vector.shape_cast %reduce_sum3A_18 : vector<128xf32> to vector<1x128xf32>
    %add3A = vector.broadcast %broadcast_in_dim3A : vector<1x128xf32> to vector<4096x128xf32>
    %add3A_19 = arith.addf %add3A, %mul3A_11 : vector<4096x128xf32>
    %add3A_20 = vector.broadcast %get3A_16 : vector<4096x1xf32> to vector<4096x128xf32>
    %add3A_21 = arith.addf %add3A_19, %add3A_20 : vector<4096x128xf32>
    %neg3A = arith.constant 0.000000e+00 : f32
    %neg3A_22 = vector.broadcast %neg3A : f32 to vector<4096x128xf32>
    %neg3A_23 = arith.subf %neg3A_22, %add3A_21 : vector<4096x128xf32>
    %swap3A = arith.constant 0 : index
    %swap3A_24 = arith.constant 0 : index
    %swap3A_25 = vector.load %arg6[%swap3A, %swap3A_24] : memref<4096x128xf32, #tpu.memory_space<vmem>>, vector<4096x128xf32>
    tpu.vector_store %arg6[%swap3A, %swap3A_24], %neg3A_23 {strides = array<i32>} : memref<4096x128xf32, #tpu.memory_space<vmem>>, vector<4096x128xf32>,
    %broadcast_in_dim3A_26 = arith.constant 0xFF800000 : f32
    %broadcast_in_dim3A_27 = vector.broadcast %broadcast_in_dim3A_26 : f32 to vector<256x128xf32>
    %swap3A_28 = arith.constant 0 : index
    %swap3A_29 = arith.constant 0 : index
    %swap3A_30 = vector.load %arg7[%swap3A_28, %swap3A_29] : memref<256x128xf32, #tpu.memory_space<vmem>>, vector<256x128xf32>
    tpu.vector_store %arg7[%swap3A_28, %swap3A_29], %broadcast_in_dim3A_27 {strides = array<i32>} : memref<256x128xf32, #tpu.memory_space<vmem>>, vector<256x128xf32>,
    %broadcast_in_dim3A_31 = arith.constant 0 : i32
    %broadcast_in_dim3A_32 = vector.broadcast %broadcast_in_dim3A_31 : i32 to vector<256x128xi32>
    %swap3A_33 = arith.constant 0 : index
    %swap3A_34 = arith.constant 0 : index
    %swap3A_35 = vector.load %arg8[%swap3A_33, %swap3A_34] : memref<256x128xi32, #tpu.memory_space<vmem>>, vector<256x128xi32>
    tpu.vector_store %arg8[%swap3A_33, %swap3A_34], %broadcast_in_dim3A_32 {strides = array<i32>} : memref<256x128xi32, #tpu.memory_space<vmem>>, vector<256x128xi32>,
    %swap3A_36 = arith.constant 0 : i32
    %swap3A_37 = arith.constant 0 : index
    %swap3A_38 = arith.constant 0 : index
    %swap3A_39 = memref.load %arg10[%swap3A_37, %swap3A_38] : memref<1x2xi32, #tpu.memory_space<smem>>
    memref.store %swap3A_36, %arg10[%swap3A_37, %swap3A_38] : memref<1x2xi32, #tpu.memory_space<smem>>
    %swap3A_40 = arith.constant 1 : i32
    %swap3A_41 = arith.constant 0 : index
    %swap3A_42 = arith.constant 1 : index
    %swap3A_43 = memref.load %arg10[%swap3A_41, %swap3A_42] : memref<1x2xi32, #tpu.memory_space<smem>>
    memref.store %swap3A_40, %arg10[%swap3A_41, %swap3A_42] : memref<1x2xi32, #tpu.memory_space<smem>>
    %iota3A = tpu.iota {dimensions = array<i32: 0>} : vector<256x16x128xi32>
    %iota3A_44 = tpu.iota {dimensions = array<i32: 0>} : vector<16x128xi32>
    %get3A_45 = arith.constant 0 : index
    %get3A_46 = arith.constant 0 : index
    %get3A_47 = vector.load %arg6[%get3A_45, %get3A_46] : memref<4096x128xf32, #tpu.memory_space<vmem>>, vector<4096x128xf32>
    %reshape3A = vector.shape_cast %get3A_47 : vector<4096x128xf32> to vector<256x16x128xf32>
    %reduce_max3A = arith.constant dense<0xFF800000> : vector<16x128xf32>
    %reduce_max3A_48 = vector.multi_reduction <maximumf>, %reshape3A, %reduce_max3A [0] : vector<256x16x128xf32> to vector<16x128xf32>
    %broadcast_in_dim3A_49 = vector.shape_cast %reduce_max3A_48 : vector<16x128xf32> to vector<1x16x128xf32>
    %eq3A = vector.broadcast %broadcast_in_dim3A_49 : vector<1x16x128xf32> to vector<256x16x128xf32>
    %eq3A_50 = arith.cmpf oeq, %reshape3A, %eq3A : vector<256x16x128xf32>
    %jit3A = arith.constant 256 : i32
    %broadcast_in_dim3A_51 = vector.broadcast %jit3A : i32 to vector<256x16x128xi32>
    %select_n3A = arith.select %eq3A_50, %iota3A, %broadcast_in_dim3A_51 : vector<256x16x128xi1>, vector<256x16x128xi32>
    %reduce_min3A = arith.constant dense<2147483647> : vector<16x128xi32>
    %reduce_min3A_52 = vector.multi_reduction <minsi>, %select_n3A, %reduce_min3A [0] : vector<256x16x128xi32> to vector<16x128xi32>
    %swap3A_53 = arith.constant 0 : index
    %swap3A_54 = arith.constant 0 : index
    %swap3A_55 = vector.load %arg7[%swap3A_53, %swap3A_54] : memref<256x128xf32, #tpu.memory_space<vmem>>, vector<16x128xf32>
    tpu.vector_store %arg7[%swap3A_53, %swap3A_54], %reduce_max3A_48 {strides = array<i32>} : memref<256x128xf32, #tpu.memory_space<vmem>>, vector<16x128xf32>,
    %mul3A_56 = arith.constant 16 : i32
    %mul3A_57 = vector.broadcast %mul3A_56 : i32 to vector<16x128xi32>
    %mul3A_58 = arith.muli %reduce_min3A_52, %mul3A_57 : vector<16x128xi32>
    %add3A_59 = arith.addi %mul3A_58, %iota3A_44 : vector<16x128xi32>
    %swap3A_60 = arith.constant 0 : index
    %swap3A_61 = arith.constant 0 : index
    %swap3A_62 = vector.load %arg8[%swap3A_60, %swap3A_61] : memref<256x128xi32, #tpu.memory_space<vmem>>, vector<16x128xi32>
    tpu.vector_store %arg8[%swap3A_60, %swap3A_61], %add3A_59 {strides = array<i32>} : memref<256x128xi32, #tpu.memory_space<vmem>>, vector<16x128xi32>,
    %broadcast_in_dim3A_63 = vector.shape_cast %reduce_min3A_52 : vector<16x128xi32> to vector<1x16x128xi32>
    %eq3A_64 = vector.broadcast %broadcast_in_dim3A_63 : vector<1x16x128xi32> to vector<256x16x128xi32>
    %eq3A_65 = arith.cmpi eq, %iota3A, %eq3A_64 : vector<256x16x128xi32>
    %jit3A_66 = arith.constant 0xFF800000 : f32
    %broadcast_in_dim3A_67 = vector.broadcast %jit3A_66 : f32 to vector<256x16x128xf32>
    %select_n3A_68 = arith.select %eq3A_65, %broadcast_in_dim3A_67, %reshape3A : vector<256x16x128xi1>, vector<256x16x128xf32>
    %reshape3A_69 = vector.shape_cast %select_n3A_68 : vector<256x16x128xf32> to vector<4096x128xf32>
    %swap3A_70 = arith.constant 0 : index
    %swap3A_71 = arith.constant 0 : index
    %swap3A_72 = vector.load %arg6[%swap3A_70, %swap3A_71] : memref<4096x128xf32, #tpu.memory_space<vmem>>, vector<4096x128xf32>
    tpu.vector_store %arg6[%swap3A_70, %swap3A_71], %reshape3A_69 {strides = array<i32>} : memref<4096x128xf32, #tpu.memory_space<vmem>>, vector<4096x128xf32>,
    %scan3A = arith.constant 1 : i32
    %scan3A_73 = arith.constant 15 : i32
    %scan3A_74 = arith.addi %scan3A, %scan3A_73 : i32
    %scan3A_75 = arith.constant 1 : i32
    scf.for %scan3A_93 = %scan3A to %scan3A_74 step %scan3A_75  : i32 {
      %get3A_94 = arith.constant 0 : index
      %get3A_95 = arith.constant 0 : index
      %get3A_96 = memref.load %arg10[%get3A_94, %get3A_95] : memref<1x2xi32, #tpu.memory_space<smem>>
      %eq3A_97 = arith.constant 0 : i32
      %eq3A_98 = arith.cmpi eq, %get3A_96, %eq3A_97 : i32
      %convert_element_type3A_99 = arith.extui %eq3A_98 : i1 to i32
      %cond3A_100 = arith.constant 0 : i32
      %cond3A_101 = arith.cmpi ne, %convert_element_type3A_99, %cond3A_100 : i32
      scf.if %cond3A_101 {
        %get3A_102 = arith.constant 0 : index
        %get3A_103 = arith.constant 0 : index
        %get3A_104 = vector.load %arg6[%get3A_102, %get3A_103] : memref<4096x128xf32, #tpu.memory_space<vmem>>, vector<4096x128xf32>
        %reshape3A_105 = vector.shape_cast %get3A_104 : vector<4096x128xf32> to vector<256x16x128xf32>
        %reduce_max3A_106 = arith.constant dense<0xFF800000> : vector<16x128xf32>
        %reduce_max3A_107 = vector.multi_reduction <maximumf>, %reshape3A_105, %reduce_max3A_106 [0] : vector<256x16x128xf32> to vector<16x128xf32>
        %reduce_max3A_108 = arith.constant dense<0xFF800000> : vector<128xf32>
        %reduce_max3A_109 = vector.multi_reduction <maximumf>, %reduce_max3A_107, %reduce_max3A_108 [0] : vector<16x128xf32> to vector<128xf32>
        %get3A_110 = arith.constant 0 : index
        %get3A_111 = arith.constant 0 : index
        %get3A_112 = vector.load %arg7[%get3A_110, %get3A_111] : memref<256x128xf32, #tpu.memory_space<vmem>>, vector<256x128xf32>
        %broadcast_in_dim3A_113 = vector.shape_cast %reduce_max3A_109 : vector<128xf32> to vector<1x128xf32>
        %gt3A_114 = vector.broadcast %broadcast_in_dim3A_113 : vector<1x128xf32> to vector<256x128xf32>
        %gt3A_115 = arith.cmpf ogt, %get3A_112, %gt3A_114 : vector<256x128xf32>
        %convert_element_type3A_116 = arith.extui %gt3A_115 : vector<256x128xi1> to vector<256x128xi32>
        %convert_element_type3A_117 = arith.sitofp %convert_element_type3A_116 : vector<256x128xi32> to vector<256x128xf32>
        %reduce_sum3A_118 = arith.constant dense<0.000000e+00> : vector<128xf32>
        %reduce_sum3A_119 = vector.multi_reduction <add>, %convert_element_type3A_117, %reduce_sum3A_118 [0] : vector<256x128xf32> to vector<128xf32>
        %lt3A = arith.constant 1.600000e+01 : f32
        %lt3A_120 = vector.broadcast %lt3A : f32 to vector<128xf32>
        %lt3A_121 = arith.cmpf olt, %reduce_sum3A_119, %lt3A_120 : vector<128xf32>
        %reduce_or3A = arith.constant 1.000000e+00 : f32
        %reduce_or3A_122 = arith.constant 0.000000e+00 : f32
        %reduce_or3A_123 = vector.broadcast %reduce_or3A : f32 to vector<128xf32>
        %reduce_or3A_124 = vector.broadcast %reduce_or3A_122 : f32 to vector<128xf32>
        %reduce_or3A_125 = arith.select %lt3A_121, %reduce_or3A_123, %reduce_or3A_124 : vector<128xi1>, vector<128xf32>
        %reduce_or3A_126 = vector.shape_cast %reduce_or3A_125 : vector<128xf32> to vector<1x128xf32>
        %reduce_or3A_127 = arith.constant dense<0xFF800000> : vector<1xf32>
        %reduce_or3A_128 = vector.multi_reduction <maximumf>, %reduce_or3A_126, %reduce_or3A_127 [1] : vector<1x128xf32> to vector<1xf32>
        %reduce_or3A_129 = vector.shape_cast %reduce_or3A_128 : vector<1xf32> to vector<1x1xf32>
        %reduce_or3A_130 = vector.extract %reduce_or3A_129[0, 0] : f32 from vector<1x1xf32>
        %reduce_or3A_131 = arith.constant 0.000000e+00 : f32
        %reduce_or3A_132 = arith.cmpf ogt, %reduce_or3A_130, %reduce_or3A_131 : f32
        %jit3A_133 = arith.constant 0 : i32
        %jit3A_134 = arith.constant 1 : i32
        %select_n3A_135 = arith.select %reduce_or3A_132, %jit3A_133, %jit3A_134 : i32
        %swap3A_136 = arith.constant 0 : index
        %swap3A_137 = arith.constant 0 : index
        %swap3A_138 = memref.load %arg10[%swap3A_136, %swap3A_137] : memref<1x2xi32, #tpu.memory_space<smem>>
        memref.store %select_n3A_135, %arg10[%swap3A_136, %swap3A_137] : memref<1x2xi32, #tpu.memory_space<smem>>
        %convert_element_type3A_139 = arith.extui %reduce_or3A_132 : i1 to i32
        %cond3A_140 = arith.constant 0 : i32
        %cond3A_141 = arith.cmpi ne, %convert_element_type3A_139, %cond3A_140 : i32
        scf.if %cond3A_141 {
          %broadcast_in_dim3A_142 = vector.shape_cast %reduce_max3A_107 : vector<16x128xf32> to vector<1x16x128xf32>
          %eq3A_143 = vector.broadcast %broadcast_in_dim3A_142 : vector<1x16x128xf32> to vector<256x16x128xf32>
          %eq3A_144 = arith.cmpf oeq, %reshape3A_105, %eq3A_143 : vector<256x16x128xf32>
          %jit3A_145 = arith.constant 256 : i32
          %broadcast_in_dim3A_146 = vector.broadcast %jit3A_145 : i32 to vector<256x16x128xi32>
          %select_n3A_147 = arith.select %eq3A_144, %iota3A, %broadcast_in_dim3A_146 : vector<256x16x128xi1>, vector<256x16x128xi32>
          %reduce_min3A_148 = arith.constant dense<2147483647> : vector<16x128xi32>
          %reduce_min3A_149 = vector.multi_reduction <minsi>, %select_n3A_147, %reduce_min3A_148 [0] : vector<256x16x128xi32> to vector<16x128xi32>
          %mul3A_150 = arith.constant 16 : i32
          %mul3A_151 = arith.muli %mul3A_150, %scan3A_93 : i32
          %swap3A_152 = arith.index_cast %mul3A_151 : i32 to index
          %swap3A_153 = arith.constant 0 : index
          %swap3A_154 = vector.load %arg7[%swap3A_152, %swap3A_153] : memref<256x128xf32, #tpu.memory_space<vmem>>, vector<16x128xf32>
          tpu.vector_store %arg7[%swap3A_152, %swap3A_153], %reduce_max3A_107 {strides = array<i32>} : memref<256x128xf32, #tpu.memory_space<vmem>>, vector<16x128xf32>,
          %mul3A_155 = arith.constant 16 : i32
          %mul3A_156 = vector.broadcast %mul3A_155 : i32 to vector<16x128xi32>
          %mul3A_157 = arith.muli %reduce_min3A_149, %mul3A_156 : vector<16x128xi32>
          %add3A_158 = arith.addi %mul3A_157, %iota3A_44 : vector<16x128xi32>
          %mul3A_159 = arith.constant 16 : i32
          %mul3A_160 = arith.muli %mul3A_159, %scan3A_93 : i32
          %swap3A_161 = arith.index_cast %mul3A_160 : i32 to index
          %swap3A_162 = arith.constant 0 : index
          %swap3A_163 = vector.load %arg8[%swap3A_161, %swap3A_162] : memref<256x128xi32, #tpu.memory_space<vmem>>, vector<16x128xi32>
          tpu.vector_store %arg8[%swap3A_161, %swap3A_162], %add3A_158 {strides = array<i32>} : memref<256x128xi32, #tpu.memory_space<vmem>>, vector<16x128xi32>,
          %broadcast_in_dim3A_164 = vector.shape_cast %reduce_min3A_149 : vector<16x128xi32> to vector<1x16x128xi32>
          %eq3A_165 = vector.broadcast %broadcast_in_dim3A_164 : vector<1x16x128xi32> to vector<256x16x128xi32>
          %eq3A_166 = arith.cmpi eq, %iota3A, %eq3A_165 : vector<256x16x128xi32>
          %jit3A_167 = arith.constant 0xFF800000 : f32
          %broadcast_in_dim3A_168 = vector.broadcast %jit3A_167 : f32 to vector<256x16x128xf32>
          %select_n3A_169 = arith.select %eq3A_166, %broadcast_in_dim3A_168, %reshape3A_105 : vector<256x16x128xi1>, vector<256x16x128xf32>
          %reshape3A_170 = vector.shape_cast %select_n3A_169 : vector<256x16x128xf32> to vector<4096x128xf32>
          %swap3A_171 = arith.constant 0 : index
          %swap3A_172 = arith.constant 0 : index
          %swap3A_173 = vector.load %arg6[%swap3A_171, %swap3A_172] : memref<4096x128xf32, #tpu.memory_space<vmem>>, vector<4096x128xf32>
          tpu.vector_store %arg6[%swap3A_171, %swap3A_172], %reshape3A_170 {strides = array<i32>} : memref<4096x128xf32, #tpu.memory_space<vmem>>, vector<4096x128xf32>,
          %add3A_174 = arith.constant 1 : i32
          %add3A_175 = arith.addi %scan3A_93, %add3A_174 : i32
          %swap3A_176 = arith.constant 0 : index
          %swap3A_177 = arith.constant 1 : index
          %swap3A_178 = memref.load %arg10[%swap3A_176, %swap3A_177] : memref<1x2xi32, #tpu.memory_space<smem>>
          memref.store %add3A_175, %arg10[%swap3A_176, %swap3A_177] : memref<1x2xi32, #tpu.memory_space<smem>>
        } else {
        }
      } else {
      }
    }
    %scan3A_76 = arith.constant 15 : i32
    %get3A_77 = arith.constant 0 : index
    %get3A_78 = arith.constant 1 : index
    %get3A_79 = memref.load %arg10[%get3A_77, %get3A_78] : memref<1x2xi32, #tpu.memory_space<smem>>
    %mul3A_80 = arith.constant 16 : i32
    %mul3A_81 = arith.muli %get3A_79, %mul3A_80 : i32
    %le3A = arith.constant 144 : i32
    %le3A_82 = arith.cmpi sle, %mul3A_81, %le3A : i32
    %convert_element_type3A = arith.extui %le3A_82 : i1 to i32
    %cond3A = arith.constant 0 : i32
    %cond3A_83 = arith.cmpi ne, %convert_element_type3A, %cond3A : i32
    scf.if %cond3A_83 {
      %get3A_93 = arith.constant 0 : index
      %get3A_94 = arith.constant 0 : index
      %get3A_95 = vector.load %arg7[%get3A_93, %get3A_94] : memref<256x128xf32, #tpu.memory_space<vmem>>, vector<144x128xf32>
      %swap3A_96 = arith.constant 0 : index
      %swap3A_97 = arith.constant 0 : index
      %swap3A_98 = vector.load %arg9[%swap3A_96, %swap3A_97] : memref<256x128xf32, #tpu.memory_space<vmem>>, vector<144x128xf32>
      tpu.vector_store %arg9[%swap3A_96, %swap3A_97], %get3A_95 {strides = array<i32>} : memref<256x128xf32, #tpu.memory_space<vmem>>, vector<144x128xf32>,
      %scan3A_99 = arith.constant 0 : i32
      %scan3A_100 = arith.constant 16 : i32
      %scan3A_101 = arith.addi %scan3A_99, %scan3A_100 : i32
      %scan3A_102 = arith.constant 1 : i32
      scf.for %scan3A_104 = %scan3A_99 to %scan3A_101 step %scan3A_102  : i32 {
        %get3A_105 = arith.constant 0 : index
        %get3A_106 = arith.constant 0 : index
        %get3A_107 = vector.load %arg9[%get3A_105, %get3A_106] : memref<256x128xf32, #tpu.memory_space<vmem>>, vector<144x128xf32>
        %get3A_108 = arith.constant 0 : index
        %get3A_109 = arith.constant 0 : index
        %get3A_110 = vector.load %arg8[%get3A_108, %get3A_109] : memref<256x128xi32, #tpu.memory_space<vmem>>, vector<144x128xi32>
        %reduce_max3A_111 = arith.constant dense<0xFF800000> : vector<128xf32>
        %reduce_max3A_112 = vector.multi_reduction <maximumf>, %get3A_107, %reduce_max3A_111 [0] : vector<144x128xf32> to vector<128xf32>
        %broadcast_in_dim3A_113 = vector.shape_cast %reduce_max3A_112 : vector<128xf32> to vector<1x128xf32>
        %eq3A_114 = vector.broadcast %broadcast_in_dim3A_113 : vector<1x128xf32> to vector<144x128xf32>
        %eq3A_115 = arith.cmpf oeq, %get3A_107, %eq3A_114 : vector<144x128xf32>
        %jit3A_116 = arith.constant 4096 : i32
        %broadcast_in_dim3A_117 = vector.broadcast %jit3A_116 : i32 to vector<144x128xi32>
        %select_n3A_118 = arith.select %eq3A_115, %get3A_110, %broadcast_in_dim3A_117 : vector<144x128xi1>, vector<144x128xi32>
        %reduce_min3A_119 = arith.constant dense<2147483647> : vector<128xi32>
        %reduce_min3A_120 = vector.multi_reduction <minsi>, %select_n3A_118, %reduce_min3A_119 [0] : vector<144x128xi32> to vector<128xi32>
        %broadcast_in_dim3A_121 = vector.shape_cast %reduce_min3A_120 : vector<128xi32> to vector<1x128xi32>
        %swap3A_122 = arith.constant 0 : index
        %swap3A_123 = arith.index_cast %scan3A_104 : i32 to index
        %swap3A_124 = arith.constant 0 : index
        %swap3A_125 = vector.load %arg5[%swap3A_122, %swap3A_123, %swap3A_124] : memref<1x16x128xi32, #tpu.memory_space<vmem>>, vector<1x1x128xi32>
        %swap3A_126 = vector.shape_cast %swap3A_125 : vector<1x1x128xi32> to vector<1x128xi32>
        %swap3A_127 = vector.shape_cast %broadcast_in_dim3A_121 : vector<1x128xi32> to vector<1x1x128xi32>
        tpu.vector_store %arg5[%swap3A_122, %swap3A_123, %swap3A_124], %swap3A_127 {strides = array<i32>} : memref<1x16x128xi32, #tpu.memory_space<vmem>>, vector<1x1x128xi32>,
        %eq3A_128 = vector.broadcast %broadcast_in_dim3A_113 : vector<1x128xf32> to vector<144x128xf32>
        %eq3A_129 = arith.cmpf oeq, %get3A_107, %eq3A_128 : vector<144x128xf32>
        %eq3A_130 = vector.broadcast %broadcast_in_dim3A_121 : vector<1x128xi32> to vector<144x128xi32>
        %eq3A_131 = arith.cmpi eq, %get3A_110, %eq3A_130 : vector<144x128xi32>
        %and3A = arith.andi %eq3A_129, %eq3A_131 : vector<144x128xi1>
        %jit3A_132 = arith.constant 0xFF800000 : f32
        %broadcast_in_dim3A_133 = vector.broadcast %jit3A_132 : f32 to vector<144x128xf32>
        %select_n3A_134 = arith.select %and3A, %broadcast_in_dim3A_133, %get3A_107 : vector<144x128xi1>, vector<144x128xf32>
        %swap3A_135 = arith.constant 0 : index
        %swap3A_136 = arith.constant 0 : index
        %swap3A_137 = vector.load %arg9[%swap3A_135, %swap3A_136] : memref<256x128xf32, #tpu.memory_space<vmem>>, vector<144x128xf32>
        tpu.vector_store %arg9[%swap3A_135, %swap3A_136], %select_n3A_134 {strides = array<i32>} : memref<256x128xf32, #tpu.memory_space<vmem>>, vector<144x128xf32>,
      }
      %scan3A_103 = arith.constant 16 : i32
    } else {
    }
    %get3A_84 = arith.constant 0 : index
    %get3A_85 = arith.constant 1 : index
    %get3A_86 = memref.load %arg10[%get3A_84, %get3A_85] : memref<1x2xi32, #tpu.memory_space<smem>>
    %mul3A_87 = arith.constant 16 : i32
    %mul3A_88 = arith.muli %get3A_86, %mul3A_87 : i32
    %gt3A = arith.constant 144 : i32
    %gt3A_89 = arith.cmpi sgt, %mul3A_88, %gt3A : i32
    %convert_element_type3A_90 = arith.extui %gt3A_89 : i1 to i32
    %cond3A_91 = arith.constant 0 : i32
    %cond3A_92 = arith.cmpi ne, %convert_element_type3A_90, %cond3A_91 : i32
    scf.if %cond3A_92 {
      %get3A_93 = arith.constant 0 : index
      %get3A_94 = arith.constant 0 : index
      %get3A_95 = vector.load %arg7[%get3A_93, %get3A_94] : memref<256x128xf32, #tpu.memory_space<vmem>>, vector<256x128xf32>
      %swap3A_96 = arith.constant 0 : index
      %swap3A_97 = arith.constant 0 : index
      %swap3A_98 = vector.load %arg9[%swap3A_96, %swap3A_97] : memref<256x128xf32, #tpu.memory_space<vmem>>, vector<256x128xf32>
      tpu.vector_store %arg9[%swap3A_96, %swap3A_97], %get3A_95 {strides = array<i32>} : memref<256x128xf32, #tpu.memory_space<vmem>>, vector<256x128xf32>,
      %scan3A_99 = arith.constant 0 : i32
      %scan3A_100 = arith.constant 16 : i32
      %scan3A_101 = arith.addi %scan3A_99, %scan3A_100 : i32
      %scan3A_102 = arith.constant 1 : i32
      scf.for %scan3A_104 = %scan3A_99 to %scan3A_101 step %scan3A_102  : i32 {
        %get3A_105 = arith.constant 0 : index
        %get3A_106 = arith.constant 0 : index
        %get3A_107 = vector.load %arg9[%get3A_105, %get3A_106] : memref<256x128xf32, #tpu.memory_space<vmem>>, vector<256x128xf32>
        %get3A_108 = arith.constant 0 : index
        %get3A_109 = arith.constant 0 : index
        %get3A_110 = vector.load %arg8[%get3A_108, %get3A_109] : memref<256x128xi32, #tpu.memory_space<vmem>>, vector<256x128xi32>
        %reduce_max3A_111 = arith.constant dense<0xFF800000> : vector<128xf32>
        %reduce_max3A_112 = vector.multi_reduction <maximumf>, %get3A_107, %reduce_max3A_111 [0] : vector<256x128xf32> to vector<128xf32>
        %broadcast_in_dim3A_113 = vector.shape_cast %reduce_max3A_112 : vector<128xf32> to vector<1x128xf32>
        %eq3A_114 = vector.broadcast %broadcast_in_dim3A_113 : vector<1x128xf32> to vector<256x128xf32>
        %eq3A_115 = arith.cmpf oeq, %get3A_107, %eq3A_114 : vector<256x128xf32>
        %jit3A_116 = arith.constant 4096 : i32
        %broadcast_in_dim3A_117 = vector.broadcast %jit3A_116 : i32 to vector<256x128xi32>
        %select_n3A_118 = arith.select %eq3A_115, %get3A_110, %broadcast_in_dim3A_117 : vector<256x128xi1>, vector<256x128xi32>
        %reduce_min3A_119 = arith.constant dense<2147483647> : vector<128xi32>
        %reduce_min3A_120 = vector.multi_reduction <minsi>, %select_n3A_118, %reduce_min3A_119 [0] : vector<256x128xi32> to vector<128xi32>
        %broadcast_in_dim3A_121 = vector.shape_cast %reduce_min3A_120 : vector<128xi32> to vector<1x128xi32>
        %swap3A_122 = arith.constant 0 : index
        %swap3A_123 = arith.index_cast %scan3A_104 : i32 to index
        %swap3A_124 = arith.constant 0 : index
        %swap3A_125 = vector.load %arg5[%swap3A_122, %swap3A_123, %swap3A_124] : memref<1x16x128xi32, #tpu.memory_space<vmem>>, vector<1x1x128xi32>
        %swap3A_126 = vector.shape_cast %swap3A_125 : vector<1x1x128xi32> to vector<1x128xi32>
        %swap3A_127 = vector.shape_cast %broadcast_in_dim3A_121 : vector<1x128xi32> to vector<1x1x128xi32>
        tpu.vector_store %arg5[%swap3A_122, %swap3A_123, %swap3A_124], %swap3A_127 {strides = array<i32>} : memref<1x16x128xi32, #tpu.memory_space<vmem>>, vector<1x1x128xi32>,
        %eq3A_128 = vector.broadcast %broadcast_in_dim3A_113 : vector<1x128xf32> to vector<256x128xf32>
        %eq3A_129 = arith.cmpf oeq, %get3A_107, %eq3A_128 : vector<256x128xf32>
        %eq3A_130 = vector.broadcast %broadcast_in_dim3A_121 : vector<1x128xi32> to vector<256x128xi32>
        %eq3A_131 = arith.cmpi eq, %get3A_110, %eq3A_130 : vector<256x128xi32>
        %and3A = arith.andi %eq3A_129, %eq3A_131 : vector<256x128xi1>
        %jit3A_132 = arith.constant 0xFF800000 : f32
        %broadcast_in_dim3A_133 = vector.broadcast %jit3A_132 : f32 to vector<256x128xf32>
        %select_n3A_134 = arith.select %and3A, %broadcast_in_dim3A_133, %get3A_107 : vector<256x128xi1>, vector<256x128xf32>
        %swap3A_135 = arith.constant 0 : index
        %swap3A_136 = arith.constant 0 : index
        %swap3A_137 = vector.load %arg9[%swap3A_135, %swap3A_136] : memref<256x128xf32, #tpu.memory_space<vmem>>, vector<256x128xf32>
        tpu.vector_store %arg9[%swap3A_135, %swap3A_136], %select_n3A_134 {strides = array<i32>} : memref<256x128xf32, #tpu.memory_space<vmem>>, vector<256x128xf32>,
      }
      %scan3A_103 = arith.constant 16 : i32
    } else {
    }
    return
  }
  func.func @transform_0(%arg0: i32, %arg1: i32) -> (i32, i32, i32) {
    %c0_i32 = arith.constant 0 : i32
    %c0_i32_0 = arith.constant 0 : i32
    %c0_i32_1 = arith.constant 0 : i32
    return %arg0, %c0_i32, %c0_i32_0 : i32, i32, i32
  }
  func.func @transform_1(%arg0: i32, %arg1: i32) -> (i32, i32, i32) {
    %c0_i32 = arith.constant 0 : i32
    %c0_i32_0 = arith.constant 0 : i32
    return %arg0, %c0_i32, %arg1 : i32, i32, i32
  }
  func.func @transform_2(%arg0: i32, %arg1: i32) -> (i32, i32, i32) {
    %c0_i32 = arith.constant 0 : i32
    %c0_i32_0 = arith.constant 0 : i32
    %c0_i32_1 = arith.constant 0 : i32
    return %arg0, %c0_i32, %c0_i32_0 : i32, i32, i32
  }
  func.func @transform_3(%arg0: i32, %arg1: i32) -> (i32, i32, i32) {
    %c0_i32 = arith.constant 0 : i32
    %c0_i32_0 = arith.constant 0 : i32
    return %arg0, %c0_i32, %arg1 : i32, i32, i32
  }
}

module attributes {stable_mosaic.version = 14 : i64} {
  func.func @_ec_body(%arg0: i32, %arg1: i32, %arg2: memref<1x256x64xf32, #tpu.memory_space<vmem>>, %arg3: memref<1x4096x128xf32, #tpu.memory_space<vmem>>, %arg4: memref<128x64xf32, #tpu.memory_space<vmem>>, %arg5: memref<1x64xf32, #tpu.memory_space<vmem>>, %arg6: memref<1x256x64xf32, #tpu.memory_space<vmem>>, %arg7: memref<1x256x64xf32, #tpu.memory_space<vmem>>) attributes {dimension_semantics = [#tpu.dimension_semantics<arbitrary>, #tpu.dimension_semantics<arbitrary>], iteration_bounds = array<i64: 1, 16>, scalar_prefetch = 0 : i64, scratch_operands = 0 : i64, tpu.core_type = #tpu.core_type<tc>, window_params = [{transform_indices = @transform_0, window_bounds = array<i64: 1, 256, 64>}, {transform_indices = @transform_1, window_bounds = array<i64: 1, 4096, 128>}, {pipeline_mode = #tpu.pipeline_mode<synchronous>, transform_indices = @transform_2, window_bounds = array<i64: 128, 64>}, {pipeline_mode = #tpu.pipeline_mode<synchronous>, transform_indices = @transform_3, window_bounds = array<i64: 1, 64>}, {transform_indices = @transform_4, window_bounds = array<i64: 1, 256, 64>}, {transform_indices = @transform_5, window_bounds = array<i64: 1, 256, 64>}]} {
    %get3A = arith.constant 0 : index
    %get3A_0 = arith.constant 0 : index
    %get3A_1 = arith.constant 0 : index
    %get3A_2 = vector.load %arg2[%get3A, %get3A_0, %get3A_1] : memref<1x256x64xf32, #tpu.memory_space<vmem>>, vector<1x256x64xf32>
    %get3A_3 = vector.shape_cast %get3A_2 : vector<1x256x64xf32> to vector<256x64xf32>
    %get3A_4 = arith.constant 0 : index
    %get3A_5 = arith.constant 0 : index
    %get3A_6 = arith.constant 0 : index
    %get3A_7 = vector.load %arg3[%get3A_4, %get3A_5, %get3A_6] : memref<1x4096x128xf32, #tpu.memory_space<vmem>>, vector<1x4096x128xf32>
    %get3A_8 = vector.shape_cast %get3A_7 : vector<1x4096x128xf32> to vector<4096x128xf32>
    %reshape3A = vector.shape_cast %get3A_8 : vector<4096x128xf32> to vector<256x16x128xf32>
    %slice3A = vector.extract_strided_slice %reshape3A {offsets = [0, 0, 0], sizes = [256, 16, 64], strides = [1, 1, 1]} : vector<256x16x128xf32> to vector<256x16x64xf32>
    %broadcast_in_dim3A = vector.shape_cast %get3A_3 : vector<256x64xf32> to vector<256x1x64xf32>
    %sub3A = vector.broadcast %broadcast_in_dim3A : vector<256x1x64xf32> to vector<256x16x64xf32>
    %sub3A_9 = arith.subf %slice3A, %sub3A : vector<256x16x64xf32>
    %broadcast_in_dim3A_10 = vector.shape_cast %get3A_3 : vector<256x64xf32> to vector<256x1x64xf32>
    %broadcast_in_dim3A_11 = vector.shape_cast %broadcast_in_dim3A_10 : vector<256x1x64xf32> to vector<256x1x64xf32>
    %broadcast_in_dim3A_12 = vector.broadcast %broadcast_in_dim3A_11 : vector<256x1x64xf32> to vector<256x16x64xf32>
    %concatenate3A = tpu.concatenate %broadcast_in_dim3A_12, %sub3A_9 in 2 : vector<256x16x64xf32>, vector<256x16x64xf32> -> vector<256x16x128xf32>
    %reshape3A_13 = vector.shape_cast %concatenate3A : vector<256x16x128xf32> to vector<4096x128xf32>
    %get3A_14 = arith.constant 0 : index
    %get3A_15 = arith.constant 0 : index
    %get3A_16 = vector.load %arg4[%get3A_14, %get3A_15] : memref<128x64xf32, #tpu.memory_space<vmem>>, vector<128x64xf32>
    %dot_general3A = arith.constant dense<0.000000e+00> : vector<4096x64xf32>
    %dot_general3A_17 = tpu.matmul %reshape3A_13, %get3A_16, %dot_general3A {dimension_numbers = #tpu.dot_dimension_numbers<[1], [0], [0], [1], [0, 0, 1, 1], [], []>, transpose_lhs_hint = false} : vector<4096x128xf32>, vector<128x64xf32>, vector<4096x64xf32> -> vector<4096x64xf32>
    %get3A_18 = arith.constant 0 : index
    %get3A_19 = arith.constant 0 : index
    %get3A_20 = vector.load %arg5[%get3A_18, %get3A_19] : memref<1x64xf32, #tpu.memory_space<vmem>>, vector<1x64xf32>
    %add3A = vector.broadcast %get3A_20 : vector<1x64xf32> to vector<4096x64xf32>
    %add3A_21 = arith.addf %dot_general3A_17, %add3A : vector<4096x64xf32>
    %max3A = arith.constant 0.000000e+00 : f32
    %max3A_22 = vector.broadcast %max3A : f32 to vector<4096x64xf32>
    %max3A_23 = arith.maximumf %add3A_21, %max3A_22 : vector<4096x64xf32>
    %reshape3A_24 = vector.shape_cast %max3A_23 : vector<4096x64xf32> to vector<256x16x64xf32>
    %reduce_max3A = arith.constant dense<0xFF800000> : vector<256x64xf32>
    %reduce_max3A_25 = vector.multi_reduction <maximumf>, %reshape3A_24, %reduce_max3A [1] : vector<256x16x64xf32> to vector<256x64xf32>
    %get3A_26 = arith.constant 0 : index
    %get3A_27 = arith.constant 0 : index
    %get3A_28 = arith.constant 0 : index
    %get3A_29 = vector.load %arg6[%get3A_26, %get3A_27, %get3A_28] : memref<1x256x64xf32, #tpu.memory_space<vmem>>, vector<1x256x64xf32>
    %get3A_30 = vector.shape_cast %get3A_29 : vector<1x256x64xf32> to vector<256x64xf32>
    %add3A_31 = arith.addf %reduce_max3A_25, %get3A_30 : vector<256x64xf32>
    %swap3A = arith.constant 0 : index
    %swap3A_32 = arith.constant 0 : index
    %swap3A_33 = arith.constant 0 : index
    %swap3A_34 = vector.load %arg7[%swap3A, %swap3A_32, %swap3A_33] : memref<1x256x64xf32, #tpu.memory_space<vmem>>, vector<1x256x64xf32>
    %swap3A_35 = vector.shape_cast %swap3A_34 : vector<1x256x64xf32> to vector<256x64xf32>
    %swap3A_36 = vector.shape_cast %add3A_31 : vector<256x64xf32> to vector<1x256x64xf32>
    tpu.vector_store %arg7[%swap3A, %swap3A_32, %swap3A_33], %swap3A_36 {strides = array<i32>} : memref<1x256x64xf32, #tpu.memory_space<vmem>>, vector<1x256x64xf32>,
    return
  }
  func.func @transform_0(%arg0: i32, %arg1: i32) -> (i32, i32, i32) {
    %c0_i32 = arith.constant 0 : i32
    %c0_i32_0 = arith.constant 0 : i32
    return %arg0, %arg1, %c0_i32 : i32, i32, i32
  }
  func.func @transform_1(%arg0: i32, %arg1: i32) -> (i32, i32, i32) {
    %c0_i32 = arith.constant 0 : i32
    %c0_i32_0 = arith.constant 0 : i32
    return %arg0, %arg1, %c0_i32 : i32, i32, i32
  }
  func.func @transform_2(%arg0: i32, %arg1: i32) -> (i32, i32) {
    %c0_i32 = arith.constant 0 : i32
    %c0_i32_0 = arith.constant 0 : i32
    %c0_i32_1 = arith.constant 0 : i32
    return %c0_i32, %c0_i32_0 : i32, i32
  }
  func.func @transform_3(%arg0: i32, %arg1: i32) -> (i32, i32) {
    %c0_i32 = arith.constant 0 : i32
    %c0_i32_0 = arith.constant 0 : i32
    %c0_i32_1 = arith.constant 0 : i32
    return %c0_i32, %c0_i32_0 : i32, i32
  }
  func.func @transform_4(%arg0: i32, %arg1: i32) -> (i32, i32, i32) {
    %c0_i32 = arith.constant 0 : i32
    %c0_i32_0 = arith.constant 0 : i32
    return %arg0, %arg1, %c0_i32 : i32, i32, i32
  }
  func.func @transform_5(%arg0: i32, %arg1: i32) -> (i32, i32, i32) {
    %c0_i32 = arith.constant 0 : i32
    %c0_i32_0 = arith.constant 0 : i32
    return %arg0, %arg1, %c0_i32 : i32, i32, i32
  }
}

module attributes {stable_mosaic.version = 14 : i64} {
  func.func @_knn_body(%arg0: i32, %arg1: i32, %arg2: memref<1x4096x64xf32, #tpu.memory_space<vmem>>, %arg3: memref<1x64x128xf32, #tpu.memory_space<vmem>>, %arg4: memref<1x4096x1xf32, #tpu.memory_space<vmem>>, %arg5: memref<1x32x128xi32, #tpu.memory_space<vmem>>, %arg6: memref<4096x128xf32, #tpu.memory_space<vmem>>, %arg7: memref<512x128xf32, #tpu.memory_space<vmem>>, %arg8: memref<512x128xi32, #tpu.memory_space<vmem>>, %arg9: memref<512x128xf32, #tpu.memory_space<vmem>>, %arg10: memref<1x2xi32, #tpu.memory_space<smem>>) attributes {dimension_semantics = [#tpu.dimension_semantics<arbitrary>, #tpu.dimension_semantics<arbitrary>], iteration_bounds = array<i64: 1, 32>, scalar_prefetch = 0 : i64, scratch_operands = 5 : i64, tpu.core_type = #tpu.core_type<tc>, window_params = [{transform_indices = @transform_0, window_bounds = array<i64: 1, 4096, 64>}, {transform_indices = @transform_1, window_bounds = array<i64: 1, 64, 128>}, {transform_indices = @transform_2, window_bounds = array<i64: 1, 4096, 1>}, {transform_indices = @transform_3, window_bounds = array<i64: 1, 32, 128>}]} {
    %get3A = arith.constant 0 : index
    %get3A_0 = arith.constant 0 : index
    %get3A_1 = arith.constant 0 : index
    %get3A_2 = vector.load %arg2[%get3A, %get3A_0, %get3A_1] : memref<1x4096x64xf32, #tpu.memory_space<vmem>>, vector<1x4096x64xf32>
    %get3A_3 = vector.shape_cast %get3A_2 : vector<1x4096x64xf32> to vector<4096x64xf32>
    %get3A_4 = arith.constant 0 : index
    %get3A_5 = arith.constant 0 : index
    %get3A_6 = arith.constant 0 : index
    %get3A_7 = vector.load %arg3[%get3A_4, %get3A_5, %get3A_6] : memref<1x64x128xf32, #tpu.memory_space<vmem>>, vector<1x64x128xf32>
    %get3A_8 = vector.shape_cast %get3A_7 : vector<1x64x128xf32> to vector<64x128xf32>
    %dot_general3A = arith.constant dense<0.000000e+00> : vector<4096x128xf32>
    %dot_general3A_9 = tpu.matmul %get3A_3, %get3A_8, %dot_general3A {dimension_numbers = #tpu.dot_dimension_numbers<[1], [0], [0], [1], [0, 0, 1, 1], [], []>, transpose_lhs_hint = false} : vector<4096x64xf32>, vector<64x128xf32>, vector<4096x128xf32> -> vector<4096x128xf32>
    %mul3A = arith.constant -2.000000e+00 : f32
    %mul3A_10 = vector.broadcast %mul3A : f32 to vector<4096x128xf32>
    %mul3A_11 = arith.mulf %mul3A_10, %dot_general3A_9 : vector<4096x128xf32>
    %get3A_12 = arith.constant 0 : index
    %get3A_13 = arith.constant 0 : index
    %get3A_14 = arith.constant 0 : index
    %get3A_15 = vector.load %arg4[%get3A_12, %get3A_13, %get3A_14] : memref<1x4096x1xf32, #tpu.memory_space<vmem>>, vector<1x4096x1xf32>
    %get3A_16 = vector.shape_cast %get3A_15 : vector<1x4096x1xf32> to vector<4096x1xf32>
    %mul3A_17 = arith.mulf %get3A_8, %get3A_8 : vector<64x128xf32>
    %reduce_sum3A = arith.constant dense<0.000000e+00> : vector<128xf32>
    %reduce_sum3A_18 = vector.multi_reduction <add>, %mul3A_17, %reduce_sum3A [0] : vector<64x128xf32> to vector<128xf32>
    %broadcast_in_dim3A = vector.shape_cast %reduce_sum3A_18 : vector<128xf32> to vector<1x128xf32>
    %add3A = vector.broadcast %broadcast_in_dim3A : vector<1x128xf32> to vector<4096x128xf32>
    %add3A_19 = arith.addf %add3A, %mul3A_11 : vector<4096x128xf32>
    %add3A_20 = vector.broadcast %get3A_16 : vector<4096x1xf32> to vector<4096x128xf32>
    %add3A_21 = arith.addf %add3A_19, %add3A_20 : vector<4096x128xf32>
    %neg3A = arith.constant 0.000000e+00 : f32
    %neg3A_22 = vector.broadcast %neg3A : f32 to vector<4096x128xf32>
    %neg3A_23 = arith.subf %neg3A_22, %add3A_21 : vector<4096x128xf32>
    %swap3A = arith.constant 0 : index
    %swap3A_24 = arith.constant 0 : index
    %swap3A_25 = vector.load %arg6[%swap3A, %swap3A_24] : memref<4096x128xf32, #tpu.memory_space<vmem>>, vector<4096x128xf32>
    tpu.vector_store %arg6[%swap3A, %swap3A_24], %neg3A_23 {strides = array<i32>} : memref<4096x128xf32, #tpu.memory_space<vmem>>, vector<4096x128xf32>,
    %broadcast_in_dim3A_26 = arith.constant 0xFF800000 : f32
    %broadcast_in_dim3A_27 = vector.broadcast %broadcast_in_dim3A_26 : f32 to vector<512x128xf32>
    %swap3A_28 = arith.constant 0 : index
    %swap3A_29 = arith.constant 0 : index
    %swap3A_30 = vector.load %arg7[%swap3A_28, %swap3A_29] : memref<512x128xf32, #tpu.memory_space<vmem>>, vector<512x128xf32>
    tpu.vector_store %arg7[%swap3A_28, %swap3A_29], %broadcast_in_dim3A_27 {strides = array<i32>} : memref<512x128xf32, #tpu.memory_space<vmem>>, vector<512x128xf32>,
    %broadcast_in_dim3A_31 = arith.constant 0 : i32
    %broadcast_in_dim3A_32 = vector.broadcast %broadcast_in_dim3A_31 : i32 to vector<512x128xi32>
    %swap3A_33 = arith.constant 0 : index
    %swap3A_34 = arith.constant 0 : index
    %swap3A_35 = vector.load %arg8[%swap3A_33, %swap3A_34] : memref<512x128xi32, #tpu.memory_space<vmem>>, vector<512x128xi32>
    tpu.vector_store %arg8[%swap3A_33, %swap3A_34], %broadcast_in_dim3A_32 {strides = array<i32>} : memref<512x128xi32, #tpu.memory_space<vmem>>, vector<512x128xi32>,
    %swap3A_36 = arith.constant 0 : i32
    %swap3A_37 = arith.constant 0 : index
    %swap3A_38 = arith.constant 0 : index
    %swap3A_39 = memref.load %arg10[%swap3A_37, %swap3A_38] : memref<1x2xi32, #tpu.memory_space<smem>>
    memref.store %swap3A_36, %arg10[%swap3A_37, %swap3A_38] : memref<1x2xi32, #tpu.memory_space<smem>>
    %swap3A_40 = arith.constant 2 : i32
    %swap3A_41 = arith.constant 0 : index
    %swap3A_42 = arith.constant 1 : index
    %swap3A_43 = memref.load %arg10[%swap3A_41, %swap3A_42] : memref<1x2xi32, #tpu.memory_space<smem>>
    memref.store %swap3A_40, %arg10[%swap3A_41, %swap3A_42] : memref<1x2xi32, #tpu.memory_space<smem>>
    %iota3A = tpu.iota {dimensions = array<i32: 0>} : vector<256x16x128xi32>
    %iota3A_44 = tpu.iota {dimensions = array<i32: 0>} : vector<16x128xi32>
    %get3A_45 = arith.constant 0 : index
    %get3A_46 = arith.constant 0 : index
    %get3A_47 = vector.load %arg6[%get3A_45, %get3A_46] : memref<4096x128xf32, #tpu.memory_space<vmem>>, vector<4096x128xf32>
    %reshape3A = vector.shape_cast %get3A_47 : vector<4096x128xf32> to vector<256x16x128xf32>
    %reduce_max3A = arith.constant dense<0xFF800000> : vector<16x128xf32>
    %reduce_max3A_48 = vector.multi_reduction <maximumf>, %reshape3A, %reduce_max3A [0] : vector<256x16x128xf32> to vector<16x128xf32>
    %broadcast_in_dim3A_49 = vector.shape_cast %reduce_max3A_48 : vector<16x128xf32> to vector<1x16x128xf32>
    %eq3A = vector.broadcast %broadcast_in_dim3A_49 : vector<1x16x128xf32> to vector<256x16x128xf32>
    %eq3A_50 = arith.cmpf oeq, %reshape3A, %eq3A : vector<256x16x128xf32>
    %jit3A = arith.constant 256 : i32
    %broadcast_in_dim3A_51 = vector.broadcast %jit3A : i32 to vector<256x16x128xi32>
    %select_n3A = arith.select %eq3A_50, %iota3A, %broadcast_in_dim3A_51 : vector<256x16x128xi1>, vector<256x16x128xi32>
    %reduce_min3A = arith.constant dense<2147483647> : vector<16x128xi32>
    %reduce_min3A_52 = vector.multi_reduction <minsi>, %select_n3A, %reduce_min3A [0] : vector<256x16x128xi32> to vector<16x128xi32>
    %swap3A_53 = arith.constant 0 : index
    %swap3A_54 = arith.constant 0 : index
    %swap3A_55 = vector.load %arg7[%swap3A_53, %swap3A_54] : memref<512x128xf32, #tpu.memory_space<vmem>>, vector<16x128xf32>
    tpu.vector_store %arg7[%swap3A_53, %swap3A_54], %reduce_max3A_48 {strides = array<i32>} : memref<512x128xf32, #tpu.memory_space<vmem>>, vector<16x128xf32>,
    %mul3A_56 = arith.constant 16 : i32
    %mul3A_57 = vector.broadcast %mul3A_56 : i32 to vector<16x128xi32>
    %mul3A_58 = arith.muli %reduce_min3A_52, %mul3A_57 : vector<16x128xi32>
    %add3A_59 = arith.addi %mul3A_58, %iota3A_44 : vector<16x128xi32>
    %swap3A_60 = arith.constant 0 : index
    %swap3A_61 = arith.constant 0 : index
    %swap3A_62 = vector.load %arg8[%swap3A_60, %swap3A_61] : memref<512x128xi32, #tpu.memory_space<vmem>>, vector<16x128xi32>
    tpu.vector_store %arg8[%swap3A_60, %swap3A_61], %add3A_59 {strides = array<i32>} : memref<512x128xi32, #tpu.memory_space<vmem>>, vector<16x128xi32>,
    %broadcast_in_dim3A_63 = vector.shape_cast %reduce_min3A_52 : vector<16x128xi32> to vector<1x16x128xi32>
    %eq3A_64 = vector.broadcast %broadcast_in_dim3A_63 : vector<1x16x128xi32> to vector<256x16x128xi32>
    %eq3A_65 = arith.cmpi eq, %iota3A, %eq3A_64 : vector<256x16x128xi32>
    %jit3A_66 = arith.constant 0xFF800000 : f32
    %broadcast_in_dim3A_67 = vector.broadcast %jit3A_66 : f32 to vector<256x16x128xf32>
    %select_n3A_68 = arith.select %eq3A_65, %broadcast_in_dim3A_67, %reshape3A : vector<256x16x128xi1>, vector<256x16x128xf32>
    %reshape3A_69 = vector.shape_cast %select_n3A_68 : vector<256x16x128xf32> to vector<4096x128xf32>
    %swap3A_70 = arith.constant 0 : index
    %swap3A_71 = arith.constant 0 : index
    %swap3A_72 = vector.load %arg6[%swap3A_70, %swap3A_71] : memref<4096x128xf32, #tpu.memory_space<vmem>>, vector<4096x128xf32>
    tpu.vector_store %arg6[%swap3A_70, %swap3A_71], %reshape3A_69 {strides = array<i32>} : memref<4096x128xf32, #tpu.memory_space<vmem>>, vector<4096x128xf32>,
    %get3A_73 = arith.constant 0 : index
    %get3A_74 = arith.constant 0 : index
    %get3A_75 = vector.load %arg6[%get3A_73, %get3A_74] : memref<4096x128xf32, #tpu.memory_space<vmem>>, vector<4096x128xf32>
    %reshape3A_76 = vector.shape_cast %get3A_75 : vector<4096x128xf32> to vector<256x16x128xf32>
    %reduce_max3A_77 = arith.constant dense<0xFF800000> : vector<16x128xf32>
    %reduce_max3A_78 = vector.multi_reduction <maximumf>, %reshape3A_76, %reduce_max3A_77 [0] : vector<256x16x128xf32> to vector<16x128xf32>
    %broadcast_in_dim3A_79 = vector.shape_cast %reduce_max3A_78 : vector<16x128xf32> to vector<1x16x128xf32>
    %eq3A_80 = vector.broadcast %broadcast_in_dim3A_79 : vector<1x16x128xf32> to vector<256x16x128xf32>
    %eq3A_81 = arith.cmpf oeq, %reshape3A_76, %eq3A_80 : vector<256x16x128xf32>
    %jit3A_82 = arith.constant 256 : i32
    %broadcast_in_dim3A_83 = vector.broadcast %jit3A_82 : i32 to vector<256x16x128xi32>
    %select_n3A_84 = arith.select %eq3A_81, %iota3A, %broadcast_in_dim3A_83 : vector<256x16x128xi1>, vector<256x16x128xi32>
    %reduce_min3A_85 = arith.constant dense<2147483647> : vector<16x128xi32>
    %reduce_min3A_86 = vector.multi_reduction <minsi>, %select_n3A_84, %reduce_min3A_85 [0] : vector<256x16x128xi32> to vector<16x128xi32>
    %swap3A_87 = arith.constant 16 : index
    %swap3A_88 = arith.constant 0 : index
    %swap3A_89 = vector.load %arg7[%swap3A_87, %swap3A_88] : memref<512x128xf32, #tpu.memory_space<vmem>>, vector<16x128xf32>
    tpu.vector_store %arg7[%swap3A_87, %swap3A_88], %reduce_max3A_78 {strides = array<i32>} : memref<512x128xf32, #tpu.memory_space<vmem>>, vector<16x128xf32>,
    %mul3A_90 = arith.constant 16 : i32
    %mul3A_91 = vector.broadcast %mul3A_90 : i32 to vector<16x128xi32>
    %mul3A_92 = arith.muli %reduce_min3A_86, %mul3A_91 : vector<16x128xi32>
    %add3A_93 = arith.addi %mul3A_92, %iota3A_44 : vector<16x128xi32>
    %swap3A_94 = arith.constant 16 : index
    %swap3A_95 = arith.constant 0 : index
    %swap3A_96 = vector.load %arg8[%swap3A_94, %swap3A_95] : memref<512x128xi32, #tpu.memory_space<vmem>>, vector<16x128xi32>
    tpu.vector_store %arg8[%swap3A_94, %swap3A_95], %add3A_93 {strides = array<i32>} : memref<512x128xi32, #tpu.memory_space<vmem>>, vector<16x128xi32>,
    %broadcast_in_dim3A_97 = vector.shape_cast %reduce_min3A_86 : vector<16x128xi32> to vector<1x16x128xi32>
    %eq3A_98 = vector.broadcast %broadcast_in_dim3A_97 : vector<1x16x128xi32> to vector<256x16x128xi32>
    %eq3A_99 = arith.cmpi eq, %iota3A, %eq3A_98 : vector<256x16x128xi32>
    %jit3A_100 = arith.constant 0xFF800000 : f32
    %broadcast_in_dim3A_101 = vector.broadcast %jit3A_100 : f32 to vector<256x16x128xf32>
    %select_n3A_102 = arith.select %eq3A_99, %broadcast_in_dim3A_101, %reshape3A_76 : vector<256x16x128xi1>, vector<256x16x128xf32>
    %reshape3A_103 = vector.shape_cast %select_n3A_102 : vector<256x16x128xf32> to vector<4096x128xf32>
    %swap3A_104 = arith.constant 0 : index
    %swap3A_105 = arith.constant 0 : index
    %swap3A_106 = vector.load %arg6[%swap3A_104, %swap3A_105] : memref<4096x128xf32, #tpu.memory_space<vmem>>, vector<4096x128xf32>
    tpu.vector_store %arg6[%swap3A_104, %swap3A_105], %reshape3A_103 {strides = array<i32>} : memref<4096x128xf32, #tpu.memory_space<vmem>>, vector<4096x128xf32>,
    %scan3A = arith.constant 2 : i32
    %scan3A_107 = arith.constant 30 : i32
    %scan3A_108 = arith.addi %scan3A, %scan3A_107 : i32
    %scan3A_109 = arith.constant 1 : i32
    scf.for %scan3A_127 = %scan3A to %scan3A_108 step %scan3A_109  : i32 {
      %get3A_128 = arith.constant 0 : index
      %get3A_129 = arith.constant 0 : index
      %get3A_130 = memref.load %arg10[%get3A_128, %get3A_129] : memref<1x2xi32, #tpu.memory_space<smem>>
      %eq3A_131 = arith.constant 0 : i32
      %eq3A_132 = arith.cmpi eq, %get3A_130, %eq3A_131 : i32
      %convert_element_type3A_133 = arith.extui %eq3A_132 : i1 to i32
      %cond3A_134 = arith.constant 0 : i32
      %cond3A_135 = arith.cmpi ne, %convert_element_type3A_133, %cond3A_134 : i32
      scf.if %cond3A_135 {
        %get3A_136 = arith.constant 0 : index
        %get3A_137 = arith.constant 0 : index
        %get3A_138 = vector.load %arg6[%get3A_136, %get3A_137] : memref<4096x128xf32, #tpu.memory_space<vmem>>, vector<4096x128xf32>
        %reshape3A_139 = vector.shape_cast %get3A_138 : vector<4096x128xf32> to vector<256x16x128xf32>
        %reduce_max3A_140 = arith.constant dense<0xFF800000> : vector<16x128xf32>
        %reduce_max3A_141 = vector.multi_reduction <maximumf>, %reshape3A_139, %reduce_max3A_140 [0] : vector<256x16x128xf32> to vector<16x128xf32>
        %reduce_max3A_142 = arith.constant dense<0xFF800000> : vector<128xf32>
        %reduce_max3A_143 = vector.multi_reduction <maximumf>, %reduce_max3A_141, %reduce_max3A_142 [0] : vector<16x128xf32> to vector<128xf32>
        %get3A_144 = arith.constant 0 : index
        %get3A_145 = arith.constant 0 : index
        %get3A_146 = vector.load %arg7[%get3A_144, %get3A_145] : memref<512x128xf32, #tpu.memory_space<vmem>>, vector<512x128xf32>
        %broadcast_in_dim3A_147 = vector.shape_cast %reduce_max3A_143 : vector<128xf32> to vector<1x128xf32>
        %gt3A_148 = vector.broadcast %broadcast_in_dim3A_147 : vector<1x128xf32> to vector<512x128xf32>
        %gt3A_149 = arith.cmpf ogt, %get3A_146, %gt3A_148 : vector<512x128xf32>
        %convert_element_type3A_150 = arith.extui %gt3A_149 : vector<512x128xi1> to vector<512x128xi32>
        %convert_element_type3A_151 = arith.sitofp %convert_element_type3A_150 : vector<512x128xi32> to vector<512x128xf32>
        %reduce_sum3A_152 = arith.constant dense<0.000000e+00> : vector<128xf32>
        %reduce_sum3A_153 = vector.multi_reduction <add>, %convert_element_type3A_151, %reduce_sum3A_152 [0] : vector<512x128xf32> to vector<128xf32>
        %lt3A = arith.constant 3.200000e+01 : f32
        %lt3A_154 = vector.broadcast %lt3A : f32 to vector<128xf32>
        %lt3A_155 = arith.cmpf olt, %reduce_sum3A_153, %lt3A_154 : vector<128xf32>
        %reduce_or3A = arith.constant 1.000000e+00 : f32
        %reduce_or3A_156 = arith.constant 0.000000e+00 : f32
        %reduce_or3A_157 = vector.broadcast %reduce_or3A : f32 to vector<128xf32>
        %reduce_or3A_158 = vector.broadcast %reduce_or3A_156 : f32 to vector<128xf32>
        %reduce_or3A_159 = arith.select %lt3A_155, %reduce_or3A_157, %reduce_or3A_158 : vector<128xi1>, vector<128xf32>
        %reduce_or3A_160 = vector.shape_cast %reduce_or3A_159 : vector<128xf32> to vector<1x128xf32>
        %reduce_or3A_161 = arith.constant dense<0xFF800000> : vector<1xf32>
        %reduce_or3A_162 = vector.multi_reduction <maximumf>, %reduce_or3A_160, %reduce_or3A_161 [1] : vector<1x128xf32> to vector<1xf32>
        %reduce_or3A_163 = vector.shape_cast %reduce_or3A_162 : vector<1xf32> to vector<1x1xf32>
        %reduce_or3A_164 = vector.extract %reduce_or3A_163[0, 0] : f32 from vector<1x1xf32>
        %reduce_or3A_165 = arith.constant 0.000000e+00 : f32
        %reduce_or3A_166 = arith.cmpf ogt, %reduce_or3A_164, %reduce_or3A_165 : f32
        %jit3A_167 = arith.constant 0 : i32
        %jit3A_168 = arith.constant 1 : i32
        %select_n3A_169 = arith.select %reduce_or3A_166, %jit3A_167, %jit3A_168 : i32
        %swap3A_170 = arith.constant 0 : index
        %swap3A_171 = arith.constant 0 : index
        %swap3A_172 = memref.load %arg10[%swap3A_170, %swap3A_171] : memref<1x2xi32, #tpu.memory_space<smem>>
        memref.store %select_n3A_169, %arg10[%swap3A_170, %swap3A_171] : memref<1x2xi32, #tpu.memory_space<smem>>
        %convert_element_type3A_173 = arith.extui %reduce_or3A_166 : i1 to i32
        %cond3A_174 = arith.constant 0 : i32
        %cond3A_175 = arith.cmpi ne, %convert_element_type3A_173, %cond3A_174 : i32
        scf.if %cond3A_175 {
          %broadcast_in_dim3A_176 = vector.shape_cast %reduce_max3A_141 : vector<16x128xf32> to vector<1x16x128xf32>
          %eq3A_177 = vector.broadcast %broadcast_in_dim3A_176 : vector<1x16x128xf32> to vector<256x16x128xf32>
          %eq3A_178 = arith.cmpf oeq, %reshape3A_139, %eq3A_177 : vector<256x16x128xf32>
          %jit3A_179 = arith.constant 256 : i32
          %broadcast_in_dim3A_180 = vector.broadcast %jit3A_179 : i32 to vector<256x16x128xi32>
          %select_n3A_181 = arith.select %eq3A_178, %iota3A, %broadcast_in_dim3A_180 : vector<256x16x128xi1>, vector<256x16x128xi32>
          %reduce_min3A_182 = arith.constant dense<2147483647> : vector<16x128xi32>
          %reduce_min3A_183 = vector.multi_reduction <minsi>, %select_n3A_181, %reduce_min3A_182 [0] : vector<256x16x128xi32> to vector<16x128xi32>
          %mul3A_184 = arith.constant 16 : i32
          %mul3A_185 = arith.muli %mul3A_184, %scan3A_127 : i32
          %swap3A_186 = arith.index_cast %mul3A_185 : i32 to index
          %swap3A_187 = arith.constant 0 : index
          %swap3A_188 = vector.load %arg7[%swap3A_186, %swap3A_187] : memref<512x128xf32, #tpu.memory_space<vmem>>, vector<16x128xf32>
          tpu.vector_store %arg7[%swap3A_186, %swap3A_187], %reduce_max3A_141 {strides = array<i32>} : memref<512x128xf32, #tpu.memory_space<vmem>>, vector<16x128xf32>,
          %mul3A_189 = arith.constant 16 : i32
          %mul3A_190 = vector.broadcast %mul3A_189 : i32 to vector<16x128xi32>
          %mul3A_191 = arith.muli %reduce_min3A_183, %mul3A_190 : vector<16x128xi32>
          %add3A_192 = arith.addi %mul3A_191, %iota3A_44 : vector<16x128xi32>
          %mul3A_193 = arith.constant 16 : i32
          %mul3A_194 = arith.muli %mul3A_193, %scan3A_127 : i32
          %swap3A_195 = arith.index_cast %mul3A_194 : i32 to index
          %swap3A_196 = arith.constant 0 : index
          %swap3A_197 = vector.load %arg8[%swap3A_195, %swap3A_196] : memref<512x128xi32, #tpu.memory_space<vmem>>, vector<16x128xi32>
          tpu.vector_store %arg8[%swap3A_195, %swap3A_196], %add3A_192 {strides = array<i32>} : memref<512x128xi32, #tpu.memory_space<vmem>>, vector<16x128xi32>,
          %broadcast_in_dim3A_198 = vector.shape_cast %reduce_min3A_183 : vector<16x128xi32> to vector<1x16x128xi32>
          %eq3A_199 = vector.broadcast %broadcast_in_dim3A_198 : vector<1x16x128xi32> to vector<256x16x128xi32>
          %eq3A_200 = arith.cmpi eq, %iota3A, %eq3A_199 : vector<256x16x128xi32>
          %jit3A_201 = arith.constant 0xFF800000 : f32
          %broadcast_in_dim3A_202 = vector.broadcast %jit3A_201 : f32 to vector<256x16x128xf32>
          %select_n3A_203 = arith.select %eq3A_200, %broadcast_in_dim3A_202, %reshape3A_139 : vector<256x16x128xi1>, vector<256x16x128xf32>
          %reshape3A_204 = vector.shape_cast %select_n3A_203 : vector<256x16x128xf32> to vector<4096x128xf32>
          %swap3A_205 = arith.constant 0 : index
          %swap3A_206 = arith.constant 0 : index
          %swap3A_207 = vector.load %arg6[%swap3A_205, %swap3A_206] : memref<4096x128xf32, #tpu.memory_space<vmem>>, vector<4096x128xf32>
          tpu.vector_store %arg6[%swap3A_205, %swap3A_206], %reshape3A_204 {strides = array<i32>} : memref<4096x128xf32, #tpu.memory_space<vmem>>, vector<4096x128xf32>,
          %add3A_208 = arith.constant 1 : i32
          %add3A_209 = arith.addi %scan3A_127, %add3A_208 : i32
          %swap3A_210 = arith.constant 0 : index
          %swap3A_211 = arith.constant 1 : index
          %swap3A_212 = memref.load %arg10[%swap3A_210, %swap3A_211] : memref<1x2xi32, #tpu.memory_space<smem>>
          memref.store %add3A_209, %arg10[%swap3A_210, %swap3A_211] : memref<1x2xi32, #tpu.memory_space<smem>>
        } else {
        }
      } else {
      }
    }
    %scan3A_110 = arith.constant 30 : i32
    %get3A_111 = arith.constant 0 : index
    %get3A_112 = arith.constant 1 : index
    %get3A_113 = memref.load %arg10[%get3A_111, %get3A_112] : memref<1x2xi32, #tpu.memory_space<smem>>
    %mul3A_114 = arith.constant 16 : i32
    %mul3A_115 = arith.muli %get3A_113, %mul3A_114 : i32
    %le3A = arith.constant 160 : i32
    %le3A_116 = arith.cmpi sle, %mul3A_115, %le3A : i32
    %convert_element_type3A = arith.extui %le3A_116 : i1 to i32
    %cond3A = arith.constant 0 : i32
    %cond3A_117 = arith.cmpi ne, %convert_element_type3A, %cond3A : i32
    scf.if %cond3A_117 {
      %get3A_127 = arith.constant 0 : index
      %get3A_128 = arith.constant 0 : index
      %get3A_129 = vector.load %arg7[%get3A_127, %get3A_128] : memref<512x128xf32, #tpu.memory_space<vmem>>, vector<160x128xf32>
      %swap3A_130 = arith.constant 0 : index
      %swap3A_131 = arith.constant 0 : index
      %swap3A_132 = vector.load %arg9[%swap3A_130, %swap3A_131] : memref<512x128xf32, #tpu.memory_space<vmem>>, vector<160x128xf32>
      tpu.vector_store %arg9[%swap3A_130, %swap3A_131], %get3A_129 {strides = array<i32>} : memref<512x128xf32, #tpu.memory_space<vmem>>, vector<160x128xf32>,
      %scan3A_133 = arith.constant 0 : i32
      %scan3A_134 = arith.constant 32 : i32
      %scan3A_135 = arith.addi %scan3A_133, %scan3A_134 : i32
      %scan3A_136 = arith.constant 1 : i32
      scf.for %scan3A_138 = %scan3A_133 to %scan3A_135 step %scan3A_136  : i32 {
        %get3A_139 = arith.constant 0 : index
        %get3A_140 = arith.constant 0 : index
        %get3A_141 = vector.load %arg9[%get3A_139, %get3A_140] : memref<512x128xf32, #tpu.memory_space<vmem>>, vector<160x128xf32>
        %get3A_142 = arith.constant 0 : index
        %get3A_143 = arith.constant 0 : index
        %get3A_144 = vector.load %arg8[%get3A_142, %get3A_143] : memref<512x128xi32, #tpu.memory_space<vmem>>, vector<160x128xi32>
        %reduce_max3A_145 = arith.constant dense<0xFF800000> : vector<128xf32>
        %reduce_max3A_146 = vector.multi_reduction <maximumf>, %get3A_141, %reduce_max3A_145 [0] : vector<160x128xf32> to vector<128xf32>
        %broadcast_in_dim3A_147 = vector.shape_cast %reduce_max3A_146 : vector<128xf32> to vector<1x128xf32>
        %eq3A_148 = vector.broadcast %broadcast_in_dim3A_147 : vector<1x128xf32> to vector<160x128xf32>
        %eq3A_149 = arith.cmpf oeq, %get3A_141, %eq3A_148 : vector<160x128xf32>
        %jit3A_150 = arith.constant 4096 : i32
        %broadcast_in_dim3A_151 = vector.broadcast %jit3A_150 : i32 to vector<160x128xi32>
        %select_n3A_152 = arith.select %eq3A_149, %get3A_144, %broadcast_in_dim3A_151 : vector<160x128xi1>, vector<160x128xi32>
        %reduce_min3A_153 = arith.constant dense<2147483647> : vector<128xi32>
        %reduce_min3A_154 = vector.multi_reduction <minsi>, %select_n3A_152, %reduce_min3A_153 [0] : vector<160x128xi32> to vector<128xi32>
        %broadcast_in_dim3A_155 = vector.shape_cast %reduce_min3A_154 : vector<128xi32> to vector<1x128xi32>
        %swap3A_156 = arith.constant 0 : index
        %swap3A_157 = arith.index_cast %scan3A_138 : i32 to index
        %swap3A_158 = arith.constant 0 : index
        %swap3A_159 = vector.load %arg5[%swap3A_156, %swap3A_157, %swap3A_158] : memref<1x32x128xi32, #tpu.memory_space<vmem>>, vector<1x1x128xi32>
        %swap3A_160 = vector.shape_cast %swap3A_159 : vector<1x1x128xi32> to vector<1x128xi32>
        %swap3A_161 = vector.shape_cast %broadcast_in_dim3A_155 : vector<1x128xi32> to vector<1x1x128xi32>
        tpu.vector_store %arg5[%swap3A_156, %swap3A_157, %swap3A_158], %swap3A_161 {strides = array<i32>} : memref<1x32x128xi32, #tpu.memory_space<vmem>>, vector<1x1x128xi32>,
        %eq3A_162 = vector.broadcast %broadcast_in_dim3A_147 : vector<1x128xf32> to vector<160x128xf32>
        %eq3A_163 = arith.cmpf oeq, %get3A_141, %eq3A_162 : vector<160x128xf32>
        %eq3A_164 = vector.broadcast %broadcast_in_dim3A_155 : vector<1x128xi32> to vector<160x128xi32>
        %eq3A_165 = arith.cmpi eq, %get3A_144, %eq3A_164 : vector<160x128xi32>
        %and3A = arith.andi %eq3A_163, %eq3A_165 : vector<160x128xi1>
        %jit3A_166 = arith.constant 0xFF800000 : f32
        %broadcast_in_dim3A_167 = vector.broadcast %jit3A_166 : f32 to vector<160x128xf32>
        %select_n3A_168 = arith.select %and3A, %broadcast_in_dim3A_167, %get3A_141 : vector<160x128xi1>, vector<160x128xf32>
        %swap3A_169 = arith.constant 0 : index
        %swap3A_170 = arith.constant 0 : index
        %swap3A_171 = vector.load %arg9[%swap3A_169, %swap3A_170] : memref<512x128xf32, #tpu.memory_space<vmem>>, vector<160x128xf32>
        tpu.vector_store %arg9[%swap3A_169, %swap3A_170], %select_n3A_168 {strides = array<i32>} : memref<512x128xf32, #tpu.memory_space<vmem>>, vector<160x128xf32>,
      }
      %scan3A_137 = arith.constant 32 : i32
    } else {
    }
    %get3A_118 = arith.constant 0 : index
    %get3A_119 = arith.constant 1 : index
    %get3A_120 = memref.load %arg10[%get3A_118, %get3A_119] : memref<1x2xi32, #tpu.memory_space<smem>>
    %mul3A_121 = arith.constant 16 : i32
    %mul3A_122 = arith.muli %get3A_120, %mul3A_121 : i32
    %gt3A = arith.constant 160 : i32
    %gt3A_123 = arith.cmpi sgt, %mul3A_122, %gt3A : i32
    %convert_element_type3A_124 = arith.extui %gt3A_123 : i1 to i32
    %cond3A_125 = arith.constant 0 : i32
    %cond3A_126 = arith.cmpi ne, %convert_element_type3A_124, %cond3A_125 : i32
    scf.if %cond3A_126 {
      %get3A_127 = arith.constant 0 : index
      %get3A_128 = arith.constant 0 : index
      %get3A_129 = vector.load %arg7[%get3A_127, %get3A_128] : memref<512x128xf32, #tpu.memory_space<vmem>>, vector<512x128xf32>
      %swap3A_130 = arith.constant 0 : index
      %swap3A_131 = arith.constant 0 : index
      %swap3A_132 = vector.load %arg9[%swap3A_130, %swap3A_131] : memref<512x128xf32, #tpu.memory_space<vmem>>, vector<512x128xf32>
      tpu.vector_store %arg9[%swap3A_130, %swap3A_131], %get3A_129 {strides = array<i32>} : memref<512x128xf32, #tpu.memory_space<vmem>>, vector<512x128xf32>,
      %scan3A_133 = arith.constant 0 : i32
      %scan3A_134 = arith.constant 32 : i32
      %scan3A_135 = arith.addi %scan3A_133, %scan3A_134 : i32
      %scan3A_136 = arith.constant 1 : i32
      scf.for %scan3A_138 = %scan3A_133 to %scan3A_135 step %scan3A_136  : i32 {
        %get3A_139 = arith.constant 0 : index
        %get3A_140 = arith.constant 0 : index
        %get3A_141 = vector.load %arg9[%get3A_139, %get3A_140] : memref<512x128xf32, #tpu.memory_space<vmem>>, vector<512x128xf32>
        %get3A_142 = arith.constant 0 : index
        %get3A_143 = arith.constant 0 : index
        %get3A_144 = vector.load %arg8[%get3A_142, %get3A_143] : memref<512x128xi32, #tpu.memory_space<vmem>>, vector<512x128xi32>
        %reduce_max3A_145 = arith.constant dense<0xFF800000> : vector<128xf32>
        %reduce_max3A_146 = vector.multi_reduction <maximumf>, %get3A_141, %reduce_max3A_145 [0] : vector<512x128xf32> to vector<128xf32>
        %broadcast_in_dim3A_147 = vector.shape_cast %reduce_max3A_146 : vector<128xf32> to vector<1x128xf32>
        %eq3A_148 = vector.broadcast %broadcast_in_dim3A_147 : vector<1x128xf32> to vector<512x128xf32>
        %eq3A_149 = arith.cmpf oeq, %get3A_141, %eq3A_148 : vector<512x128xf32>
        %jit3A_150 = arith.constant 4096 : i32
        %broadcast_in_dim3A_151 = vector.broadcast %jit3A_150 : i32 to vector<512x128xi32>
        %select_n3A_152 = arith.select %eq3A_149, %get3A_144, %broadcast_in_dim3A_151 : vector<512x128xi1>, vector<512x128xi32>
        %reduce_min3A_153 = arith.constant dense<2147483647> : vector<128xi32>
        %reduce_min3A_154 = vector.multi_reduction <minsi>, %select_n3A_152, %reduce_min3A_153 [0] : vector<512x128xi32> to vector<128xi32>
        %broadcast_in_dim3A_155 = vector.shape_cast %reduce_min3A_154 : vector<128xi32> to vector<1x128xi32>
        %swap3A_156 = arith.constant 0 : index
        %swap3A_157 = arith.index_cast %scan3A_138 : i32 to index
        %swap3A_158 = arith.constant 0 : index
        %swap3A_159 = vector.load %arg5[%swap3A_156, %swap3A_157, %swap3A_158] : memref<1x32x128xi32, #tpu.memory_space<vmem>>, vector<1x1x128xi32>
        %swap3A_160 = vector.shape_cast %swap3A_159 : vector<1x1x128xi32> to vector<1x128xi32>
        %swap3A_161 = vector.shape_cast %broadcast_in_dim3A_155 : vector<1x128xi32> to vector<1x1x128xi32>
        tpu.vector_store %arg5[%swap3A_156, %swap3A_157, %swap3A_158], %swap3A_161 {strides = array<i32>} : memref<1x32x128xi32, #tpu.memory_space<vmem>>, vector<1x1x128xi32>,
        %eq3A_162 = vector.broadcast %broadcast_in_dim3A_147 : vector<1x128xf32> to vector<512x128xf32>
        %eq3A_163 = arith.cmpf oeq, %get3A_141, %eq3A_162 : vector<512x128xf32>
        %eq3A_164 = vector.broadcast %broadcast_in_dim3A_155 : vector<1x128xi32> to vector<512x128xi32>
        %eq3A_165 = arith.cmpi eq, %get3A_144, %eq3A_164 : vector<512x128xi32>
        %and3A = arith.andi %eq3A_163, %eq3A_165 : vector<512x128xi1>
        %jit3A_166 = arith.constant 0xFF800000 : f32
        %broadcast_in_dim3A_167 = vector.broadcast %jit3A_166 : f32 to vector<512x128xf32>
        %select_n3A_168 = arith.select %and3A, %broadcast_in_dim3A_167, %get3A_141 : vector<512x128xi1>, vector<512x128xf32>
        %swap3A_169 = arith.constant 0 : index
        %swap3A_170 = arith.constant 0 : index
        %swap3A_171 = vector.load %arg9[%swap3A_169, %swap3A_170] : memref<512x128xf32, #tpu.memory_space<vmem>>, vector<512x128xf32>
        tpu.vector_store %arg9[%swap3A_169, %swap3A_170], %select_n3A_168 {strides = array<i32>} : memref<512x128xf32, #tpu.memory_space<vmem>>, vector<512x128xf32>,
      }
      %scan3A_137 = arith.constant 32 : i32
    } else {
    }
    return
  }
  func.func @transform_0(%arg0: i32, %arg1: i32) -> (i32, i32, i32) {
    %c0_i32 = arith.constant 0 : i32
    %c0_i32_0 = arith.constant 0 : i32
    %c0_i32_1 = arith.constant 0 : i32
    return %arg0, %c0_i32, %c0_i32_0 : i32, i32, i32
  }
  func.func @transform_1(%arg0: i32, %arg1: i32) -> (i32, i32, i32) {
    %c0_i32 = arith.constant 0 : i32
    %c0_i32_0 = arith.constant 0 : i32
    return %arg0, %c0_i32, %arg1 : i32, i32, i32
  }
  func.func @transform_2(%arg0: i32, %arg1: i32) -> (i32, i32, i32) {
    %c0_i32 = arith.constant 0 : i32
    %c0_i32_0 = arith.constant 0 : i32
    %c0_i32_1 = arith.constant 0 : i32
    return %arg0, %c0_i32, %c0_i32_0 : i32, i32, i32
  }
  func.func @transform_3(%arg0: i32, %arg1: i32) -> (i32, i32, i32) {
    %c0_i32 = arith.constant 0 : i32
    %c0_i32_0 = arith.constant 0 : i32
    return %arg0, %c0_i32, %arg1 : i32, i32, i32
  }
}

module attributes {stable_mosaic.version = 14 : i64} {
  func.func @_knn_body(%arg0: i32, %arg1: i32, %arg2: memref<1x4096x64xf32, #tpu.memory_space<vmem>>, %arg3: memref<1x64x128xf32, #tpu.memory_space<vmem>>, %arg4: memref<1x4096x1xf32, #tpu.memory_space<vmem>>, %arg5: memref<1x48x128xi32, #tpu.memory_space<vmem>>, %arg6: memref<4096x128xf32, #tpu.memory_space<vmem>>, %arg7: memref<768x128xf32, #tpu.memory_space<vmem>>, %arg8: memref<768x128xi32, #tpu.memory_space<vmem>>, %arg9: memref<768x128xf32, #tpu.memory_space<vmem>>, %arg10: memref<1x2xi32, #tpu.memory_space<smem>>) attributes {dimension_semantics = [#tpu.dimension_semantics<arbitrary>, #tpu.dimension_semantics<arbitrary>], iteration_bounds = array<i64: 1, 32>, scalar_prefetch = 0 : i64, scratch_operands = 5 : i64, tpu.core_type = #tpu.core_type<tc>, window_params = [{transform_indices = @transform_0, window_bounds = array<i64: 1, 4096, 64>}, {transform_indices = @transform_1, window_bounds = array<i64: 1, 64, 128>}, {transform_indices = @transform_2, window_bounds = array<i64: 1, 4096, 1>}, {transform_indices = @transform_3, window_bounds = array<i64: 1, 48, 128>}]} {
    %get3A = arith.constant 0 : index
    %get3A_0 = arith.constant 0 : index
    %get3A_1 = arith.constant 0 : index
    %get3A_2 = vector.load %arg2[%get3A, %get3A_0, %get3A_1] : memref<1x4096x64xf32, #tpu.memory_space<vmem>>, vector<1x4096x64xf32>
    %get3A_3 = vector.shape_cast %get3A_2 : vector<1x4096x64xf32> to vector<4096x64xf32>
    %get3A_4 = arith.constant 0 : index
    %get3A_5 = arith.constant 0 : index
    %get3A_6 = arith.constant 0 : index
    %get3A_7 = vector.load %arg3[%get3A_4, %get3A_5, %get3A_6] : memref<1x64x128xf32, #tpu.memory_space<vmem>>, vector<1x64x128xf32>
    %get3A_8 = vector.shape_cast %get3A_7 : vector<1x64x128xf32> to vector<64x128xf32>
    %dot_general3A = arith.constant dense<0.000000e+00> : vector<4096x128xf32>
    %dot_general3A_9 = tpu.matmul %get3A_3, %get3A_8, %dot_general3A {dimension_numbers = #tpu.dot_dimension_numbers<[1], [0], [0], [1], [0, 0, 1, 1], [], []>, transpose_lhs_hint = false} : vector<4096x64xf32>, vector<64x128xf32>, vector<4096x128xf32> -> vector<4096x128xf32>
    %mul3A = arith.constant -2.000000e+00 : f32
    %mul3A_10 = vector.broadcast %mul3A : f32 to vector<4096x128xf32>
    %mul3A_11 = arith.mulf %mul3A_10, %dot_general3A_9 : vector<4096x128xf32>
    %get3A_12 = arith.constant 0 : index
    %get3A_13 = arith.constant 0 : index
    %get3A_14 = arith.constant 0 : index
    %get3A_15 = vector.load %arg4[%get3A_12, %get3A_13, %get3A_14] : memref<1x4096x1xf32, #tpu.memory_space<vmem>>, vector<1x4096x1xf32>
    %get3A_16 = vector.shape_cast %get3A_15 : vector<1x4096x1xf32> to vector<4096x1xf32>
    %mul3A_17 = arith.mulf %get3A_8, %get3A_8 : vector<64x128xf32>
    %reduce_sum3A = arith.constant dense<0.000000e+00> : vector<128xf32>
    %reduce_sum3A_18 = vector.multi_reduction <add>, %mul3A_17, %reduce_sum3A [0] : vector<64x128xf32> to vector<128xf32>
    %broadcast_in_dim3A = vector.shape_cast %reduce_sum3A_18 : vector<128xf32> to vector<1x128xf32>
    %add3A = vector.broadcast %broadcast_in_dim3A : vector<1x128xf32> to vector<4096x128xf32>
    %add3A_19 = arith.addf %add3A, %mul3A_11 : vector<4096x128xf32>
    %add3A_20 = vector.broadcast %get3A_16 : vector<4096x1xf32> to vector<4096x128xf32>
    %add3A_21 = arith.addf %add3A_19, %add3A_20 : vector<4096x128xf32>
    %neg3A = arith.constant 0.000000e+00 : f32
    %neg3A_22 = vector.broadcast %neg3A : f32 to vector<4096x128xf32>
    %neg3A_23 = arith.subf %neg3A_22, %add3A_21 : vector<4096x128xf32>
    %swap3A = arith.constant 0 : index
    %swap3A_24 = arith.constant 0 : index
    %swap3A_25 = vector.load %arg6[%swap3A, %swap3A_24] : memref<4096x128xf32, #tpu.memory_space<vmem>>, vector<4096x128xf32>
    tpu.vector_store %arg6[%swap3A, %swap3A_24], %neg3A_23 {strides = array<i32>} : memref<4096x128xf32, #tpu.memory_space<vmem>>, vector<4096x128xf32>,
    %broadcast_in_dim3A_26 = arith.constant 0xFF800000 : f32
    %broadcast_in_dim3A_27 = vector.broadcast %broadcast_in_dim3A_26 : f32 to vector<768x128xf32>
    %swap3A_28 = arith.constant 0 : index
    %swap3A_29 = arith.constant 0 : index
    %swap3A_30 = vector.load %arg7[%swap3A_28, %swap3A_29] : memref<768x128xf32, #tpu.memory_space<vmem>>, vector<768x128xf32>
    tpu.vector_store %arg7[%swap3A_28, %swap3A_29], %broadcast_in_dim3A_27 {strides = array<i32>} : memref<768x128xf32, #tpu.memory_space<vmem>>, vector<768x128xf32>,
    %broadcast_in_dim3A_31 = arith.constant 0 : i32
    %broadcast_in_dim3A_32 = vector.broadcast %broadcast_in_dim3A_31 : i32 to vector<768x128xi32>
    %swap3A_33 = arith.constant 0 : index
    %swap3A_34 = arith.constant 0 : index
    %swap3A_35 = vector.load %arg8[%swap3A_33, %swap3A_34] : memref<768x128xi32, #tpu.memory_space<vmem>>, vector<768x128xi32>
    tpu.vector_store %arg8[%swap3A_33, %swap3A_34], %broadcast_in_dim3A_32 {strides = array<i32>} : memref<768x128xi32, #tpu.memory_space<vmem>>, vector<768x128xi32>,
    %swap3A_36 = arith.constant 0 : i32
    %swap3A_37 = arith.constant 0 : index
    %swap3A_38 = arith.constant 0 : index
    %swap3A_39 = memref.load %arg10[%swap3A_37, %swap3A_38] : memref<1x2xi32, #tpu.memory_space<smem>>
    memref.store %swap3A_36, %arg10[%swap3A_37, %swap3A_38] : memref<1x2xi32, #tpu.memory_space<smem>>
    %swap3A_40 = arith.constant 3 : i32
    %swap3A_41 = arith.constant 0 : index
    %swap3A_42 = arith.constant 1 : index
    %swap3A_43 = memref.load %arg10[%swap3A_41, %swap3A_42] : memref<1x2xi32, #tpu.memory_space<smem>>
    memref.store %swap3A_40, %arg10[%swap3A_41, %swap3A_42] : memref<1x2xi32, #tpu.memory_space<smem>>
    %iota3A = tpu.iota {dimensions = array<i32: 0>} : vector<256x16x128xi32>
    %iota3A_44 = tpu.iota {dimensions = array<i32: 0>} : vector<16x128xi32>
    %get3A_45 = arith.constant 0 : index
    %get3A_46 = arith.constant 0 : index
    %get3A_47 = vector.load %arg6[%get3A_45, %get3A_46] : memref<4096x128xf32, #tpu.memory_space<vmem>>, vector<4096x128xf32>
    %reshape3A = vector.shape_cast %get3A_47 : vector<4096x128xf32> to vector<256x16x128xf32>
    %reduce_max3A = arith.constant dense<0xFF800000> : vector<16x128xf32>
    %reduce_max3A_48 = vector.multi_reduction <maximumf>, %reshape3A, %reduce_max3A [0] : vector<256x16x128xf32> to vector<16x128xf32>
    %broadcast_in_dim3A_49 = vector.shape_cast %reduce_max3A_48 : vector<16x128xf32> to vector<1x16x128xf32>
    %eq3A = vector.broadcast %broadcast_in_dim3A_49 : vector<1x16x128xf32> to vector<256x16x128xf32>
    %eq3A_50 = arith.cmpf oeq, %reshape3A, %eq3A : vector<256x16x128xf32>
    %jit3A = arith.constant 256 : i32
    %broadcast_in_dim3A_51 = vector.broadcast %jit3A : i32 to vector<256x16x128xi32>
    %select_n3A = arith.select %eq3A_50, %iota3A, %broadcast_in_dim3A_51 : vector<256x16x128xi1>, vector<256x16x128xi32>
    %reduce_min3A = arith.constant dense<2147483647> : vector<16x128xi32>
    %reduce_min3A_52 = vector.multi_reduction <minsi>, %select_n3A, %reduce_min3A [0] : vector<256x16x128xi32> to vector<16x128xi32>
    %swap3A_53 = arith.constant 0 : index
    %swap3A_54 = arith.constant 0 : index
    %swap3A_55 = vector.load %arg7[%swap3A_53, %swap3A_54] : memref<768x128xf32, #tpu.memory_space<vmem>>, vector<16x128xf32>
    tpu.vector_store %arg7[%swap3A_53, %swap3A_54], %reduce_max3A_48 {strides = array<i32>} : memref<768x128xf32, #tpu.memory_space<vmem>>, vector<16x128xf32>,
    %mul3A_56 = arith.constant 16 : i32
    %mul3A_57 = vector.broadcast %mul3A_56 : i32 to vector<16x128xi32>
    %mul3A_58 = arith.muli %reduce_min3A_52, %mul3A_57 : vector<16x128xi32>
    %add3A_59 = arith.addi %mul3A_58, %iota3A_44 : vector<16x128xi32>
    %swap3A_60 = arith.constant 0 : index
    %swap3A_61 = arith.constant 0 : index
    %swap3A_62 = vector.load %arg8[%swap3A_60, %swap3A_61] : memref<768x128xi32, #tpu.memory_space<vmem>>, vector<16x128xi32>
    tpu.vector_store %arg8[%swap3A_60, %swap3A_61], %add3A_59 {strides = array<i32>} : memref<768x128xi32, #tpu.memory_space<vmem>>, vector<16x128xi32>,
    %broadcast_in_dim3A_63 = vector.shape_cast %reduce_min3A_52 : vector<16x128xi32> to vector<1x16x128xi32>
    %eq3A_64 = vector.broadcast %broadcast_in_dim3A_63 : vector<1x16x128xi32> to vector<256x16x128xi32>
    %eq3A_65 = arith.cmpi eq, %iota3A, %eq3A_64 : vector<256x16x128xi32>
    %jit3A_66 = arith.constant 0xFF800000 : f32
    %broadcast_in_dim3A_67 = vector.broadcast %jit3A_66 : f32 to vector<256x16x128xf32>
    %select_n3A_68 = arith.select %eq3A_65, %broadcast_in_dim3A_67, %reshape3A : vector<256x16x128xi1>, vector<256x16x128xf32>
    %reshape3A_69 = vector.shape_cast %select_n3A_68 : vector<256x16x128xf32> to vector<4096x128xf32>
    %swap3A_70 = arith.constant 0 : index
    %swap3A_71 = arith.constant 0 : index
    %swap3A_72 = vector.load %arg6[%swap3A_70, %swap3A_71] : memref<4096x128xf32, #tpu.memory_space<vmem>>, vector<4096x128xf32>
    tpu.vector_store %arg6[%swap3A_70, %swap3A_71], %reshape3A_69 {strides = array<i32>} : memref<4096x128xf32, #tpu.memory_space<vmem>>, vector<4096x128xf32>,
    %get3A_73 = arith.constant 0 : index
    %get3A_74 = arith.constant 0 : index
    %get3A_75 = vector.load %arg6[%get3A_73, %get3A_74] : memref<4096x128xf32, #tpu.memory_space<vmem>>, vector<4096x128xf32>
    %reshape3A_76 = vector.shape_cast %get3A_75 : vector<4096x128xf32> to vector<256x16x128xf32>
    %reduce_max3A_77 = arith.constant dense<0xFF800000> : vector<16x128xf32>
    %reduce_max3A_78 = vector.multi_reduction <maximumf>, %reshape3A_76, %reduce_max3A_77 [0] : vector<256x16x128xf32> to vector<16x128xf32>
    %broadcast_in_dim3A_79 = vector.shape_cast %reduce_max3A_78 : vector<16x128xf32> to vector<1x16x128xf32>
    %eq3A_80 = vector.broadcast %broadcast_in_dim3A_79 : vector<1x16x128xf32> to vector<256x16x128xf32>
    %eq3A_81 = arith.cmpf oeq, %reshape3A_76, %eq3A_80 : vector<256x16x128xf32>
    %jit3A_82 = arith.constant 256 : i32
    %broadcast_in_dim3A_83 = vector.broadcast %jit3A_82 : i32 to vector<256x16x128xi32>
    %select_n3A_84 = arith.select %eq3A_81, %iota3A, %broadcast_in_dim3A_83 : vector<256x16x128xi1>, vector<256x16x128xi32>
    %reduce_min3A_85 = arith.constant dense<2147483647> : vector<16x128xi32>
    %reduce_min3A_86 = vector.multi_reduction <minsi>, %select_n3A_84, %reduce_min3A_85 [0] : vector<256x16x128xi32> to vector<16x128xi32>
    %swap3A_87 = arith.constant 16 : index
    %swap3A_88 = arith.constant 0 : index
    %swap3A_89 = vector.load %arg7[%swap3A_87, %swap3A_88] : memref<768x128xf32, #tpu.memory_space<vmem>>, vector<16x128xf32>
    tpu.vector_store %arg7[%swap3A_87, %swap3A_88], %reduce_max3A_78 {strides = array<i32>} : memref<768x128xf32, #tpu.memory_space<vmem>>, vector<16x128xf32>,
    %mul3A_90 = arith.constant 16 : i32
    %mul3A_91 = vector.broadcast %mul3A_90 : i32 to vector<16x128xi32>
    %mul3A_92 = arith.muli %reduce_min3A_86, %mul3A_91 : vector<16x128xi32>
    %add3A_93 = arith.addi %mul3A_92, %iota3A_44 : vector<16x128xi32>
    %swap3A_94 = arith.constant 16 : index
    %swap3A_95 = arith.constant 0 : index
    %swap3A_96 = vector.load %arg8[%swap3A_94, %swap3A_95] : memref<768x128xi32, #tpu.memory_space<vmem>>, vector<16x128xi32>
    tpu.vector_store %arg8[%swap3A_94, %swap3A_95], %add3A_93 {strides = array<i32>} : memref<768x128xi32, #tpu.memory_space<vmem>>, vector<16x128xi32>,
    %broadcast_in_dim3A_97 = vector.shape_cast %reduce_min3A_86 : vector<16x128xi32> to vector<1x16x128xi32>
    %eq3A_98 = vector.broadcast %broadcast_in_dim3A_97 : vector<1x16x128xi32> to vector<256x16x128xi32>
    %eq3A_99 = arith.cmpi eq, %iota3A, %eq3A_98 : vector<256x16x128xi32>
    %jit3A_100 = arith.constant 0xFF800000 : f32
    %broadcast_in_dim3A_101 = vector.broadcast %jit3A_100 : f32 to vector<256x16x128xf32>
    %select_n3A_102 = arith.select %eq3A_99, %broadcast_in_dim3A_101, %reshape3A_76 : vector<256x16x128xi1>, vector<256x16x128xf32>
    %reshape3A_103 = vector.shape_cast %select_n3A_102 : vector<256x16x128xf32> to vector<4096x128xf32>
    %swap3A_104 = arith.constant 0 : index
    %swap3A_105 = arith.constant 0 : index
    %swap3A_106 = vector.load %arg6[%swap3A_104, %swap3A_105] : memref<4096x128xf32, #tpu.memory_space<vmem>>, vector<4096x128xf32>
    tpu.vector_store %arg6[%swap3A_104, %swap3A_105], %reshape3A_103 {strides = array<i32>} : memref<4096x128xf32, #tpu.memory_space<vmem>>, vector<4096x128xf32>,
    %get3A_107 = arith.constant 0 : index
    %get3A_108 = arith.constant 0 : index
    %get3A_109 = vector.load %arg6[%get3A_107, %get3A_108] : memref<4096x128xf32, #tpu.memory_space<vmem>>, vector<4096x128xf32>
    %reshape3A_110 = vector.shape_cast %get3A_109 : vector<4096x128xf32> to vector<256x16x128xf32>
    %reduce_max3A_111 = arith.constant dense<0xFF800000> : vector<16x128xf32>
    %reduce_max3A_112 = vector.multi_reduction <maximumf>, %reshape3A_110, %reduce_max3A_111 [0] : vector<256x16x128xf32> to vector<16x128xf32>
    %broadcast_in_dim3A_113 = vector.shape_cast %reduce_max3A_112 : vector<16x128xf32> to vector<1x16x128xf32>
    %eq3A_114 = vector.broadcast %broadcast_in_dim3A_113 : vector<1x16x128xf32> to vector<256x16x128xf32>
    %eq3A_115 = arith.cmpf oeq, %reshape3A_110, %eq3A_114 : vector<256x16x128xf32>
    %jit3A_116 = arith.constant 256 : i32
    %broadcast_in_dim3A_117 = vector.broadcast %jit3A_116 : i32 to vector<256x16x128xi32>
    %select_n3A_118 = arith.select %eq3A_115, %iota3A, %broadcast_in_dim3A_117 : vector<256x16x128xi1>, vector<256x16x128xi32>
    %reduce_min3A_119 = arith.constant dense<2147483647> : vector<16x128xi32>
    %reduce_min3A_120 = vector.multi_reduction <minsi>, %select_n3A_118, %reduce_min3A_119 [0] : vector<256x16x128xi32> to vector<16x128xi32>
    %swap3A_121 = arith.constant 32 : index
    %swap3A_122 = arith.constant 0 : index
    %swap3A_123 = vector.load %arg7[%swap3A_121, %swap3A_122] : memref<768x128xf32, #tpu.memory_space<vmem>>, vector<16x128xf32>
    tpu.vector_store %arg7[%swap3A_121, %swap3A_122], %reduce_max3A_112 {strides = array<i32>} : memref<768x128xf32, #tpu.memory_space<vmem>>, vector<16x128xf32>,
    %mul3A_124 = arith.constant 16 : i32
    %mul3A_125 = vector.broadcast %mul3A_124 : i32 to vector<16x128xi32>
    %mul3A_126 = arith.muli %reduce_min3A_120, %mul3A_125 : vector<16x128xi32>
    %add3A_127 = arith.addi %mul3A_126, %iota3A_44 : vector<16x128xi32>
    %swap3A_128 = arith.constant 32 : index
    %swap3A_129 = arith.constant 0 : index
    %swap3A_130 = vector.load %arg8[%swap3A_128, %swap3A_129] : memref<768x128xi32, #tpu.memory_space<vmem>>, vector<16x128xi32>
    tpu.vector_store %arg8[%swap3A_128, %swap3A_129], %add3A_127 {strides = array<i32>} : memref<768x128xi32, #tpu.memory_space<vmem>>, vector<16x128xi32>,
    %broadcast_in_dim3A_131 = vector.shape_cast %reduce_min3A_120 : vector<16x128xi32> to vector<1x16x128xi32>
    %eq3A_132 = vector.broadcast %broadcast_in_dim3A_131 : vector<1x16x128xi32> to vector<256x16x128xi32>
    %eq3A_133 = arith.cmpi eq, %iota3A, %eq3A_132 : vector<256x16x128xi32>
    %jit3A_134 = arith.constant 0xFF800000 : f32
    %broadcast_in_dim3A_135 = vector.broadcast %jit3A_134 : f32 to vector<256x16x128xf32>
    %select_n3A_136 = arith.select %eq3A_133, %broadcast_in_dim3A_135, %reshape3A_110 : vector<256x16x128xi1>, vector<256x16x128xf32>
    %reshape3A_137 = vector.shape_cast %select_n3A_136 : vector<256x16x128xf32> to vector<4096x128xf32>
    %swap3A_138 = arith.constant 0 : index
    %swap3A_139 = arith.constant 0 : index
    %swap3A_140 = vector.load %arg6[%swap3A_138, %swap3A_139] : memref<4096x128xf32, #tpu.memory_space<vmem>>, vector<4096x128xf32>
    tpu.vector_store %arg6[%swap3A_138, %swap3A_139], %reshape3A_137 {strides = array<i32>} : memref<4096x128xf32, #tpu.memory_space<vmem>>, vector<4096x128xf32>,
    %scan3A = arith.constant 3 : i32
    %scan3A_141 = arith.constant 45 : i32
    %scan3A_142 = arith.addi %scan3A, %scan3A_141 : i32
    %scan3A_143 = arith.constant 1 : i32
    scf.for %scan3A_161 = %scan3A to %scan3A_142 step %scan3A_143  : i32 {
      %get3A_162 = arith.constant 0 : index
      %get3A_163 = arith.constant 0 : index
      %get3A_164 = memref.load %arg10[%get3A_162, %get3A_163] : memref<1x2xi32, #tpu.memory_space<smem>>
      %eq3A_165 = arith.constant 0 : i32
      %eq3A_166 = arith.cmpi eq, %get3A_164, %eq3A_165 : i32
      %convert_element_type3A_167 = arith.extui %eq3A_166 : i1 to i32
      %cond3A_168 = arith.constant 0 : i32
      %cond3A_169 = arith.cmpi ne, %convert_element_type3A_167, %cond3A_168 : i32
      scf.if %cond3A_169 {
        %get3A_170 = arith.constant 0 : index
        %get3A_171 = arith.constant 0 : index
        %get3A_172 = vector.load %arg6[%get3A_170, %get3A_171] : memref<4096x128xf32, #tpu.memory_space<vmem>>, vector<4096x128xf32>
        %reshape3A_173 = vector.shape_cast %get3A_172 : vector<4096x128xf32> to vector<256x16x128xf32>
        %reduce_max3A_174 = arith.constant dense<0xFF800000> : vector<16x128xf32>
        %reduce_max3A_175 = vector.multi_reduction <maximumf>, %reshape3A_173, %reduce_max3A_174 [0] : vector<256x16x128xf32> to vector<16x128xf32>
        %reduce_max3A_176 = arith.constant dense<0xFF800000> : vector<128xf32>
        %reduce_max3A_177 = vector.multi_reduction <maximumf>, %reduce_max3A_175, %reduce_max3A_176 [0] : vector<16x128xf32> to vector<128xf32>
        %get3A_178 = arith.constant 0 : index
        %get3A_179 = arith.constant 0 : index
        %get3A_180 = vector.load %arg7[%get3A_178, %get3A_179] : memref<768x128xf32, #tpu.memory_space<vmem>>, vector<768x128xf32>
        %broadcast_in_dim3A_181 = vector.shape_cast %reduce_max3A_177 : vector<128xf32> to vector<1x128xf32>
        %gt3A_182 = vector.broadcast %broadcast_in_dim3A_181 : vector<1x128xf32> to vector<768x128xf32>
        %gt3A_183 = arith.cmpf ogt, %get3A_180, %gt3A_182 : vector<768x128xf32>
        %convert_element_type3A_184 = arith.extui %gt3A_183 : vector<768x128xi1> to vector<768x128xi32>
        %convert_element_type3A_185 = arith.sitofp %convert_element_type3A_184 : vector<768x128xi32> to vector<768x128xf32>
        %reduce_sum3A_186 = arith.constant dense<0.000000e+00> : vector<128xf32>
        %reduce_sum3A_187 = vector.multi_reduction <add>, %convert_element_type3A_185, %reduce_sum3A_186 [0] : vector<768x128xf32> to vector<128xf32>
        %lt3A = arith.constant 4.800000e+01 : f32
        %lt3A_188 = vector.broadcast %lt3A : f32 to vector<128xf32>
        %lt3A_189 = arith.cmpf olt, %reduce_sum3A_187, %lt3A_188 : vector<128xf32>
        %reduce_or3A = arith.constant 1.000000e+00 : f32
        %reduce_or3A_190 = arith.constant 0.000000e+00 : f32
        %reduce_or3A_191 = vector.broadcast %reduce_or3A : f32 to vector<128xf32>
        %reduce_or3A_192 = vector.broadcast %reduce_or3A_190 : f32 to vector<128xf32>
        %reduce_or3A_193 = arith.select %lt3A_189, %reduce_or3A_191, %reduce_or3A_192 : vector<128xi1>, vector<128xf32>
        %reduce_or3A_194 = vector.shape_cast %reduce_or3A_193 : vector<128xf32> to vector<1x128xf32>
        %reduce_or3A_195 = arith.constant dense<0xFF800000> : vector<1xf32>
        %reduce_or3A_196 = vector.multi_reduction <maximumf>, %reduce_or3A_194, %reduce_or3A_195 [1] : vector<1x128xf32> to vector<1xf32>
        %reduce_or3A_197 = vector.shape_cast %reduce_or3A_196 : vector<1xf32> to vector<1x1xf32>
        %reduce_or3A_198 = vector.extract %reduce_or3A_197[0, 0] : f32 from vector<1x1xf32>
        %reduce_or3A_199 = arith.constant 0.000000e+00 : f32
        %reduce_or3A_200 = arith.cmpf ogt, %reduce_or3A_198, %reduce_or3A_199 : f32
        %jit3A_201 = arith.constant 0 : i32
        %jit3A_202 = arith.constant 1 : i32
        %select_n3A_203 = arith.select %reduce_or3A_200, %jit3A_201, %jit3A_202 : i32
        %swap3A_204 = arith.constant 0 : index
        %swap3A_205 = arith.constant 0 : index
        %swap3A_206 = memref.load %arg10[%swap3A_204, %swap3A_205] : memref<1x2xi32, #tpu.memory_space<smem>>
        memref.store %select_n3A_203, %arg10[%swap3A_204, %swap3A_205] : memref<1x2xi32, #tpu.memory_space<smem>>
        %convert_element_type3A_207 = arith.extui %reduce_or3A_200 : i1 to i32
        %cond3A_208 = arith.constant 0 : i32
        %cond3A_209 = arith.cmpi ne, %convert_element_type3A_207, %cond3A_208 : i32
        scf.if %cond3A_209 {
          %broadcast_in_dim3A_210 = vector.shape_cast %reduce_max3A_175 : vector<16x128xf32> to vector<1x16x128xf32>
          %eq3A_211 = vector.broadcast %broadcast_in_dim3A_210 : vector<1x16x128xf32> to vector<256x16x128xf32>
          %eq3A_212 = arith.cmpf oeq, %reshape3A_173, %eq3A_211 : vector<256x16x128xf32>
          %jit3A_213 = arith.constant 256 : i32
          %broadcast_in_dim3A_214 = vector.broadcast %jit3A_213 : i32 to vector<256x16x128xi32>
          %select_n3A_215 = arith.select %eq3A_212, %iota3A, %broadcast_in_dim3A_214 : vector<256x16x128xi1>, vector<256x16x128xi32>
          %reduce_min3A_216 = arith.constant dense<2147483647> : vector<16x128xi32>
          %reduce_min3A_217 = vector.multi_reduction <minsi>, %select_n3A_215, %reduce_min3A_216 [0] : vector<256x16x128xi32> to vector<16x128xi32>
          %mul3A_218 = arith.constant 16 : i32
          %mul3A_219 = arith.muli %mul3A_218, %scan3A_161 : i32
          %swap3A_220 = arith.index_cast %mul3A_219 : i32 to index
          %swap3A_221 = arith.constant 0 : index
          %swap3A_222 = vector.load %arg7[%swap3A_220, %swap3A_221] : memref<768x128xf32, #tpu.memory_space<vmem>>, vector<16x128xf32>
          tpu.vector_store %arg7[%swap3A_220, %swap3A_221], %reduce_max3A_175 {strides = array<i32>} : memref<768x128xf32, #tpu.memory_space<vmem>>, vector<16x128xf32>,
          %mul3A_223 = arith.constant 16 : i32
          %mul3A_224 = vector.broadcast %mul3A_223 : i32 to vector<16x128xi32>
          %mul3A_225 = arith.muli %reduce_min3A_217, %mul3A_224 : vector<16x128xi32>
          %add3A_226 = arith.addi %mul3A_225, %iota3A_44 : vector<16x128xi32>
          %mul3A_227 = arith.constant 16 : i32
          %mul3A_228 = arith.muli %mul3A_227, %scan3A_161 : i32
          %swap3A_229 = arith.index_cast %mul3A_228 : i32 to index
          %swap3A_230 = arith.constant 0 : index
          %swap3A_231 = vector.load %arg8[%swap3A_229, %swap3A_230] : memref<768x128xi32, #tpu.memory_space<vmem>>, vector<16x128xi32>
          tpu.vector_store %arg8[%swap3A_229, %swap3A_230], %add3A_226 {strides = array<i32>} : memref<768x128xi32, #tpu.memory_space<vmem>>, vector<16x128xi32>,
          %broadcast_in_dim3A_232 = vector.shape_cast %reduce_min3A_217 : vector<16x128xi32> to vector<1x16x128xi32>
          %eq3A_233 = vector.broadcast %broadcast_in_dim3A_232 : vector<1x16x128xi32> to vector<256x16x128xi32>
          %eq3A_234 = arith.cmpi eq, %iota3A, %eq3A_233 : vector<256x16x128xi32>
          %jit3A_235 = arith.constant 0xFF800000 : f32
          %broadcast_in_dim3A_236 = vector.broadcast %jit3A_235 : f32 to vector<256x16x128xf32>
          %select_n3A_237 = arith.select %eq3A_234, %broadcast_in_dim3A_236, %reshape3A_173 : vector<256x16x128xi1>, vector<256x16x128xf32>
          %reshape3A_238 = vector.shape_cast %select_n3A_237 : vector<256x16x128xf32> to vector<4096x128xf32>
          %swap3A_239 = arith.constant 0 : index
          %swap3A_240 = arith.constant 0 : index
          %swap3A_241 = vector.load %arg6[%swap3A_239, %swap3A_240] : memref<4096x128xf32, #tpu.memory_space<vmem>>, vector<4096x128xf32>
          tpu.vector_store %arg6[%swap3A_239, %swap3A_240], %reshape3A_238 {strides = array<i32>} : memref<4096x128xf32, #tpu.memory_space<vmem>>, vector<4096x128xf32>,
          %add3A_242 = arith.constant 1 : i32
          %add3A_243 = arith.addi %scan3A_161, %add3A_242 : i32
          %swap3A_244 = arith.constant 0 : index
          %swap3A_245 = arith.constant 1 : index
          %swap3A_246 = memref.load %arg10[%swap3A_244, %swap3A_245] : memref<1x2xi32, #tpu.memory_space<smem>>
          memref.store %add3A_243, %arg10[%swap3A_244, %swap3A_245] : memref<1x2xi32, #tpu.memory_space<smem>>
        } else {
        }
      } else {
      }
    }
    %scan3A_144 = arith.constant 45 : i32
    %get3A_145 = arith.constant 0 : index
    %get3A_146 = arith.constant 1 : index
    %get3A_147 = memref.load %arg10[%get3A_145, %get3A_146] : memref<1x2xi32, #tpu.memory_space<smem>>
    %mul3A_148 = arith.constant 16 : i32
    %mul3A_149 = arith.muli %get3A_147, %mul3A_148 : i32
    %le3A = arith.constant 176 : i32
    %le3A_150 = arith.cmpi sle, %mul3A_149, %le3A : i32
    %convert_element_type3A = arith.extui %le3A_150 : i1 to i32
    %cond3A = arith.constant 0 : i32
    %cond3A_151 = arith.cmpi ne, %convert_element_type3A, %cond3A : i32
    scf.if %cond3A_151 {
      %get3A_161 = arith.constant 0 : index
      %get3A_162 = arith.constant 0 : index
      %get3A_163 = vector.load %arg7[%get3A_161, %get3A_162] : memref<768x128xf32, #tpu.memory_space<vmem>>, vector<176x128xf32>
      %swap3A_164 = arith.constant 0 : index
      %swap3A_165 = arith.constant 0 : index
      %swap3A_166 = vector.load %arg9[%swap3A_164, %swap3A_165] : memref<768x128xf32, #tpu.memory_space<vmem>>, vector<176x128xf32>
      tpu.vector_store %arg9[%swap3A_164, %swap3A_165], %get3A_163 {strides = array<i32>} : memref<768x128xf32, #tpu.memory_space<vmem>>, vector<176x128xf32>,
      %scan3A_167 = arith.constant 0 : i32
      %scan3A_168 = arith.constant 48 : i32
      %scan3A_169 = arith.addi %scan3A_167, %scan3A_168 : i32
      %scan3A_170 = arith.constant 1 : i32
      scf.for %scan3A_172 = %scan3A_167 to %scan3A_169 step %scan3A_170  : i32 {
        %get3A_173 = arith.constant 0 : index
        %get3A_174 = arith.constant 0 : index
        %get3A_175 = vector.load %arg9[%get3A_173, %get3A_174] : memref<768x128xf32, #tpu.memory_space<vmem>>, vector<176x128xf32>
        %get3A_176 = arith.constant 0 : index
        %get3A_177 = arith.constant 0 : index
        %get3A_178 = vector.load %arg8[%get3A_176, %get3A_177] : memref<768x128xi32, #tpu.memory_space<vmem>>, vector<176x128xi32>
        %reduce_max3A_179 = arith.constant dense<0xFF800000> : vector<128xf32>
        %reduce_max3A_180 = vector.multi_reduction <maximumf>, %get3A_175, %reduce_max3A_179 [0] : vector<176x128xf32> to vector<128xf32>
        %broadcast_in_dim3A_181 = vector.shape_cast %reduce_max3A_180 : vector<128xf32> to vector<1x128xf32>
        %eq3A_182 = vector.broadcast %broadcast_in_dim3A_181 : vector<1x128xf32> to vector<176x128xf32>
        %eq3A_183 = arith.cmpf oeq, %get3A_175, %eq3A_182 : vector<176x128xf32>
        %jit3A_184 = arith.constant 4096 : i32
        %broadcast_in_dim3A_185 = vector.broadcast %jit3A_184 : i32 to vector<176x128xi32>
        %select_n3A_186 = arith.select %eq3A_183, %get3A_178, %broadcast_in_dim3A_185 : vector<176x128xi1>, vector<176x128xi32>
        %reduce_min3A_187 = arith.constant dense<2147483647> : vector<128xi32>
        %reduce_min3A_188 = vector.multi_reduction <minsi>, %select_n3A_186, %reduce_min3A_187 [0] : vector<176x128xi32> to vector<128xi32>
        %broadcast_in_dim3A_189 = vector.shape_cast %reduce_min3A_188 : vector<128xi32> to vector<1x128xi32>
        %swap3A_190 = arith.constant 0 : index
        %swap3A_191 = arith.index_cast %scan3A_172 : i32 to index
        %swap3A_192 = arith.constant 0 : index
        %swap3A_193 = vector.load %arg5[%swap3A_190, %swap3A_191, %swap3A_192] : memref<1x48x128xi32, #tpu.memory_space<vmem>>, vector<1x1x128xi32>
        %swap3A_194 = vector.shape_cast %swap3A_193 : vector<1x1x128xi32> to vector<1x128xi32>
        %swap3A_195 = vector.shape_cast %broadcast_in_dim3A_189 : vector<1x128xi32> to vector<1x1x128xi32>
        tpu.vector_store %arg5[%swap3A_190, %swap3A_191, %swap3A_192], %swap3A_195 {strides = array<i32>} : memref<1x48x128xi32, #tpu.memory_space<vmem>>, vector<1x1x128xi32>,
        %eq3A_196 = vector.broadcast %broadcast_in_dim3A_181 : vector<1x128xf32> to vector<176x128xf32>
        %eq3A_197 = arith.cmpf oeq, %get3A_175, %eq3A_196 : vector<176x128xf32>
        %eq3A_198 = vector.broadcast %broadcast_in_dim3A_189 : vector<1x128xi32> to vector<176x128xi32>
        %eq3A_199 = arith.cmpi eq, %get3A_178, %eq3A_198 : vector<176x128xi32>
        %and3A = arith.andi %eq3A_197, %eq3A_199 : vector<176x128xi1>
        %jit3A_200 = arith.constant 0xFF800000 : f32
        %broadcast_in_dim3A_201 = vector.broadcast %jit3A_200 : f32 to vector<176x128xf32>
        %select_n3A_202 = arith.select %and3A, %broadcast_in_dim3A_201, %get3A_175 : vector<176x128xi1>, vector<176x128xf32>
        %swap3A_203 = arith.constant 0 : index
        %swap3A_204 = arith.constant 0 : index
        %swap3A_205 = vector.load %arg9[%swap3A_203, %swap3A_204] : memref<768x128xf32, #tpu.memory_space<vmem>>, vector<176x128xf32>
        tpu.vector_store %arg9[%swap3A_203, %swap3A_204], %select_n3A_202 {strides = array<i32>} : memref<768x128xf32, #tpu.memory_space<vmem>>, vector<176x128xf32>,
      }
      %scan3A_171 = arith.constant 48 : i32
    } else {
    }
    %get3A_152 = arith.constant 0 : index
    %get3A_153 = arith.constant 1 : index
    %get3A_154 = memref.load %arg10[%get3A_152, %get3A_153] : memref<1x2xi32, #tpu.memory_space<smem>>
    %mul3A_155 = arith.constant 16 : i32
    %mul3A_156 = arith.muli %get3A_154, %mul3A_155 : i32
    %gt3A = arith.constant 176 : i32
    %gt3A_157 = arith.cmpi sgt, %mul3A_156, %gt3A : i32
    %convert_element_type3A_158 = arith.extui %gt3A_157 : i1 to i32
    %cond3A_159 = arith.constant 0 : i32
    %cond3A_160 = arith.cmpi ne, %convert_element_type3A_158, %cond3A_159 : i32
    scf.if %cond3A_160 {
      %get3A_161 = arith.constant 0 : index
      %get3A_162 = arith.constant 0 : index
      %get3A_163 = vector.load %arg7[%get3A_161, %get3A_162] : memref<768x128xf32, #tpu.memory_space<vmem>>, vector<768x128xf32>
      %swap3A_164 = arith.constant 0 : index
      %swap3A_165 = arith.constant 0 : index
      %swap3A_166 = vector.load %arg9[%swap3A_164, %swap3A_165] : memref<768x128xf32, #tpu.memory_space<vmem>>, vector<768x128xf32>
      tpu.vector_store %arg9[%swap3A_164, %swap3A_165], %get3A_163 {strides = array<i32>} : memref<768x128xf32, #tpu.memory_space<vmem>>, vector<768x128xf32>,
      %scan3A_167 = arith.constant 0 : i32
      %scan3A_168 = arith.constant 48 : i32
      %scan3A_169 = arith.addi %scan3A_167, %scan3A_168 : i32
      %scan3A_170 = arith.constant 1 : i32
      scf.for %scan3A_172 = %scan3A_167 to %scan3A_169 step %scan3A_170  : i32 {
        %get3A_173 = arith.constant 0 : index
        %get3A_174 = arith.constant 0 : index
        %get3A_175 = vector.load %arg9[%get3A_173, %get3A_174] : memref<768x128xf32, #tpu.memory_space<vmem>>, vector<768x128xf32>
        %get3A_176 = arith.constant 0 : index
        %get3A_177 = arith.constant 0 : index
        %get3A_178 = vector.load %arg8[%get3A_176, %get3A_177] : memref<768x128xi32, #tpu.memory_space<vmem>>, vector<768x128xi32>
        %reduce_max3A_179 = arith.constant dense<0xFF800000> : vector<128xf32>
        %reduce_max3A_180 = vector.multi_reduction <maximumf>, %get3A_175, %reduce_max3A_179 [0] : vector<768x128xf32> to vector<128xf32>
        %broadcast_in_dim3A_181 = vector.shape_cast %reduce_max3A_180 : vector<128xf32> to vector<1x128xf32>
        %eq3A_182 = vector.broadcast %broadcast_in_dim3A_181 : vector<1x128xf32> to vector<768x128xf32>
        %eq3A_183 = arith.cmpf oeq, %get3A_175, %eq3A_182 : vector<768x128xf32>
        %jit3A_184 = arith.constant 4096 : i32
        %broadcast_in_dim3A_185 = vector.broadcast %jit3A_184 : i32 to vector<768x128xi32>
        %select_n3A_186 = arith.select %eq3A_183, %get3A_178, %broadcast_in_dim3A_185 : vector<768x128xi1>, vector<768x128xi32>
        %reduce_min3A_187 = arith.constant dense<2147483647> : vector<128xi32>
        %reduce_min3A_188 = vector.multi_reduction <minsi>, %select_n3A_186, %reduce_min3A_187 [0] : vector<768x128xi32> to vector<128xi32>
        %broadcast_in_dim3A_189 = vector.shape_cast %reduce_min3A_188 : vector<128xi32> to vector<1x128xi32>
        %swap3A_190 = arith.constant 0 : index
        %swap3A_191 = arith.index_cast %scan3A_172 : i32 to index
        %swap3A_192 = arith.constant 0 : index
        %swap3A_193 = vector.load %arg5[%swap3A_190, %swap3A_191, %swap3A_192] : memref<1x48x128xi32, #tpu.memory_space<vmem>>, vector<1x1x128xi32>
        %swap3A_194 = vector.shape_cast %swap3A_193 : vector<1x1x128xi32> to vector<1x128xi32>
        %swap3A_195 = vector.shape_cast %broadcast_in_dim3A_189 : vector<1x128xi32> to vector<1x1x128xi32>
        tpu.vector_store %arg5[%swap3A_190, %swap3A_191, %swap3A_192], %swap3A_195 {strides = array<i32>} : memref<1x48x128xi32, #tpu.memory_space<vmem>>, vector<1x1x128xi32>,
        %eq3A_196 = vector.broadcast %broadcast_in_dim3A_181 : vector<1x128xf32> to vector<768x128xf32>
        %eq3A_197 = arith.cmpf oeq, %get3A_175, %eq3A_196 : vector<768x128xf32>
        %eq3A_198 = vector.broadcast %broadcast_in_dim3A_189 : vector<1x128xi32> to vector<768x128xi32>
        %eq3A_199 = arith.cmpi eq, %get3A_178, %eq3A_198 : vector<768x128xi32>
        %and3A = arith.andi %eq3A_197, %eq3A_199 : vector<768x128xi1>
        %jit3A_200 = arith.constant 0xFF800000 : f32
        %broadcast_in_dim3A_201 = vector.broadcast %jit3A_200 : f32 to vector<768x128xf32>
        %select_n3A_202 = arith.select %and3A, %broadcast_in_dim3A_201, %get3A_175 : vector<768x128xi1>, vector<768x128xf32>
        %swap3A_203 = arith.constant 0 : index
        %swap3A_204 = arith.constant 0 : index
        %swap3A_205 = vector.load %arg9[%swap3A_203, %swap3A_204] : memref<768x128xf32, #tpu.memory_space<vmem>>, vector<768x128xf32>
        tpu.vector_store %arg9[%swap3A_203, %swap3A_204], %select_n3A_202 {strides = array<i32>} : memref<768x128xf32, #tpu.memory_space<vmem>>, vector<768x128xf32>,
      }
      %scan3A_171 = arith.constant 48 : i32
    } else {
    }
    return
  }
  func.func @transform_0(%arg0: i32, %arg1: i32) -> (i32, i32, i32) {
    %c0_i32 = arith.constant 0 : i32
    %c0_i32_0 = arith.constant 0 : i32
    %c0_i32_1 = arith.constant 0 : i32
    return %arg0, %c0_i32, %c0_i32_0 : i32, i32, i32
  }
  func.func @transform_1(%arg0: i32, %arg1: i32) -> (i32, i32, i32) {
    %c0_i32 = arith.constant 0 : i32
    %c0_i32_0 = arith.constant 0 : i32
    return %arg0, %c0_i32, %arg1 : i32, i32, i32
  }
  func.func @transform_2(%arg0: i32, %arg1: i32) -> (i32, i32, i32) {
    %c0_i32 = arith.constant 0 : i32
    %c0_i32_0 = arith.constant 0 : i32
    %c0_i32_1 = arith.constant 0 : i32
    return %arg0, %c0_i32, %c0_i32_0 : i32, i32, i32
  }
  func.func @transform_3(%arg0: i32, %arg1: i32) -> (i32, i32, i32) {
    %c0_i32 = arith.constant 0 : i32
    %c0_i32_0 = arith.constant 0 : i32
    return %arg0, %c0_i32, %arg1 : i32, i32, i32
  }
}

module attributes {stable_mosaic.version = 14 : i64} {
  func.func @_head_body(%arg0: i32, %arg1: i32, %arg2: memref<1x512x256xf32, #tpu.memory_space<vmem>>, %arg3: memref<256x1024xf32, #tpu.memory_space<vmem>>, %arg4: memref<1x1024xf32, #tpu.memory_space<vmem>>, %arg5: memref<256x512xf32, #tpu.memory_space<vmem>>, %arg6: memref<1x512xf32, #tpu.memory_space<vmem>>, %arg7: memref<1x512xf32, #tpu.memory_space<vmem>>, %arg8: memref<512x256xf32, #tpu.memory_space<vmem>>, %arg9: memref<1x256xf32, #tpu.memory_space<vmem>>, %arg10: memref<256x13xf32, #tpu.memory_space<vmem>>, %arg11: memref<1x13xf32, #tpu.memory_space<vmem>>, %arg12: memref<1x512x13xf32, #tpu.memory_space<vmem>>) attributes {dimension_semantics = [#tpu.dimension_semantics<arbitrary>, #tpu.dimension_semantics<arbitrary>], iteration_bounds = array<i64: 2, 8>, scalar_prefetch = 0 : i64, scratch_operands = 0 : i64, tpu.core_type = #tpu.core_type<tc>, window_params = [{transform_indices = @transform_0, window_bounds = array<i64: 1, 512, 256>}, {pipeline_mode = #tpu.pipeline_mode<synchronous>, transform_indices = @transform_1, window_bounds = array<i64: 256, 1024>}, {pipeline_mode = #tpu.pipeline_mode<synchronous>, transform_indices = @transform_2, window_bounds = array<i64: 1, 1024>}, {pipeline_mode = #tpu.pipeline_mode<synchronous>, transform_indices = @transform_3, window_bounds = array<i64: 256, 512>}, {pipeline_mode = #tpu.pipeline_mode<synchronous>, transform_indices = @transform_4, window_bounds = array<i64: 1, 512>}, {pipeline_mode = #tpu.pipeline_mode<synchronous>, transform_indices = @transform_5, window_bounds = array<i64: 1, 512>}, {pipeline_mode = #tpu.pipeline_mode<synchronous>, transform_indices = @transform_6, window_bounds = array<i64: 512, 256>}, {pipeline_mode = #tpu.pipeline_mode<synchronous>, transform_indices = @transform_7, window_bounds = array<i64: 1, 256>}, {pipeline_mode = #tpu.pipeline_mode<synchronous>, transform_indices = @transform_8, window_bounds = array<i64: 256, 13>}, {pipeline_mode = #tpu.pipeline_mode<synchronous>, transform_indices = @transform_9, window_bounds = array<i64: 1, 13>}, {transform_indices = @transform_10, window_bounds = array<i64: 1, 512, 13>}]} {
    %get3A = arith.constant 0 : index
    %get3A_0 = arith.constant 0 : index
    %get3A_1 = arith.constant 0 : index
    %get3A_2 = vector.load %arg2[%get3A, %get3A_0, %get3A_1] : memref<1x512x256xf32, #tpu.memory_space<vmem>>, vector<1x512x256xf32>
    %get3A_3 = vector.shape_cast %get3A_2 : vector<1x512x256xf32> to vector<512x256xf32>
    %get3A_4 = arith.constant 0 : index
    %get3A_5 = arith.constant 0 : index
    %get3A_6 = vector.load %arg3[%get3A_4, %get3A_5] : memref<256x1024xf32, #tpu.memory_space<vmem>>, vector<256x1024xf32>
    %dot_general3A = arith.constant dense<0.000000e+00> : vector<512x1024xf32>
    %dot_general3A_7 = tpu.matmul %get3A_3, %get3A_6, %dot_general3A {dimension_numbers = #tpu.dot_dimension_numbers<[1], [0], [0], [1], [0, 0, 1, 1], [], []>, transpose_lhs_hint = false} : vector<512x256xf32>, vector<256x1024xf32>, vector<512x1024xf32> -> vector<512x1024xf32>
    %get3A_8 = arith.constant 0 : index
    %get3A_9 = arith.constant 0 : index
    %get3A_10 = vector.load %arg4[%get3A_8, %get3A_9] : memref<1x1024xf32, #tpu.memory_space<vmem>>, vector<1x1024xf32>
    %add3A = vector.broadcast %get3A_10 : vector<1x1024xf32> to vector<512x1024xf32>
    %add3A_11 = arith.addf %dot_general3A_7, %add3A : vector<512x1024xf32>
    %max3A = arith.constant 0.000000e+00 : f32
    %max3A_12 = vector.broadcast %max3A : f32 to vector<512x1024xf32>
    %max3A_13 = arith.maximumf %add3A_11, %max3A_12 : vector<512x1024xf32>
    %reduce_max3A = arith.constant dense<0xFF800000> : vector<512xf32>
    %reduce_max3A_14 = vector.multi_reduction <maximumf>, %max3A_13, %reduce_max3A [1] : vector<512x1024xf32> to vector<512xf32>
    %broadcast_in_dim3A = vector.shape_cast %reduce_max3A_14 : vector<512xf32> to vector<512x1xf32>
    %get3A_15 = arith.constant 0 : index
    %get3A_16 = arith.constant 0 : index
    %get3A_17 = vector.load %arg5[%get3A_15, %get3A_16] : memref<256x512xf32, #tpu.memory_space<vmem>>, vector<256x512xf32>
    %dot_general3A_18 = arith.constant dense<0.000000e+00> : vector<512x512xf32>
    %dot_general3A_19 = tpu.matmul %get3A_3, %get3A_17, %dot_general3A_18 {dimension_numbers = #tpu.dot_dimension_numbers<[1], [0], [0], [1], [0, 0, 1, 1], [], []>, transpose_lhs_hint = false} : vector<512x256xf32>, vector<256x512xf32>, vector<512x512xf32> -> vector<512x512xf32>
    %get3A_20 = arith.constant 0 : index
    %get3A_21 = arith.constant 0 : index
    %get3A_22 = vector.load %arg6[%get3A_20, %get3A_21] : memref<1x512xf32, #tpu.memory_space<vmem>>, vector<1x512xf32>
    %mul3A = vector.broadcast %broadcast_in_dim3A : vector<512x1xf32> to vector<512x512xf32>
    %mul3A_23 = vector.broadcast %get3A_22 : vector<1x512xf32> to vector<512x512xf32>
    %mul3A_24 = arith.mulf %mul3A, %mul3A_23 : vector<512x512xf32>
    %add3A_25 = arith.addf %dot_general3A_19, %mul3A_24 : vector<512x512xf32>
    %get3A_26 = arith.constant 0 : index
    %get3A_27 = arith.constant 0 : index
    %get3A_28 = vector.load %arg7[%get3A_26, %get3A_27] : memref<1x512xf32, #tpu.memory_space<vmem>>, vector<1x512xf32>
    %add3A_29 = vector.broadcast %get3A_28 : vector<1x512xf32> to vector<512x512xf32>
    %add3A_30 = arith.addf %add3A_25, %add3A_29 : vector<512x512xf32>
    %max3A_31 = arith.constant 0.000000e+00 : f32
    %max3A_32 = vector.broadcast %max3A_31 : f32 to vector<512x512xf32>
    %max3A_33 = arith.maximumf %add3A_30, %max3A_32 : vector<512x512xf32>
    %get3A_34 = arith.constant 0 : index
    %get3A_35 = arith.constant 0 : index
    %get3A_36 = vector.load %arg8[%get3A_34, %get3A_35] : memref<512x256xf32, #tpu.memory_space<vmem>>, vector<512x256xf32>
    %dot_general3A_37 = arith.constant dense<0.000000e+00> : vector<512x256xf32>
    %dot_general3A_38 = tpu.matmul %max3A_33, %get3A_36, %dot_general3A_37 {dimension_numbers = #tpu.dot_dimension_numbers<[1], [0], [0], [1], [0, 0, 1, 1], [], []>, transpose_lhs_hint = false} : vector<512x512xf32>, vector<512x256xf32>, vector<512x256xf32> -> vector<512x256xf32>
    %get3A_39 = arith.constant 0 : index
    %get3A_40 = arith.constant 0 : index
    %get3A_41 = vector.load %arg9[%get3A_39, %get3A_40] : memref<1x256xf32, #tpu.memory_space<vmem>>, vector<1x256xf32>
    %add3A_42 = vector.broadcast %get3A_41 : vector<1x256xf32> to vector<512x256xf32>
    %add3A_43 = arith.addf %dot_general3A_38, %add3A_42 : vector<512x256xf32>
    %max3A_44 = arith.constant 0.000000e+00 : f32
    %max3A_45 = vector.broadcast %max3A_44 : f32 to vector<512x256xf32>
    %max3A_46 = arith.maximumf %add3A_43, %max3A_45 : vector<512x256xf32>
    %get3A_47 = arith.constant 0 : index
    %get3A_48 = arith.constant 0 : index
    %get3A_49 = vector.load %arg10[%get3A_47, %get3A_48] : memref<256x13xf32, #tpu.memory_space<vmem>>, vector<256x13xf32>
    %dot_general3A_50 = arith.constant dense<0.000000e+00> : vector<512x13xf32>
    %dot_general3A_51 = tpu.matmul %max3A_46, %get3A_49, %dot_general3A_50 {dimension_numbers = #tpu.dot_dimension_numbers<[1], [0], [0], [1], [0, 0, 1, 1], [], []>, transpose_lhs_hint = false} : vector<512x256xf32>, vector<256x13xf32>, vector<512x13xf32> -> vector<512x13xf32>
    %get3A_52 = arith.constant 0 : index
    %get3A_53 = arith.constant 0 : index
    %get3A_54 = vector.load %arg11[%get3A_52, %get3A_53] : memref<1x13xf32, #tpu.memory_space<vmem>>, vector<1x13xf32>
    %add3A_55 = vector.broadcast %get3A_54 : vector<1x13xf32> to vector<512x13xf32>
    %add3A_56 = arith.addf %dot_general3A_51, %add3A_55 : vector<512x13xf32>
    %reduce_max3A_57 = arith.constant dense<0xFF800000> : vector<512xf32>
    %reduce_max3A_58 = vector.multi_reduction <maximumf>, %add3A_56, %reduce_max3A_57 [1] : vector<512x13xf32> to vector<512xf32>
    %broadcast_in_dim3A_59 = vector.shape_cast %reduce_max3A_58 : vector<512xf32> to vector<512x1xf32>
    %sub3A = vector.broadcast %broadcast_in_dim3A_59 : vector<512x1xf32> to vector<512x13xf32>
    %sub3A_60 = arith.subf %add3A_56, %sub3A : vector<512x13xf32>
    %exp3A = math.exp %sub3A_60 : vector<512x13xf32>
    %reduce_sum3A = arith.constant dense<0.000000e+00> : vector<512xf32>
    %reduce_sum3A_61 = vector.multi_reduction <add>, %exp3A, %reduce_sum3A [1] : vector<512x13xf32> to vector<512xf32>
    %broadcast_in_dim3A_62 = vector.shape_cast %reduce_sum3A_61 : vector<512xf32> to vector<512x1xf32>
    %log3A = math.log %broadcast_in_dim3A_62 : vector<512x1xf32>
    %sub3A_63 = vector.broadcast %log3A : vector<512x1xf32> to vector<512x13xf32>
    %sub3A_64 = arith.subf %sub3A_60, %sub3A_63 : vector<512x13xf32>
    %swap3A = arith.constant 0 : index
    %swap3A_65 = arith.constant 0 : index
    %swap3A_66 = arith.constant 0 : index
    %swap3A_67 = vector.load %arg12[%swap3A, %swap3A_65, %swap3A_66] : memref<1x512x13xf32, #tpu.memory_space<vmem>>, vector<1x512x13xf32>
    %swap3A_68 = vector.shape_cast %swap3A_67 : vector<1x512x13xf32> to vector<512x13xf32>
    %swap3A_69 = vector.shape_cast %sub3A_64 : vector<512x13xf32> to vector<1x512x13xf32>
    tpu.vector_store %arg12[%swap3A, %swap3A_65, %swap3A_66], %swap3A_69 {strides = array<i32>} : memref<1x512x13xf32, #tpu.memory_space<vmem>>, vector<1x512x13xf32>,
    return
  }
  func.func @transform_0(%arg0: i32, %arg1: i32) -> (i32, i32, i32) {
    %c0_i32 = arith.constant 0 : i32
    %c0_i32_0 = arith.constant 0 : i32
    return %arg0, %arg1, %c0_i32 : i32, i32, i32
  }
  func.func @transform_1(%arg0: i32, %arg1: i32) -> (i32, i32) {
    %c0_i32 = arith.constant 0 : i32
    %c0_i32_0 = arith.constant 0 : i32
    %c0_i32_1 = arith.constant 0 : i32
    return %c0_i32, %c0_i32_0 : i32, i32
  }
  func.func @transform_2(%arg0: i32, %arg1: i32) -> (i32, i32) {
    %c0_i32 = arith.constant 0 : i32
    %c0_i32_0 = arith.constant 0 : i32
    %c0_i32_1 = arith.constant 0 : i32
    return %c0_i32, %c0_i32_0 : i32, i32
  }
  func.func @transform_3(%arg0: i32, %arg1: i32) -> (i32, i32) {
    %c0_i32 = arith.constant 0 : i32
    %c0_i32_0 = arith.constant 0 : i32
    %c0_i32_1 = arith.constant 0 : i32
    return %c0_i32, %c0_i32_0 : i32, i32
  }
  func.func @transform_4(%arg0: i32, %arg1: i32) -> (i32, i32) {
    %c0_i32 = arith.constant 0 : i32
    %c0_i32_0 = arith.constant 0 : i32
    %c0_i32_1 = arith.constant 0 : i32
    return %c0_i32, %c0_i32_0 : i32, i32
  }
  func.func @transform_5(%arg0: i32, %arg1: i32) -> (i32, i32) {
    %c0_i32 = arith.constant 0 : i32
    %c0_i32_0 = arith.constant 0 : i32
    %c0_i32_1 = arith.constant 0 : i32
    return %c0_i32, %c0_i32_0 : i32, i32
  }
  func.func @transform_6(%arg0: i32, %arg1: i32) -> (i32, i32) {
    %c0_i32 = arith.constant 0 : i32
    %c0_i32_0 = arith.constant 0 : i32
    %c0_i32_1 = arith.constant 0 : i32
    return %c0_i32, %c0_i32_0 : i32, i32
  }
  func.func @transform_7(%arg0: i32, %arg1: i32) -> (i32, i32) {
    %c0_i32 = arith.constant 0 : i32
    %c0_i32_0 = arith.constant 0 : i32
    %c0_i32_1 = arith.constant 0 : i32
    return %c0_i32, %c0_i32_0 : i32, i32
  }
  func.func @transform_8(%arg0: i32, %arg1: i32) -> (i32, i32) {
    %c0_i32 = arith.constant 0 : i32
    %c0_i32_0 = arith.constant 0 : i32
    %c0_i32_1 = arith.constant 0 : i32
    return %c0_i32, %c0_i32_0 : i32, i32
  }
  func.func @transform_9(%arg0: i32, %arg1: i32) -> (i32, i32) {
    %c0_i32 = arith.constant 0 : i32
    %c0_i32_0 = arith.constant 0 : i32
    %c0_i32_1 = arith.constant 0 : i32
    return %c0_i32, %c0_i32_0 : i32, i32
  }
  func.func @transform_10(%arg0: i32, %arg1: i32) -> (i32, i32, i32) {
    %c0_i32 = arith.constant 0 : i32
    %c0_i32_0 = arith.constant 0 : i32
    return %arg0, %arg1, %c0_i32 : i32, i32, i32
  }
}

</mosaic_0001>

<sc_bundles>
// kernel: kernel.27.cloned.1.call-start
scs
__scs_entry_jumppad:
0x0: {  	(pc) =	sbr.rel $0x88, $3  }
0x1: {  	(tag) =	ssettag $0x0;
	lr =	simm.s32 $0x1  }
0x2: {  	[smem:$0x3F90] =	sst lr;
	_ =	strace $0xD0000000  }
0x3: {  	_ = 	snop  }
0x4: {  	_ = 	snop  }
0x5: {  	_ = 	snop  }
0x6: {  	_ = 	snop  }
0x7: {  	_ = 	snop  }
__scs_overlays_trampoline_lowered:
0x8: {  	[smem:$0x3F9F] =	sst s0  }
0x9: {  	[smem:$0x3FA0] =	sst s1  }
0xa: {  	[smem:$0x3FA1] =	sst s2  }
0xb: {  	[smem:$0x3FA2] =	sst s3  }
0xc: {  	[smem:$0x3FA3] =	sst s4  }
0xd: {  	[smem:$0x3FA4] =	sst s5  }
0xe: {  	[smem:$0x3FA5] =	sst s6  }
0xf: {  	[smem:$0x3FA6] =	sst s7  }
0x10: {  	[smem:$0x3FA7] =	sst s8  }
0x11: {  	[smem:$0x3FA8] =	sst s9;
	s0 =	simm.s32 @!p0 $0x0  }
0x12: {  	s1 =	sld [smem:$0x3F8E];
	s0 =	simm.s32 @p0 $0x1  }
0x13: {  	[smem:$0x3FA9] =	sst s0;
	s0 =	simm.s32 @!p1 $0x0  }
0x14: {  	s2 =	sld [smem:$0x3F8D];
	s0 =	simm.s32 @p1 $0x1  }
0x15: {  	[smem:$0x3FAA] =	sst s0;
	s0 =	simm.s32 @!p2 $0x0  }
0x16: {  	s3 =	sld [smem:$0x3FDB];
	s0 =	simm.s32 @p2 $0x1  }
0x17: {  	s4 =	simm.s32 $0x1BF5;
	[smem:$0x3FAC] =	sst s0  }
0x18: {  	s0 =	sld [smem:$0x3F8F];
	_ =	swait.ge [sflag:s4], $0x0  }
0x19: {  	s7 =	sld [smem:$0x3F90]  }
0x1a: {  	s8 =	sadd.s32 $0xFFFFE003, lr  }
0x1b: {  	s9 =	sadd.s32 $0xFFFFFEF7, lr;
	s5 =	simm.s32 $0xFFFFFFFF;
	p2 =	slt.u32 s8, $0xFFFFF086  }
0x1c: {  	p1 =	slt.u32 s9, $0xF7A;
	s5 =	simm.s32 @!p2 $0x0  }
0x1d: {  	s5 =	simm.s32 @p1 $0x1;
	p0 =	seq.s32 s7, s2  }
0x1e: {  	s7 =	smul.u32 @!p0 $0xF7A, s2;
	p2 =	seq.s32 @!p0 s5, $0x0  }
0x1f: {  	s9 =	smul.u32 $0xF7A, s1;
	s8 =	simm.s32 @!p0 $0x1BF5;
	p2 =	por !p2, p0  }
0x20: {  	[sflag:s8] =	ssyncset.s32 @!p0 $0xFFFFF086;
	s6 =	sadd.s32 @!p0 s3, s7;
	s7 =	simm.s32 @!p0 $0x108  }
0x21: {  	s3 =	sadd.s32 s3, s9;
	s6 =	sadd.s32 @!p0 $0x88, s6;
	s7 =	simm.s32 @p2 $0x1082  }
0x22: {  	[simem:s7], [sflag:s8] =	dma.local @!p0 [hbm:s6], $0xF7A  }
0x23: {  	s9 =	sor.u32 $0xD0000000, s2;
	s6 =	simm.s32 $0x108;
	_ =	swait.ge @!p0 [sflag:s8], $0x0  }
0x24: {  	s3 =	sadd.s32 $0x88, s3;
	s6 =	simm.s32 @!p1 $0x1082;
	[sflag:s4] =	ssyncset.s32 $0xFFFFF086  }
0x25: {  	[simem:s6], [sflag:s4] =	dma.local [hbm:s3], $0xF7A  }
0x26: {  	[smem:$0x3F90] =	sst s1;
	(tag) =	ssettag s2;
	_ =	strace s9  }
0x27: {  	s1 =	sld [smem:$0x3FA0]  }
0x28: {  	s2 =	sld [smem:$0x3FA1]  }
0x29: {  	s4 =	sld [smem:$0x3FA3]  }
0x2a: {  	p0 =	seq.s32 s5, $0x0;
	s5 =	sld [smem:$0x3FA4]  }
0x2b: {  	s6 =	sld [smem:$0x3FA5]  }
0x2c: {  	s7 =	sld [smem:$0x3FA6]  }
0x2d: {  	s3 =	simm.s32 $0x108;
	s8 =	sld [smem:$0x3FA7]  }
0x2e: {  	s3 =	simm.s32 @!p0 $0x1082;
	s9 =	sld [smem:$0x3FA8]  }
0x2f: {  	lr =	sadd.s32 s0, s3;
	s0 =	sld [smem:$0x3F9F]  }
0x30: {  	s3 =	sld [smem:$0x3FA2]  }
0x31: {  	[smem:$0x3FAB] =	sst s10  }
0x32: {  	s10 =	sld [smem:$0x3FA9];
	_ =	sdelay $0x3  }
0x33: {  	p0 =	seq.s32 s10, $0x1;
	s10 =	sld [smem:$0x3FAB];
	_ =	sdelay $0x3  }
0x34: {  	[smem:$0x3FAB] =	sst s10  }
0x35: {  	s10 =	sld [smem:$0x3FAA];
	_ =	sdelay $0x3  }
0x36: {  	p1 =	seq.s32 s10, $0x1;
	s10 =	sld [smem:$0x3FAB];
	_ =	sdelay $0x3  }
0x37: {  	[smem:$0x3FAB] =	sst s10  }
0x38: {  	s10 =	sld [smem:$0x3FAC]  }
0x39: {  	_ = 	snop;
	(pc) =	sbr.ind lr, $3  }
0x3a: {  	_ = 	snop  }
0x3b: {  	_ = 	snop  }
0x3c: {  	p2 =	seq.s32 s10, $0x1;
	s10 =	sld [smem:$0x3FAB]  }
0x3d: {  	_ =	shalt  }
0x3e: {  	_ =	shalt  }
0x3f: {  	_ =	shalt  }
0x40: {  	_ =	shalt  }
0x41: {  	_ =	shalt  }
0x42: {  	_ =	shalt  }
0x43: {  	_ =	shalt  }
0x44: {  	_ =	shalt  }
0x45: {  	_ =	shalt  }
0x46: {  	_ =	shalt  }
0x47: {  	_ =	shalt  }
0x48: {  	_ =	shalt  }
0x49: {  	_ =	shalt  }
0x4a: {  	_ =	shalt  }
0x4b: {  	_ =	shalt  }
0x4c: {  	_ =	shalt  }
0x4d: {  	_ =	shalt  }
0x4e: {  	_ =	shalt  }
0x4f: {  	_ =	shalt  }
0x50: {  	_ =	shalt  }
0x51: {  	_ =	shalt  }
0x52: {  	_ =	shalt  }
0x53: {  	_ =	shalt  }
0x54: {  	_ =	shalt  }
0x55: {  	_ =	shalt  }
0x56: {  	_ =	shalt  }
0x57: {  	_ =	shalt  }
0x58: {  	_ =	shalt  }
0x59: {  	_ =	shalt  }
0x5a: {  	_ =	shalt  }
0x5b: {  	_ =	shalt  }
0x5c: {  	_ =	shalt  }
0x5d: {  	_ =	shalt  }
0x5e: {  	_ =	shalt  }
0x5f: {  	_ =	shalt  }
0x60: {  	_ =	shalt  }
0x61: {  	_ =	shalt  }
0x62: {  	_ =	shalt  }
0x63: {  	_ =	shalt  }
0x64: {  	_ =	shalt  }
0x65: {  	_ =	shalt  }
0x66: {  	_ =	shalt  }
0x67: {  	_ =	shalt  }
0x68: {  	_ =	shalt  }
0x69: {  	_ =	shalt  }
0x6a: {  	_ =	shalt  }
0x6b: {  	_ =	shalt  }
0x6c: {  	_ =	shalt  }
0x6d: {  	_ =	shalt  }
0x6e: {  	_ =	shalt  }
0x6f: {  	_ =	shalt  }
0x70: {  	_ =	shalt  }
0x71: {  	_ =	shalt  }
0x72: {  	_ =	shalt  }
0x73: {  	_ =	shalt  }
0x74: {  	_ =	shalt  }
0x75: {  	_ =	shalt  }
0x76: {  	_ =	shalt  }
0x77: {  	_ =	shalt  }
0x78: {  	_ =	shalt  }
0x79: {  	_ =	shalt  }
0x7a: {  	_ =	shalt  }
0x7b: {  	_ =	shalt  }
0x7c: {  	_ =	shalt  }
0x7d: {  	_ =	shalt  }
0x7e: {  	_ =	shalt  }
0x7f: {  	_ =	shalt  }
0x80: {  	_ =	shalt  }
0x81: {  	_ =	shalt  }
0x82: {  	_ =	shalt  }
0x83: {  	_ =	shalt  }
0x84: {  	_ =	shalt  }
0x85: {  	_ =	shalt  }
0x86: {  	_ =	shalt  }
0x87: {  	_ =	shalt  }
.Lfunc_end0:
.L_simem_size_0:
called_computation_lowered:
.L_overlay_start_0:
0x88: {  	s2 =	sld [smem:$0x3FD9]  }
0x89: {  	s3 =	sld [smem:$0x3FFE];
	_ =	sdelay $0x1  }
0x8a: {  	s1 =	srdreg.scid  }
0x8b: {  	s0 =	sand.u32 $0x1, s1  }
0x8c: {  	s16 =	sshll.u32 s0, $0xA;
	s2 =	sadd.s32 s3, s2  }
0x8d: {  	s2 =	sadd.s32 s2, s16  }
0x8e: {  	[smem:$0x3FB7] =	sst s2  }
0x8f: {  	_ = 	snop  }
0x90: {  	(tm) =	ssettm $0x1  }
0x91: {  	s17 =	sld [smem:$0x3FFB];
	_ =	sdelay $0x3  }
0x92: {  	_ =	strace s17  }
0x93: {  	s2 =	sld [smem:$0x3FFC];
	_ =	sdelay $0x3  }
0x94: {  	_ =	strace s2  }
0x95: {  	s2 =	sld [smem:$0x3FFD];
	_ =	sdelay $0x3  }
0x96: {  	_ =	strace s2  }
0x97: {  	_ =	strace $0x8FFFFFFF  }
0x98: {  	s18 =	sld [smem:$0x3FDB];
	_ =	sdelay $0x1  }
0x99: {  	s19 =	simm.s32 $_scs_section_size  }
0x9a: {  	s4 =	simm.s32 $_size__tile_overlayer_lowered;
	s5 =	simm.s32 $_tile_overlayer_lowered  }
0x9b: {  	s22 =	simm.s32 $0x1BFF;
	s21 =	sshll.u32 s5, $0x1;
	s2 =	sadd.s32 s19, s18  }
0x9c: {  	s6 =	simm.s32 $0x0;
	s20 =	sshll.u32 s4, $0x1;
	s4 =	sadd.s32 s21, s2  }
0x9d: {  	[timem:s6], [sflag:s22] =	dma.local [hbm:s4], s20  }
0x9e: {  	_ =	swait.ge [sflag:s22], s20  }
0x9f: {  	s3 =	ssub.s32 $0x0, s20;
	[sflag:s22] =	ssyncset.done $0x0  }
0xa0: {  	[sflag:s22] =	ssyncadd.s32 s3;
	_ =	sdelay $0x1  }
0xa1: {  	s23 =	simm.s32 $0x1B8B  }
0xa2: {  	_ =	swait.ge [sflag:s23], $0x1  }
0xa3: {  	[sflag:s23] =	ssyncset.done $0x0  }
0xa4: {  	s25 =	simm.s32 $0x1B8E;
	s24 =	sld [smem:$0x3FFE];
	[sflag:s23] =	ssyncadd.s32 $0xFFFFFFFF  }
0xa5: {  	s26 =	simm.s32 $execute0_lowered;
	[smem:$0x3FD2] =	sst s25  }
0xa6: {  	s4 =	sshll.u32 s26, $0x1;
	_ =	strace $0x80000046;
	[dreg:$0x1] =	wrdreg $0xFFFFFFFF  }
0xa7: {  	s28 =	simm.s32 $_size_execute0_lowered;
	s2 =	sadd.s32 s2, s4;
	[dreg:$0x0] =	wrdreg $0x0  }
0xa8: {  	s4 =	sshll.u32 s28, $0x1;
	[dreg:$0x2] =	wrdreg s2  }
0xa9: {  	[dreg:$0x3] =	wrdreg s4  }
0xaa: {  	[dreg:$0x4] =	wrdreg $0xC0  }
0xab: {  	_ =	task [dreg:s6], $0x5FFFF  }
0xac: {  	[dreg:$0x1] =	wrdreg $0xFFFFFFFF  }
0xad: {  	[dreg:$0x0] =	wrdreg $0x60  }
0xae: {  	[dreg:$0x2] =	wrdreg s24  }
0xaf: {  	[dreg:$0x3] =	wrdreg $0x9  }
0xb0: {  	_ =	task.clear_ibuf [dreg:s6], $0x4FFFF;
	_ =	strace $0x90000046  }
0xb1: {  	s29 =	simm.s32 $0x9;
	_ =	strace $0x80000048  }
0xb2: {  	_ =	swait.ge [sflag:s29], $0x1  }
0xb3: {  	[sflag:s29] =	ssyncadd.s32 $0xFFFFFFFF  }
0xb4: {  	_ =	strace $0x90000048  }
0xb5: {  	_ =	sfence  }
0xb6: {  	s30 =	sld [smem:$0x0];
	_ =	sdelay $0x2  }
0xb7: {  	s31 =	sshll.u32 s1, $0xD;
	s1 =	sshrl.u32 s1, $0x2  }
0xb8: {  	s3 =	sand.u32 $0x4000, s31;
	s1 =	sadd.s32 s1, s30  }
0xb9: {  	s0 =	sor.u32 s3, s0;
	s1 =	sshll.u32 s1, $0x11  }
0xba: {  	s0 =	sor.u32 s1, s0  }
0xbb: {  	s0 =	sadd.s32 $0x8F2B, s0  }
0xbc: {  	[sflag:s0] =	ssyncadd.remote.s32 $0x1  }
0xbd: {  	_ =	sfence.sel $0xFFFF  }
0xbe: {  	[dreg:$0x0] =	wrdreg $0xFFFFFFFF;
	(pc) =	sbr.abs _section_cstart, $3  }
0xbf: {  	[dreg:$0x1] =	wrdreg $0xFFFFFFFF  }
0xc0: {  	_ =	task.clear_ibuf [dreg:s6], $0x2FFFF;
	_ =	strace $0x9FFFFFFF  }
0xc1: {  	(tm) =	ssettm $0x7FFFFFFF  }
tec
execute0_lowered:
.L_overlay_start_1:
0x0: {  	(tag) =	ssettag $0x1  }
0x1: {  	s1 =	srdreg.scid  }
0x2: {  	s0 =	stileid.u32;
	s14 =	sand.u32 $0x1, s1  }
0x3: {  	s8 =	rddreg [dreg:$0x0];
	s3 =	sshll.u32 s0, $0xC;
	s4 =	sshll.u32 s14, $0xB  }
0x4: {  	s2 =	simm.s32 $0x0;
	s1 =	rddreg [dreg:$0x1];
	s13 =	sor.u32 s4, s3  }
0x5: {  	[smem:$0x7FF] =	sst s2;
	s15 =	sadd.s32 $0x1E00, s8;
	s3 =	sshrl.u32 s13, $0x3  }
0x6: {  	_ =	strace $0x80000047;
	s4 =	sadd.s32 s15, s3;
	s3 =	simm.s32 $0x2  }
0x7: {  	[tilespmem:s2], [sflag:$0x2] =	stream.linear.gather [hbm4b:s4+s2], $0x200, $0x38;
	[tilespmem:$0x10200] =	vst v63  }
0x8: {  	_ =	swait.ge [sflag:s3], $0x200  }
0x9: {  	s6 =	simm.s32 $0x200;
	[sflag:s3] =	ssyncset.done $0x0  }
0xa: {  	s7 =	simm.s32 $0x1;
	s5 =	sadd.s32 $0x3E00, s8;
	[sflag:s3] =	ssyncadd.s32 $0xFFFFFE00  }
0xb: {  	[tilespmem:s6], [sflag:$0x1] =	stream.indirect.gather [hbm4b:s5+s6], $0x80, s2, s6, $0xb8;
	[tilespmem:$0x10200] =	vst v63  }
0xc: {  	_ =	swait.ge [sflag:s7], $0x10000  }
0xd: {  	s16 =	sadd.s32 $0x13E00, s8;
	s29 =	sshll.u32 s13, $0x4;
	[sflag:s7] =	ssyncset.done $0x0  }
0xe: {  	s8 =	sadd.s32 s16, s29;
	[sflag:s7] =	ssyncadd.s32 $0xFFFF0000  }
0xf: {  	[hbm4b:s8+s2] =	stream.linear.scatter [tilespmem:s6], [sflag:$0x2], $0x10000, $0x38;
	[tilespmem:$0x10200] =	vst v63  }
0x10: {  	s10 =	sor.u32 $0x200, s13;
	_ =	swait.ge [sflag:s3], $0x10000  }
0x11: {  	s9 =	sshrl.u32 s10, $0x3;
	[sflag:s3] =	ssyncset.done $0x0  }
0x12: {  	s9 =	sadd.s32 s15, s9;
	[sflag:s3] =	ssyncadd.s32 $0xFFFF0000  }
0x13: {  	[tilespmem:s2], [sflag:$0x2] =	stream.linear.gather [hbm4b:s9+s2], $0x200, $0x38;
	[tilespmem:$0x10200] =	vst v63  }
0x14: {  	_ =	swait.ge [sflag:s3], $0x200  }
0x15: {  	[sflag:s3] =	ssyncset.done $0x0  }
0x16: {  	[sflag:s3] =	ssyncadd.s32 $0xFFFFFE00  }
0x17: {  	[tilespmem:s6], [sflag:$0x1] =	stream.indirect.gather [hbm4b:s5+s6], $0x80, s2, s6, $0xb8;
	[tilespmem:$0x10200] =	vst v63  }
0x18: {  	_ =	swait.ge [sflag:s7], $0x10000  }
0x19: {  	s10 =	sshll.u32 s10, $0x4;
	[sflag:s7] =	ssyncset.done $0x0  }
0x1a: {  	s10 =	sadd.s32 s16, s10;
	[sflag:s7] =	ssyncadd.s32 $0xFFFF0000  }
0x1b: {  	[hbm4b:s10+s2] =	stream.linear.scatter [tilespmem:s6], [sflag:$0x2], $0x10000, $0x38;
	[tilespmem:$0x10200] =	vst v63  }
0x1c: {  	s12 =	sor.u32 $0x400, s13;
	_ =	swait.ge [sflag:s3], $0x10000  }
0x1d: {  	s11 =	sshrl.u32 s12, $0x3;
	[sflag:s3] =	ssyncset.done $0x0  }
0x1e: {  	s11 =	sadd.s32 s15, s11;
	[sflag:s3] =	ssyncadd.s32 $0xFFFF0000  }
0x1f: {  	[tilespmem:s2], [sflag:$0x2] =	stream.linear.gather [hbm4b:s11+s2], $0x200, $0x38;
	[tilespmem:$0x10200] =	vst v63  }
0x20: {  	_ =	swait.ge [sflag:s3], $0x200  }
0x21: {  	[sflag:s3] =	ssyncset.done $0x0  }
0x22: {  	[sflag:s3] =	ssyncadd.s32 $0xFFFFFE00  }
0x23: {  	[tilespmem:s6], [sflag:$0x1] =	stream.indirect.gather [hbm4b:s5+s6], $0x80, s2, s6, $0xb8;
	[tilespmem:$0x10200] =	vst v63  }
0x24: {  	_ =	swait.ge [sflag:s7], $0x10000  }
0x25: {  	s12 =	sshll.u32 s12, $0x4;
	[sflag:s7] =	ssyncset.done $0x0  }
0x26: {  	s12 =	sadd.s32 s16, s12;
	[sflag:s7] =	ssyncadd.s32 $0xFFFF0000  }
0x27: {  	[hbm4b:s12+s2] =	stream.linear.scatter [tilespmem:s6], [sflag:$0x2], $0x10000, $0x38;
	[tilespmem:$0x10200] =	vst v63  }
0x28: {  	s17 =	sor.u32 $0x600, s13;
	_ =	swait.ge [sflag:s3], $0x10000  }
0x29: {  	s13 =	sshrl.u32 s17, $0x3;
	[sflag:s3] =	ssyncset.done $0x0  }
0x2a: {  	s14 =	ssub.s32 $0x2, s14;
	s13 =	sadd.s32 s15, s13;
	[sflag:s3] =	ssyncadd.s32 $0xFFFF0000  }
0x2b: {  	[tilespmem:s2], [sflag:$0x2] =	stream.linear.gather [hbm4b:s13+s2], $0x200, $0x38;
	[tilespmem:$0x10200] =	vst v63  }
0x2c: {  	s30 =	sshrl.u32 s14, $0x1;
	_ =	swait.ge [sflag:s3], $0x200  }
0x2d: {  	s15 =	ssub.s32 s14, s30;
	[sflag:s3] =	ssyncset.done $0x0  }
0x2e: {  	s15 =	smax.u32 s15, $0x1;
	[sflag:s3] =	ssyncadd.s32 $0xFFFFFE00  }
0x2f: {  	[tilespmem:s6], [sflag:$0x1] =	stream.indirect.gather [hbm4b:s5+s6], $0x80, s2, s6, $0xb8;
	[tilespmem:$0x10200] =	vst v63  }
0x30: {  	p0 =	sne.s32 s15, $0x1;
	_ =	swait.ge [sflag:s7], $0x10000  }
.Ltmp0:
0x31: {  	s31 =	sshll.u32 s17, $0x4;
	[sflag:s7] =	ssyncset.done $0x0;
	(pc) =	sbr.rel @!p0 .LBB2_2-.Ltmp0, $4  }
0x32: {  	s14 =	sadd.s32 s16, s31;
	[sflag:s7] =	ssyncadd.s32 $0xFFFF0000  }
0x33: {  	[hbm4b:s14+s2] =	stream.linear.scatter [tilespmem:s6], [sflag:$0x2], $0x10000, $0x38;
	[tilespmem:$0x10200] =	vst v63  }
0x34: {  	_ =	swait.ge [sflag:s3], $0x10000  }
0x35: {  	s15 =	sadd.s32 $0xFFFFFFFF, s15;
	[sflag:s3] =	ssyncset.done $0x0  }
.LBB2_1:
0x36: {  	p0 =	sne.s32 s15, $0x1;
	s15 =	sadd.s32 $0xFFFFFFFF, s15;
	[sflag:s3] =	ssyncadd.s32 $0xFFFF0000  }
0x37: {  	[tilespmem:s2], [sflag:$0x2] =	stream.linear.gather [hbm4b:s4+s2], $0x200, $0x38;
	[tilespmem:$0x10200] =	vst v63  }
0x38: {  	_ =	swait.ge [sflag:s3], $0x200  }
0x39: {  	[sflag:s3] =	ssyncset.done $0x0  }
0x3a: {  	[sflag:s3] =	ssyncadd.s32 $0xFFFFFE00  }
0x3b: {  	[tilespmem:s6], [sflag:$0x1] =	stream.indirect.gather [hbm4b:s5+s6], $0x80, s2, s6, $0xb8;
	[tilespmem:$0x10200] =	vst v63  }
0x3c: {  	_ =	swait.ge [sflag:s7], $0x10000  }
0x3d: {  	[sflag:s7] =	ssyncset.done $0x0  }
0x3e: {  	[sflag:s7] =	ssyncadd.s32 $0xFFFF0000  }
0x3f: {  	[hbm4b:s8+s2] =	stream.linear.scatter [tilespmem:s6], [sflag:$0x2], $0x10000, $0x38;
	[tilespmem:$0x10200] =	vst v63  }
0x40: {  	_ =	swait.ge [sflag:s3], $0x10000  }
0x41: {  	[sflag:s3] =	ssyncset.done $0x0  }
0x42: {  	[sflag:s3] =	ssyncadd.s32 $0xFFFF0000  }
0x43: {  	[tilespmem:s2], [sflag:$0x2] =	stream.linear.gather [hbm4b:s9+s2], $0x200, $0x38;
	[tilespmem:$0x10200] =	vst v63  }
0x44: {  	_ =	swait.ge [sflag:s3], $0x200  }
0x45: {  	[sflag:s3] =	ssyncset.done $0x0  }
0x46: {  	[sflag:s3] =	ssyncadd.s32 $0xFFFFFE00  }
0x47: {  	[tilespmem:s6], [sflag:$0x1] =	stream.indirect.gather [hbm4b:s5+s6], $0x80, s2, s6, $0xb8;
	[tilespmem:$0x10200] =	vst v63  }
0x48: {  	_ =	swait.ge [sflag:s7], $0x10000  }
0x49: {  	[sflag:s7] =	ssyncset.done $0x0  }
0x4a: {  	[sflag:s7] =	ssyncadd.s32 $0xFFFF0000  }
0x4b: {  	[hbm4b:s10+s2] =	stream.linear.scatter [tilespmem:s6], [sflag:$0x2], $0x10000, $0x38;
	[tilespmem:$0x10200] =	vst v63  }
0x4c: {  	_ =	swait.ge [sflag:s3], $0x10000  }
0x4d: {  	[sflag:s3] =	ssyncset.done $0x0  }
0x4e: {  	[sflag:s3] =	ssyncadd.s32 $0xFFFF0000  }
0x4f: {  	[tilespmem:s2], [sflag:$0x2] =	stream.linear.gather [hbm4b:s11+s2], $0x200, $0x38;
	[tilespmem:$0x10200] =	vst v63  }
0x50: {  	_ =	swait.ge [sflag:s3], $0x200  }
0x51: {  	[sflag:s3] =	ssyncset.done $0x0  }
0x52: {  	[sflag:s3] =	ssyncadd.s32 $0xFFFFFE00  }
0x53: {  	[tilespmem:s6], [sflag:$0x1] =	stream.indirect.gather [hbm4b:s5+s6], $0x80, s2, s6, $0xb8;
	[tilespmem:$0x10200] =	vst v63  }
0x54: {  	_ =	swait.ge [sflag:s7], $0x10000  }
0x55: {  	[sflag:s7] =	ssyncset.done $0x0  }
0x56: {  	[sflag:s7] =	ssyncadd.s32 $0xFFFF0000  }
0x57: {  	[hbm4b:s12+s2] =	stream.linear.scatter [tilespmem:s6], [sflag:$0x2], $0x10000, $0x38;
	[tilespmem:$0x10200] =	vst v63  }
0x58: {  	_ =	swait.ge [sflag:s3], $0x10000  }
0x59: {  	[sflag:s3] =	ssyncset.done $0x0  }
0x5a: {  	[sflag:s3] =	ssyncadd.s32 $0xFFFF0000  }
0x5b: {  	[tilespmem:s2], [sflag:$0x2] =	stream.linear.gather [hbm4b:s13+s2], $0x200, $0x38;
	[tilespmem:$0x10200] =	vst v63  }
0x5c: {  	_ =	swait.ge [sflag:s3], $0x200  }
0x5d: {  	[sflag:s3] =	ssyncset.done $0x0  }
0x5e: {  	[sflag:s3] =	ssyncadd.s32 $0xFFFFFE00  }
0x5f: {  	[tilespmem:s6], [sflag:$0x1] =	stream.indirect.gather [hbm4b:s5+s6], $0x80, s2, s6, $0xb8;
	[tilespmem:$0x10200] =	vst v63  }
0x60: {  	_ =	swait.ge [sflag:s7], $0x10000  }
.Ltmp1:
0x61: {  	[sflag:s7] =	ssyncset.done $0x0;
	(pc) =	sbr.rel @p0 .LBB2_1-.Ltmp1, $4  }
0x62: {  	[sflag:s7] =	ssyncadd.s32 $0xFFFF0000  }
0x63: {  	[hbm4b:s14+s2] =	stream.linear.scatter [tilespmem:s6], [sflag:$0x2], $0x10000, $0x38;
	[tilespmem:$0x10200] =	vst v63  }
0x64: {  	_ =	swait.ge [sflag:s3], $0x10000  }
0x65: {  	[sflag:s3] =	ssyncset.done $0x0  }
.LBB2_2:
0x66: {  	[sflag:s3] =	ssyncadd.s32 $0xFFFF0000  }
0x67: {  	_ =	sfence.sel $0x180000  }
0x68: {  	[bflag:$0x0] =	sbarrier.arrive $0xFFFF  }
0x69: {  	p0 =	sne.s32 s0, $0x0;
	_ =	strace $0x90000047  }
0x6a: {  	s0 =	sadd.s32 @!p0 $0x100000, s1;
	[bflag:$0x2] =	sbarrier.arrive $0xFFFF  }
0x6b: {  	[sflag:s0] =	ssyncadd.tile.s32 @!p0 $0x1;
	_ =	shalt  }
.Lfunc_end2:
_tile_overlayer_lowered:
.L_overlay_start_2:
0x6c: {  	(tag) =	ssettag $0x2  }
0x6d: {  	s0 =	rddreg [dreg:$0x0];
	s2 =	stileid.u32  }
0x6e: {  	s1 =	rddreg [dreg:$0x1];
	p0 =	sne.s32 s2, $0x0  }
0x6f: {  	s3 =	rddreg [dreg:$0x2];
	[bflag:$0x3] =	sbarrier.arrive $0xFFFF;
	s2 =	simm.s32 @!p0 $0x1C02  }
0x70: {  	[timem:s3], [sflag:s2] =	dma.local @!p0 [hbm:s0], s1  }
0x71: {  	s0 =	simm.s32 @!p0 $0x2  }
0x72: {  	_ =	swait.ge @!p0 [sflag:s0], s1  }
0x73: {  	s1 =	ssub.s32 @!p0 $0x0, s1;
	[sflag:s0] =	ssyncset.done @!p0 $0x0  }
0x74: {  	[sflag:s0] =	ssyncadd.s32 @!p0 s1  }
0x75: {  	[bflag:$0x3] =	sbarrier.arrive $0xFFFF  }
0x76: {  	_ =	shalt  }

// kernel: kernel.30.cloned.1.call-start
scs
__scs_entry_jumppad:
0x0: {  	(pc) =	sbr.rel $0x88, $3  }
0x1: {  	(tag) =	ssettag $0x0;
	lr =	simm.s32 $0x1  }
0x2: {  	[smem:$0x3F90] =	sst lr;
	_ =	strace $0xD0000000  }
0x3: {  	_ = 	snop  }
0x4: {  	_ = 	snop  }
0x5: {  	_ = 	snop  }
0x6: {  	_ = 	snop  }
0x7: {  	_ = 	snop  }
__scs_overlays_trampoline_lowered:
0x8: {  	[smem:$0x3F9F] =	sst s0  }
0x9: {  	[smem:$0x3FA0] =	sst s1  }
0xa: {  	[smem:$0x3FA1] =	sst s2  }
0xb: {  	[smem:$0x3FA2] =	sst s3  }
0xc: {  	[smem:$0x3FA3] =	sst s4  }
0xd: {  	[smem:$0x3FA4] =	sst s5  }
0xe: {  	[smem:$0x3FA5] =	sst s6  }
0xf: {  	[smem:$0x3FA6] =	sst s7  }
0x10: {  	[smem:$0x3FA7] =	sst s8  }
0x11: {  	[smem:$0x3FA8] =	sst s9;
	s0 =	simm.s32 @!p0 $0x0  }
0x12: {  	s1 =	sld [smem:$0x3F8E];
	s0 =	simm.s32 @p0 $0x1  }
0x13: {  	[smem:$0x3FA9] =	sst s0;
	s0 =	simm.s32 @!p1 $0x0  }
0x14: {  	s2 =	sld [smem:$0x3F8D];
	s0 =	simm.s32 @p1 $0x1  }
0x15: {  	[smem:$0x3FAA] =	sst s0;
	s0 =	simm.s32 @!p2 $0x0  }
0x16: {  	s3 =	sld [smem:$0x3FDB];
	s0 =	simm.s32 @p2 $0x1  }
0x17: {  	s4 =	simm.s32 $0x1BF5;
	[smem:$0x3FAC] =	sst s0  }
0x18: {  	s0 =	sld [smem:$0x3F8F];
	_ =	swait.ge [sflag:s4], $0x0  }
0x19: {  	s7 =	sld [smem:$0x3F90]  }
0x1a: {  	s8 =	sadd.s32 $0xFFFFE003, lr  }
0x1b: {  	s9 =	sadd.s32 $0xFFFFFEF7, lr;
	s5 =	simm.s32 $0xFFFFFFFF;
	p2 =	slt.u32 s8, $0xFFFFF086  }
0x1c: {  	p1 =	slt.u32 s9, $0xF7A;
	s5 =	simm.s32 @!p2 $0x0  }
0x1d: {  	s5 =	simm.s32 @p1 $0x1;
	p0 =	seq.s32 s7, s2  }
0x1e: {  	s7 =	smul.u32 @!p0 $0xF7A, s2;
	p2 =	seq.s32 @!p0 s5, $0x0  }
0x1f: {  	s9 =	smul.u32 $0xF7A, s1;
	s8 =	simm.s32 @!p0 $0x1BF5;
	p2 =	por !p2, p0  }
0x20: {  	[sflag:s8] =	ssyncset.s32 @!p0 $0xFFFFF086;
	s6 =	sadd.s32 @!p0 s3, s7;
	s7 =	simm.s32 @!p0 $0x108  }
0x21: {  	s3 =	sadd.s32 s3, s9;
	s6 =	sadd.s32 @!p0 $0x88, s6;
	s7 =	simm.s32 @p2 $0x1082  }
0x22: {  	[simem:s7], [sflag:s8] =	dma.local @!p0 [hbm:s6], $0xF7A  }
0x23: {  	s9 =	sor.u32 $0xD0000000, s2;
	s6 =	simm.s32 $0x108;
	_ =	swait.ge @!p0 [sflag:s8], $0x0  }
0x24: {  	s3 =	sadd.s32 $0x88, s3;
	s6 =	simm.s32 @!p1 $0x1082;
	[sflag:s4] =	ssyncset.s32 $0xFFFFF086  }
0x25: {  	[simem:s6], [sflag:s4] =	dma.local [hbm:s3], $0xF7A  }
0x26: {  	[smem:$0x3F90] =	sst s1;
	(tag) =	ssettag s2;
	_ =	strace s9  }
0x27: {  	s1 =	sld [smem:$0x3FA0]  }
0x28: {  	s2 =	sld [smem:$0x3FA1]  }
0x29: {  	s4 =	sld [smem:$0x3FA3]  }
0x2a: {  	p0 =	seq.s32 s5, $0x0;
	s5 =	sld [smem:$0x3FA4]  }
0x2b: {  	s6 =	sld [smem:$0x3FA5]  }
0x2c: {  	s7 =	sld [smem:$0x3FA6]  }
0x2d: {  	s3 =	simm.s32 $0x108;
	s8 =	sld [smem:$0x3FA7]  }
0x2e: {  	s3 =	simm.s32 @!p0 $0x1082;
	s9 =	sld [smem:$0x3FA8]  }
0x2f: {  	lr =	sadd.s32 s0, s3;
	s0 =	sld [smem:$0x3F9F]  }
0x30: {  	s3 =	sld [smem:$0x3FA2]  }
0x31: {  	[smem:$0x3FAB] =	sst s10  }
0x32: {  	s10 =	sld [smem:$0x3FA9];
	_ =	sdelay $0x3  }
0x33: {  	p0 =	seq.s32 s10, $0x1;
	s10 =	sld [smem:$0x3FAB];
	_ =	sdelay $0x3  }
0x34: {  	[smem:$0x3FAB] =	sst s10  }
0x35: {  	s10 =	sld [smem:$0x3FAA];
	_ =	sdelay $0x3  }
0x36: {  	p1 =	seq.s32 s10, $0x1;
	s10 =	sld [smem:$0x3FAB];
	_ =	sdelay $0x3  }
0x37: {  	[smem:$0x3FAB] =	sst s10  }
0x38: {  	s10 =	sld [smem:$0x3FAC]  }
0x39: {  	_ = 	snop;
	(pc) =	sbr.ind lr, $3  }
0x3a: {  	_ = 	snop  }
0x3b: {  	_ = 	snop  }
0x3c: {  	p2 =	seq.s32 s10, $0x1;
	s10 =	sld [smem:$0x3FAB]  }
0x3d: {  	_ =	shalt  }
0x3e: {  	_ =	shalt  }
0x3f: {  	_ =	shalt  }
0x40: {  	_ =	shalt  }
0x41: {  	_ =	shalt  }
0x42: {  	_ =	shalt  }
0x43: {  	_ =	shalt  }
0x44: {  	_ =	shalt  }
0x45: {  	_ =	shalt  }
0x46: {  	_ =	shalt  }
0x47: {  	_ =	shalt  }
0x48: {  	_ =	shalt  }
0x49: {  	_ =	shalt  }
0x4a: {  	_ =	shalt  }
0x4b: {  	_ =	shalt  }
0x4c: {  	_ =	shalt  }
0x4d: {  	_ =	shalt  }
0x4e: {  	_ =	shalt  }
0x4f: {  	_ =	shalt  }
0x50: {  	_ =	shalt  }
0x51: {  	_ =	shalt  }
0x52: {  	_ =	shalt  }
0x53: {  	_ =	shalt  }
0x54: {  	_ =	shalt  }
0x55: {  	_ =	shalt  }
0x56: {  	_ =	shalt  }
0x57: {  	_ =	shalt  }
0x58: {  	_ =	shalt  }
0x59: {  	_ =	shalt  }
0x5a: {  	_ =	shalt  }
0x5b: {  	_ =	shalt  }
0x5c: {  	_ =	shalt  }
0x5d: {  	_ =	shalt  }
0x5e: {  	_ =	shalt  }
0x5f: {  	_ =	shalt  }
0x60: {  	_ =	shalt  }
0x61: {  	_ =	shalt  }
0x62: {  	_ =	shalt  }
0x63: {  	_ =	shalt  }
0x64: {  	_ =	shalt  }
0x65: {  	_ =	shalt  }
0x66: {  	_ =	shalt  }
0x67: {  	_ =	shalt  }
0x68: {  	_ =	shalt  }
0x69: {  	_ =	shalt  }
0x6a: {  	_ =	shalt  }
0x6b: {  	_ =	shalt  }
0x6c: {  	_ =	shalt  }
0x6d: {  	_ =	shalt  }
0x6e: {  	_ =	shalt  }
0x6f: {  	_ =	shalt  }
0x70: {  	_ =	shalt  }
0x71: {  	_ =	shalt  }
0x72: {  	_ =	shalt  }
0x73: {  	_ =	shalt  }
0x74: {  	_ =	shalt  }
0x75: {  	_ =	shalt  }
0x76: {  	_ =	shalt  }
0x77: {  	_ =	shalt  }
0x78: {  	_ =	shalt  }
0x79: {  	_ =	shalt  }
0x7a: {  	_ =	shalt  }
0x7b: {  	_ =	shalt  }
0x7c: {  	_ =	shalt  }
0x7d: {  	_ =	shalt  }
0x7e: {  	_ =	shalt  }
0x7f: {  	_ =	shalt  }
0x80: {  	_ =	shalt  }
0x81: {  	_ =	shalt  }
0x82: {  	_ =	shalt  }
0x83: {  	_ =	shalt  }
0x84: {  	_ =	shalt  }
0x85: {  	_ =	shalt  }
0x86: {  	_ =	shalt  }
0x87: {  	_ =	shalt  }
.Lfunc_end0:
.L_simem_size_0:
called_computation.1_lowered:
.L_overlay_start_0:
0x88: {  	s2 =	sld [smem:$0x3FD9]  }
0x89: {  	s3 =	sld [smem:$0x3FFE];
	_ =	sdelay $0x1  }
0x8a: {  	s1 =	srdreg.scid  }
0x8b: {  	s0 =	sand.u32 $0x1, s1  }
0x8c: {  	s17 =	sshll.u32 s0, $0xA;
	s2 =	sadd.s32 s3, s2  }
0x8d: {  	s2 =	sadd.s32 s2, s17  }
0x8e: {  	[smem:$0x3FB7] =	sst s2  }
0x8f: {  	_ = 	snop  }
0x90: {  	(tm) =	ssettm $0x1  }
0x91: {  	s18 =	sld [smem:$0x3FFB];
	_ =	sdelay $0x3  }
0x92: {  	_ =	strace s18  }
0x93: {  	s2 =	sld [smem:$0x3FFC];
	_ =	sdelay $0x3  }
0x94: {  	_ =	strace s2  }
0x95: {  	s2 =	sld [smem:$0x3FFD];
	_ =	sdelay $0x3  }
0x96: {  	_ =	strace s2  }
0x97: {  	_ =	strace $0x8FFFFFFF  }
0x98: {  	s19 =	sld [smem:$0x3FDB];
	_ =	sdelay $0x1  }
0x99: {  	s20 =	simm.s32 $_scs_section_size  }
0x9a: {  	s4 =	simm.s32 $_size__tile_overlayer_lowered;
	s5 =	simm.s32 $_tile_overlayer_lowered  }
0x9b: {  	s6 =	simm.s32 $0x1BFF;
	s21 =	sshll.u32 s5, $0x1;
	s3 =	sadd.s32 s20, s19  }
0x9c: {  	s22 =	simm.s32 $0x0;
	s4 =	sshll.u32 s4, $0x1;
	s5 =	sadd.s32 s21, s3  }
0x9d: {  	[timem:s22], [sflag:s6] =	dma.local [hbm:s5], s4  }
0x9e: {  	_ =	swait.ge [sflag:s6], s4  }
0x9f: {  	s4 =	ssub.s32 $0x0, s4;
	[sflag:s6] =	ssyncset.done $0x0  }
0xa0: {  	[sflag:s6] =	ssyncadd.s32 s4;
	_ =	sdelay $0x1  }
0xa1: {  	s23 =	simm.s32 $0x1B8B  }
0xa2: {  	_ =	swait.ge [sflag:s23], $0x1  }
0xa3: {  	[sflag:s23] =	ssyncset.done $0x0  }
0xa4: {  	[sflag:s23] =	ssyncadd.s32 $0xFFFFFFFF  }
0xa5: {  	s4 =	sld [smem:$0x0]  }
0xa6: {  	s5 =	sand.u32 $0xFFFFFFFE, s1  }
0xa7: {  	p0 =	sne.s32 s1, s5  }
0xa8: {  	s5 =	sshll.u32 @p0 s5, $0xE  }
0xa9: {  	s5 =	sadd.s32 @p0 $0x11B8D, s5;
	s6 =	sshll.u32 @p0 s4, $0x11  }
0xaa: {  	s5 =	sor.u32 @p0 s6, s5  }
0xab: {  	[sflag:s5] =	ssyncadd.remote.s32 @p0 $0x1;
	_ =	sdelay $0x1  }
0xac: {  	s5 =	simm.s32 @p0 $0x1B8D  }
0xad: {  	_ =	swait.eq @p0 [sflag:s5], $0x1  }
0xae: {  	[sflag:s5] =	ssyncadd.s32 @p0 $0xFFFFFFFF  }
0xaf: {  	s6 =	sshll.u32 @!p0 s1, $0xE  }
0xb0: {  	s6 =	sor.u32 @!p0 $0x4000, s6;
	s5 =	simm.s32 @!p0 $0x1B8D  }
0xb1: {  	s4 =	sshll.u32 @!p0 s4, $0x11;
	s6 =	sadd.s32 @!p0 $0x11B8D, s6;
	_ =	swait.eq @!p0 [sflag:s5], $0x1  }
0xb2: {  	s4 =	sor.u32 @!p0 s4, s6;
	[sflag:s5] =	ssyncadd.s32 @!p0 $0xFFFFFFFF  }
0xb3: {  	s25 =	simm.s32 $0x1B8E;
	s24 =	sld [smem:$0x3FFE];
	[sflag:s4] =	ssyncadd.remote.s32 @!p0 $0x1  }
0xb4: {  	s26 =	simm.s32 $execute0_lowered;
	[smem:$0x3FD2] =	sst s25  }
0xb5: {  	s5 =	sshll.u32 s26, $0x1;
	_ =	strace $0x8000004C;
	[dreg:$0x1] =	wrdreg $0xFFFFFFFF  }
0xb6: {  	s28 =	simm.s32 $_size_execute0_lowered;
	s3 =	sadd.s32 s3, s5;
	[dreg:$0x0] =	wrdreg $0x0  }
0xb7: {  	s5 =	sshll.u32 s28, $0x1;
	[dreg:$0x2] =	wrdreg s3  }
0xb8: {  	[dreg:$0x3] =	wrdreg s5  }
0xb9: {  	[dreg:$0x4] =	wrdreg $0xC0  }
0xba: {  	_ =	task [dreg:s22], $0x5FFFF  }
0xbb: {  	[dreg:$0x1] =	wrdreg $0xFFFFFFFF  }
0xbc: {  	[dreg:$0x0] =	wrdreg $0x60  }
0xbd: {  	[dreg:$0x2] =	wrdreg s24  }
0xbe: {  	[dreg:$0x3] =	wrdreg $0x9  }
0xbf: {  	_ =	task.clear_ibuf [dreg:s22], $0x4FFFF;
	_ =	strace $0x9000004C  }
0xc0: {  	s29 =	simm.s32 $0x9;
	_ =	strace $0x8000004E  }
0xc1: {  	_ =	swait.ge [sflag:s29], $0x1  }
0xc2: {  	[sflag:s29] =	ssyncadd.s32 $0xFFFFFFFF  }
0xc3: {  	_ =	strace $0x9000004E  }
0xc4: {  	_ =	sfence  }
0xc5: {  	s30 =	sld [smem:$0x0];
	_ =	sdelay $0x2  }
0xc6: {  	s31 =	sshll.u32 s1, $0xD;
	s1 =	sshrl.u32 s1, $0x2  }
0xc7: {  	s4 =	sand.u32 $0x4000, s31;
	s1 =	sadd.s32 s1, s30  }
0xc8: {  	s0 =	sor.u32 s4, s0;
	s1 =	sshll.u32 s1, $0x11  }
0xc9: {  	s0 =	sor.u32 s1, s0  }
0xca: {  	s0 =	sadd.s32 $0x8F2B, s0  }
0xcb: {  	[sflag:s0] =	ssyncadd.remote.s32 $0x1  }
0xcc: {  	_ =	sfence.sel $0xFFFF  }
0xcd: {  	[dreg:$0x0] =	wrdreg $0xFFFFFFFF;
	(pc) =	sbr.abs _section_cstart, $3  }
0xce: {  	[dreg:$0x1] =	wrdreg $0xFFFFFFFF  }
0xcf: {  	_ =	task.clear_ibuf [dreg:s22], $0x2FFFF;
	_ =	strace $0x9FFFFFFF  }
0xd0: {  	(tm) =	ssettm $0x7FFFFFFF  }
0xd1: {  	_ =	shalt  }
tec
execute0_lowered:
.L_overlay_start_1:
0x0: {  	(tag) =	ssettag $0x1  }
0x1: {  	s1 =	srdreg.scid  }
0x2: {  	s0 =	stileid.u32;
	s14 =	sand.u32 $0x1, s1  }
0x3: {  	s8 =	rddreg [dreg:$0x0];
	s3 =	sshll.u32 s0, $0xC;
	s4 =	sshll.u32 s14, $0xB  }
0x4: {  	s2 =	simm.s32 $0x0;
	s1 =	rddreg [dreg:$0x1];
	s13 =	sor.u32 s4, s3  }
0x5: {  	[smem:$0x7FF] =	sst s2;
	s15 =	sadd.s32 $0x11E00, s8;
	s3 =	sshrl.u32 s13, $0x3  }
0x6: {  	_ =	strace $0x8000004D;
	s4 =	sadd.s32 s15, s3;
	s3 =	simm.s32 $0x2  }
0x7: {  	[tilespmem:s2], [sflag:$0x2] =	stream.linear.gather [hbm4b:s4+s2], $0x200, $0x38;
	[tilespmem:$0x10200] =	vst v63  }
0x8: {  	_ =	swait.ge [sflag:s3], $0x200  }
0x9: {  	s6 =	simm.s32 $0x200;
	[sflag:s3] =	ssyncset.done $0x0  }
0xa: {  	s7 =	simm.s32 $0x1;
	s5 =	sadd.s32 $0x13E00, s8;
	[sflag:s3] =	ssyncadd.s32 $0xFFFFFE00  }
0xb: {  	[tilespmem:s6], [sflag:$0x1] =	stream.indirect.gather [hbm4b:s5+s6], $0x80, s2, s6, $0xb8;
	[tilespmem:$0x10200] =	vst v63  }
0xc: {  	_ =	swait.ge [sflag:s7], $0x10000  }
0xd: {  	s16 =	sadd.s32 $0x223E00, s8;
	s29 =	sshll.u32 s13, $0x4;
	[sflag:s7] =	ssyncset.done $0x0  }
0xe: {  	s8 =	sadd.s32 s16, s29;
	[sflag:s7] =	ssyncadd.s32 $0xFFFF0000  }
0xf: {  	[hbm4b:s8+s2] =	stream.linear.scatter [tilespmem:s6], [sflag:$0x2], $0x10000, $0x38;
	[tilespmem:$0x10200] =	vst v63  }
0x10: {  	s10 =	sor.u32 $0x200, s13;
	_ =	swait.ge [sflag:s3], $0x10000  }
0x11: {  	s9 =	sshrl.u32 s10, $0x3;
	[sflag:s3] =	ssyncset.done $0x0  }
0x12: {  	s9 =	sadd.s32 s15, s9;
	[sflag:s3] =	ssyncadd.s32 $0xFFFF0000  }
0x13: {  	[tilespmem:s2], [sflag:$0x2] =	stream.linear.gather [hbm4b:s9+s2], $0x200, $0x38;
	[tilespmem:$0x10200] =	vst v63  }
0x14: {  	_ =	swait.ge [sflag:s3], $0x200  }
0x15: {  	[sflag:s3] =	ssyncset.done $0x0  }
0x16: {  	[sflag:s3] =	ssyncadd.s32 $0xFFFFFE00  }
0x17: {  	[tilespmem:s6], [sflag:$0x1] =	stream.indirect.gather [hbm4b:s5+s6], $0x80, s2, s6, $0xb8;
	[tilespmem:$0x10200] =	vst v63  }
0x18: {  	_ =	swait.ge [sflag:s7], $0x10000  }
0x19: {  	s10 =	sshll.u32 s10, $0x4;
	[sflag:s7] =	ssyncset.done $0x0  }
0x1a: {  	s10 =	sadd.s32 s16, s10;
	[sflag:s7] =	ssyncadd.s32 $0xFFFF0000  }
0x1b: {  	[hbm4b:s10+s2] =	stream.linear.scatter [tilespmem:s6], [sflag:$0x2], $0x10000, $0x38;
	[tilespmem:$0x10200] =	vst v63  }
0x1c: {  	s12 =	sor.u32 $0x400, s13;
	_ =	swait.ge [sflag:s3], $0x10000  }
0x1d: {  	s11 =	sshrl.u32 s12, $0x3;
	[sflag:s3] =	ssyncset.done $0x0  }
0x1e: {  	s11 =	sadd.s32 s15, s11;
	[sflag:s3] =	ssyncadd.s32 $0xFFFF0000  }
0x1f: {  	[tilespmem:s2], [sflag:$0x2] =	stream.linear.gather [hbm4b:s11+s2], $0x200, $0x38;
	[tilespmem:$0x10200] =	vst v63  }
0x20: {  	_ =	swait.ge [sflag:s3], $0x200  }
0x21: {  	[sflag:s3] =	ssyncset.done $0x0  }
0x22: {  	[sflag:s3] =	ssyncadd.s32 $0xFFFFFE00  }
0x23: {  	[tilespmem:s6], [sflag:$0x1] =	stream.indirect.gather [hbm4b:s5+s6], $0x80, s2, s6, $0xb8;
	[tilespmem:$0x10200] =	vst v63  }
0x24: {  	_ =	swait.ge [sflag:s7], $0x10000  }
0x25: {  	s12 =	sshll.u32 s12, $0x4;
	[sflag:s7] =	ssyncset.done $0x0  }
0x26: {  	s12 =	sadd.s32 s16, s12;
	[sflag:s7] =	ssyncadd.s32 $0xFFFF0000  }
0x27: {  	[hbm4b:s12+s2] =	stream.linear.scatter [tilespmem:s6], [sflag:$0x2], $0x10000, $0x38;
	[tilespmem:$0x10200] =	vst v63  }
0x28: {  	s17 =	sor.u32 $0x600, s13;
	_ =	swait.ge [sflag:s3], $0x10000  }
0x29: {  	s13 =	sshrl.u32 s17, $0x3;
	[sflag:s3] =	ssyncset.done $0x0  }
0x2a: {  	s14 =	ssub.s32 $0x2, s14;
	s13 =	sadd.s32 s15, s13;
	[sflag:s3] =	ssyncadd.s32 $0xFFFF0000  }
0x2b: {  	[tilespmem:s2], [sflag:$0x2] =	stream.linear.gather [hbm4b:s13+s2], $0x200, $0x38;
	[tilespmem:$0x10200] =	vst v63  }
0x2c: {  	s30 =	sshrl.u32 s14, $0x1;
	_ =	swait.ge [sflag:s3], $0x200  }
0x2d: {  	s15 =	ssub.s32 s14, s30;
	[sflag:s3] =	ssyncset.done $0x0  }
0x2e: {  	s15 =	smax.u32 s15, $0x1;
	[sflag:s3] =	ssyncadd.s32 $0xFFFFFE00  }
0x2f: {  	[tilespmem:s6], [sflag:$0x1] =	stream.indirect.gather [hbm4b:s5+s6], $0x80, s2, s6, $0xb8;
	[tilespmem:$0x10200] =	vst v63  }
0x30: {  	p0 =	sne.s32 s15, $0x1;
	_ =	swait.ge [sflag:s7], $0x10000  }
.Ltmp0:
0x31: {  	s31 =	sshll.u32 s17, $0x4;
	[sflag:s7] =	ssyncset.done $0x0;
	(pc) =	sbr.rel @!p0 .LBB2_2-.Ltmp0, $4  }
0x32: {  	s14 =	sadd.s32 s16, s31;
	[sflag:s7] =	ssyncadd.s32 $0xFFFF0000  }
0x33: {  	[hbm4b:s14+s2] =	stream.linear.scatter [tilespmem:s6], [sflag:$0x2], $0x10000, $0x38;
	[tilespmem:$0x10200] =	vst v63  }
0x34: {  	_ =	swait.ge [sflag:s3], $0x10000  }
0x35: {  	s15 =	sadd.s32 $0xFFFFFFFF, s15;
	[sflag:s3] =	ssyncset.done $0x0  }
.LBB2_1:
0x36: {  	p0 =	sne.s32 s15, $0x1;
	s15 =	sadd.s32 $0xFFFFFFFF, s15;
	[sflag:s3] =	ssyncadd.s32 $0xFFFF0000  }
0x37: {  	[tilespmem:s2], [sflag:$0x2] =	stream.linear.gather [hbm4b:s4+s2], $0x200, $0x38;
	[tilespmem:$0x10200] =	vst v63  }
0x38: {  	_ =	swait.ge [sflag:s3], $0x200  }
0x39: {  	[sflag:s3] =	ssyncset.done $0x0  }
0x3a: {  	[sflag:s3] =	ssyncadd.s32 $0xFFFFFE00  }
0x3b: {  	[tilespmem:s6], [sflag:$0x1] =	stream.indirect.gather [hbm4b:s5+s6], $0x80, s2, s6, $0xb8;
	[tilespmem:$0x10200] =	vst v63  }
0x3c: {  	_ =	swait.ge [sflag:s7], $0x10000  }
0x3d: {  	[sflag:s7] =	ssyncset.done $0x0  }
0x3e: {  	[sflag:s7] =	ssyncadd.s32 $0xFFFF0000  }
0x3f: {  	[hbm4b:s8+s2] =	stream.linear.scatter [tilespmem:s6], [sflag:$0x2], $0x10000, $0x38;
	[tilespmem:$0x10200] =	vst v63  }
0x40: {  	_ =	swait.ge [sflag:s3], $0x10000  }
0x41: {  	[sflag:s3] =	ssyncset.done $0x0  }
0x42: {  	[sflag:s3] =	ssyncadd.s32 $0xFFFF0000  }
0x43: {  	[tilespmem:s2], [sflag:$0x2] =	stream.linear.gather [hbm4b:s9+s2], $0x200, $0x38;
	[tilespmem:$0x10200] =	vst v63  }
0x44: {  	_ =	swait.ge [sflag:s3], $0x200  }
0x45: {  	[sflag:s3] =	ssyncset.done $0x0  }
0x46: {  	[sflag:s3] =	ssyncadd.s32 $0xFFFFFE00  }
0x47: {  	[tilespmem:s6], [sflag:$0x1] =	stream.indirect.gather [hbm4b:s5+s6], $0x80, s2, s6, $0xb8;
	[tilespmem:$0x10200] =	vst v63  }
0x48: {  	_ =	swait.ge [sflag:s7], $0x10000  }
0x49: {  	[sflag:s7] =	ssyncset.done $0x0  }
0x4a: {  	[sflag:s7] =	ssyncadd.s32 $0xFFFF0000  }
0x4b: {  	[hbm4b:s10+s2] =	stream.linear.scatter [tilespmem:s6], [sflag:$0x2], $0x10000, $0x38;
	[tilespmem:$0x10200] =	vst v63  }
0x4c: {  	_ =	swait.ge [sflag:s3], $0x10000  }
0x4d: {  	[sflag:s3] =	ssyncset.done $0x0  }
0x4e: {  	[sflag:s3] =	ssyncadd.s32 $0xFFFF0000  }
0x4f: {  	[tilespmem:s2], [sflag:$0x2] =	stream.linear.gather [hbm4b:s11+s2], $0x200, $0x38;
	[tilespmem:$0x10200] =	vst v63  }
0x50: {  	_ =	swait.ge [sflag:s3], $0x200  }
0x51: {  	[sflag:s3] =	ssyncset.done $0x0  }
0x52: {  	[sflag:s3] =	ssyncadd.s32 $0xFFFFFE00  }
0x53: {  	[tilespmem:s6], [sflag:$0x1] =	stream.indirect.gather [hbm4b:s5+s6], $0x80, s2, s6, $0xb8;
	[tilespmem:$0x10200] =	vst v63  }
0x54: {  	_ =	swait.ge [sflag:s7], $0x10000  }
0x55: {  	[sflag:s7] =	ssyncset.done $0x0  }
0x56: {  	[sflag:s7] =	ssyncadd.s32 $0xFFFF0000  }
0x57: {  	[hbm4b:s12+s2] =	stream.linear.scatter [tilespmem:s6], [sflag:$0x2], $0x10000, $0x38;
	[tilespmem:$0x10200] =	vst v63  }
0x58: {  	_ =	swait.ge [sflag:s3], $0x10000  }
0x59: {  	[sflag:s3] =	ssyncset.done $0x0  }
0x5a: {  	[sflag:s3] =	ssyncadd.s32 $0xFFFF0000  }
0x5b: {  	[tilespmem:s2], [sflag:$0x2] =	stream.linear.gather [hbm4b:s13+s2], $0x200, $0x38;
	[tilespmem:$0x10200] =	vst v63  }
0x5c: {  	_ =	swait.ge [sflag:s3], $0x200  }
0x5d: {  	[sflag:s3] =	ssyncset.done $0x0  }
0x5e: {  	[sflag:s3] =	ssyncadd.s32 $0xFFFFFE00  }
0x5f: {  	[tilespmem:s6], [sflag:$0x1] =	stream.indirect.gather [hbm4b:s5+s6], $0x80, s2, s6, $0xb8;
	[tilespmem:$0x10200] =	vst v63  }
0x60: {  	_ =	swait.ge [sflag:s7], $0x10000  }
.Ltmp1:
0x61: {  	[sflag:s7] =	ssyncset.done $0x0;
	(pc) =	sbr.rel @p0 .LBB2_1-.Ltmp1, $4  }
0x62: {  	[sflag:s7] =	ssyncadd.s32 $0xFFFF0000  }
0x63: {  	[hbm4b:s14+s2] =	stream.linear.scatter [tilespmem:s6], [sflag:$0x2], $0x10000, $0x38;
	[tilespmem:$0x10200] =	vst v63  }
0x64: {  	_ =	swait.ge [sflag:s3], $0x10000  }
0x65: {  	[sflag:s3] =	ssyncset.done $0x0  }
.LBB2_2:
0x66: {  	[sflag:s3] =	ssyncadd.s32 $0xFFFF0000  }
0x67: {  	_ =	sfence.sel $0x180000  }
0x68: {  	[bflag:$0x0] =	sbarrier.arrive $0xFFFF  }
0x69: {  	p0 =	sne.s32 s0, $0x0;
	_ =	strace $0x9000004D  }
0x6a: {  	s0 =	sadd.s32 @!p0 $0x100000, s1;
	[bflag:$0x2] =	sbarrier.arrive $0xFFFF  }
0x6b: {  	[sflag:s0] =	ssyncadd.tile.s32 @!p0 $0x1;
	_ =	shalt  }
.Lfunc_end2:
_tile_overlayer_lowered:
.L_overlay_start_2:
0x6c: {  	(tag) =	ssettag $0x2  }
0x6d: {  	s0 =	rddreg [dreg:$0x0];
	s2 =	stileid.u32  }
0x6e: {  	s1 =	rddreg [dreg:$0x1];
	p0 =	sne.s32 s2, $0x0  }
0x6f: {  	s3 =	rddreg [dreg:$0x2];
	[bflag:$0x3] =	sbarrier.arrive $0xFFFF;
	s2 =	simm.s32 @!p0 $0x1C02  }
0x70: {  	[timem:s3], [sflag:s2] =	dma.local @!p0 [hbm:s0], s1  }
0x71: {  	s0 =	simm.s32 @!p0 $0x2  }
0x72: {  	_ =	swait.ge @!p0 [sflag:s0], s1  }
0x73: {  	s1 =	ssub.s32 @!p0 $0x0, s1;
	[sflag:s0] =	ssyncset.done @!p0 $0x0  }
0x74: {  	[sflag:s0] =	ssyncadd.s32 @!p0 s1  }
0x75: {  	[bflag:$0x3] =	sbarrier.arrive $0xFFFF  }
0x76: {  	_ =	shalt  }

// kernel: kernel.33.cloned.1.call-start
scs
__scs_entry_jumppad:
0x0: {  	(pc) =	sbr.rel $0x88, $3  }
0x1: {  	(tag) =	ssettag $0x0;
	lr =	simm.s32 $0x1  }
0x2: {  	[smem:$0x3F90] =	sst lr;
	_ =	strace $0xD0000000  }
0x3: {  	_ = 	snop  }
0x4: {  	_ = 	snop  }
0x5: {  	_ = 	snop  }
0x6: {  	_ = 	snop  }
0x7: {  	_ = 	snop  }
__scs_overlays_trampoline_lowered:
0x8: {  	[smem:$0x3F9F] =	sst s0  }
0x9: {  	[smem:$0x3FA0] =	sst s1  }
0xa: {  	[smem:$0x3FA1] =	sst s2  }
0xb: {  	[smem:$0x3FA2] =	sst s3  }
0xc: {  	[smem:$0x3FA3] =	sst s4  }
0xd: {  	[smem:$0x3FA4] =	sst s5  }
0xe: {  	[smem:$0x3FA5] =	sst s6  }
0xf: {  	[smem:$0x3FA6] =	sst s7  }
0x10: {  	[smem:$0x3FA7] =	sst s8  }
0x11: {  	[smem:$0x3FA8] =	sst s9;
	s0 =	simm.s32 @!p0 $0x0  }
0x12: {  	s1 =	sld [smem:$0x3F8E];
	s0 =	simm.s32 @p0 $0x1  }
0x13: {  	[smem:$0x3FA9] =	sst s0;
	s0 =	simm.s32 @!p1 $0x0  }
0x14: {  	s2 =	sld [smem:$0x3F8D];
	s0 =	simm.s32 @p1 $0x1  }
0x15: {  	[smem:$0x3FAA] =	sst s0;
	s0 =	simm.s32 @!p2 $0x0  }
0x16: {  	s3 =	sld [smem:$0x3FDB];
	s0 =	simm.s32 @p2 $0x1  }
0x17: {  	s4 =	simm.s32 $0x1BF5;
	[smem:$0x3FAC] =	sst s0  }
0x18: {  	s0 =	sld [smem:$0x3F8F];
	_ =	swait.ge [sflag:s4], $0x0  }
0x19: {  	s7 =	sld [smem:$0x3F90]  }
0x1a: {  	s8 =	sadd.s32 $0xFFFFE003, lr  }
0x1b: {  	s9 =	sadd.s32 $0xFFFFFEF7, lr;
	s5 =	simm.s32 $0xFFFFFFFF;
	p2 =	slt.u32 s8, $0xFFFFF086  }
0x1c: {  	p1 =	slt.u32 s9, $0xF7A;
	s5 =	simm.s32 @!p2 $0x0  }
0x1d: {  	s5 =	simm.s32 @p1 $0x1;
	p0 =	seq.s32 s7, s2  }
0x1e: {  	s7 =	smul.u32 @!p0 $0xF7A, s2;
	p2 =	seq.s32 @!p0 s5, $0x0  }
0x1f: {  	s9 =	smul.u32 $0xF7A, s1;
	s8 =	simm.s32 @!p0 $0x1BF5;
	p2 =	por !p2, p0  }
0x20: {  	[sflag:s8] =	ssyncset.s32 @!p0 $0xFFFFF086;
	s6 =	sadd.s32 @!p0 s3, s7;
	s7 =	simm.s32 @!p0 $0x108  }
0x21: {  	s3 =	sadd.s32 s3, s9;
	s6 =	sadd.s32 @!p0 $0x88, s6;
	s7 =	simm.s32 @p2 $0x1082  }
0x22: {  	[simem:s7], [sflag:s8] =	dma.local @!p0 [hbm:s6], $0xF7A  }
0x23: {  	s9 =	sor.u32 $0xD0000000, s2;
	s6 =	simm.s32 $0x108;
	_ =	swait.ge @!p0 [sflag:s8], $0x0  }
0x24: {  	s3 =	sadd.s32 $0x88, s3;
	s6 =	simm.s32 @!p1 $0x1082;
	[sflag:s4] =	ssyncset.s32 $0xFFFFF086  }
0x25: {  	[simem:s6], [sflag:s4] =	dma.local [hbm:s3], $0xF7A  }
0x26: {  	[smem:$0x3F90] =	sst s1;
	(tag) =	ssettag s2;
	_ =	strace s9  }
0x27: {  	s1 =	sld [smem:$0x3FA0]  }
0x28: {  	s2 =	sld [smem:$0x3FA1]  }
0x29: {  	s4 =	sld [smem:$0x3FA3]  }
0x2a: {  	p0 =	seq.s32 s5, $0x0;
	s5 =	sld [smem:$0x3FA4]  }
0x2b: {  	s6 =	sld [smem:$0x3FA5]  }
0x2c: {  	s7 =	sld [smem:$0x3FA6]  }
0x2d: {  	s3 =	simm.s32 $0x108;
	s8 =	sld [smem:$0x3FA7]  }
0x2e: {  	s3 =	simm.s32 @!p0 $0x1082;
	s9 =	sld [smem:$0x3FA8]  }
0x2f: {  	lr =	sadd.s32 s0, s3;
	s0 =	sld [smem:$0x3F9F]  }
0x30: {  	s3 =	sld [smem:$0x3FA2]  }
0x31: {  	[smem:$0x3FAB] =	sst s10  }
0x32: {  	s10 =	sld [smem:$0x3FA9];
	_ =	sdelay $0x3  }
0x33: {  	p0 =	seq.s32 s10, $0x1;
	s10 =	sld [smem:$0x3FAB];
	_ =	sdelay $0x3  }
0x34: {  	[smem:$0x3FAB] =	sst s10  }
0x35: {  	s10 =	sld [smem:$0x3FAA];
	_ =	sdelay $0x3  }
0x36: {  	p1 =	seq.s32 s10, $0x1;
	s10 =	sld [smem:$0x3FAB];
	_ =	sdelay $0x3  }
0x37: {  	[smem:$0x3FAB] =	sst s10  }
0x38: {  	s10 =	sld [smem:$0x3FAC]  }
0x39: {  	_ = 	snop;
	(pc) =	sbr.ind lr, $3  }
0x3a: {  	_ = 	snop  }
0x3b: {  	_ = 	snop  }
0x3c: {  	p2 =	seq.s32 s10, $0x1;
	s10 =	sld [smem:$0x3FAB]  }
0x3d: {  	_ =	shalt  }
0x3e: {  	_ =	shalt  }
0x3f: {  	_ =	shalt  }
0x40: {  	_ =	shalt  }
0x41: {  	_ =	shalt  }
0x42: {  	_ =	shalt  }
0x43: {  	_ =	shalt  }
0x44: {  	_ =	shalt  }
0x45: {  	_ =	shalt  }
0x46: {  	_ =	shalt  }
0x47: {  	_ =	shalt  }
0x48: {  	_ =	shalt  }
0x49: {  	_ =	shalt  }
0x4a: {  	_ =	shalt  }
0x4b: {  	_ =	shalt  }
0x4c: {  	_ =	shalt  }
0x4d: {  	_ =	shalt  }
0x4e: {  	_ =	shalt  }
0x4f: {  	_ =	shalt  }
0x50: {  	_ =	shalt  }
0x51: {  	_ =	shalt  }
0x52: {  	_ =	shalt  }
0x53: {  	_ =	shalt  }
0x54: {  	_ =	shalt  }
0x55: {  	_ =	shalt  }
0x56: {  	_ =	shalt  }
0x57: {  	_ =	shalt  }
0x58: {  	_ =	shalt  }
0x59: {  	_ =	shalt  }
0x5a: {  	_ =	shalt  }
0x5b: {  	_ =	shalt  }
0x5c: {  	_ =	shalt  }
0x5d: {  	_ =	shalt  }
0x5e: {  	_ =	shalt  }
0x5f: {  	_ =	shalt  }
0x60: {  	_ =	shalt  }
0x61: {  	_ =	shalt  }
0x62: {  	_ =	shalt  }
0x63: {  	_ =	shalt  }
0x64: {  	_ =	shalt  }
0x65: {  	_ =	shalt  }
0x66: {  	_ =	shalt  }
0x67: {  	_ =	shalt  }
0x68: {  	_ =	shalt  }
0x69: {  	_ =	shalt  }
0x6a: {  	_ =	shalt  }
0x6b: {  	_ =	shalt  }
0x6c: {  	_ =	shalt  }
0x6d: {  	_ =	shalt  }
0x6e: {  	_ =	shalt  }
0x6f: {  	_ =	shalt  }
0x70: {  	_ =	shalt  }
0x71: {  	_ =	shalt  }
0x72: {  	_ =	shalt  }
0x73: {  	_ =	shalt  }
0x74: {  	_ =	shalt  }
0x75: {  	_ =	shalt  }
0x76: {  	_ =	shalt  }
0x77: {  	_ =	shalt  }
0x78: {  	_ =	shalt  }
0x79: {  	_ =	shalt  }
0x7a: {  	_ =	shalt  }
0x7b: {  	_ =	shalt  }
0x7c: {  	_ =	shalt  }
0x7d: {  	_ =	shalt  }
0x7e: {  	_ =	shalt  }
0x7f: {  	_ =	shalt  }
0x80: {  	_ =	shalt  }
0x81: {  	_ =	shalt  }
0x82: {  	_ =	shalt  }
0x83: {  	_ =	shalt  }
0x84: {  	_ =	shalt  }
0x85: {  	_ =	shalt  }
0x86: {  	_ =	shalt  }
0x87: {  	_ =	shalt  }
.Lfunc_end0:
.L_simem_size_0:
called_computation.2_lowered:
.L_overlay_start_0:
0x88: {  	s2 =	sld [smem:$0x3FD9]  }
0x89: {  	s3 =	sld [smem:$0x3FFE];
	_ =	sdelay $0x1  }
0x8a: {  	s1 =	srdreg.scid  }
0x8b: {  	s0 =	sand.u32 $0x1, s1  }
0x8c: {  	s17 =	sshll.u32 s0, $0xA;
	s2 =	sadd.s32 s3, s2  }
0x8d: {  	s2 =	sadd.s32 s2, s17  }
0x8e: {  	[smem:$0x3FB7] =	sst s2  }
0x8f: {  	_ = 	snop  }
0x90: {  	(tm) =	ssettm $0x1  }
0x91: {  	s18 =	sld [smem:$0x3FFB];
	_ =	sdelay $0x3  }
0x92: {  	_ =	strace s18  }
0x93: {  	s2 =	sld [smem:$0x3FFC];
	_ =	sdelay $0x3  }
0x94: {  	_ =	strace s2  }
0x95: {  	s2 =	sld [smem:$0x3FFD];
	_ =	sdelay $0x3  }
0x96: {  	_ =	strace s2  }
0x97: {  	_ =	strace $0x8FFFFFFF  }
0x98: {  	s19 =	sld [smem:$0x3FDB];
	_ =	sdelay $0x1  }
0x99: {  	s20 =	simm.s32 $_scs_section_size  }
0x9a: {  	s4 =	simm.s32 $_size__tile_overlayer_lowered;
	s5 =	simm.s32 $_tile_overlayer_lowered  }
0x9b: {  	s6 =	simm.s32 $0x1BFF;
	s21 =	sshll.u32 s5, $0x1;
	s3 =	sadd.s32 s20, s19  }
0x9c: {  	s22 =	simm.s32 $0x0;
	s4 =	sshll.u32 s4, $0x1;
	s5 =	sadd.s32 s21, s3  }
0x9d: {  	[timem:s22], [sflag:s6] =	dma.local [hbm:s5], s4  }
0x9e: {  	_ =	swait.ge [sflag:s6], s4  }
0x9f: {  	s4 =	ssub.s32 $0x0, s4;
	[sflag:s6] =	ssyncset.done $0x0  }
0xa0: {  	[sflag:s6] =	ssyncadd.s32 s4;
	_ =	sdelay $0x1  }
0xa1: {  	s23 =	simm.s32 $0x1B8B  }
0xa2: {  	_ =	swait.ge [sflag:s23], $0x1  }
0xa3: {  	[sflag:s23] =	ssyncset.done $0x0  }
0xa4: {  	[sflag:s23] =	ssyncadd.s32 $0xFFFFFFFF  }
0xa5: {  	s4 =	sld [smem:$0x0]  }
0xa6: {  	s5 =	sand.u32 $0xFFFFFFFE, s1  }
0xa7: {  	p0 =	sne.s32 s1, s5  }
0xa8: {  	s5 =	sshll.u32 @p0 s5, $0xE  }
0xa9: {  	s5 =	sadd.s32 @p0 $0x11B8D, s5;
	s6 =	sshll.u32 @p0 s4, $0x11  }
0xaa: {  	s5 =	sor.u32 @p0 s6, s5  }
0xab: {  	[sflag:s5] =	ssyncadd.remote.s32 @p0 $0x1;
	_ =	sdelay $0x1  }
0xac: {  	s5 =	simm.s32 @p0 $0x1B8D  }
0xad: {  	_ =	swait.eq @p0 [sflag:s5], $0x1  }
0xae: {  	[sflag:s5] =	ssyncadd.s32 @p0 $0xFFFFFFFF  }
0xaf: {  	s6 =	sshll.u32 @!p0 s1, $0xE  }
0xb0: {  	s6 =	sor.u32 @!p0 $0x4000, s6;
	s5 =	simm.s32 @!p0 $0x1B8D  }
0xb1: {  	s4 =	sshll.u32 @!p0 s4, $0x11;
	s6 =	sadd.s32 @!p0 $0x11B8D, s6;
	_ =	swait.eq @!p0 [sflag:s5], $0x1  }
0xb2: {  	s4 =	sor.u32 @!p0 s4, s6;
	[sflag:s5] =	ssyncadd.s32 @!p0 $0xFFFFFFFF  }
0xb3: {  	s25 =	simm.s32 $0x1B8E;
	s24 =	sld [smem:$0x3FFE];
	[sflag:s4] =	ssyncadd.remote.s32 @!p0 $0x1  }
0xb4: {  	s26 =	simm.s32 $execute0_lowered;
	[smem:$0x3FD2] =	sst s25  }
0xb5: {  	s5 =	sshll.u32 s26, $0x1;
	_ =	strace $0x80000052;
	[dreg:$0x1] =	wrdreg $0xFFFFFFFF  }
0xb6: {  	s28 =	simm.s32 $_size_execute0_lowered;
	s3 =	sadd.s32 s3, s5;
	[dreg:$0x0] =	wrdreg $0x0  }
0xb7: {  	s5 =	sshll.u32 s28, $0x1;
	[dreg:$0x2] =	wrdreg s3  }
0xb8: {  	[dreg:$0x3] =	wrdreg s5  }
0xb9: {  	[dreg:$0x4] =	wrdreg $0xC0  }
0xba: {  	_ =	task [dreg:s22], $0x5FFFF  }
0xbb: {  	[dreg:$0x1] =	wrdreg $0xFFFFFFFF  }
0xbc: {  	[dreg:$0x0] =	wrdreg $0x60  }
0xbd: {  	[dreg:$0x2] =	wrdreg s24  }
0xbe: {  	[dreg:$0x3] =	wrdreg $0x9  }
0xbf: {  	_ =	task.clear_ibuf [dreg:s22], $0x4FFFF;
	_ =	strace $0x90000052  }
0xc0: {  	s29 =	simm.s32 $0x9;
	_ =	strace $0x80000054  }
0xc1: {  	_ =	swait.ge [sflag:s29], $0x1  }
0xc2: {  	[sflag:s29] =	ssyncadd.s32 $0xFFFFFFFF  }
0xc3: {  	_ =	strace $0x90000054  }
0xc4: {  	_ =	sfence  }
0xc5: {  	s30 =	sld [smem:$0x0];
	_ =	sdelay $0x2  }
0xc6: {  	s31 =	sshll.u32 s1, $0xD;
	s1 =	sshrl.u32 s1, $0x2  }
0xc7: {  	s4 =	sand.u32 $0x4000, s31;
	s1 =	sadd.s32 s1, s30  }
0xc8: {  	s0 =	sor.u32 s4, s0;
	s1 =	sshll.u32 s1, $0x11  }
0xc9: {  	s0 =	sor.u32 s1, s0  }
0xca: {  	s0 =	sadd.s32 $0x8F2B, s0  }
0xcb: {  	[sflag:s0] =	ssyncadd.remote.s32 $0x1  }
0xcc: {  	_ =	sfence.sel $0xFFFF  }
0xcd: {  	[dreg:$0x0] =	wrdreg $0xFFFFFFFF;
	(pc) =	sbr.abs _section_cstart, $3  }
0xce: {  	[dreg:$0x1] =	wrdreg $0xFFFFFFFF  }
0xcf: {  	_ =	task.clear_ibuf [dreg:s22], $0x2FFFF;
	_ =	strace $0x9FFFFFFF  }
0xd0: {  	(tm) =	ssettm $0x7FFFFFFF  }
0xd1: {  	_ =	shalt  }
tec
execute0_lowered:
.L_overlay_start_1:
0x0: {  	(tag) =	ssettag $0x1  }
0x1: {  	s1 =	srdreg.scid  }
0x2: {  	s0 =	stileid.u32;
	s14 =	sand.u32 $0x1, s1  }
0x3: {  	s8 =	rddreg [dreg:$0x0];
	s3 =	sshll.u32 s0, $0xC;
	s4 =	sshll.u32 s14, $0xB  }
0x4: {  	s2 =	simm.s32 $0x0;
	s1 =	rddreg [dreg:$0x1];
	s13 =	sor.u32 s4, s3  }
0x5: {  	[smem:$0x7FF] =	sst s2;
	s15 =	sadd.s32 $0x11E00, s8;
	s3 =	sshrl.u32 s13, $0x3  }
0x6: {  	_ =	strace $0x80000053;
	s4 =	sadd.s32 s15, s3;
	s3 =	simm.s32 $0x2  }
0x7: {  	[tilespmem:s2], [sflag:$0x2] =	stream.linear.gather [hbm4b:s4+s2], $0x200, $0x38;
	[tilespmem:$0x10200] =	vst v63  }
0x8: {  	_ =	swait.ge [sflag:s3], $0x200  }
0x9: {  	s6 =	simm.s32 $0x200;
	[sflag:s3] =	ssyncset.done $0x0  }
0xa: {  	s7 =	simm.s32 $0x1;
	s5 =	sadd.s32 $0x13E00, s8;
	[sflag:s3] =	ssyncadd.s32 $0xFFFFFE00  }
0xb: {  	[tilespmem:s6], [sflag:$0x1] =	stream.indirect.gather [hbm4b:s5+s6], $0x80, s2, s6, $0xb8;
	[tilespmem:$0x10200] =	vst v63  }
0xc: {  	_ =	swait.ge [sflag:s7], $0x10000  }
0xd: {  	s16 =	sadd.s32 $0x143E00, s8;
	s29 =	sshll.u32 s13, $0x4;
	[sflag:s7] =	ssyncset.done $0x0  }
0xe: {  	s8 =	sadd.s32 s16, s29;
	[sflag:s7] =	ssyncadd.s32 $0xFFFF0000  }
0xf: {  	[hbm4b:s8+s2] =	stream.linear.scatter [tilespmem:s6], [sflag:$0x2], $0x10000, $0x38;
	[tilespmem:$0x10200] =	vst v63  }
0x10: {  	s10 =	sor.u32 $0x200, s13;
	_ =	swait.ge [sflag:s3], $0x10000  }
0x11: {  	s9 =	sshrl.u32 s10, $0x3;
	[sflag:s3] =	ssyncset.done $0x0  }
0x12: {  	s9 =	sadd.s32 s15, s9;
	[sflag:s3] =	ssyncadd.s32 $0xFFFF0000  }
0x13: {  	[tilespmem:s2], [sflag:$0x2] =	stream.linear.gather [hbm4b:s9+s2], $0x200, $0x38;
	[tilespmem:$0x10200] =	vst v63  }
0x14: {  	_ =	swait.ge [sflag:s3], $0x200  }
0x15: {  	[sflag:s3] =	ssyncset.done $0x0  }
0x16: {  	[sflag:s3] =	ssyncadd.s32 $0xFFFFFE00  }
0x17: {  	[tilespmem:s6], [sflag:$0x1] =	stream.indirect.gather [hbm4b:s5+s6], $0x80, s2, s6, $0xb8;
	[tilespmem:$0x10200] =	vst v63  }
0x18: {  	_ =	swait.ge [sflag:s7], $0x10000  }
0x19: {  	s10 =	sshll.u32 s10, $0x4;
	[sflag:s7] =	ssyncset.done $0x0  }
0x1a: {  	s10 =	sadd.s32 s16, s10;
	[sflag:s7] =	ssyncadd.s32 $0xFFFF0000  }
0x1b: {  	[hbm4b:s10+s2] =	stream.linear.scatter [tilespmem:s6], [sflag:$0x2], $0x10000, $0x38;
	[tilespmem:$0x10200] =	vst v63  }
0x1c: {  	s12 =	sor.u32 $0x400, s13;
	_ =	swait.ge [sflag:s3], $0x10000  }
0x1d: {  	s11 =	sshrl.u32 s12, $0x3;
	[sflag:s3] =	ssyncset.done $0x0  }
0x1e: {  	s11 =	sadd.s32 s15, s11;
	[sflag:s3] =	ssyncadd.s32 $0xFFFF0000  }
0x1f: {  	[tilespmem:s2], [sflag:$0x2] =	stream.linear.gather [hbm4b:s11+s2], $0x200, $0x38;
	[tilespmem:$0x10200] =	vst v63  }
0x20: {  	_ =	swait.ge [sflag:s3], $0x200  }
0x21: {  	[sflag:s3] =	ssyncset.done $0x0  }
0x22: {  	[sflag:s3] =	ssyncadd.s32 $0xFFFFFE00  }
0x23: {  	[tilespmem:s6], [sflag:$0x1] =	stream.indirect.gather [hbm4b:s5+s6], $0x80, s2, s6, $0xb8;
	[tilespmem:$0x10200] =	vst v63  }
0x24: {  	_ =	swait.ge [sflag:s7], $0x10000  }
0x25: {  	s12 =	sshll.u32 s12, $0x4;
	[sflag:s7] =	ssyncset.done $0x0  }
0x26: {  	s12 =	sadd.s32 s16, s12;
	[sflag:s7] =	ssyncadd.s32 $0xFFFF0000  }
0x27: {  	[hbm4b:s12+s2] =	stream.linear.scatter [tilespmem:s6], [sflag:$0x2], $0x10000, $0x38;
	[tilespmem:$0x10200] =	vst v63  }
0x28: {  	s17 =	sor.u32 $0x600, s13;
	_ =	swait.ge [sflag:s3], $0x10000  }
0x29: {  	s13 =	sshrl.u32 s17, $0x3;
	[sflag:s3] =	ssyncset.done $0x0  }
0x2a: {  	s14 =	ssub.s32 $0x2, s14;
	s13 =	sadd.s32 s15, s13;
	[sflag:s3] =	ssyncadd.s32 $0xFFFF0000  }
0x2b: {  	[tilespmem:s2], [sflag:$0x2] =	stream.linear.gather [hbm4b:s13+s2], $0x200, $0x38;
	[tilespmem:$0x10200] =	vst v63  }
0x2c: {  	s30 =	sshrl.u32 s14, $0x1;
	_ =	swait.ge [sflag:s3], $0x200  }
0x2d: {  	s15 =	ssub.s32 s14, s30;
	[sflag:s3] =	ssyncset.done $0x0  }
0x2e: {  	s15 =	smax.u32 s15, $0x1;
	[sflag:s3] =	ssyncadd.s32 $0xFFFFFE00  }
0x2f: {  	[tilespmem:s6], [sflag:$0x1] =	stream.indirect.gather [hbm4b:s5+s6], $0x80, s2, s6, $0xb8;
	[tilespmem:$0x10200] =	vst v63  }
0x30: {  	p0 =	sne.s32 s15, $0x1;
	_ =	swait.ge [sflag:s7], $0x10000  }
.Ltmp0:
0x31: {  	s31 =	sshll.u32 s17, $0x4;
	[sflag:s7] =	ssyncset.done $0x0;
	(pc) =	sbr.rel @!p0 .LBB2_2-.Ltmp0, $4  }
0x32: {  	s14 =	sadd.s32 s16, s31;
	[sflag:s7] =	ssyncadd.s32 $0xFFFF0000  }
0x33: {  	[hbm4b:s14+s2] =	stream.linear.scatter [tilespmem:s6], [sflag:$0x2], $0x10000, $0x38;
	[tilespmem:$0x10200] =	vst v63  }
0x34: {  	_ =	swait.ge [sflag:s3], $0x10000  }
0x35: {  	s15 =	sadd.s32 $0xFFFFFFFF, s15;
	[sflag:s3] =	ssyncset.done $0x0  }
.LBB2_1:
0x36: {  	p0 =	sne.s32 s15, $0x1;
	s15 =	sadd.s32 $0xFFFFFFFF, s15;
	[sflag:s3] =	ssyncadd.s32 $0xFFFF0000  }
0x37: {  	[tilespmem:s2], [sflag:$0x2] =	stream.linear.gather [hbm4b:s4+s2], $0x200, $0x38;
	[tilespmem:$0x10200] =	vst v63  }
0x38: {  	_ =	swait.ge [sflag:s3], $0x200  }
0x39: {  	[sflag:s3] =	ssyncset.done $0x0  }
0x3a: {  	[sflag:s3] =	ssyncadd.s32 $0xFFFFFE00  }
0x3b: {  	[tilespmem:s6], [sflag:$0x1] =	stream.indirect.gather [hbm4b:s5+s6], $0x80, s2, s6, $0xb8;
	[tilespmem:$0x10200] =	vst v63  }
0x3c: {  	_ =	swait.ge [sflag:s7], $0x10000  }
0x3d: {  	[sflag:s7] =	ssyncset.done $0x0  }
0x3e: {  	[sflag:s7] =	ssyncadd.s32 $0xFFFF0000  }
0x3f: {  	[hbm4b:s8+s2] =	stream.linear.scatter [tilespmem:s6], [sflag:$0x2], $0x10000, $0x38;
	[tilespmem:$0x10200] =	vst v63  }
0x40: {  	_ =	swait.ge [sflag:s3], $0x10000  }
0x41: {  	[sflag:s3] =	ssyncset.done $0x0  }
0x42: {  	[sflag:s3] =	ssyncadd.s32 $0xFFFF0000  }
0x43: {  	[tilespmem:s2], [sflag:$0x2] =	stream.linear.gather [hbm4b:s9+s2], $0x200, $0x38;
	[tilespmem:$0x10200] =	vst v63  }
0x44: {  	_ =	swait.ge [sflag:s3], $0x200  }
0x45: {  	[sflag:s3] =	ssyncset.done $0x0  }
0x46: {  	[sflag:s3] =	ssyncadd.s32 $0xFFFFFE00  }
0x47: {  	[tilespmem:s6], [sflag:$0x1] =	stream.indirect.gather [hbm4b:s5+s6], $0x80, s2, s6, $0xb8;
	[tilespmem:$0x10200] =	vst v63  }
0x48: {  	_ =	swait.ge [sflag:s7], $0x10000  }
0x49: {  	[sflag:s7] =	ssyncset.done $0x0  }
0x4a: {  	[sflag:s7] =	ssyncadd.s32 $0xFFFF0000  }
0x4b: {  	[hbm4b:s10+s2] =	stream.linear.scatter [tilespmem:s6], [sflag:$0x2], $0x10000, $0x38;
	[tilespmem:$0x10200] =	vst v63  }
0x4c: {  	_ =	swait.ge [sflag:s3], $0x10000  }
0x4d: {  	[sflag:s3] =	ssyncset.done $0x0  }
0x4e: {  	[sflag:s3] =	ssyncadd.s32 $0xFFFF0000  }
0x4f: {  	[tilespmem:s2], [sflag:$0x2] =	stream.linear.gather [hbm4b:s11+s2], $0x200, $0x38;
	[tilespmem:$0x10200] =	vst v63  }
0x50: {  	_ =	swait.ge [sflag:s3], $0x200  }
0x51: {  	[sflag:s3] =	ssyncset.done $0x0  }
0x52: {  	[sflag:s3] =	ssyncadd.s32 $0xFFFFFE00  }
0x53: {  	[tilespmem:s6], [sflag:$0x1] =	stream.indirect.gather [hbm4b:s5+s6], $0x80, s2, s6, $0xb8;
	[tilespmem:$0x10200] =	vst v63  }
0x54: {  	_ =	swait.ge [sflag:s7], $0x10000  }
0x55: {  	[sflag:s7] =	ssyncset.done $0x0  }
0x56: {  	[sflag:s7] =	ssyncadd.s32 $0xFFFF0000  }
0x57: {  	[hbm4b:s12+s2] =	stream.linear.scatter [tilespmem:s6], [sflag:$0x2], $0x10000, $0x38;
	[tilespmem:$0x10200] =	vst v63  }
0x58: {  	_ =	swait.ge [sflag:s3], $0x10000  }
0x59: {  	[sflag:s3] =	ssyncset.done $0x0  }
0x5a: {  	[sflag:s3] =	ssyncadd.s32 $0xFFFF0000  }
0x5b: {  	[tilespmem:s2], [sflag:$0x2] =	stream.linear.gather [hbm4b:s13+s2], $0x200, $0x38;
	[tilespmem:$0x10200] =	vst v63  }
0x5c: {  	_ =	swait.ge [sflag:s3], $0x200  }
0x5d: {  	[sflag:s3] =	ssyncset.done $0x0  }
0x5e: {  	[sflag:s3] =	ssyncadd.s32 $0xFFFFFE00  }
0x5f: {  	[tilespmem:s6], [sflag:$0x1] =	stream.indirect.gather [hbm4b:s5+s6], $0x80, s2, s6, $0xb8;
	[tilespmem:$0x10200] =	vst v63  }
0x60: {  	_ =	swait.ge [sflag:s7], $0x10000  }
.Ltmp1:
0x61: {  	[sflag:s7] =	ssyncset.done $0x0;
	(pc) =	sbr.rel @p0 .LBB2_1-.Ltmp1, $4  }
0x62: {  	[sflag:s7] =	ssyncadd.s32 $0xFFFF0000  }
0x63: {  	[hbm4b:s14+s2] =	stream.linear.scatter [tilespmem:s6], [sflag:$0x2], $0x10000, $0x38;
	[tilespmem:$0x10200] =	vst v63  }
0x64: {  	_ =	swait.ge [sflag:s3], $0x10000  }
0x65: {  	[sflag:s3] =	ssyncset.done $0x0  }
.LBB2_2:
0x66: {  	[sflag:s3] =	ssyncadd.s32 $0xFFFF0000  }
0x67: {  	_ =	sfence.sel $0x180000  }
0x68: {  	[bflag:$0x0] =	sbarrier.arrive $0xFFFF  }
0x69: {  	p0 =	sne.s32 s0, $0x0;
	_ =	strace $0x90000053  }
0x6a: {  	s0 =	sadd.s32 @!p0 $0x100000, s1;
	[bflag:$0x2] =	sbarrier.arrive $0xFFFF  }
0x6b: {  	[sflag:s0] =	ssyncadd.tile.s32 @!p0 $0x1;
	_ =	shalt  }
.Lfunc_end2:
_tile_overlayer_lowered:
.L_overlay_start_2:
0x6c: {  	(tag) =	ssettag $0x2  }
0x6d: {  	s0 =	rddreg [dreg:$0x0];
	s2 =	stileid.u32  }
0x6e: {  	s1 =	rddreg [dreg:$0x1];
	p0 =	sne.s32 s2, $0x0  }
0x6f: {  	s3 =	rddreg [dreg:$0x2];
	[bflag:$0x3] =	sbarrier.arrive $0xFFFF;
	s2 =	simm.s32 @!p0 $0x1C02  }
0x70: {  	[timem:s3], [sflag:s2] =	dma.local @!p0 [hbm:s0], s1  }
0x71: {  	s0 =	simm.s32 @!p0 $0x2  }
0x72: {  	_ =	swait.ge @!p0 [sflag:s0], s1  }
0x73: {  	s1 =	ssub.s32 @!p0 $0x0, s1;
	[sflag:s0] =	ssyncset.done @!p0 $0x0  }
0x74: {  	[sflag:s0] =	ssyncadd.s32 @!p0 s1  }
0x75: {  	[bflag:$0x3] =	sbarrier.arrive $0xFFFF  }
0x76: {  	_ =	shalt  }

// kernel: kernel.36.cloned.1.call-start
scs
__scs_entry_jumppad:
0x0: {  	(pc) =	sbr.rel $0x88, $3  }
0x1: {  	(tag) =	ssettag $0x0;
	lr =	simm.s32 $0x1  }
0x2: {  	[smem:$0x3F90] =	sst lr;
	_ =	strace $0xD0000000  }
0x3: {  	_ = 	snop  }
0x4: {  	_ = 	snop  }
0x5: {  	_ = 	snop  }
0x6: {  	_ = 	snop  }
0x7: {  	_ = 	snop  }
__scs_overlays_trampoline_lowered:
0x8: {  	[smem:$0x3F9F] =	sst s0  }
0x9: {  	[smem:$0x3FA0] =	sst s1  }
0xa: {  	[smem:$0x3FA1] =	sst s2  }
0xb: {  	[smem:$0x3FA2] =	sst s3  }
0xc: {  	[smem:$0x3FA3] =	sst s4  }
0xd: {  	[smem:$0x3FA4] =	sst s5  }
0xe: {  	[smem:$0x3FA5] =	sst s6  }
0xf: {  	[smem:$0x3FA6] =	sst s7  }
0x10: {  	[smem:$0x3FA7] =	sst s8  }
0x11: {  	[smem:$0x3FA8] =	sst s9;
	s0 =	simm.s32 @!p0 $0x0  }
0x12: {  	s1 =	sld [smem:$0x3F8E];
	s0 =	simm.s32 @p0 $0x1  }
0x13: {  	[smem:$0x3FA9] =	sst s0;
	s0 =	simm.s32 @!p1 $0x0  }
0x14: {  	s2 =	sld [smem:$0x3F8D];
	s0 =	simm.s32 @p1 $0x1  }
0x15: {  	[smem:$0x3FAA] =	sst s0;
	s0 =	simm.s32 @!p2 $0x0  }
0x16: {  	s3 =	sld [smem:$0x3FDB];
	s0 =	simm.s32 @p2 $0x1  }
0x17: {  	s4 =	simm.s32 $0x1BF5;
	[smem:$0x3FAC] =	sst s0  }
0x18: {  	s0 =	sld [smem:$0x3F8F];
	_ =	swait.ge [sflag:s4], $0x0  }
0x19: {  	s7 =	sld [smem:$0x3F90]  }
0x1a: {  	s8 =	sadd.s32 $0xFFFFE003, lr  }
0x1b: {  	s9 =	sadd.s32 $0xFFFFFEF7, lr;
	s5 =	simm.s32 $0xFFFFFFFF;
	p2 =	slt.u32 s8, $0xFFFFF086  }
0x1c: {  	p1 =	slt.u32 s9, $0xF7A;
	s5 =	simm.s32 @!p2 $0x0  }
0x1d: {  	s5 =	simm.s32 @p1 $0x1;
	p0 =	seq.s32 s7, s2  }
0x1e: {  	s7 =	smul.u32 @!p0 $0xF7A, s2;
	p2 =	seq.s32 @!p0 s5, $0x0  }
0x1f: {  	s9 =	smul.u32 $0xF7A, s1;
	s8 =	simm.s32 @!p0 $0x1BF5;
	p2 =	por !p2, p0  }
0x20: {  	[sflag:s8] =	ssyncset.s32 @!p0 $0xFFFFF086;
	s6 =	sadd.s32 @!p0 s3, s7;
	s7 =	simm.s32 @!p0 $0x108  }
0x21: {  	s3 =	sadd.s32 s3, s9;
	s6 =	sadd.s32 @!p0 $0x88, s6;
	s7 =	simm.s32 @p2 $0x1082  }
0x22: {  	[simem:s7], [sflag:s8] =	dma.local @!p0 [hbm:s6], $0xF7A  }
0x23: {  	s9 =	sor.u32 $0xD0000000, s2;
	s6 =	simm.s32 $0x108;
	_ =	swait.ge @!p0 [sflag:s8], $0x0  }
0x24: {  	s3 =	sadd.s32 $0x88, s3;
	s6 =	simm.s32 @!p1 $0x1082;
	[sflag:s4] =	ssyncset.s32 $0xFFFFF086  }
0x25: {  	[simem:s6], [sflag:s4] =	dma.local [hbm:s3], $0xF7A  }
0x26: {  	[smem:$0x3F90] =	sst s1;
	(tag) =	ssettag s2;
	_ =	strace s9  }
0x27: {  	s1 =	sld [smem:$0x3FA0]  }
0x28: {  	s2 =	sld [smem:$0x3FA1]  }
0x29: {  	s4 =	sld [smem:$0x3FA3]  }
0x2a: {  	p0 =	seq.s32 s5, $0x0;
	s5 =	sld [smem:$0x3FA4]  }
0x2b: {  	s6 =	sld [smem:$0x3FA5]  }
0x2c: {  	s7 =	sld [smem:$0x3FA6]  }
0x2d: {  	s3 =	simm.s32 $0x108;
	s8 =	sld [smem:$0x3FA7]  }
0x2e: {  	s3 =	simm.s32 @!p0 $0x1082;
	s9 =	sld [smem:$0x3FA8]  }
0x2f: {  	lr =	sadd.s32 s0, s3;
	s0 =	sld [smem:$0x3F9F]  }
0x30: {  	s3 =	sld [smem:$0x3FA2]  }
0x31: {  	[smem:$0x3FAB] =	sst s10  }
0x32: {  	s10 =	sld [smem:$0x3FA9];
	_ =	sdelay $0x3  }
0x33: {  	p0 =	seq.s32 s10, $0x1;
	s10 =	sld [smem:$0x3FAB];
	_ =	sdelay $0x3  }
0x34: {  	[smem:$0x3FAB] =	sst s10  }
0x35: {  	s10 =	sld [smem:$0x3FAA];
	_ =	sdelay $0x3  }
0x36: {  	p1 =	seq.s32 s10, $0x1;
	s10 =	sld [smem:$0x3FAB];
	_ =	sdelay $0x3  }
0x37: {  	[smem:$0x3FAB] =	sst s10  }
0x38: {  	s10 =	sld [smem:$0x3FAC]  }
0x39: {  	_ = 	snop;
	(pc) =	sbr.ind lr, $3  }
0x3a: {  	_ = 	snop  }
0x3b: {  	_ = 	snop  }
0x3c: {  	p2 =	seq.s32 s10, $0x1;
	s10 =	sld [smem:$0x3FAB]  }
0x3d: {  	_ =	shalt  }
0x3e: {  	_ =	shalt  }
0x3f: {  	_ =	shalt  }
0x40: {  	_ =	shalt  }
0x41: {  	_ =	shalt  }
0x42: {  	_ =	shalt  }
0x43: {  	_ =	shalt  }
0x44: {  	_ =	shalt  }
0x45: {  	_ =	shalt  }
0x46: {  	_ =	shalt  }
0x47: {  	_ =	shalt  }
0x48: {  	_ =	shalt  }
0x49: {  	_ =	shalt  }
0x4a: {  	_ =	shalt  }
0x4b: {  	_ =	shalt  }
0x4c: {  	_ =	shalt  }
0x4d: {  	_ =	shalt  }
0x4e: {  	_ =	shalt  }
0x4f: {  	_ =	shalt  }
0x50: {  	_ =	shalt  }
0x51: {  	_ =	shalt  }
0x52: {  	_ =	shalt  }
0x53: {  	_ =	shalt  }
0x54: {  	_ =	shalt  }
0x55: {  	_ =	shalt  }
0x56: {  	_ =	shalt  }
0x57: {  	_ =	shalt  }
0x58: {  	_ =	shalt  }
0x59: {  	_ =	shalt  }
0x5a: {  	_ =	shalt  }
0x5b: {  	_ =	shalt  }
0x5c: {  	_ =	shalt  }
0x5d: {  	_ =	shalt  }
0x5e: {  	_ =	shalt  }
0x5f: {  	_ =	shalt  }
0x60: {  	_ =	shalt  }
0x61: {  	_ =	shalt  }
0x62: {  	_ =	shalt  }
0x63: {  	_ =	shalt  }
0x64: {  	_ =	shalt  }
0x65: {  	_ =	shalt  }
0x66: {  	_ =	shalt  }
0x67: {  	_ =	shalt  }
0x68: {  	_ =	shalt  }
0x69: {  	_ =	shalt  }
0x6a: {  	_ =	shalt  }
0x6b: {  	_ =	shalt  }
0x6c: {  	_ =	shalt  }
0x6d: {  	_ =	shalt  }
0x6e: {  	_ =	shalt  }
0x6f: {  	_ =	shalt  }
0x70: {  	_ =	shalt  }
0x71: {  	_ =	shalt  }
0x72: {  	_ =	shalt  }
0x73: {  	_ =	shalt  }
0x74: {  	_ =	shalt  }
0x75: {  	_ =	shalt  }
0x76: {  	_ =	shalt  }
0x77: {  	_ =	shalt  }
0x78: {  	_ =	shalt  }
0x79: {  	_ =	shalt  }
0x7a: {  	_ =	shalt  }
0x7b: {  	_ =	shalt  }
0x7c: {  	_ =	shalt  }
0x7d: {  	_ =	shalt  }
0x7e: {  	_ =	shalt  }
0x7f: {  	_ =	shalt  }
0x80: {  	_ =	shalt  }
0x81: {  	_ =	shalt  }
0x82: {  	_ =	shalt  }
0x83: {  	_ =	shalt  }
0x84: {  	_ =	shalt  }
0x85: {  	_ =	shalt  }
0x86: {  	_ =	shalt  }
0x87: {  	_ =	shalt  }
.Lfunc_end0:
.L_simem_size_0:
called_computation.3_lowered:
.L_overlay_start_0:
0x88: {  	s2 =	sld [smem:$0x3FD9]  }
0x89: {  	s3 =	sld [smem:$0x3FFE];
	_ =	sdelay $0x1  }
0x8a: {  	s1 =	srdreg.scid  }
0x8b: {  	s0 =	sand.u32 $0x1, s1  }
0x8c: {  	s17 =	sshll.u32 s0, $0xA;
	s2 =	sadd.s32 s3, s2  }
0x8d: {  	s2 =	sadd.s32 s2, s17  }
0x8e: {  	[smem:$0x3FB7] =	sst s2  }
0x8f: {  	_ = 	snop  }
0x90: {  	(tm) =	ssettm $0x1  }
0x91: {  	s18 =	sld [smem:$0x3FFB];
	_ =	sdelay $0x3  }
0x92: {  	_ =	strace s18  }
0x93: {  	s2 =	sld [smem:$0x3FFC];
	_ =	sdelay $0x3  }
0x94: {  	_ =	strace s2  }
0x95: {  	s2 =	sld [smem:$0x3FFD];
	_ =	sdelay $0x3  }
0x96: {  	_ =	strace s2  }
0x97: {  	_ =	strace $0x8FFFFFFF  }
0x98: {  	s19 =	sld [smem:$0x3FDB];
	_ =	sdelay $0x1  }
0x99: {  	s20 =	simm.s32 $_scs_section_size  }
0x9a: {  	s4 =	simm.s32 $_size__tile_overlayer_lowered;
	s5 =	simm.s32 $_tile_overlayer_lowered  }
0x9b: {  	s6 =	simm.s32 $0x1BFF;
	s21 =	sshll.u32 s5, $0x1;
	s3 =	sadd.s32 s20, s19  }
0x9c: {  	s22 =	simm.s32 $0x0;
	s4 =	sshll.u32 s4, $0x1;
	s5 =	sadd.s32 s21, s3  }
0x9d: {  	[timem:s22], [sflag:s6] =	dma.local [hbm:s5], s4  }
0x9e: {  	_ =	swait.ge [sflag:s6], s4  }
0x9f: {  	s4 =	ssub.s32 $0x0, s4;
	[sflag:s6] =	ssyncset.done $0x0  }
0xa0: {  	[sflag:s6] =	ssyncadd.s32 s4;
	_ =	sdelay $0x1  }
0xa1: {  	s23 =	simm.s32 $0x1B8B  }
0xa2: {  	_ =	swait.ge [sflag:s23], $0x1  }
0xa3: {  	[sflag:s23] =	ssyncset.done $0x0  }
0xa4: {  	[sflag:s23] =	ssyncadd.s32 $0xFFFFFFFF  }
0xa5: {  	s4 =	sld [smem:$0x0]  }
0xa6: {  	s5 =	sand.u32 $0xFFFFFFFE, s1  }
0xa7: {  	p0 =	sne.s32 s1, s5  }
0xa8: {  	s5 =	sshll.u32 @p0 s5, $0xE  }
0xa9: {  	s5 =	sadd.s32 @p0 $0x11B8D, s5;
	s6 =	sshll.u32 @p0 s4, $0x11  }
0xaa: {  	s5 =	sor.u32 @p0 s6, s5  }
0xab: {  	[sflag:s5] =	ssyncadd.remote.s32 @p0 $0x1;
	_ =	sdelay $0x1  }
0xac: {  	s5 =	simm.s32 @p0 $0x1B8D  }
0xad: {  	_ =	swait.eq @p0 [sflag:s5], $0x1  }
0xae: {  	[sflag:s5] =	ssyncadd.s32 @p0 $0xFFFFFFFF  }
0xaf: {  	s6 =	sshll.u32 @!p0 s1, $0xE  }
0xb0: {  	s6 =	sor.u32 @!p0 $0x4000, s6;
	s5 =	simm.s32 @!p0 $0x1B8D  }
0xb1: {  	s4 =	sshll.u32 @!p0 s4, $0x11;
	s6 =	sadd.s32 @!p0 $0x11B8D, s6;
	_ =	swait.eq @!p0 [sflag:s5], $0x1  }
0xb2: {  	s4 =	sor.u32 @!p0 s4, s6;
	[sflag:s5] =	ssyncadd.s32 @!p0 $0xFFFFFFFF  }
0xb3: {  	s25 =	simm.s32 $0x1B8E;
	s24 =	sld [smem:$0x3FFE];
	[sflag:s4] =	ssyncadd.remote.s32 @!p0 $0x1  }
0xb4: {  	s26 =	simm.s32 $execute0_lowered;
	[smem:$0x3FD2] =	sst s25  }
0xb5: {  	s5 =	sshll.u32 s26, $0x1;
	_ =	strace $0x80000058;
	[dreg:$0x1] =	wrdreg $0xFFFFFFFF  }
0xb6: {  	s28 =	simm.s32 $_size_execute0_lowered;
	s3 =	sadd.s32 s3, s5;
	[dreg:$0x0] =	wrdreg $0x0  }
0xb7: {  	s5 =	sshll.u32 s28, $0x1;
	[dreg:$0x2] =	wrdreg s3  }
0xb8: {  	[dreg:$0x3] =	wrdreg s5  }
0xb9: {  	[dreg:$0x4] =	wrdreg $0xC0  }
0xba: {  	_ =	task [dreg:s22], $0x5FFFF  }
0xbb: {  	[dreg:$0x1] =	wrdreg $0xFFFFFFFF  }
0xbc: {  	[dreg:$0x0] =	wrdreg $0x60  }
0xbd: {  	[dreg:$0x2] =	wrdreg s24  }
0xbe: {  	[dreg:$0x3] =	wrdreg $0x9  }
0xbf: {  	_ =	task.clear_ibuf [dreg:s22], $0x4FFFF;
	_ =	strace $0x90000058  }
0xc0: {  	s29 =	simm.s32 $0x9;
	_ =	strace $0x8000005A  }
0xc1: {  	_ =	swait.ge [sflag:s29], $0x1  }
0xc2: {  	[sflag:s29] =	ssyncadd.s32 $0xFFFFFFFF  }
0xc3: {  	_ =	strace $0x9000005A  }
0xc4: {  	_ =	sfence  }
0xc5: {  	s30 =	sld [smem:$0x0];
	_ =	sdelay $0x2  }
0xc6: {  	s31 =	sshll.u32 s1, $0xD;
	s1 =	sshrl.u32 s1, $0x2  }
0xc7: {  	s4 =	sand.u32 $0x4000, s31;
	s1 =	sadd.s32 s1, s30  }
0xc8: {  	s0 =	sor.u32 s4, s0;
	s1 =	sshll.u32 s1, $0x11  }
0xc9: {  	s0 =	sor.u32 s1, s0  }
0xca: {  	s0 =	sadd.s32 $0x8F2B, s0  }
0xcb: {  	[sflag:s0] =	ssyncadd.remote.s32 $0x1  }
0xcc: {  	_ =	sfence.sel $0xFFFF  }
0xcd: {  	[dreg:$0x0] =	wrdreg $0xFFFFFFFF;
	(pc) =	sbr.abs _section_cstart, $3  }
0xce: {  	[dreg:$0x1] =	wrdreg $0xFFFFFFFF  }
0xcf: {  	_ =	task.clear_ibuf [dreg:s22], $0x2FFFF;
	_ =	strace $0x9FFFFFFF  }
0xd0: {  	(tm) =	ssettm $0x7FFFFFFF  }
0xd1: {  	_ =	shalt  }
tec
execute0_lowered:
.L_overlay_start_1:
0x0: {  	(tag) =	ssettag $0x1  }
0x1: {  	s1 =	srdreg.scid  }
0x2: {  	s0 =	stileid.u32;
	s14 =	sand.u32 $0x1, s1  }
0x3: {  	s8 =	rddreg [dreg:$0x0];
	s3 =	sshll.u32 s0, $0xC;
	s4 =	sshll.u32 s14, $0xB  }
0x4: {  	s2 =	simm.s32 $0x0;
	s1 =	rddreg [dreg:$0x1];
	s13 =	sor.u32 s4, s3  }
0x5: {  	[smem:$0x7FF] =	sst s2;
	s15 =	sadd.s32 $0x11E00, s8;
	s3 =	sshrl.u32 s13, $0x3  }
0x6: {  	_ =	strace $0x80000059;
	s4 =	sadd.s32 s15, s3;
	s3 =	simm.s32 $0x2  }
0x7: {  	[tilespmem:s2], [sflag:$0x2] =	stream.linear.gather [hbm4b:s4+s2], $0x200, $0x38;
	[tilespmem:$0x10200] =	vst v63  }
0x8: {  	_ =	swait.ge [sflag:s3], $0x200  }
0x9: {  	s6 =	simm.s32 $0x200;
	[sflag:s3] =	ssyncset.done $0x0  }
0xa: {  	s7 =	simm.s32 $0x1;
	s5 =	sadd.s32 $0x13E00, s8;
	[sflag:s3] =	ssyncadd.s32 $0xFFFFFE00  }
0xb: {  	[tilespmem:s6], [sflag:$0x1] =	stream.indirect.gather [hbm4b:s5+s6], $0x80, s2, s6, $0xb8;
	[tilespmem:$0x10200] =	vst v63  }
0xc: {  	_ =	swait.ge [sflag:s7], $0x10000  }
0xd: {  	s16 =	sadd.s32 $0x143E00, s8;
	s29 =	sshll.u32 s13, $0x4;
	[sflag:s7] =	ssyncset.done $0x0  }
0xe: {  	s8 =	sadd.s32 s16, s29;
	[sflag:s7] =	ssyncadd.s32 $0xFFFF0000  }
0xf: {  	[hbm4b:s8+s2] =	stream.linear.scatter [tilespmem:s6], [sflag:$0x2], $0x10000, $0x38;
	[tilespmem:$0x10200] =	vst v63  }
0x10: {  	s10 =	sor.u32 $0x200, s13;
	_ =	swait.ge [sflag:s3], $0x10000  }
0x11: {  	s9 =	sshrl.u32 s10, $0x3;
	[sflag:s3] =	ssyncset.done $0x0  }
0x12: {  	s9 =	sadd.s32 s15, s9;
	[sflag:s3] =	ssyncadd.s32 $0xFFFF0000  }
0x13: {  	[tilespmem:s2], [sflag:$0x2] =	stream.linear.gather [hbm4b:s9+s2], $0x200, $0x38;
	[tilespmem:$0x10200] =	vst v63  }
0x14: {  	_ =	swait.ge [sflag:s3], $0x200  }
0x15: {  	[sflag:s3] =	ssyncset.done $0x0  }
0x16: {  	[sflag:s3] =	ssyncadd.s32 $0xFFFFFE00  }
0x17: {  	[tilespmem:s6], [sflag:$0x1] =	stream.indirect.gather [hbm4b:s5+s6], $0x80, s2, s6, $0xb8;
	[tilespmem:$0x10200] =	vst v63  }
0x18: {  	_ =	swait.ge [sflag:s7], $0x10000  }
0x19: {  	s10 =	sshll.u32 s10, $0x4;
	[sflag:s7] =	ssyncset.done $0x0  }
0x1a: {  	s10 =	sadd.s32 s16, s10;
	[sflag:s7] =	ssyncadd.s32 $0xFFFF0000  }
0x1b: {  	[hbm4b:s10+s2] =	stream.linear.scatter [tilespmem:s6], [sflag:$0x2], $0x10000, $0x38;
	[tilespmem:$0x10200] =	vst v63  }
0x1c: {  	s12 =	sor.u32 $0x400, s13;
	_ =	swait.ge [sflag:s3], $0x10000  }
0x1d: {  	s11 =	sshrl.u32 s12, $0x3;
	[sflag:s3] =	ssyncset.done $0x0  }
0x1e: {  	s11 =	sadd.s32 s15, s11;
	[sflag:s3] =	ssyncadd.s32 $0xFFFF0000  }
0x1f: {  	[tilespmem:s2], [sflag:$0x2] =	stream.linear.gather [hbm4b:s11+s2], $0x200, $0x38;
	[tilespmem:$0x10200] =	vst v63  }
0x20: {  	_ =	swait.ge [sflag:s3], $0x200  }
0x21: {  	[sflag:s3] =	ssyncset.done $0x0  }
0x22: {  	[sflag:s3] =	ssyncadd.s32 $0xFFFFFE00  }
0x23: {  	[tilespmem:s6], [sflag:$0x1] =	stream.indirect.gather [hbm4b:s5+s6], $0x80, s2, s6, $0xb8;
	[tilespmem:$0x10200] =	vst v63  }
0x24: {  	_ =	swait.ge [sflag:s7], $0x10000  }
0x25: {  	s12 =	sshll.u32 s12, $0x4;
	[sflag:s7] =	ssyncset.done $0x0  }
0x26: {  	s12 =	sadd.s32 s16, s12;
	[sflag:s7] =	ssyncadd.s32 $0xFFFF0000  }
0x27: {  	[hbm4b:s12+s2] =	stream.linear.scatter [tilespmem:s6], [sflag:$0x2], $0x10000, $0x38;
	[tilespmem:$0x10200] =	vst v63  }
0x28: {  	s17 =	sor.u32 $0x600, s13;
	_ =	swait.ge [sflag:s3], $0x10000  }
0x29: {  	s13 =	sshrl.u32 s17, $0x3;
	[sflag:s3] =	ssyncset.done $0x0  }
0x2a: {  	s14 =	ssub.s32 $0x2, s14;
	s13 =	sadd.s32 s15, s13;
	[sflag:s3] =	ssyncadd.s32 $0xFFFF0000  }
0x2b: {  	[tilespmem:s2], [sflag:$0x2] =	stream.linear.gather [hbm4b:s13+s2], $0x200, $0x38;
	[tilespmem:$0x10200] =	vst v63  }
0x2c: {  	s30 =	sshrl.u32 s14, $0x1;
	_ =	swait.ge [sflag:s3], $0x200  }
0x2d: {  	s15 =	ssub.s32 s14, s30;
	[sflag:s3] =	ssyncset.done $0x0  }
0x2e: {  	s15 =	smax.u32 s15, $0x1;
	[sflag:s3] =	ssyncadd.s32 $0xFFFFFE00  }
0x2f: {  	[tilespmem:s6], [sflag:$0x1] =	stream.indirect.gather [hbm4b:s5+s6], $0x80, s2, s6, $0xb8;
	[tilespmem:$0x10200] =	vst v63  }
0x30: {  	p0 =	sne.s32 s15, $0x1;
	_ =	swait.ge [sflag:s7], $0x10000  }
.Ltmp0:
0x31: {  	s31 =	sshll.u32 s17, $0x4;
	[sflag:s7] =	ssyncset.done $0x0;
	(pc) =	sbr.rel @!p0 .LBB2_2-.Ltmp0, $4  }
0x32: {  	s14 =	sadd.s32 s16, s31;
	[sflag:s7] =	ssyncadd.s32 $0xFFFF0000  }
0x33: {  	[hbm4b:s14+s2] =	stream.linear.scatter [tilespmem:s6], [sflag:$0x2], $0x10000, $0x38;
	[tilespmem:$0x10200] =	vst v63  }
0x34: {  	_ =	swait.ge [sflag:s3], $0x10000  }
0x35: {  	s15 =	sadd.s32 $0xFFFFFFFF, s15;
	[sflag:s3] =	ssyncset.done $0x0  }
.LBB2_1:
0x36: {  	p0 =	sne.s32 s15, $0x1;
	s15 =	sadd.s32 $0xFFFFFFFF, s15;
	[sflag:s3] =	ssyncadd.s32 $0xFFFF0000  }
0x37: {  	[tilespmem:s2], [sflag:$0x2] =	stream.linear.gather [hbm4b:s4+s2], $0x200, $0x38;
	[tilespmem:$0x10200] =	vst v63  }
0x38: {  	_ =	swait.ge [sflag:s3], $0x200  }
0x39: {  	[sflag:s3] =	ssyncset.done $0x0  }
0x3a: {  	[sflag:s3] =	ssyncadd.s32 $0xFFFFFE00  }
0x3b: {  	[tilespmem:s6], [sflag:$0x1] =	stream.indirect.gather [hbm4b:s5+s6], $0x80, s2, s6, $0xb8;
	[tilespmem:$0x10200] =	vst v63  }
0x3c: {  	_ =	swait.ge [sflag:s7], $0x10000  }
0x3d: {  	[sflag:s7] =	ssyncset.done $0x0  }
0x3e: {  	[sflag:s7] =	ssyncadd.s32 $0xFFFF0000  }
0x3f: {  	[hbm4b:s8+s2] =	stream.linear.scatter [tilespmem:s6], [sflag:$0x2], $0x10000, $0x38;
	[tilespmem:$0x10200] =	vst v63  }
0x40: {  	_ =	swait.ge [sflag:s3], $0x10000  }
0x41: {  	[sflag:s3] =	ssyncset.done $0x0  }
0x42: {  	[sflag:s3] =	ssyncadd.s32 $0xFFFF0000  }
0x43: {  	[tilespmem:s2], [sflag:$0x2] =	stream.linear.gather [hbm4b:s9+s2], $0x200, $0x38;
	[tilespmem:$0x10200] =	vst v63  }
0x44: {  	_ =	swait.ge [sflag:s3], $0x200  }
0x45: {  	[sflag:s3] =	ssyncset.done $0x0  }
0x46: {  	[sflag:s3] =	ssyncadd.s32 $0xFFFFFE00  }
0x47: {  	[tilespmem:s6], [sflag:$0x1] =	stream.indirect.gather [hbm4b:s5+s6], $0x80, s2, s6, $0xb8;
	[tilespmem:$0x10200] =	vst v63  }
0x48: {  	_ =	swait.ge [sflag:s7], $0x10000  }
0x49: {  	[sflag:s7] =	ssyncset.done $0x0  }
0x4a: {  	[sflag:s7] =	ssyncadd.s32 $0xFFFF0000  }
0x4b: {  	[hbm4b:s10+s2] =	stream.linear.scatter [tilespmem:s6], [sflag:$0x2], $0x10000, $0x38;
	[tilespmem:$0x10200] =	vst v63  }
0x4c: {  	_ =	swait.ge [sflag:s3], $0x10000  }
0x4d: {  	[sflag:s3] =	ssyncset.done $0x0  }
0x4e: {  	[sflag:s3] =	ssyncadd.s32 $0xFFFF0000  }
0x4f: {  	[tilespmem:s2], [sflag:$0x2] =	stream.linear.gather [hbm4b:s11+s2], $0x200, $0x38;
	[tilespmem:$0x10200] =	vst v63  }
0x50: {  	_ =	swait.ge [sflag:s3], $0x200  }
0x51: {  	[sflag:s3] =	ssyncset.done $0x0  }
0x52: {  	[sflag:s3] =	ssyncadd.s32 $0xFFFFFE00  }
0x53: {  	[tilespmem:s6], [sflag:$0x1] =	stream.indirect.gather [hbm4b:s5+s6], $0x80, s2, s6, $0xb8;
	[tilespmem:$0x10200] =	vst v63  }
0x54: {  	_ =	swait.ge [sflag:s7], $0x10000  }
0x55: {  	[sflag:s7] =	ssyncset.done $0x0  }
0x56: {  	[sflag:s7] =	ssyncadd.s32 $0xFFFF0000  }
0x57: {  	[hbm4b:s12+s2] =	stream.linear.scatter [tilespmem:s6], [sflag:$0x2], $0x10000, $0x38;
	[tilespmem:$0x10200] =	vst v63  }
0x58: {  	_ =	swait.ge [sflag:s3], $0x10000  }
0x59: {  	[sflag:s3] =	ssyncset.done $0x0  }
0x5a: {  	[sflag:s3] =	ssyncadd.s32 $0xFFFF0000  }
0x5b: {  	[tilespmem:s2], [sflag:$0x2] =	stream.linear.gather [hbm4b:s13+s2], $0x200, $0x38;
	[tilespmem:$0x10200] =	vst v63  }
0x5c: {  	_ =	swait.ge [sflag:s3], $0x200  }
0x5d: {  	[sflag:s3] =	ssyncset.done $0x0  }
0x5e: {  	[sflag:s3] =	ssyncadd.s32 $0xFFFFFE00  }
0x5f: {  	[tilespmem:s6], [sflag:$0x1] =	stream.indirect.gather [hbm4b:s5+s6], $0x80, s2, s6, $0xb8;
	[tilespmem:$0x10200] =	vst v63  }
0x60: {  	_ =	swait.ge [sflag:s7], $0x10000  }
.Ltmp1:
0x61: {  	[sflag:s7] =	ssyncset.done $0x0;
	(pc) =	sbr.rel @p0 .LBB2_1-.Ltmp1, $4  }
0x62: {  	[sflag:s7] =	ssyncadd.s32 $0xFFFF0000  }
0x63: {  	[hbm4b:s14+s2] =	stream.linear.scatter [tilespmem:s6], [sflag:$0x2], $0x10000, $0x38;
	[tilespmem:$0x10200] =	vst v63  }
0x64: {  	_ =	swait.ge [sflag:s3], $0x10000  }
0x65: {  	[sflag:s3] =	ssyncset.done $0x0  }
.LBB2_2:
0x66: {  	[sflag:s3] =	ssyncadd.s32 $0xFFFF0000  }
0x67: {  	_ =	sfence.sel $0x180000  }
0x68: {  	[bflag:$0x0] =	sbarrier.arrive $0xFFFF  }
0x69: {  	p0 =	sne.s32 s0, $0x0;
	_ =	strace $0x90000059  }
0x6a: {  	s0 =	sadd.s32 @!p0 $0x100000, s1;
	[bflag:$0x2] =	sbarrier.arrive $0xFFFF  }
0x6b: {  	[sflag:s0] =	ssyncadd.tile.s32 @!p0 $0x1;
	_ =	shalt  }
.Lfunc_end2:
_tile_overlayer_lowered:
.L_overlay_start_2:
0x6c: {  	(tag) =	ssettag $0x2  }
0x6d: {  	s0 =	rddreg [dreg:$0x0];
	s2 =	stileid.u32  }
0x6e: {  	s1 =	rddreg [dreg:$0x1];
	p0 =	sne.s32 s2, $0x0  }
0x6f: {  	s3 =	rddreg [dreg:$0x2];
	[bflag:$0x3] =	sbarrier.arrive $0xFFFF;
	s2 =	simm.s32 @!p0 $0x1C02  }
0x70: {  	[timem:s3], [sflag:s2] =	dma.local @!p0 [hbm:s0], s1  }
0x71: {  	s0 =	simm.s32 @!p0 $0x2  }
0x72: {  	_ =	swait.ge @!p0 [sflag:s0], s1  }
0x73: {  	s1 =	ssub.s32 @!p0 $0x0, s1;
	[sflag:s0] =	ssyncset.done @!p0 $0x0  }
0x74: {  	[sflag:s0] =	ssyncadd.s32 @!p0 s1  }
0x75: {  	[bflag:$0x3] =	sbarrier.arrive $0xFFFF  }
0x76: {  	_ =	shalt  }

// kernel: kernel.39.cloned.1.call-start
scs
__scs_entry_jumppad:
0x0: {  	(pc) =	sbr.rel $0x88, $3  }
0x1: {  	(tag) =	ssettag $0x0;
	lr =	simm.s32 $0x1  }
0x2: {  	[smem:$0x3F90] =	sst lr;
	_ =	strace $0xD0000000  }
0x3: {  	_ = 	snop  }
0x4: {  	_ = 	snop  }
0x5: {  	_ = 	snop  }
0x6: {  	_ = 	snop  }
0x7: {  	_ = 	snop  }
__scs_overlays_trampoline_lowered:
0x8: {  	[smem:$0x3F9F] =	sst s0  }
0x9: {  	[smem:$0x3FA0] =	sst s1  }
0xa: {  	[smem:$0x3FA1] =	sst s2  }
0xb: {  	[smem:$0x3FA2] =	sst s3  }
0xc: {  	[smem:$0x3FA3] =	sst s4  }
0xd: {  	[smem:$0x3FA4] =	sst s5  }
0xe: {  	[smem:$0x3FA5] =	sst s6  }
0xf: {  	[smem:$0x3FA6] =	sst s7  }
0x10: {  	[smem:$0x3FA7] =	sst s8  }
0x11: {  	[smem:$0x3FA8] =	sst s9;
	s0 =	simm.s32 @!p0 $0x0  }
0x12: {  	s1 =	sld [smem:$0x3F8E];
	s0 =	simm.s32 @p0 $0x1  }
0x13: {  	[smem:$0x3FA9] =	sst s0;
	s0 =	simm.s32 @!p1 $0x0  }
0x14: {  	s2 =	sld [smem:$0x3F8D];
	s0 =	simm.s32 @p1 $0x1  }
0x15: {  	[smem:$0x3FAA] =	sst s0;
	s0 =	simm.s32 @!p2 $0x0  }
0x16: {  	s3 =	sld [smem:$0x3FDB];
	s0 =	simm.s32 @p2 $0x1  }
0x17: {  	s4 =	simm.s32 $0x1BF5;
	[smem:$0x3FAC] =	sst s0  }
0x18: {  	s0 =	sld [smem:$0x3F8F];
	_ =	swait.ge [sflag:s4], $0x0  }
0x19: {  	s7 =	sld [smem:$0x3F90]  }
0x1a: {  	s8 =	sadd.s32 $0xFFFFE003, lr  }
0x1b: {  	s9 =	sadd.s32 $0xFFFFFEF7, lr;
	s5 =	simm.s32 $0xFFFFFFFF;
	p2 =	slt.u32 s8, $0xFFFFF086  }
0x1c: {  	p1 =	slt.u32 s9, $0xF7A;
	s5 =	simm.s32 @!p2 $0x0  }
0x1d: {  	s5 =	simm.s32 @p1 $0x1;
	p0 =	seq.s32 s7, s2  }
0x1e: {  	s7 =	smul.u32 @!p0 $0xF7A, s2;
	p2 =	seq.s32 @!p0 s5, $0x0  }
0x1f: {  	s9 =	smul.u32 $0xF7A, s1;
	s8 =	simm.s32 @!p0 $0x1BF5;
	p2 =	por !p2, p0  }
0x20: {  	[sflag:s8] =	ssyncset.s32 @!p0 $0xFFFFF086;
	s6 =	sadd.s32 @!p0 s3, s7;
	s7 =	simm.s32 @!p0 $0x108  }
0x21: {  	s3 =	sadd.s32 s3, s9;
	s6 =	sadd.s32 @!p0 $0x88, s6;
	s7 =	simm.s32 @p2 $0x1082  }
0x22: {  	[simem:s7], [sflag:s8] =	dma.local @!p0 [hbm:s6], $0xF7A  }
0x23: {  	s9 =	sor.u32 $0xD0000000, s2;
	s6 =	simm.s32 $0x108;
	_ =	swait.ge @!p0 [sflag:s8], $0x0  }
0x24: {  	s3 =	sadd.s32 $0x88, s3;
	s6 =	simm.s32 @!p1 $0x1082;
	[sflag:s4] =	ssyncset.s32 $0xFFFFF086  }
0x25: {  	[simem:s6], [sflag:s4] =	dma.local [hbm:s3], $0xF7A  }
0x26: {  	[smem:$0x3F90] =	sst s1;
	(tag) =	ssettag s2;
	_ =	strace s9  }
0x27: {  	s1 =	sld [smem:$0x3FA0]  }
0x28: {  	s2 =	sld [smem:$0x3FA1]  }
0x29: {  	s4 =	sld [smem:$0x3FA3]  }
0x2a: {  	p0 =	seq.s32 s5, $0x0;
	s5 =	sld [smem:$0x3FA4]  }
0x2b: {  	s6 =	sld [smem:$0x3FA5]  }
0x2c: {  	s7 =	sld [smem:$0x3FA6]  }
0x2d: {  	s3 =	simm.s32 $0x108;
	s8 =	sld [smem:$0x3FA7]  }
0x2e: {  	s3 =	simm.s32 @!p0 $0x1082;
	s9 =	sld [smem:$0x3FA8]  }
0x2f: {  	lr =	sadd.s32 s0, s3;
	s0 =	sld [smem:$0x3F9F]  }
0x30: {  	s3 =	sld [smem:$0x3FA2]  }
0x31: {  	[smem:$0x3FAB] =	sst s10  }
0x32: {  	s10 =	sld [smem:$0x3FA9];
	_ =	sdelay $0x3  }
0x33: {  	p0 =	seq.s32 s10, $0x1;
	s10 =	sld [smem:$0x3FAB];
	_ =	sdelay $0x3  }
0x34: {  	[smem:$0x3FAB] =	sst s10  }
0x35: {  	s10 =	sld [smem:$0x3FAA];
	_ =	sdelay $0x3  }
0x36: {  	p1 =	seq.s32 s10, $0x1;
	s10 =	sld [smem:$0x3FAB];
	_ =	sdelay $0x3  }
0x37: {  	[smem:$0x3FAB] =	sst s10  }
0x38: {  	s10 =	sld [smem:$0x3FAC]  }
0x39: {  	_ = 	snop;
	(pc) =	sbr.ind lr, $3  }
0x3a: {  	_ = 	snop  }
0x3b: {  	_ = 	snop  }
0x3c: {  	p2 =	seq.s32 s10, $0x1;
	s10 =	sld [smem:$0x3FAB]  }
0x3d: {  	_ =	shalt  }
0x3e: {  	_ =	shalt  }
0x3f: {  	_ =	shalt  }
0x40: {  	_ =	shalt  }
0x41: {  	_ =	shalt  }
0x42: {  	_ =	shalt  }
0x43: {  	_ =	shalt  }
0x44: {  	_ =	shalt  }
0x45: {  	_ =	shalt  }
0x46: {  	_ =	shalt  }
0x47: {  	_ =	shalt  }
0x48: {  	_ =	shalt  }
0x49: {  	_ =	shalt  }
0x4a: {  	_ =	shalt  }
0x4b: {  	_ =	shalt  }
0x4c: {  	_ =	shalt  }
0x4d: {  	_ =	shalt  }
0x4e: {  	_ =	shalt  }
0x4f: {  	_ =	shalt  }
0x50: {  	_ =	shalt  }
0x51: {  	_ =	shalt  }
0x52: {  	_ =	shalt  }
0x53: {  	_ =	shalt  }
0x54: {  	_ =	shalt  }
0x55: {  	_ =	shalt  }
0x56: {  	_ =	shalt  }
0x57: {  	_ =	shalt  }
0x58: {  	_ =	shalt  }
0x59: {  	_ =	shalt  }
0x5a: {  	_ =	shalt  }
0x5b: {  	_ =	shalt  }
0x5c: {  	_ =	shalt  }
0x5d: {  	_ =	shalt  }
0x5e: {  	_ =	shalt  }
0x5f: {  	_ =	shalt  }
0x60: {  	_ =	shalt  }
0x61: {  	_ =	shalt  }
0x62: {  	_ =	shalt  }
0x63: {  	_ =	shalt  }
0x64: {  	_ =	shalt  }
0x65: {  	_ =	shalt  }
0x66: {  	_ =	shalt  }
0x67: {  	_ =	shalt  }
0x68: {  	_ =	shalt  }
0x69: {  	_ =	shalt  }
0x6a: {  	_ =	shalt  }
0x6b: {  	_ =	shalt  }
0x6c: {  	_ =	shalt  }
0x6d: {  	_ =	shalt  }
0x6e: {  	_ =	shalt  }
0x6f: {  	_ =	shalt  }
0x70: {  	_ =	shalt  }
0x71: {  	_ =	shalt  }
0x72: {  	_ =	shalt  }
0x73: {  	_ =	shalt  }
0x74: {  	_ =	shalt  }
0x75: {  	_ =	shalt  }
0x76: {  	_ =	shalt  }
0x77: {  	_ =	shalt  }
0x78: {  	_ =	shalt  }
0x79: {  	_ =	shalt  }
0x7a: {  	_ =	shalt  }
0x7b: {  	_ =	shalt  }
0x7c: {  	_ =	shalt  }
0x7d: {  	_ =	shalt  }
0x7e: {  	_ =	shalt  }
0x7f: {  	_ =	shalt  }
0x80: {  	_ =	shalt  }
0x81: {  	_ =	shalt  }
0x82: {  	_ =	shalt  }
0x83: {  	_ =	shalt  }
0x84: {  	_ =	shalt  }
0x85: {  	_ =	shalt  }
0x86: {  	_ =	shalt  }
0x87: {  	_ =	shalt  }
.Lfunc_end0:
.L_simem_size_0:
called_computation.4_lowered:
.L_overlay_start_0:
0x88: {  	s2 =	sld [smem:$0x3FD9]  }
0x89: {  	s3 =	sld [smem:$0x3FFE];
	_ =	sdelay $0x1  }
0x8a: {  	s1 =	srdreg.scid  }
0x8b: {  	s0 =	sand.u32 $0x1, s1  }
0x8c: {  	s17 =	sshll.u32 s0, $0xA;
	s2 =	sadd.s32 s3, s2  }
0x8d: {  	s2 =	sadd.s32 s2, s17  }
0x8e: {  	[smem:$0x3FB7] =	sst s2  }
0x8f: {  	_ = 	snop  }
0x90: {  	s18 =	sld [smem:$0x3FD0];
	(tm) =	ssettm $0x1  }
0x91: {  	s19 =	sld [smem:$0x3FFB];
	_ =	sdelay $0x3  }
0x92: {  	_ =	strace s19  }
0x93: {  	s2 =	sld [smem:$0x3FFC];
	_ =	sdelay $0x3  }
0x94: {  	_ =	strace s2  }
0x95: {  	s2 =	sld [smem:$0x3FFD];
	_ =	sdelay $0x3  }
0x96: {  	_ =	strace s2  }
0x97: {  	_ =	strace $0x8FFFFFFF  }
0x98: {  	s20 =	sld [smem:$0x3FDB];
	_ =	sdelay $0x1  }
0x99: {  	s4 =	simm.s32 $_scs_section_size  }
0x9a: {  	s5 =	simm.s32 $_size__tile_overlayer_lowered;
	s6 =	simm.s32 $_tile_overlayer_lowered  }
0x9b: {  	s7 =	simm.s32 $0x1BFF;
	s21 =	sshll.u32 s6, $0x1;
	s4 =	sadd.s32 s4, s20  }
0x9c: {  	s22 =	simm.s32 $0x0;
	s5 =	sshll.u32 s5, $0x1;
	s6 =	sadd.s32 s21, s4  }
0x9d: {  	[timem:s22], [sflag:s7] =	dma.local [hbm:s6], s5  }
0x9e: {  	_ =	swait.ge [sflag:s7], s5  }
0x9f: {  	s5 =	ssub.s32 $0x0, s5;
	[sflag:s7] =	ssyncset.done $0x0  }
0xa0: {  	[sflag:s7] =	ssyncadd.s32 s5;
	_ =	sdelay $0x1  }
0xa1: {  	s23 =	simm.s32 $0x1B8B  }
0xa2: {  	_ =	swait.ge [sflag:s23], $0x1  }
0xa3: {  	[sflag:s23] =	ssyncset.done $0x0  }
0xa4: {  	[sflag:s23] =	ssyncadd.s32 $0xFFFFFFFF  }
0xa5: {  	s5 =	sld [smem:$0x0]  }
0xa6: {  	s6 =	sand.u32 $0xFFFFFFFE, s1  }
0xa7: {  	p0 =	sne.s32 s1, s6  }
0xa8: {  	s6 =	sshll.u32 @p0 s6, $0xE  }
0xa9: {  	s6 =	sadd.s32 @p0 $0x11B8D, s6;
	s7 =	sshll.u32 @p0 s5, $0x11  }
0xaa: {  	s6 =	sor.u32 @p0 s7, s6  }
0xab: {  	[sflag:s6] =	ssyncadd.remote.s32 @p0 $0x1;
	_ =	sdelay $0x1  }
0xac: {  	s6 =	simm.s32 @p0 $0x1B8D  }
0xad: {  	_ =	swait.eq @p0 [sflag:s6], $0x1  }
0xae: {  	[sflag:s6] =	ssyncadd.s32 @p0 $0xFFFFFFFF  }
0xaf: {  	s7 =	sshll.u32 @!p0 s1, $0xE  }
0xb0: {  	s7 =	sor.u32 @!p0 $0x4000, s7;
	s6 =	simm.s32 @!p0 $0x1B8D  }
0xb1: {  	s5 =	sshll.u32 @!p0 s5, $0x11;
	s7 =	sadd.s32 @!p0 $0x11B8D, s7;
	_ =	swait.eq @!p0 [sflag:s6], $0x1  }
0xb2: {  	s5 =	sor.u32 @!p0 s5, s7;
	[sflag:s6] =	ssyncadd.s32 @!p0 $0xFFFFFFFF  }
0xb3: {  	s25 =	simm.s32 $0x1B8E;
	s24 =	sld [smem:$0x3FFE];
	[sflag:s5] =	ssyncadd.remote.s32 @!p0 $0x1  }
0xb4: {  	s26 =	simm.s32 $execute0_lowered;
	[smem:$0x3FD2] =	sst s25  }
0xb5: {  	s6 =	sshll.u32 s26, $0x1;
	_ =	strace $0x80000049;
	[dreg:$0x1] =	wrdreg $0xFFFFFFFF  }
0xb6: {  	s28 =	simm.s32 $_size_execute0_lowered;
	s4 =	sadd.s32 s4, s6;
	[dreg:$0x0] =	wrdreg $0x0  }
0xb7: {  	s6 =	sshll.u32 s28, $0x1;
	[dreg:$0x2] =	wrdreg s4  }
0xb8: {  	[dreg:$0x3] =	wrdreg s6  }
0xb9: {  	[dreg:$0x4] =	wrdreg $0xC0  }
0xba: {  	_ =	task [dreg:s22], $0x5FFFF  }
0xbb: {  	[dreg:$0x1] =	wrdreg $0xFFFFFFFF  }
0xbc: {  	[dreg:$0x0] =	wrdreg $0x60  }
0xbd: {  	[dreg:$0x2] =	wrdreg s24  }
0xbe: {  	[dreg:$0x3] =	wrdreg s18  }
0xbf: {  	[dreg:$0x4] =	wrdreg $0xA  }
0xc0: {  	_ =	task.clear_ibuf [dreg:s22], $0x5FFFF;
	_ =	strace $0x90000049  }
0xc1: {  	s29 =	simm.s32 $0xA;
	_ =	strace $0x8000004B  }
0xc2: {  	_ =	swait.ge [sflag:s29], $0x1  }
0xc3: {  	[sflag:s29] =	ssyncadd.s32 $0xFFFFFFFF  }
0xc4: {  	_ =	strace $0x9000004B  }
0xc5: {  	_ =	sfence  }
0xc6: {  	s30 =	sld [smem:$0x0];
	_ =	sdelay $0x2  }
0xc7: {  	s31 =	sshll.u32 s1, $0xD;
	s1 =	sshrl.u32 s1, $0x2  }
0xc8: {  	s4 =	sand.u32 $0x4000, s31;
	s1 =	sadd.s32 s1, s30  }
0xc9: {  	s0 =	sor.u32 s4, s0;
	s1 =	sshll.u32 s1, $0x11  }
0xca: {  	s0 =	sor.u32 s1, s0  }
0xcb: {  	s0 =	sadd.s32 $0x8F2B, s0  }
0xcc: {  	[sflag:s0] =	ssyncadd.remote.s32 $0x1  }
0xcd: {  	_ =	sfence.sel $0xFFFF  }
0xce: {  	[dreg:$0x0] =	wrdreg $0xFFFFFFFF;
	(pc) =	sbr.abs _section_cstart, $3  }
0xcf: {  	[dreg:$0x1] =	wrdreg $0xFFFFFFFF  }
0xd0: {  	_ =	task.clear_ibuf [dreg:s22], $0x2FFFF;
	_ =	strace $0x9FFFFFFF  }
0xd1: {  	(tm) =	ssettm $0x7FFFFFFF  }
tec
execute0_lowered:
.L_overlay_start_1:
0x0: {  	(tag) =	ssettag $0x1  }
0x1: {  	s1 =	srdreg.scid  }
0x2: {  	s8 =	rddreg [dreg:$0x0];
	s0 =	stileid.u32;
	s14 =	sand.u32 $0x1, s1  }
0x3: {  	s13 =	rddreg [dreg:$0x1];
	s3 =	sshll.u32 s0, $0xC;
	s4 =	sshll.u32 s14, $0xB  }
0x4: {  	s2 =	simm.s32 $0x0;
	s1 =	rddreg [dreg:$0x2];
	s15 =	sor.u32 s4, s3  }
0x5: {  	[smem:$0x7FF] =	sst s2;
	s3 =	sshrl.u32 s15, $0x3  }
0x6: {  	_ =	strace $0x8000004A;
	s4 =	sadd.s32 s13, s3;
	s3 =	simm.s32 $0x2  }
0x7: {  	[tilespmem:s2], [sflag:$0x2] =	stream.linear.gather [hbm4b:s4+s2], $0x200, $0x38;
	[tilespmem:$0x10200] =	vst v63  }
0x8: {  	_ =	swait.ge [sflag:s3], $0x200  }
0x9: {  	s6 =	simm.s32 $0x200;
	[sflag:s3] =	ssyncset.done $0x0  }
0xa: {  	s7 =	simm.s32 $0x1;
	s5 =	sadd.s32 $0x113E00, s8;
	[sflag:s3] =	ssyncadd.s32 $0xFFFFFE00  }
0xb: {  	[tilespmem:s6], [sflag:$0x1] =	stream.indirect.gather [hbm4b:s5+s6], $0x80, s2, s6, $0xb8;
	[tilespmem:$0x10200] =	vst v63  }
0xc: {  	_ =	swait.ge [sflag:s7], $0x10000  }
0xd: {  	s16 =	sadd.s32 $0x123E00, s8;
	s28 =	sshll.u32 s15, $0x4;
	[sflag:s7] =	ssyncset.done $0x0  }
0xe: {  	s8 =	sadd.s32 s16, s28;
	[sflag:s7] =	ssyncadd.s32 $0xFFFF0000  }
0xf: {  	[hbm4b:s8+s2] =	stream.linear.scatter [tilespmem:s6], [sflag:$0x2], $0x10000, $0x38;
	[tilespmem:$0x10200] =	vst v63  }
0x10: {  	s10 =	sor.u32 $0x200, s15;
	_ =	swait.ge [sflag:s3], $0x10000  }
0x11: {  	s9 =	sshrl.u32 s10, $0x3;
	[sflag:s3] =	ssyncset.done $0x0  }
0x12: {  	s9 =	sadd.s32 s13, s9;
	[sflag:s3] =	ssyncadd.s32 $0xFFFF0000  }
0x13: {  	[tilespmem:s2], [sflag:$0x2] =	stream.linear.gather [hbm4b:s9+s2], $0x200, $0x38;
	[tilespmem:$0x10200] =	vst v63  }
0x14: {  	_ =	swait.ge [sflag:s3], $0x200  }
0x15: {  	[sflag:s3] =	ssyncset.done $0x0  }
0x16: {  	[sflag:s3] =	ssyncadd.s32 $0xFFFFFE00  }
0x17: {  	[tilespmem:s6], [sflag:$0x1] =	stream.indirect.gather [hbm4b:s5+s6], $0x80, s2, s6, $0xb8;
	[tilespmem:$0x10200] =	vst v63  }
0x18: {  	_ =	swait.ge [sflag:s7], $0x10000  }
0x19: {  	s10 =	sshll.u32 s10, $0x4;
	[sflag:s7] =	ssyncset.done $0x0  }
0x1a: {  	s10 =	sadd.s32 s16, s10;
	[sflag:s7] =	ssyncadd.s32 $0xFFFF0000  }
0x1b: {  	[hbm4b:s10+s2] =	stream.linear.scatter [tilespmem:s6], [sflag:$0x2], $0x10000, $0x38;
	[tilespmem:$0x10200] =	vst v63  }
0x1c: {  	s12 =	sor.u32 $0x400, s15;
	_ =	swait.ge [sflag:s3], $0x10000  }
0x1d: {  	s11 =	sshrl.u32 s12, $0x3;
	[sflag:s3] =	ssyncset.done $0x0  }
0x1e: {  	s11 =	sadd.s32 s13, s11;
	[sflag:s3] =	ssyncadd.s32 $0xFFFF0000  }
0x1f: {  	[tilespmem:s2], [sflag:$0x2] =	stream.linear.gather [hbm4b:s11+s2], $0x200, $0x38;
	[tilespmem:$0x10200] =	vst v63  }
0x20: {  	_ =	swait.ge [sflag:s3], $0x200  }
0x21: {  	[sflag:s3] =	ssyncset.done $0x0  }
0x22: {  	[sflag:s3] =	ssyncadd.s32 $0xFFFFFE00  }
0x23: {  	[tilespmem:s6], [sflag:$0x1] =	stream.indirect.gather [hbm4b:s5+s6], $0x80, s2, s6, $0xb8;
	[tilespmem:$0x10200] =	vst v63  }
0x24: {  	_ =	swait.ge [sflag:s7], $0x10000  }
0x25: {  	s12 =	sshll.u32 s12, $0x4;
	[sflag:s7] =	ssyncset.done $0x0  }
0x26: {  	s12 =	sadd.s32 s16, s12;
	[sflag:s7] =	ssyncadd.s32 $0xFFFF0000  }
0x27: {  	[hbm4b:s12+s2] =	stream.linear.scatter [tilespmem:s6], [sflag:$0x2], $0x10000, $0x38;
	[tilespmem:$0x10200] =	vst v63  }
0x28: {  	s15 =	sor.u32 $0x600, s15;
	_ =	swait.ge [sflag:s3], $0x10000  }
0x29: {  	s17 =	sshrl.u32 s15, $0x3;
	[sflag:s3] =	ssyncset.done $0x0  }
0x2a: {  	s14 =	ssub.s32 $0x2, s14;
	s13 =	sadd.s32 s13, s17;
	[sflag:s3] =	ssyncadd.s32 $0xFFFF0000  }
0x2b: {  	[tilespmem:s2], [sflag:$0x2] =	stream.linear.gather [hbm4b:s13+s2], $0x200, $0x38;
	[tilespmem:$0x10200] =	vst v63  }
0x2c: {  	s29 =	sshrl.u32 s14, $0x1;
	_ =	swait.ge [sflag:s3], $0x200  }
0x2d: {  	s17 =	ssub.s32 s14, s29;
	[sflag:s3] =	ssyncset.done $0x0  }
0x2e: {  	s31 =	smax.u32 s17, $0x1;
	[sflag:s3] =	ssyncadd.s32 $0xFFFFFE00  }
0x2f: {  	[tilespmem:s6], [sflag:$0x1] =	stream.indirect.gather [hbm4b:s5+s6], $0x80, s2, s6, $0xb8;
	[tilespmem:$0x10200] =	vst v63  }
0x30: {  	p0 =	sne.s32 s31, $0x1;
	_ =	swait.ge [sflag:s7], $0x10000  }
.Ltmp0:
0x31: {  	s30 =	sshll.u32 s15, $0x4;
	[sflag:s7] =	ssyncset.done $0x0;
	(pc) =	sbr.rel @!p0 .LBB2_2-.Ltmp0, $4  }
0x32: {  	s14 =	sadd.s32 s16, s30;
	[sflag:s7] =	ssyncadd.s32 $0xFFFF0000  }
0x33: {  	[hbm4b:s14+s2] =	stream.linear.scatter [tilespmem:s6], [sflag:$0x2], $0x10000, $0x38;
	[tilespmem:$0x10200] =	vst v63  }
0x34: {  	_ =	swait.ge [sflag:s3], $0x10000  }
0x35: {  	s15 =	sadd.s32 $0xFFFFFFFF, s31;
	[sflag:s3] =	ssyncset.done $0x0  }
.LBB2_1:
0x36: {  	p0 =	sne.s32 s15, $0x1;
	s15 =	sadd.s32 $0xFFFFFFFF, s15;
	[sflag:s3] =	ssyncadd.s32 $0xFFFF0000  }
0x37: {  	[tilespmem:s2], [sflag:$0x2] =	stream.linear.gather [hbm4b:s4+s2], $0x200, $0x38;
	[tilespmem:$0x10200] =	vst v63  }
0x38: {  	_ =	swait.ge [sflag:s3], $0x200  }
0x39: {  	[sflag:s3] =	ssyncset.done $0x0  }
0x3a: {  	[sflag:s3] =	ssyncadd.s32 $0xFFFFFE00  }
0x3b: {  	[tilespmem:s6], [sflag:$0x1] =	stream.indirect.gather [hbm4b:s5+s6], $0x80, s2, s6, $0xb8;
	[tilespmem:$0x10200] =	vst v63  }
0x3c: {  	_ =	swait.ge [sflag:s7], $0x10000  }
0x3d: {  	[sflag:s7] =	ssyncset.done $0x0  }
0x3e: {  	[sflag:s7] =	ssyncadd.s32 $0xFFFF0000  }
0x3f: {  	[hbm4b:s8+s2] =	stream.linear.scatter [tilespmem:s6], [sflag:$0x2], $0x10000, $0x38;
	[tilespmem:$0x10200] =	vst v63  }
0x40: {  	_ =	swait.ge [sflag:s3], $0x10000  }
0x41: {  	[sflag:s3] =	ssyncset.done $0x0  }
0x42: {  	[sflag:s3] =	ssyncadd.s32 $0xFFFF0000  }
0x43: {  	[tilespmem:s2], [sflag:$0x2] =	stream.linear.gather [hbm4b:s9+s2], $0x200, $0x38;
	[tilespmem:$0x10200] =	vst v63  }
0x44: {  	_ =	swait.ge [sflag:s3], $0x200  }
0x45: {  	[sflag:s3] =	ssyncset.done $0x0  }
0x46: {  	[sflag:s3] =	ssyncadd.s32 $0xFFFFFE00  }
0x47: {  	[tilespmem:s6], [sflag:$0x1] =	stream.indirect.gather [hbm4b:s5+s6], $0x80, s2, s6, $0xb8;
	[tilespmem:$0x10200] =	vst v63  }
0x48: {  	_ =	swait.ge [sflag:s7], $0x10000  }
0x49: {  	[sflag:s7] =	ssyncset.done $0x0  }
0x4a: {  	[sflag:s7] =	ssyncadd.s32 $0xFFFF0000  }
0x4b: {  	[hbm4b:s10+s2] =	stream.linear.scatter [tilespmem:s6], [sflag:$0x2], $0x10000, $0x38;
	[tilespmem:$0x10200] =	vst v63  }
0x4c: {  	_ =	swait.ge [sflag:s3], $0x10000  }
0x4d: {  	[sflag:s3] =	ssyncset.done $0x0  }
0x4e: {  	[sflag:s3] =	ssyncadd.s32 $0xFFFF0000  }
0x4f: {  	[tilespmem:s2], [sflag:$0x2] =	stream.linear.gather [hbm4b:s11+s2], $0x200, $0x38;
	[tilespmem:$0x10200] =	vst v63  }
0x50: {  	_ =	swait.ge [sflag:s3], $0x200  }
0x51: {  	[sflag:s3] =	ssyncset.done $0x0  }
0x52: {  	[sflag:s3] =	ssyncadd.s32 $0xFFFFFE00  }
0x53: {  	[tilespmem:s6], [sflag:$0x1] =	stream.indirect.gather [hbm4b:s5+s6], $0x80, s2, s6, $0xb8;
	[tilespmem:$0x10200] =	vst v63  }
0x54: {  	_ =	swait.ge [sflag:s7], $0x10000  }
0x55: {  	[sflag:s7] =	ssyncset.done $0x0  }
0x56: {  	[sflag:s7] =	ssyncadd.s32 $0xFFFF0000  }
0x57: {  	[hbm4b:s12+s2] =	stream.linear.scatter [tilespmem:s6], [sflag:$0x2], $0x10000, $0x38;
	[tilespmem:$0x10200] =	vst v63  }
0x58: {  	_ =	swait.ge [sflag:s3], $0x10000  }
0x59: {  	[sflag:s3] =	ssyncset.done $0x0  }
0x5a: {  	[sflag:s3] =	ssyncadd.s32 $0xFFFF0000  }
0x5b: {  	[tilespmem:s2], [sflag:$0x2] =	stream.linear.gather [hbm4b:s13+s2], $0x200, $0x38;
	[tilespmem:$0x10200] =	vst v63  }
0x5c: {  	_ =	swait.ge [sflag:s3], $0x200  }
0x5d: {  	[sflag:s3] =	ssyncset.done $0x0  }
0x5e: {  	[sflag:s3] =	ssyncadd.s32 $0xFFFFFE00  }
0x5f: {  	[tilespmem:s6], [sflag:$0x1] =	stream.indirect.gather [hbm4b:s5+s6], $0x80, s2, s6, $0xb8;
	[tilespmem:$0x10200] =	vst v63  }
0x60: {  	_ =	swait.ge [sflag:s7], $0x10000  }
.Ltmp1:
0x61: {  	[sflag:s7] =	ssyncset.done $0x0;
	(pc) =	sbr.rel @p0 .LBB2_1-.Ltmp1, $4  }
0x62: {  	[sflag:s7] =	ssyncadd.s32 $0xFFFF0000  }
0x63: {  	[hbm4b:s14+s2] =	stream.linear.scatter [tilespmem:s6], [sflag:$0x2], $0x10000, $0x38;
	[tilespmem:$0x10200] =	vst v63  }
0x64: {  	_ =	swait.ge [sflag:s3], $0x10000  }
0x65: {  	[sflag:s3] =	ssyncset.done $0x0  }
.LBB2_2:
0x66: {  	[sflag:s3] =	ssyncadd.s32 $0xFFFF0000  }
0x67: {  	_ =	sfence.sel $0x180000  }
0x68: {  	[bflag:$0x0] =	sbarrier.arrive $0xFFFF  }
0x69: {  	p0 =	sne.s32 s0, $0x0;
	_ =	strace $0x9000004A  }
0x6a: {  	s0 =	sadd.s32 @!p0 $0x100000, s1;
	[bflag:$0x2] =	sbarrier.arrive $0xFFFF  }
0x6b: {  	[sflag:s0] =	ssyncadd.tile.s32 @!p0 $0x1;
	_ =	shalt  }
.Lfunc_end2:
_tile_overlayer_lowered:
.L_overlay_start_2:
0x6c: {  	(tag) =	ssettag $0x2  }
0x6d: {  	s0 =	rddreg [dreg:$0x0];
	s2 =	stileid.u32  }
0x6e: {  	s1 =	rddreg [dreg:$0x1];
	p0 =	sne.s32 s2, $0x0  }
0x6f: {  	s3 =	rddreg [dreg:$0x2];
	[bflag:$0x3] =	sbarrier.arrive $0xFFFF;
	s2 =	simm.s32 @!p0 $0x1C02  }
0x70: {  	[timem:s3], [sflag:s2] =	dma.local @!p0 [hbm:s0], s1  }
0x71: {  	s0 =	simm.s32 @!p0 $0x2  }
0x72: {  	_ =	swait.ge @!p0 [sflag:s0], s1  }
0x73: {  	s1 =	ssub.s32 @!p0 $0x0, s1;
	[sflag:s0] =	ssyncset.done @!p0 $0x0  }
0x74: {  	[sflag:s0] =	ssyncadd.s32 @!p0 s1  }
0x75: {  	[bflag:$0x3] =	sbarrier.arrive $0xFFFF  }
0x76: {  	_ =	shalt  }

// kernel: kernel.42.cloned.1.call-start
scs
__scs_entry_jumppad:
0x0: {  	(pc) =	sbr.rel $0x88, $3  }
0x1: {  	(tag) =	ssettag $0x0;
	lr =	simm.s32 $0x1  }
0x2: {  	[smem:$0x3F90] =	sst lr;
	_ =	strace $0xD0000000  }
0x3: {  	_ = 	snop  }
0x4: {  	_ = 	snop  }
0x5: {  	_ = 	snop  }
0x6: {  	_ = 	snop  }
0x7: {  	_ = 	snop  }
__scs_overlays_trampoline_lowered:
0x8: {  	[smem:$0x3F9F] =	sst s0  }
0x9: {  	[smem:$0x3FA0] =	sst s1  }
0xa: {  	[smem:$0x3FA1] =	sst s2  }
0xb: {  	[smem:$0x3FA2] =	sst s3  }
0xc: {  	[smem:$0x3FA3] =	sst s4  }
0xd: {  	[smem:$0x3FA4] =	sst s5  }
0xe: {  	[smem:$0x3FA5] =	sst s6  }
0xf: {  	[smem:$0x3FA6] =	sst s7  }
0x10: {  	[smem:$0x3FA7] =	sst s8  }
0x11: {  	[smem:$0x3FA8] =	sst s9;
	s0 =	simm.s32 @!p0 $0x0  }
0x12: {  	s1 =	sld [smem:$0x3F8E];
	s0 =	simm.s32 @p0 $0x1  }
0x13: {  	[smem:$0x3FA9] =	sst s0;
	s0 =	simm.s32 @!p1 $0x0  }
0x14: {  	s2 =	sld [smem:$0x3F8D];
	s0 =	simm.s32 @p1 $0x1  }
0x15: {  	[smem:$0x3FAA] =	sst s0;
	s0 =	simm.s32 @!p2 $0x0  }
0x16: {  	s3 =	sld [smem:$0x3FDB];
	s0 =	simm.s32 @p2 $0x1  }
0x17: {  	s4 =	simm.s32 $0x1BF5;
	[smem:$0x3FAC] =	sst s0  }
0x18: {  	s0 =	sld [smem:$0x3F8F];
	_ =	swait.ge [sflag:s4], $0x0  }
0x19: {  	s7 =	sld [smem:$0x3F90]  }
0x1a: {  	s8 =	sadd.s32 $0xFFFFE003, lr  }
0x1b: {  	s9 =	sadd.s32 $0xFFFFFEF7, lr;
	s5 =	simm.s32 $0xFFFFFFFF;
	p2 =	slt.u32 s8, $0xFFFFF086  }
0x1c: {  	p1 =	slt.u32 s9, $0xF7A;
	s5 =	simm.s32 @!p2 $0x0  }
0x1d: {  	s5 =	simm.s32 @p1 $0x1;
	p0 =	seq.s32 s7, s2  }
0x1e: {  	s7 =	smul.u32 @!p0 $0xF7A, s2;
	p2 =	seq.s32 @!p0 s5, $0x0  }
0x1f: {  	s9 =	smul.u32 $0xF7A, s1;
	s8 =	simm.s32 @!p0 $0x1BF5;
	p2 =	por !p2, p0  }
0x20: {  	[sflag:s8] =	ssyncset.s32 @!p0 $0xFFFFF086;
	s6 =	sadd.s32 @!p0 s3, s7;
	s7 =	simm.s32 @!p0 $0x108  }
0x21: {  	s3 =	sadd.s32 s3, s9;
	s6 =	sadd.s32 @!p0 $0x88, s6;
	s7 =	simm.s32 @p2 $0x1082  }
0x22: {  	[simem:s7], [sflag:s8] =	dma.local @!p0 [hbm:s6], $0xF7A  }
0x23: {  	s9 =	sor.u32 $0xD0000000, s2;
	s6 =	simm.s32 $0x108;
	_ =	swait.ge @!p0 [sflag:s8], $0x0  }
0x24: {  	s3 =	sadd.s32 $0x88, s3;
	s6 =	simm.s32 @!p1 $0x1082;
	[sflag:s4] =	ssyncset.s32 $0xFFFFF086  }
0x25: {  	[simem:s6], [sflag:s4] =	dma.local [hbm:s3], $0xF7A  }
0x26: {  	[smem:$0x3F90] =	sst s1;
	(tag) =	ssettag s2;
	_ =	strace s9  }
0x27: {  	s1 =	sld [smem:$0x3FA0]  }
0x28: {  	s2 =	sld [smem:$0x3FA1]  }
0x29: {  	s4 =	sld [smem:$0x3FA3]  }
0x2a: {  	p0 =	seq.s32 s5, $0x0;
	s5 =	sld [smem:$0x3FA4]  }
0x2b: {  	s6 =	sld [smem:$0x3FA5]  }
0x2c: {  	s7 =	sld [smem:$0x3FA6]  }
0x2d: {  	s3 =	simm.s32 $0x108;
	s8 =	sld [smem:$0x3FA7]  }
0x2e: {  	s3 =	simm.s32 @!p0 $0x1082;
	s9 =	sld [smem:$0x3FA8]  }
0x2f: {  	lr =	sadd.s32 s0, s3;
	s0 =	sld [smem:$0x3F9F]  }
0x30: {  	s3 =	sld [smem:$0x3FA2]  }
0x31: {  	[smem:$0x3FAB] =	sst s10  }
0x32: {  	s10 =	sld [smem:$0x3FA9];
	_ =	sdelay $0x3  }
0x33: {  	p0 =	seq.s32 s10, $0x1;
	s10 =	sld [smem:$0x3FAB];
	_ =	sdelay $0x3  }
0x34: {  	[smem:$0x3FAB] =	sst s10  }
0x35: {  	s10 =	sld [smem:$0x3FAA];
	_ =	sdelay $0x3  }
0x36: {  	p1 =	seq.s32 s10, $0x1;
	s10 =	sld [smem:$0x3FAB];
	_ =	sdelay $0x3  }
0x37: {  	[smem:$0x3FAB] =	sst s10  }
0x38: {  	s10 =	sld [smem:$0x3FAC]  }
0x39: {  	_ = 	snop;
	(pc) =	sbr.ind lr, $3  }
0x3a: {  	_ = 	snop  }
0x3b: {  	_ = 	snop  }
0x3c: {  	p2 =	seq.s32 s10, $0x1;
	s10 =	sld [smem:$0x3FAB]  }
0x3d: {  	_ =	shalt  }
0x3e: {  	_ =	shalt  }
0x3f: {  	_ =	shalt  }
0x40: {  	_ =	shalt  }
0x41: {  	_ =	shalt  }
0x42: {  	_ =	shalt  }
0x43: {  	_ =	shalt  }
0x44: {  	_ =	shalt  }
0x45: {  	_ =	shalt  }
0x46: {  	_ =	shalt  }
0x47: {  	_ =	shalt  }
0x48: {  	_ =	shalt  }
0x49: {  	_ =	shalt  }
0x4a: {  	_ =	shalt  }
0x4b: {  	_ =	shalt  }
0x4c: {  	_ =	shalt  }
0x4d: {  	_ =	shalt  }
0x4e: {  	_ =	shalt  }
0x4f: {  	_ =	shalt  }
0x50: {  	_ =	shalt  }
0x51: {  	_ =	shalt  }
0x52: {  	_ =	shalt  }
0x53: {  	_ =	shalt  }
0x54: {  	_ =	shalt  }
0x55: {  	_ =	shalt  }
0x56: {  	_ =	shalt  }
0x57: {  	_ =	shalt  }
0x58: {  	_ =	shalt  }
0x59: {  	_ =	shalt  }
0x5a: {  	_ =	shalt  }
0x5b: {  	_ =	shalt  }
0x5c: {  	_ =	shalt  }
0x5d: {  	_ =	shalt  }
0x5e: {  	_ =	shalt  }
0x5f: {  	_ =	shalt  }
0x60: {  	_ =	shalt  }
0x61: {  	_ =	shalt  }
0x62: {  	_ =	shalt  }
0x63: {  	_ =	shalt  }
0x64: {  	_ =	shalt  }
0x65: {  	_ =	shalt  }
0x66: {  	_ =	shalt  }
0x67: {  	_ =	shalt  }
0x68: {  	_ =	shalt  }
0x69: {  	_ =	shalt  }
0x6a: {  	_ =	shalt  }
0x6b: {  	_ =	shalt  }
0x6c: {  	_ =	shalt  }
0x6d: {  	_ =	shalt  }
0x6e: {  	_ =	shalt  }
0x6f: {  	_ =	shalt  }
0x70: {  	_ =	shalt  }
0x71: {  	_ =	shalt  }
0x72: {  	_ =	shalt  }
0x73: {  	_ =	shalt  }
0x74: {  	_ =	shalt  }
0x75: {  	_ =	shalt  }
0x76: {  	_ =	shalt  }
0x77: {  	_ =	shalt  }
0x78: {  	_ =	shalt  }
0x79: {  	_ =	shalt  }
0x7a: {  	_ =	shalt  }
0x7b: {  	_ =	shalt  }
0x7c: {  	_ =	shalt  }
0x7d: {  	_ =	shalt  }
0x7e: {  	_ =	shalt  }
0x7f: {  	_ =	shalt  }
0x80: {  	_ =	shalt  }
0x81: {  	_ =	shalt  }
0x82: {  	_ =	shalt  }
0x83: {  	_ =	shalt  }
0x84: {  	_ =	shalt  }
0x85: {  	_ =	shalt  }
0x86: {  	_ =	shalt  }
0x87: {  	_ =	shalt  }
.Lfunc_end0:
.L_simem_size_0:
called_computation.5_lowered:
.L_overlay_start_0:
0x88: {  	s2 =	sld [smem:$0x3FD9]  }
0x89: {  	s3 =	sld [smem:$0x3FFE];
	_ =	sdelay $0x1  }
0x8a: {  	s1 =	srdreg.scid  }
0x8b: {  	s0 =	sand.u32 $0x1, s1  }
0x8c: {  	s17 =	sshll.u32 s0, $0xA;
	s2 =	sadd.s32 s3, s2  }
0x8d: {  	s2 =	sadd.s32 s2, s17  }
0x8e: {  	[smem:$0x3FB7] =	sst s2  }
0x8f: {  	_ = 	snop  }
0x90: {  	s18 =	sld [smem:$0x3FD0];
	(tm) =	ssettm $0x1  }
0x91: {  	s19 =	sld [smem:$0x3FFB];
	_ =	sdelay $0x3  }
0x92: {  	_ =	strace s19  }
0x93: {  	s2 =	sld [smem:$0x3FFC];
	_ =	sdelay $0x3  }
0x94: {  	_ =	strace s2  }
0x95: {  	s2 =	sld [smem:$0x3FFD];
	_ =	sdelay $0x3  }
0x96: {  	_ =	strace s2  }
0x97: {  	_ =	strace $0x8FFFFFFF  }
0x98: {  	s20 =	sld [smem:$0x3FDB];
	_ =	sdelay $0x1  }
0x99: {  	s4 =	simm.s32 $_scs_section_size  }
0x9a: {  	s5 =	simm.s32 $_size__tile_overlayer_lowered;
	s6 =	simm.s32 $_tile_overlayer_lowered  }
0x9b: {  	s7 =	simm.s32 $0x1BFF;
	s21 =	sshll.u32 s6, $0x1;
	s4 =	sadd.s32 s4, s20  }
0x9c: {  	s22 =	simm.s32 $0x0;
	s5 =	sshll.u32 s5, $0x1;
	s6 =	sadd.s32 s21, s4  }
0x9d: {  	[timem:s22], [sflag:s7] =	dma.local [hbm:s6], s5  }
0x9e: {  	_ =	swait.ge [sflag:s7], s5  }
0x9f: {  	s5 =	ssub.s32 $0x0, s5;
	[sflag:s7] =	ssyncset.done $0x0  }
0xa0: {  	[sflag:s7] =	ssyncadd.s32 s5;
	_ =	sdelay $0x1  }
0xa1: {  	s23 =	simm.s32 $0x1B8B  }
0xa2: {  	_ =	swait.ge [sflag:s23], $0x1  }
0xa3: {  	[sflag:s23] =	ssyncset.done $0x0  }
0xa4: {  	[sflag:s23] =	ssyncadd.s32 $0xFFFFFFFF  }
0xa5: {  	s5 =	sld [smem:$0x0]  }
0xa6: {  	s6 =	sand.u32 $0xFFFFFFFE, s1  }
0xa7: {  	p0 =	sne.s32 s1, s6  }
0xa8: {  	s6 =	sshll.u32 @p0 s6, $0xE  }
0xa9: {  	s6 =	sadd.s32 @p0 $0x11B8D, s6;
	s7 =	sshll.u32 @p0 s5, $0x11  }
0xaa: {  	s6 =	sor.u32 @p0 s7, s6  }
0xab: {  	[sflag:s6] =	ssyncadd.remote.s32 @p0 $0x1;
	_ =	sdelay $0x1  }
0xac: {  	s6 =	simm.s32 @p0 $0x1B8D  }
0xad: {  	_ =	swait.eq @p0 [sflag:s6], $0x1  }
0xae: {  	[sflag:s6] =	ssyncadd.s32 @p0 $0xFFFFFFFF  }
0xaf: {  	s7 =	sshll.u32 @!p0 s1, $0xE  }
0xb0: {  	s7 =	sor.u32 @!p0 $0x4000, s7;
	s6 =	simm.s32 @!p0 $0x1B8D  }
0xb1: {  	s5 =	sshll.u32 @!p0 s5, $0x11;
	s7 =	sadd.s32 @!p0 $0x11B8D, s7;
	_ =	swait.eq @!p0 [sflag:s6], $0x1  }
0xb2: {  	s5 =	sor.u32 @!p0 s5, s7;
	[sflag:s6] =	ssyncadd.s32 @!p0 $0xFFFFFFFF  }
0xb3: {  	s25 =	simm.s32 $0x1B8E;
	s24 =	sld [smem:$0x3FFE];
	[sflag:s5] =	ssyncadd.remote.s32 @!p0 $0x1  }
0xb4: {  	s26 =	simm.s32 $execute0_lowered;
	[smem:$0x3FD2] =	sst s25  }
0xb5: {  	s6 =	sshll.u32 s26, $0x1;
	_ =	strace $0x8000004F;
	[dreg:$0x1] =	wrdreg $0xFFFFFFFF  }
0xb6: {  	s28 =	simm.s32 $_size_execute0_lowered;
	s4 =	sadd.s32 s4, s6;
	[dreg:$0x0] =	wrdreg $0x0  }
0xb7: {  	s6 =	sshll.u32 s28, $0x1;
	[dreg:$0x2] =	wrdreg s4  }
0xb8: {  	[dreg:$0x3] =	wrdreg s6  }
0xb9: {  	[dreg:$0x4] =	wrdreg $0xC0  }
0xba: {  	_ =	task [dreg:s22], $0x5FFFF  }
0xbb: {  	[dreg:$0x1] =	wrdreg $0xFFFFFFFF  }
0xbc: {  	[dreg:$0x0] =	wrdreg $0x60  }
0xbd: {  	[dreg:$0x2] =	wrdreg s24  }
0xbe: {  	[dreg:$0x3] =	wrdreg s18  }
0xbf: {  	[dreg:$0x4] =	wrdreg $0xA  }
0xc0: {  	_ =	task.clear_ibuf [dreg:s22], $0x5FFFF;
	_ =	strace $0x9000004F  }
0xc1: {  	s29 =	simm.s32 $0xA;
	_ =	strace $0x80000051  }
0xc2: {  	_ =	swait.ge [sflag:s29], $0x1  }
0xc3: {  	[sflag:s29] =	ssyncadd.s32 $0xFFFFFFFF  }
0xc4: {  	_ =	strace $0x90000051  }
0xc5: {  	_ =	sfence  }
0xc6: {  	s30 =	sld [smem:$0x0];
	_ =	sdelay $0x2  }
0xc7: {  	s31 =	sshll.u32 s1, $0xD;
	s1 =	sshrl.u32 s1, $0x2  }
0xc8: {  	s4 =	sand.u32 $0x4000, s31;
	s1 =	sadd.s32 s1, s30  }
0xc9: {  	s0 =	sor.u32 s4, s0;
	s1 =	sshll.u32 s1, $0x11  }
0xca: {  	s0 =	sor.u32 s1, s0  }
0xcb: {  	s0 =	sadd.s32 $0x8F2B, s0  }
0xcc: {  	[sflag:s0] =	ssyncadd.remote.s32 $0x1  }
0xcd: {  	_ =	sfence.sel $0xFFFF  }
0xce: {  	[dreg:$0x0] =	wrdreg $0xFFFFFFFF;
	(pc) =	sbr.abs _section_cstart, $3  }
0xcf: {  	[dreg:$0x1] =	wrdreg $0xFFFFFFFF  }
0xd0: {  	_ =	task.clear_ibuf [dreg:s22], $0x2FFFF;
	_ =	strace $0x9FFFFFFF  }
0xd1: {  	(tm) =	ssettm $0x7FFFFFFF  }
tec
execute0_lowered:
.L_overlay_start_1:
0x0: {  	(tag) =	ssettag $0x1  }
0x1: {  	s1 =	srdreg.scid  }
0x2: {  	s8 =	rddreg [dreg:$0x0];
	s0 =	stileid.u32;
	s14 =	sand.u32 $0x1, s1  }
0x3: {  	s13 =	rddreg [dreg:$0x1];
	s3 =	sshll.u32 s0, $0xC;
	s4 =	sshll.u32 s14, $0xB  }
0x4: {  	s2 =	simm.s32 $0x0;
	s1 =	rddreg [dreg:$0x2];
	s15 =	sor.u32 s4, s3  }
0x5: {  	[smem:$0x7FF] =	sst s2;
	s3 =	sshrl.u32 s15, $0x3  }
0x6: {  	_ =	strace $0x80000050;
	s4 =	sadd.s32 s13, s3;
	s3 =	simm.s32 $0x2  }
0x7: {  	[tilespmem:s2], [sflag:$0x2] =	stream.linear.gather [hbm4b:s4+s2], $0x200, $0x38;
	[tilespmem:$0x10200] =	vst v63  }
0x8: {  	_ =	swait.ge [sflag:s3], $0x200  }
0x9: {  	s6 =	simm.s32 $0x200;
	[sflag:s3] =	ssyncset.done $0x0  }
0xa: {  	s7 =	simm.s32 $0x1;
	s5 =	sadd.s32 $0x33E00, s8;
	[sflag:s3] =	ssyncadd.s32 $0xFFFFFE00  }
0xb: {  	[tilespmem:s6], [sflag:$0x1] =	stream.indirect.gather [hbm4b:s5+s6], $0x80, s2, s6, $0xb8;
	[tilespmem:$0x10200] =	vst v63  }
0xc: {  	_ =	swait.ge [sflag:s7], $0x10000  }
0xd: {  	s16 =	sadd.s32 $0x43E00, s8;
	s28 =	sshll.u32 s15, $0x4;
	[sflag:s7] =	ssyncset.done $0x0  }
0xe: {  	s8 =	sadd.s32 s16, s28;
	[sflag:s7] =	ssyncadd.s32 $0xFFFF0000  }
0xf: {  	[hbm4b:s8+s2] =	stream.linear.scatter [tilespmem:s6], [sflag:$0x2], $0x10000, $0x38;
	[tilespmem:$0x10200] =	vst v63  }
0x10: {  	s10 =	sor.u32 $0x200, s15;
	_ =	swait.ge [sflag:s3], $0x10000  }
0x11: {  	s9 =	sshrl.u32 s10, $0x3;
	[sflag:s3] =	ssyncset.done $0x0  }
0x12: {  	s9 =	sadd.s32 s13, s9;
	[sflag:s3] =	ssyncadd.s32 $0xFFFF0000  }
0x13: {  	[tilespmem:s2], [sflag:$0x2] =	stream.linear.gather [hbm4b:s9+s2], $0x200, $0x38;
	[tilespmem:$0x10200] =	vst v63  }
0x14: {  	_ =	swait.ge [sflag:s3], $0x200  }
0x15: {  	[sflag:s3] =	ssyncset.done $0x0  }
0x16: {  	[sflag:s3] =	ssyncadd.s32 $0xFFFFFE00  }
0x17: {  	[tilespmem:s6], [sflag:$0x1] =	stream.indirect.gather [hbm4b:s5+s6], $0x80, s2, s6, $0xb8;
	[tilespmem:$0x10200] =	vst v63  }
0x18: {  	_ =	swait.ge [sflag:s7], $0x10000  }
0x19: {  	s10 =	sshll.u32 s10, $0x4;
	[sflag:s7] =	ssyncset.done $0x0  }
0x1a: {  	s10 =	sadd.s32 s16, s10;
	[sflag:s7] =	ssyncadd.s32 $0xFFFF0000  }
0x1b: {  	[hbm4b:s10+s2] =	stream.linear.scatter [tilespmem:s6], [sflag:$0x2], $0x10000, $0x38;
	[tilespmem:$0x10200] =	vst v63  }
0x1c: {  	s12 =	sor.u32 $0x400, s15;
	_ =	swait.ge [sflag:s3], $0x10000  }
0x1d: {  	s11 =	sshrl.u32 s12, $0x3;
	[sflag:s3] =	ssyncset.done $0x0  }
0x1e: {  	s11 =	sadd.s32 s13, s11;
	[sflag:s3] =	ssyncadd.s32 $0xFFFF0000  }
0x1f: {  	[tilespmem:s2], [sflag:$0x2] =	stream.linear.gather [hbm4b:s11+s2], $0x200, $0x38;
	[tilespmem:$0x10200] =	vst v63  }
0x20: {  	_ =	swait.ge [sflag:s3], $0x200  }
0x21: {  	[sflag:s3] =	ssyncset.done $0x0  }
0x22: {  	[sflag:s3] =	ssyncadd.s32 $0xFFFFFE00  }
0x23: {  	[tilespmem:s6], [sflag:$0x1] =	stream.indirect.gather [hbm4b:s5+s6], $0x80, s2, s6, $0xb8;
	[tilespmem:$0x10200] =	vst v63  }
0x24: {  	_ =	swait.ge [sflag:s7], $0x10000  }
0x25: {  	s12 =	sshll.u32 s12, $0x4;
	[sflag:s7] =	ssyncset.done $0x0  }
0x26: {  	s12 =	sadd.s32 s16, s12;
	[sflag:s7] =	ssyncadd.s32 $0xFFFF0000  }
0x27: {  	[hbm4b:s12+s2] =	stream.linear.scatter [tilespmem:s6], [sflag:$0x2], $0x10000, $0x38;
	[tilespmem:$0x10200] =	vst v63  }
0x28: {  	s15 =	sor.u32 $0x600, s15;
	_ =	swait.ge [sflag:s3], $0x10000  }
0x29: {  	s17 =	sshrl.u32 s15, $0x3;
	[sflag:s3] =	ssyncset.done $0x0  }
0x2a: {  	s14 =	ssub.s32 $0x2, s14;
	s13 =	sadd.s32 s13, s17;
	[sflag:s3] =	ssyncadd.s32 $0xFFFF0000  }
0x2b: {  	[tilespmem:s2], [sflag:$0x2] =	stream.linear.gather [hbm4b:s13+s2], $0x200, $0x38;
	[tilespmem:$0x10200] =	vst v63  }
0x2c: {  	s29 =	sshrl.u32 s14, $0x1;
	_ =	swait.ge [sflag:s3], $0x200  }
0x2d: {  	s17 =	ssub.s32 s14, s29;
	[sflag:s3] =	ssyncset.done $0x0  }
0x2e: {  	s31 =	smax.u32 s17, $0x1;
	[sflag:s3] =	ssyncadd.s32 $0xFFFFFE00  }
0x2f: {  	[tilespmem:s6], [sflag:$0x1] =	stream.indirect.gather [hbm4b:s5+s6], $0x80, s2, s6, $0xb8;
	[tilespmem:$0x10200] =	vst v63  }
0x30: {  	p0 =	sne.s32 s31, $0x1;
	_ =	swait.ge [sflag:s7], $0x10000  }
.Ltmp0:
0x31: {  	s30 =	sshll.u32 s15, $0x4;
	[sflag:s7] =	ssyncset.done $0x0;
	(pc) =	sbr.rel @!p0 .LBB2_2-.Ltmp0, $4  }
0x32: {  	s14 =	sadd.s32 s16, s30;
	[sflag:s7] =	ssyncadd.s32 $0xFFFF0000  }
0x33: {  	[hbm4b:s14+s2] =	stream.linear.scatter [tilespmem:s6], [sflag:$0x2], $0x10000, $0x38;
	[tilespmem:$0x10200] =	vst v63  }
0x34: {  	_ =	swait.ge [sflag:s3], $0x10000  }
0x35: {  	s15 =	sadd.s32 $0xFFFFFFFF, s31;
	[sflag:s3] =	ssyncset.done $0x0  }
.LBB2_1:
0x36: {  	p0 =	sne.s32 s15, $0x1;
	s15 =	sadd.s32 $0xFFFFFFFF, s15;
	[sflag:s3] =	ssyncadd.s32 $0xFFFF0000  }
0x37: {  	[tilespmem:s2], [sflag:$0x2] =	stream.linear.gather [hbm4b:s4+s2], $0x200, $0x38;
	[tilespmem:$0x10200] =	vst v63  }
0x38: {  	_ =	swait.ge [sflag:s3], $0x200  }
0x39: {  	[sflag:s3] =	ssyncset.done $0x0  }
0x3a: {  	[sflag:s3] =	ssyncadd.s32 $0xFFFFFE00  }
0x3b: {  	[tilespmem:s6], [sflag:$0x1] =	stream.indirect.gather [hbm4b:s5+s6], $0x80, s2, s6, $0xb8;
	[tilespmem:$0x10200] =	vst v63  }
0x3c: {  	_ =	swait.ge [sflag:s7], $0x10000  }
0x3d: {  	[sflag:s7] =	ssyncset.done $0x0  }
0x3e: {  	[sflag:s7] =	ssyncadd.s32 $0xFFFF0000  }
0x3f: {  	[hbm4b:s8+s2] =	stream.linear.scatter [tilespmem:s6], [sflag:$0x2], $0x10000, $0x38;
	[tilespmem:$0x10200] =	vst v63  }
0x40: {  	_ =	swait.ge [sflag:s3], $0x10000  }
0x41: {  	[sflag:s3] =	ssyncset.done $0x0  }
0x42: {  	[sflag:s3] =	ssyncadd.s32 $0xFFFF0000  }
0x43: {  	[tilespmem:s2], [sflag:$0x2] =	stream.linear.gather [hbm4b:s9+s2], $0x200, $0x38;
	[tilespmem:$0x10200] =	vst v63  }
0x44: {  	_ =	swait.ge [sflag:s3], $0x200  }
0x45: {  	[sflag:s3] =	ssyncset.done $0x0  }
0x46: {  	[sflag:s3] =	ssyncadd.s32 $0xFFFFFE00  }
0x47: {  	[tilespmem:s6], [sflag:$0x1] =	stream.indirect.gather [hbm4b:s5+s6], $0x80, s2, s6, $0xb8;
	[tilespmem:$0x10200] =	vst v63  }
0x48: {  	_ =	swait.ge [sflag:s7], $0x10000  }
0x49: {  	[sflag:s7] =	ssyncset.done $0x0  }
0x4a: {  	[sflag:s7] =	ssyncadd.s32 $0xFFFF0000  }
0x4b: {  	[hbm4b:s10+s2] =	stream.linear.scatter [tilespmem:s6], [sflag:$0x2], $0x10000, $0x38;
	[tilespmem:$0x10200] =	vst v63  }
0x4c: {  	_ =	swait.ge [sflag:s3], $0x10000  }
0x4d: {  	[sflag:s3] =	ssyncset.done $0x0  }
0x4e: {  	[sflag:s3] =	ssyncadd.s32 $0xFFFF0000  }
0x4f: {  	[tilespmem:s2], [sflag:$0x2] =	stream.linear.gather [hbm4b:s11+s2], $0x200, $0x38;
	[tilespmem:$0x10200] =	vst v63  }
0x50: {  	_ =	swait.ge [sflag:s3], $0x200  }
0x51: {  	[sflag:s3] =	ssyncset.done $0x0  }
0x52: {  	[sflag:s3] =	ssyncadd.s32 $0xFFFFFE00  }
0x53: {  	[tilespmem:s6], [sflag:$0x1] =	stream.indirect.gather [hbm4b:s5+s6], $0x80, s2, s6, $0xb8;
	[tilespmem:$0x10200] =	vst v63  }
0x54: {  	_ =	swait.ge [sflag:s7], $0x10000  }
0x55: {  	[sflag:s7] =	ssyncset.done $0x0  }
0x56: {  	[sflag:s7] =	ssyncadd.s32 $0xFFFF0000  }
0x57: {  	[hbm4b:s12+s2] =	stream.linear.scatter [tilespmem:s6], [sflag:$0x2], $0x10000, $0x38;
	[tilespmem:$0x10200] =	vst v63  }
0x58: {  	_ =	swait.ge [sflag:s3], $0x10000  }
0x59: {  	[sflag:s3] =	ssyncset.done $0x0  }
0x5a: {  	[sflag:s3] =	ssyncadd.s32 $0xFFFF0000  }
0x5b: {  	[tilespmem:s2], [sflag:$0x2] =	stream.linear.gather [hbm4b:s13+s2], $0x200, $0x38;
	[tilespmem:$0x10200] =	vst v63  }
0x5c: {  	_ =	swait.ge [sflag:s3], $0x200  }
0x5d: {  	[sflag:s3] =	ssyncset.done $0x0  }
0x5e: {  	[sflag:s3] =	ssyncadd.s32 $0xFFFFFE00  }
0x5f: {  	[tilespmem:s6], [sflag:$0x1] =	stream.indirect.gather [hbm4b:s5+s6], $0x80, s2, s6, $0xb8;
	[tilespmem:$0x10200] =	vst v63  }
0x60: {  	_ =	swait.ge [sflag:s7], $0x10000  }
.Ltmp1:
0x61: {  	[sflag:s7] =	ssyncset.done $0x0;
	(pc) =	sbr.rel @p0 .LBB2_1-.Ltmp1, $4  }
0x62: {  	[sflag:s7] =	ssyncadd.s32 $0xFFFF0000  }
0x63: {  	[hbm4b:s14+s2] =	stream.linear.scatter [tilespmem:s6], [sflag:$0x2], $0x10000, $0x38;
	[tilespmem:$0x10200] =	vst v63  }
0x64: {  	_ =	swait.ge [sflag:s3], $0x10000  }
0x65: {  	[sflag:s3] =	ssyncset.done $0x0  }
.LBB2_2:
0x66: {  	[sflag:s3] =	ssyncadd.s32 $0xFFFF0000  }
0x67: {  	_ =	sfence.sel $0x180000  }
0x68: {  	[bflag:$0x0] =	sbarrier.arrive $0xFFFF  }
0x69: {  	p0 =	sne.s32 s0, $0x0;
	_ =	strace $0x90000050  }
0x6a: {  	s0 =	sadd.s32 @!p0 $0x100000, s1;
	[bflag:$0x2] =	sbarrier.arrive $0xFFFF  }
0x6b: {  	[sflag:s0] =	ssyncadd.tile.s32 @!p0 $0x1;
	_ =	shalt  }
.Lfunc_end2:
_tile_overlayer_lowered:
.L_overlay_start_2:
0x6c: {  	(tag) =	ssettag $0x2  }
0x6d: {  	s0 =	rddreg [dreg:$0x0];
	s2 =	stileid.u32  }
0x6e: {  	s1 =	rddreg [dreg:$0x1];
	p0 =	sne.s32 s2, $0x0  }
0x6f: {  	s3 =	rddreg [dreg:$0x2];
	[bflag:$0x3] =	sbarrier.arrive $0xFFFF;
	s2 =	simm.s32 @!p0 $0x1C02  }
0x70: {  	[timem:s3], [sflag:s2] =	dma.local @!p0 [hbm:s0], s1  }
0x71: {  	s0 =	simm.s32 @!p0 $0x2  }
0x72: {  	_ =	swait.ge @!p0 [sflag:s0], s1  }
0x73: {  	s1 =	ssub.s32 @!p0 $0x0, s1;
	[sflag:s0] =	ssyncset.done @!p0 $0x0  }
0x74: {  	[sflag:s0] =	ssyncadd.s32 @!p0 s1  }
0x75: {  	[bflag:$0x3] =	sbarrier.arrive $0xFFFF  }
0x76: {  	_ =	shalt  }

// kernel: kernel.45.cloned.1.call-start
scs
__scs_entry_jumppad:
0x0: {  	(pc) =	sbr.rel $0x88, $3  }
0x1: {  	(tag) =	ssettag $0x0;
	lr =	simm.s32 $0x1  }
0x2: {  	[smem:$0x3F90] =	sst lr;
	_ =	strace $0xD0000000  }
0x3: {  	_ = 	snop  }
0x4: {  	_ = 	snop  }
0x5: {  	_ = 	snop  }
0x6: {  	_ = 	snop  }
0x7: {  	_ = 	snop  }
__scs_overlays_trampoline_lowered:
0x8: {  	[smem:$0x3F9F] =	sst s0  }
0x9: {  	[smem:$0x3FA0] =	sst s1  }
0xa: {  	[smem:$0x3FA1] =	sst s2  }
0xb: {  	[smem:$0x3FA2] =	sst s3  }
0xc: {  	[smem:$0x3FA3] =	sst s4  }
0xd: {  	[smem:$0x3FA4] =	sst s5  }
0xe: {  	[smem:$0x3FA5] =	sst s6  }
0xf: {  	[smem:$0x3FA6] =	sst s7  }
0x10: {  	[smem:$0x3FA7] =	sst s8  }
0x11: {  	[smem:$0x3FA8] =	sst s9;
	s0 =	simm.s32 @!p0 $0x0  }
0x12: {  	s1 =	sld [smem:$0x3F8E];
	s0 =	simm.s32 @p0 $0x1  }
0x13: {  	[smem:$0x3FA9] =	sst s0;
	s0 =	simm.s32 @!p1 $0x0  }
0x14: {  	s2 =	sld [smem:$0x3F8D];
	s0 =	simm.s32 @p1 $0x1  }
0x15: {  	[smem:$0x3FAA] =	sst s0;
	s0 =	simm.s32 @!p2 $0x0  }
0x16: {  	s3 =	sld [smem:$0x3FDB];
	s0 =	simm.s32 @p2 $0x1  }
0x17: {  	s4 =	simm.s32 $0x1BF5;
	[smem:$0x3FAC] =	sst s0  }
0x18: {  	s0 =	sld [smem:$0x3F8F];
	_ =	swait.ge [sflag:s4], $0x0  }
0x19: {  	s7 =	sld [smem:$0x3F90]  }
0x1a: {  	s8 =	sadd.s32 $0xFFFFE003, lr  }
0x1b: {  	s9 =	sadd.s32 $0xFFFFFEF7, lr;
	s5 =	simm.s32 $0xFFFFFFFF;
	p2 =	slt.u32 s8, $0xFFFFF086  }
0x1c: {  	p1 =	slt.u32 s9, $0xF7A;
	s5 =	simm.s32 @!p2 $0x0  }
0x1d: {  	s5 =	simm.s32 @p1 $0x1;
	p0 =	seq.s32 s7, s2  }
0x1e: {  	s7 =	smul.u32 @!p0 $0xF7A, s2;
	p2 =	seq.s32 @!p0 s5, $0x0  }
0x1f: {  	s9 =	smul.u32 $0xF7A, s1;
	s8 =	simm.s32 @!p0 $0x1BF5;
	p2 =	por !p2, p0  }
0x20: {  	[sflag:s8] =	ssyncset.s32 @!p0 $0xFFFFF086;
	s6 =	sadd.s32 @!p0 s3, s7;
	s7 =	simm.s32 @!p0 $0x108  }
0x21: {  	s3 =	sadd.s32 s3, s9;
	s6 =	sadd.s32 @!p0 $0x88, s6;
	s7 =	simm.s32 @p2 $0x1082  }
0x22: {  	[simem:s7], [sflag:s8] =	dma.local @!p0 [hbm:s6], $0xF7A  }
0x23: {  	s9 =	sor.u32 $0xD0000000, s2;
	s6 =	simm.s32 $0x108;
	_ =	swait.ge @!p0 [sflag:s8], $0x0  }
0x24: {  	s3 =	sadd.s32 $0x88, s3;
	s6 =	simm.s32 @!p1 $0x1082;
	[sflag:s4] =	ssyncset.s32 $0xFFFFF086  }
0x25: {  	[simem:s6], [sflag:s4] =	dma.local [hbm:s3], $0xF7A  }
0x26: {  	[smem:$0x3F90] =	sst s1;
	(tag) =	ssettag s2;
	_ =	strace s9  }
0x27: {  	s1 =	sld [smem:$0x3FA0]  }
0x28: {  	s2 =	sld [smem:$0x3FA1]  }
0x29: {  	s4 =	sld [smem:$0x3FA3]  }
0x2a: {  	p0 =	seq.s32 s5, $0x0;
	s5 =	sld [smem:$0x3FA4]  }
0x2b: {  	s6 =	sld [smem:$0x3FA5]  }
0x2c: {  	s7 =	sld [smem:$0x3FA6]  }
0x2d: {  	s3 =	simm.s32 $0x108;
	s8 =	sld [smem:$0x3FA7]  }
0x2e: {  	s3 =	simm.s32 @!p0 $0x1082;
	s9 =	sld [smem:$0x3FA8]  }
0x2f: {  	lr =	sadd.s32 s0, s3;
	s0 =	sld [smem:$0x3F9F]  }
0x30: {  	s3 =	sld [smem:$0x3FA2]  }
0x31: {  	[smem:$0x3FAB] =	sst s10  }
0x32: {  	s10 =	sld [smem:$0x3FA9];
	_ =	sdelay $0x3  }
0x33: {  	p0 =	seq.s32 s10, $0x1;
	s10 =	sld [smem:$0x3FAB];
	_ =	sdelay $0x3  }
0x34: {  	[smem:$0x3FAB] =	sst s10  }
0x35: {  	s10 =	sld [smem:$0x3FAA];
	_ =	sdelay $0x3  }
0x36: {  	p1 =	seq.s32 s10, $0x1;
	s10 =	sld [smem:$0x3FAB];
	_ =	sdelay $0x3  }
0x37: {  	[smem:$0x3FAB] =	sst s10  }
0x38: {  	s10 =	sld [smem:$0x3FAC]  }
0x39: {  	_ = 	snop;
	(pc) =	sbr.ind lr, $3  }
0x3a: {  	_ = 	snop  }
0x3b: {  	_ = 	snop  }
0x3c: {  	p2 =	seq.s32 s10, $0x1;
	s10 =	sld [smem:$0x3FAB]  }
0x3d: {  	_ =	shalt  }
0x3e: {  	_ =	shalt  }
0x3f: {  	_ =	shalt  }
0x40: {  	_ =	shalt  }
0x41: {  	_ =	shalt  }
0x42: {  	_ =	shalt  }
0x43: {  	_ =	shalt  }
0x44: {  	_ =	shalt  }
0x45: {  	_ =	shalt  }
0x46: {  	_ =	shalt  }
0x47: {  	_ =	shalt  }
0x48: {  	_ =	shalt  }
0x49: {  	_ =	shalt  }
0x4a: {  	_ =	shalt  }
0x4b: {  	_ =	shalt  }
0x4c: {  	_ =	shalt  }
0x4d: {  	_ =	shalt  }
0x4e: {  	_ =	shalt  }
0x4f: {  	_ =	shalt  }
0x50: {  	_ =	shalt  }
0x51: {  	_ =	shalt  }
0x52: {  	_ =	shalt  }
0x53: {  	_ =	shalt  }
0x54: {  	_ =	shalt  }
0x55: {  	_ =	shalt  }
0x56: {  	_ =	shalt  }
0x57: {  	_ =	shalt  }
0x58: {  	_ =	shalt  }
0x59: {  	_ =	shalt  }
0x5a: {  	_ =	shalt  }
0x5b: {  	_ =	shalt  }
0x5c: {  	_ =	shalt  }
0x5d: {  	_ =	shalt  }
0x5e: {  	_ =	shalt  }
0x5f: {  	_ =	shalt  }
0x60: {  	_ =	shalt  }
0x61: {  	_ =	shalt  }
0x62: {  	_ =	shalt  }
0x63: {  	_ =	shalt  }
0x64: {  	_ =	shalt  }
0x65: {  	_ =	shalt  }
0x66: {  	_ =	shalt  }
0x67: {  	_ =	shalt  }
0x68: {  	_ =	shalt  }
0x69: {  	_ =	shalt  }
0x6a: {  	_ =	shalt  }
0x6b: {  	_ =	shalt  }
0x6c: {  	_ =	shalt  }
0x6d: {  	_ =	shalt  }
0x6e: {  	_ =	shalt  }
0x6f: {  	_ =	shalt  }
0x70: {  	_ =	shalt  }
0x71: {  	_ =	shalt  }
0x72: {  	_ =	shalt  }
0x73: {  	_ =	shalt  }
0x74: {  	_ =	shalt  }
0x75: {  	_ =	shalt  }
0x76: {  	_ =	shalt  }
0x77: {  	_ =	shalt  }
0x78: {  	_ =	shalt  }
0x79: {  	_ =	shalt  }
0x7a: {  	_ =	shalt  }
0x7b: {  	_ =	shalt  }
0x7c: {  	_ =	shalt  }
0x7d: {  	_ =	shalt  }
0x7e: {  	_ =	shalt  }
0x7f: {  	_ =	shalt  }
0x80: {  	_ =	shalt  }
0x81: {  	_ =	shalt  }
0x82: {  	_ =	shalt  }
0x83: {  	_ =	shalt  }
0x84: {  	_ =	shalt  }
0x85: {  	_ =	shalt  }
0x86: {  	_ =	shalt  }
0x87: {  	_ =	shalt  }
.Lfunc_end0:
.L_simem_size_0:
called_computation.6_lowered:
.L_overlay_start_0:
0x88: {  	s2 =	sld [smem:$0x3FD9]  }
0x89: {  	s3 =	sld [smem:$0x3FFE];
	_ =	sdelay $0x1  }
0x8a: {  	s1 =	srdreg.scid  }
0x8b: {  	s0 =	sand.u32 $0x1, s1  }
0x8c: {  	s17 =	sshll.u32 s0, $0xA;
	s2 =	sadd.s32 s3, s2  }
0x8d: {  	s2 =	sadd.s32 s2, s17  }
0x8e: {  	[smem:$0x3FB7] =	sst s2  }
0x8f: {  	_ = 	snop  }
0x90: {  	s18 =	sld [smem:$0x3FD0];
	(tm) =	ssettm $0x1  }
0x91: {  	s19 =	sld [smem:$0x3FFB];
	_ =	sdelay $0x3  }
0x92: {  	_ =	strace s19  }
0x93: {  	s2 =	sld [smem:$0x3FFC];
	_ =	sdelay $0x3  }
0x94: {  	_ =	strace s2  }
0x95: {  	s2 =	sld [smem:$0x3FFD];
	_ =	sdelay $0x3  }
0x96: {  	_ =	strace s2  }
0x97: {  	_ =	strace $0x8FFFFFFF  }
0x98: {  	s20 =	sld [smem:$0x3FDB];
	_ =	sdelay $0x1  }
0x99: {  	s4 =	simm.s32 $_scs_section_size  }
0x9a: {  	s5 =	simm.s32 $_size__tile_overlayer_lowered;
	s6 =	simm.s32 $_tile_overlayer_lowered  }
0x9b: {  	s7 =	simm.s32 $0x1BFF;
	s21 =	sshll.u32 s6, $0x1;
	s4 =	sadd.s32 s4, s20  }
0x9c: {  	s22 =	simm.s32 $0x0;
	s5 =	sshll.u32 s5, $0x1;
	s6 =	sadd.s32 s21, s4  }
0x9d: {  	[timem:s22], [sflag:s7] =	dma.local [hbm:s6], s5  }
0x9e: {  	_ =	swait.ge [sflag:s7], s5  }
0x9f: {  	s5 =	ssub.s32 $0x0, s5;
	[sflag:s7] =	ssyncset.done $0x0  }
0xa0: {  	[sflag:s7] =	ssyncadd.s32 s5;
	_ =	sdelay $0x1  }
0xa1: {  	s23 =	simm.s32 $0x1B8B  }
0xa2: {  	_ =	swait.ge [sflag:s23], $0x1  }
0xa3: {  	[sflag:s23] =	ssyncset.done $0x0  }
0xa4: {  	[sflag:s23] =	ssyncadd.s32 $0xFFFFFFFF  }
0xa5: {  	s5 =	sld [smem:$0x0]  }
0xa6: {  	s6 =	sand.u32 $0xFFFFFFFE, s1  }
0xa7: {  	p0 =	sne.s32 s1, s6  }
0xa8: {  	s6 =	sshll.u32 @p0 s6, $0xE  }
0xa9: {  	s6 =	sadd.s32 @p0 $0x11B8D, s6;
	s7 =	sshll.u32 @p0 s5, $0x11  }
0xaa: {  	s6 =	sor.u32 @p0 s7, s6  }
0xab: {  	[sflag:s6] =	ssyncadd.remote.s32 @p0 $0x1;
	_ =	sdelay $0x1  }
0xac: {  	s6 =	simm.s32 @p0 $0x1B8D  }
0xad: {  	_ =	swait.eq @p0 [sflag:s6], $0x1  }
0xae: {  	[sflag:s6] =	ssyncadd.s32 @p0 $0xFFFFFFFF  }
0xaf: {  	s7 =	sshll.u32 @!p0 s1, $0xE  }
0xb0: {  	s7 =	sor.u32 @!p0 $0x4000, s7;
	s6 =	simm.s32 @!p0 $0x1B8D  }
0xb1: {  	s5 =	sshll.u32 @!p0 s5, $0x11;
	s7 =	sadd.s32 @!p0 $0x11B8D, s7;
	_ =	swait.eq @!p0 [sflag:s6], $0x1  }
0xb2: {  	s5 =	sor.u32 @!p0 s5, s7;
	[sflag:s6] =	ssyncadd.s32 @!p0 $0xFFFFFFFF  }
0xb3: {  	s25 =	simm.s32 $0x1B8E;
	s24 =	sld [smem:$0x3FFE];
	[sflag:s5] =	ssyncadd.remote.s32 @!p0 $0x1  }
0xb4: {  	s26 =	simm.s32 $execute0_lowered;
	[smem:$0x3FD2] =	sst s25  }
0xb5: {  	s6 =	sshll.u32 s26, $0x1;
	_ =	strace $0x80000055;
	[dreg:$0x1] =	wrdreg $0xFFFFFFFF  }
0xb6: {  	s28 =	simm.s32 $_size_execute0_lowered;
	s4 =	sadd.s32 s4, s6;
	[dreg:$0x0] =	wrdreg $0x0  }
0xb7: {  	s6 =	sshll.u32 s28, $0x1;
	[dreg:$0x2] =	wrdreg s4  }
0xb8: {  	[dreg:$0x3] =	wrdreg s6  }
0xb9: {  	[dreg:$0x4] =	wrdreg $0xC0  }
0xba: {  	_ =	task [dreg:s22], $0x5FFFF  }
0xbb: {  	[dreg:$0x1] =	wrdreg $0xFFFFFFFF  }
0xbc: {  	[dreg:$0x0] =	wrdreg $0x60  }
0xbd: {  	[dreg:$0x2] =	wrdreg s24  }
0xbe: {  	[dreg:$0x3] =	wrdreg s18  }
0xbf: {  	[dreg:$0x4] =	wrdreg $0xA  }
0xc0: {  	_ =	task.clear_ibuf [dreg:s22], $0x5FFFF;
	_ =	strace $0x90000055  }
0xc1: {  	s29 =	simm.s32 $0xA;
	_ =	strace $0x80000057  }
0xc2: {  	_ =	swait.ge [sflag:s29], $0x1  }
0xc3: {  	[sflag:s29] =	ssyncadd.s32 $0xFFFFFFFF  }
0xc4: {  	_ =	strace $0x90000057  }
0xc5: {  	_ =	sfence  }
0xc6: {  	s30 =	sld [smem:$0x0];
	_ =	sdelay $0x2  }
0xc7: {  	s31 =	sshll.u32 s1, $0xD;
	s1 =	sshrl.u32 s1, $0x2  }
0xc8: {  	s4 =	sand.u32 $0x4000, s31;
	s1 =	sadd.s32 s1, s30  }
0xc9: {  	s0 =	sor.u32 s4, s0;
	s1 =	sshll.u32 s1, $0x11  }
0xca: {  	s0 =	sor.u32 s1, s0  }
0xcb: {  	s0 =	sadd.s32 $0x8F2B, s0  }
0xcc: {  	[sflag:s0] =	ssyncadd.remote.s32 $0x1  }
0xcd: {  	_ =	sfence.sel $0xFFFF  }
0xce: {  	[dreg:$0x0] =	wrdreg $0xFFFFFFFF;
	(pc) =	sbr.abs _section_cstart, $3  }
0xcf: {  	[dreg:$0x1] =	wrdreg $0xFFFFFFFF  }
0xd0: {  	_ =	task.clear_ibuf [dreg:s22], $0x2FFFF;
	_ =	strace $0x9FFFFFFF  }
0xd1: {  	(tm) =	ssettm $0x7FFFFFFF  }
tec
execute0_lowered:
.L_overlay_start_1:
0x0: {  	(tag) =	ssettag $0x1  }
0x1: {  	s1 =	srdreg.scid  }
0x2: {  	s8 =	rddreg [dreg:$0x0];
	s0 =	stileid.u32;
	s14 =	sand.u32 $0x1, s1  }
0x3: {  	s13 =	rddreg [dreg:$0x1];
	s3 =	sshll.u32 s0, $0xC;
	s4 =	sshll.u32 s14, $0xB  }
0x4: {  	s2 =	simm.s32 $0x0;
	s1 =	rddreg [dreg:$0x2];
	s15 =	sor.u32 s4, s3  }
0x5: {  	[smem:$0x7FF] =	sst s2;
	s3 =	sshrl.u32 s15, $0x3  }
0x6: {  	_ =	strace $0x80000056;
	s4 =	sadd.s32 s13, s3;
	s3 =	simm.s32 $0x2  }
0x7: {  	[tilespmem:s2], [sflag:$0x2] =	stream.linear.gather [hbm4b:s4+s2], $0x200, $0x38;
	[tilespmem:$0x10200] =	vst v63  }
0x8: {  	_ =	swait.ge [sflag:s3], $0x200  }
0x9: {  	s6 =	simm.s32 $0x200;
	[sflag:s3] =	ssyncset.done $0x0  }
0xa: {  	s7 =	simm.s32 $0x1;
	s5 =	sadd.s32 $0x33E00, s8;
	[sflag:s3] =	ssyncadd.s32 $0xFFFFFE00  }
0xb: {  	[tilespmem:s6], [sflag:$0x1] =	stream.indirect.gather [hbm4b:s5+s6], $0x80, s2, s6, $0xb8;
	[tilespmem:$0x10200] =	vst v63  }
0xc: {  	_ =	swait.ge [sflag:s7], $0x10000  }
0xd: {  	s16 =	sadd.s32 $0x43E00, s8;
	s28 =	sshll.u32 s15, $0x4;
	[sflag:s7] =	ssyncset.done $0x0  }
0xe: {  	s8 =	sadd.s32 s16, s28;
	[sflag:s7] =	ssyncadd.s32 $0xFFFF0000  }
0xf: {  	[hbm4b:s8+s2] =	stream.linear.scatter [tilespmem:s6], [sflag:$0x2], $0x10000, $0x38;
	[tilespmem:$0x10200] =	vst v63  }
0x10: {  	s10 =	sor.u32 $0x200, s15;
	_ =	swait.ge [sflag:s3], $0x10000  }
0x11: {  	s9 =	sshrl.u32 s10, $0x3;
	[sflag:s3] =	ssyncset.done $0x0  }
0x12: {  	s9 =	sadd.s32 s13, s9;
	[sflag:s3] =	ssyncadd.s32 $0xFFFF0000  }
0x13: {  	[tilespmem:s2], [sflag:$0x2] =	stream.linear.gather [hbm4b:s9+s2], $0x200, $0x38;
	[tilespmem:$0x10200] =	vst v63  }
0x14: {  	_ =	swait.ge [sflag:s3], $0x200  }
0x15: {  	[sflag:s3] =	ssyncset.done $0x0  }
0x16: {  	[sflag:s3] =	ssyncadd.s32 $0xFFFFFE00  }
0x17: {  	[tilespmem:s6], [sflag:$0x1] =	stream.indirect.gather [hbm4b:s5+s6], $0x80, s2, s6, $0xb8;
	[tilespmem:$0x10200] =	vst v63  }
0x18: {  	_ =	swait.ge [sflag:s7], $0x10000  }
0x19: {  	s10 =	sshll.u32 s10, $0x4;
	[sflag:s7] =	ssyncset.done $0x0  }
0x1a: {  	s10 =	sadd.s32 s16, s10;
	[sflag:s7] =	ssyncadd.s32 $0xFFFF0000  }
0x1b: {  	[hbm4b:s10+s2] =	stream.linear.scatter [tilespmem:s6], [sflag:$0x2], $0x10000, $0x38;
	[tilespmem:$0x10200] =	vst v63  }
0x1c: {  	s12 =	sor.u32 $0x400, s15;
	_ =	swait.ge [sflag:s3], $0x10000  }
0x1d: {  	s11 =	sshrl.u32 s12, $0x3;
	[sflag:s3] =	ssyncset.done $0x0  }
0x1e: {  	s11 =	sadd.s32 s13, s11;
	[sflag:s3] =	ssyncadd.s32 $0xFFFF0000  }
0x1f: {  	[tilespmem:s2], [sflag:$0x2] =	stream.linear.gather [hbm4b:s11+s2], $0x200, $0x38;
	[tilespmem:$0x10200] =	vst v63  }
0x20: {  	_ =	swait.ge [sflag:s3], $0x200  }
0x21: {  	[sflag:s3] =	ssyncset.done $0x0  }
0x22: {  	[sflag:s3] =	ssyncadd.s32 $0xFFFFFE00  }
0x23: {  	[tilespmem:s6], [sflag:$0x1] =	stream.indirect.gather [hbm4b:s5+s6], $0x80, s2, s6, $0xb8;
	[tilespmem:$0x10200] =	vst v63  }
0x24: {  	_ =	swait.ge [sflag:s7], $0x10000  }
0x25: {  	s12 =	sshll.u32 s12, $0x4;
	[sflag:s7] =	ssyncset.done $0x0  }
0x26: {  	s12 =	sadd.s32 s16, s12;
	[sflag:s7] =	ssyncadd.s32 $0xFFFF0000  }
0x27: {  	[hbm4b:s12+s2] =	stream.linear.scatter [tilespmem:s6], [sflag:$0x2], $0x10000, $0x38;
	[tilespmem:$0x10200] =	vst v63  }
0x28: {  	s15 =	sor.u32 $0x600, s15;
	_ =	swait.ge [sflag:s3], $0x10000  }
0x29: {  	s17 =	sshrl.u32 s15, $0x3;
	[sflag:s3] =	ssyncset.done $0x0  }
0x2a: {  	s14 =	ssub.s32 $0x2, s14;
	s13 =	sadd.s32 s13, s17;
	[sflag:s3] =	ssyncadd.s32 $0xFFFF0000  }
0x2b: {  	[tilespmem:s2], [sflag:$0x2] =	stream.linear.gather [hbm4b:s13+s2], $0x200, $0x38;
	[tilespmem:$0x10200] =	vst v63  }
0x2c: {  	s29 =	sshrl.u32 s14, $0x1;
	_ =	swait.ge [sflag:s3], $0x200  }
0x2d: {  	s17 =	ssub.s32 s14, s29;
	[sflag:s3] =	ssyncset.done $0x0  }
0x2e: {  	s31 =	smax.u32 s17, $0x1;
	[sflag:s3] =	ssyncadd.s32 $0xFFFFFE00  }
0x2f: {  	[tilespmem:s6], [sflag:$0x1] =	stream.indirect.gather [hbm4b:s5+s6], $0x80, s2, s6, $0xb8;
	[tilespmem:$0x10200] =	vst v63  }
0x30: {  	p0 =	sne.s32 s31, $0x1;
	_ =	swait.ge [sflag:s7], $0x10000  }
.Ltmp0:
0x31: {  	s30 =	sshll.u32 s15, $0x4;
	[sflag:s7] =	ssyncset.done $0x0;
	(pc) =	sbr.rel @!p0 .LBB2_2-.Ltmp0, $4  }
0x32: {  	s14 =	sadd.s32 s16, s30;
	[sflag:s7] =	ssyncadd.s32 $0xFFFF0000  }
0x33: {  	[hbm4b:s14+s2] =	stream.linear.scatter [tilespmem:s6], [sflag:$0x2], $0x10000, $0x38;
	[tilespmem:$0x10200] =	vst v63  }
0x34: {  	_ =	swait.ge [sflag:s3], $0x10000  }
0x35: {  	s15 =	sadd.s32 $0xFFFFFFFF, s31;
	[sflag:s3] =	ssyncset.done $0x0  }
.LBB2_1:
0x36: {  	p0 =	sne.s32 s15, $0x1;
	s15 =	sadd.s32 $0xFFFFFFFF, s15;
	[sflag:s3] =	ssyncadd.s32 $0xFFFF0000  }
0x37: {  	[tilespmem:s2], [sflag:$0x2] =	stream.linear.gather [hbm4b:s4+s2], $0x200, $0x38;
	[tilespmem:$0x10200] =	vst v63  }
0x38: {  	_ =	swait.ge [sflag:s3], $0x200  }
0x39: {  	[sflag:s3] =	ssyncset.done $0x0  }
0x3a: {  	[sflag:s3] =	ssyncadd.s32 $0xFFFFFE00  }
0x3b: {  	[tilespmem:s6], [sflag:$0x1] =	stream.indirect.gather [hbm4b:s5+s6], $0x80, s2, s6, $0xb8;
	[tilespmem:$0x10200] =	vst v63  }
0x3c: {  	_ =	swait.ge [sflag:s7], $0x10000  }
0x3d: {  	[sflag:s7] =	ssyncset.done $0x0  }
0x3e: {  	[sflag:s7] =	ssyncadd.s32 $0xFFFF0000  }
0x3f: {  	[hbm4b:s8+s2] =	stream.linear.scatter [tilespmem:s6], [sflag:$0x2], $0x10000, $0x38;
	[tilespmem:$0x10200] =	vst v63  }
0x40: {  	_ =	swait.ge [sflag:s3], $0x10000  }
0x41: {  	[sflag:s3] =	ssyncset.done $0x0  }
0x42: {  	[sflag:s3] =	ssyncadd.s32 $0xFFFF0000  }
0x43: {  	[tilespmem:s2], [sflag:$0x2] =	stream.linear.gather [hbm4b:s9+s2], $0x200, $0x38;
	[tilespmem:$0x10200] =	vst v63  }
0x44: {  	_ =	swait.ge [sflag:s3], $0x200  }
0x45: {  	[sflag:s3] =	ssyncset.done $0x0  }
0x46: {  	[sflag:s3] =	ssyncadd.s32 $0xFFFFFE00  }
0x47: {  	[tilespmem:s6], [sflag:$0x1] =	stream.indirect.gather [hbm4b:s5+s6], $0x80, s2, s6, $0xb8;
	[tilespmem:$0x10200] =	vst v63  }
0x48: {  	_ =	swait.ge [sflag:s7], $0x10000  }
0x49: {  	[sflag:s7] =	ssyncset.done $0x0  }
0x4a: {  	[sflag:s7] =	ssyncadd.s32 $0xFFFF0000  }
0x4b: {  	[hbm4b:s10+s2] =	stream.linear.scatter [tilespmem:s6], [sflag:$0x2], $0x10000, $0x38;
	[tilespmem:$0x10200] =	vst v63  }
0x4c: {  	_ =	swait.ge [sflag:s3], $0x10000  }
0x4d: {  	[sflag:s3] =	ssyncset.done $0x0  }
0x4e: {  	[sflag:s3] =	ssyncadd.s32 $0xFFFF0000  }
0x4f: {  	[tilespmem:s2], [sflag:$0x2] =	stream.linear.gather [hbm4b:s11+s2], $0x200, $0x38;
	[tilespmem:$0x10200] =	vst v63  }
0x50: {  	_ =	swait.ge [sflag:s3], $0x200  }
0x51: {  	[sflag:s3] =	ssyncset.done $0x0  }
0x52: {  	[sflag:s3] =	ssyncadd.s32 $0xFFFFFE00  }
0x53: {  	[tilespmem:s6], [sflag:$0x1] =	stream.indirect.gather [hbm4b:s5+s6], $0x80, s2, s6, $0xb8;
	[tilespmem:$0x10200] =	vst v63  }
0x54: {  	_ =	swait.ge [sflag:s7], $0x10000  }
0x55: {  	[sflag:s7] =	ssyncset.done $0x0  }
0x56: {  	[sflag:s7] =	ssyncadd.s32 $0xFFFF0000  }
0x57: {  	[hbm4b:s12+s2] =	stream.linear.scatter [tilespmem:s6], [sflag:$0x2], $0x10000, $0x38;
	[tilespmem:$0x10200] =	vst v63  }
0x58: {  	_ =	swait.ge [sflag:s3], $0x10000  }
0x59: {  	[sflag:s3] =	ssyncset.done $0x0  }
0x5a: {  	[sflag:s3] =	ssyncadd.s32 $0xFFFF0000  }
0x5b: {  	[tilespmem:s2], [sflag:$0x2] =	stream.linear.gather [hbm4b:s13+s2], $0x200, $0x38;
	[tilespmem:$0x10200] =	vst v63  }
0x5c: {  	_ =	swait.ge [sflag:s3], $0x200  }
0x5d: {  	[sflag:s3] =	ssyncset.done $0x0  }
0x5e: {  	[sflag:s3] =	ssyncadd.s32 $0xFFFFFE00  }
0x5f: {  	[tilespmem:s6], [sflag:$0x1] =	stream.indirect.gather [hbm4b:s5+s6], $0x80, s2, s6, $0xb8;
	[tilespmem:$0x10200] =	vst v63  }
0x60: {  	_ =	swait.ge [sflag:s7], $0x10000  }
.Ltmp1:
0x61: {  	[sflag:s7] =	ssyncset.done $0x0;
	(pc) =	sbr.rel @p0 .LBB2_1-.Ltmp1, $4  }
0x62: {  	[sflag:s7] =	ssyncadd.s32 $0xFFFF0000  }
0x63: {  	[hbm4b:s14+s2] =	stream.linear.scatter [tilespmem:s6], [sflag:$0x2], $0x10000, $0x38;
	[tilespmem:$0x10200] =	vst v63  }
0x64: {  	_ =	swait.ge [sflag:s3], $0x10000  }
0x65: {  	[sflag:s3] =	ssyncset.done $0x0  }
.LBB2_2:
0x66: {  	[sflag:s3] =	ssyncadd.s32 $0xFFFF0000  }
0x67: {  	_ =	sfence.sel $0x180000  }
0x68: {  	[bflag:$0x0] =	sbarrier.arrive $0xFFFF  }
0x69: {  	p0 =	sne.s32 s0, $0x0;
	_ =	strace $0x90000056  }
0x6a: {  	s0 =	sadd.s32 @!p0 $0x100000, s1;
	[bflag:$0x2] =	sbarrier.arrive $0xFFFF  }
0x6b: {  	[sflag:s0] =	ssyncadd.tile.s32 @!p0 $0x1;
	_ =	shalt  }
.Lfunc_end2:
_tile_overlayer_lowered:
.L_overlay_start_2:
0x6c: {  	(tag) =	ssettag $0x2  }
0x6d: {  	s0 =	rddreg [dreg:$0x0];
	s2 =	stileid.u32  }
0x6e: {  	s1 =	rddreg [dreg:$0x1];
	p0 =	sne.s32 s2, $0x0  }
0x6f: {  	s3 =	rddreg [dreg:$0x2];
	[bflag:$0x3] =	sbarrier.arrive $0xFFFF;
	s2 =	simm.s32 @!p0 $0x1C02  }
0x70: {  	[timem:s3], [sflag:s2] =	dma.local @!p0 [hbm:s0], s1  }
0x71: {  	s0 =	simm.s32 @!p0 $0x2  }
0x72: {  	_ =	swait.ge @!p0 [sflag:s0], s1  }
0x73: {  	s1 =	ssub.s32 @!p0 $0x0, s1;
	[sflag:s0] =	ssyncset.done @!p0 $0x0  }
0x74: {  	[sflag:s0] =	ssyncadd.s32 @!p0 s1  }
0x75: {  	[bflag:$0x3] =	sbarrier.arrive $0xFFFF  }
0x76: {  	_ =	shalt  }

// kernel: kernel.48.cloned.1.call-start
scs
__scs_entry_jumppad:
0x0: {  	(pc) =	sbr.rel $0x88, $3  }
0x1: {  	(tag) =	ssettag $0x0;
	lr =	simm.s32 $0x1  }
0x2: {  	[smem:$0x3F90] =	sst lr;
	_ =	strace $0xD0000000  }
0x3: {  	_ = 	snop  }
0x4: {  	_ = 	snop  }
0x5: {  	_ = 	snop  }
0x6: {  	_ = 	snop  }
0x7: {  	_ = 	snop  }
__scs_overlays_trampoline_lowered:
0x8: {  	[smem:$0x3F9F] =	sst s0  }
0x9: {  	[smem:$0x3FA0] =	sst s1  }
0xa: {  	[smem:$0x3FA1] =	sst s2  }
0xb: {  	[smem:$0x3FA2] =	sst s3  }
0xc: {  	[smem:$0x3FA3] =	sst s4  }
0xd: {  	[smem:$0x3FA4] =	sst s5  }
0xe: {  	[smem:$0x3FA5] =	sst s6  }
0xf: {  	[smem:$0x3FA6] =	sst s7  }
0x10: {  	[smem:$0x3FA7] =	sst s8  }
0x11: {  	[smem:$0x3FA8] =	sst s9;
	s0 =	simm.s32 @!p0 $0x0  }
0x12: {  	s1 =	sld [smem:$0x3F8E];
	s0 =	simm.s32 @p0 $0x1  }
0x13: {  	[smem:$0x3FA9] =	sst s0;
	s0 =	simm.s32 @!p1 $0x0  }
0x14: {  	s2 =	sld [smem:$0x3F8D];
	s0 =	simm.s32 @p1 $0x1  }
0x15: {  	[smem:$0x3FAA] =	sst s0;
	s0 =	simm.s32 @!p2 $0x0  }
0x16: {  	s3 =	sld [smem:$0x3FDB];
	s0 =	simm.s32 @p2 $0x1  }
0x17: {  	s4 =	simm.s32 $0x1BF5;
	[smem:$0x3FAC] =	sst s0  }
0x18: {  	s0 =	sld [smem:$0x3F8F];
	_ =	swait.ge [sflag:s4], $0x0  }
0x19: {  	s7 =	sld [smem:$0x3F90]  }
0x1a: {  	s8 =	sadd.s32 $0xFFFFE003, lr  }
0x1b: {  	s9 =	sadd.s32 $0xFFFFFEF7, lr;
	s5 =	simm.s32 $0xFFFFFFFF;
	p2 =	slt.u32 s8, $0xFFFFF086  }
0x1c: {  	p1 =	slt.u32 s9, $0xF7A;
	s5 =	simm.s32 @!p2 $0x0  }
0x1d: {  	s5 =	simm.s32 @p1 $0x1;
	p0 =	seq.s32 s7, s2  }
0x1e: {  	s7 =	smul.u32 @!p0 $0xF7A, s2;
	p2 =	seq.s32 @!p0 s5, $0x0  }
0x1f: {  	s9 =	smul.u32 $0xF7A, s1;
	s8 =	simm.s32 @!p0 $0x1BF5;
	p2 =	por !p2, p0  }
0x20: {  	[sflag:s8] =	ssyncset.s32 @!p0 $0xFFFFF086;
	s6 =	sadd.s32 @!p0 s3, s7;
	s7 =	simm.s32 @!p0 $0x108  }
0x21: {  	s3 =	sadd.s32 s3, s9;
	s6 =	sadd.s32 @!p0 $0x88, s6;
	s7 =	simm.s32 @p2 $0x1082  }
0x22: {  	[simem:s7], [sflag:s8] =	dma.local @!p0 [hbm:s6], $0xF7A  }
0x23: {  	s9 =	sor.u32 $0xD0000000, s2;
	s6 =	simm.s32 $0x108;
	_ =	swait.ge @!p0 [sflag:s8], $0x0  }
0x24: {  	s3 =	sadd.s32 $0x88, s3;
	s6 =	simm.s32 @!p1 $0x1082;
	[sflag:s4] =	ssyncset.s32 $0xFFFFF086  }
0x25: {  	[simem:s6], [sflag:s4] =	dma.local [hbm:s3], $0xF7A  }
0x26: {  	[smem:$0x3F90] =	sst s1;
	(tag) =	ssettag s2;
	_ =	strace s9  }
0x27: {  	s1 =	sld [smem:$0x3FA0]  }
0x28: {  	s2 =	sld [smem:$0x3FA1]  }
0x29: {  	s4 =	sld [smem:$0x3FA3]  }
0x2a: {  	p0 =	seq.s32 s5, $0x0;
	s5 =	sld [smem:$0x3FA4]  }
0x2b: {  	s6 =	sld [smem:$0x3FA5]  }
0x2c: {  	s7 =	sld [smem:$0x3FA6]  }
0x2d: {  	s3 =	simm.s32 $0x108;
	s8 =	sld [smem:$0x3FA7]  }
0x2e: {  	s3 =	simm.s32 @!p0 $0x1082;
	s9 =	sld [smem:$0x3FA8]  }
0x2f: {  	lr =	sadd.s32 s0, s3;
	s0 =	sld [smem:$0x3F9F]  }
0x30: {  	s3 =	sld [smem:$0x3FA2]  }
0x31: {  	[smem:$0x3FAB] =	sst s10  }
0x32: {  	s10 =	sld [smem:$0x3FA9];
	_ =	sdelay $0x3  }
0x33: {  	p0 =	seq.s32 s10, $0x1;
	s10 =	sld [smem:$0x3FAB];
	_ =	sdelay $0x3  }
0x34: {  	[smem:$0x3FAB] =	sst s10  }
0x35: {  	s10 =	sld [smem:$0x3FAA];
	_ =	sdelay $0x3  }
0x36: {  	p1 =	seq.s32 s10, $0x1;
	s10 =	sld [smem:$0x3FAB];
	_ =	sdelay $0x3  }
0x37: {  	[smem:$0x3FAB] =	sst s10  }
0x38: {  	s10 =	sld [smem:$0x3FAC]  }
0x39: {  	_ = 	snop;
	(pc) =	sbr.ind lr, $3  }
0x3a: {  	_ = 	snop  }
0x3b: {  	_ = 	snop  }
0x3c: {  	p2 =	seq.s32 s10, $0x1;
	s10 =	sld [smem:$0x3FAB]  }
0x3d: {  	_ =	shalt  }
0x3e: {  	_ =	shalt  }
0x3f: {  	_ =	shalt  }
0x40: {  	_ =	shalt  }
0x41: {  	_ =	shalt  }
0x42: {  	_ =	shalt  }
0x43: {  	_ =	shalt  }
0x44: {  	_ =	shalt  }
0x45: {  	_ =	shalt  }
0x46: {  	_ =	shalt  }
0x47: {  	_ =	shalt  }
0x48: {  	_ =	shalt  }
0x49: {  	_ =	shalt  }
0x4a: {  	_ =	shalt  }
0x4b: {  	_ =	shalt  }
0x4c: {  	_ =	shalt  }
0x4d: {  	_ =	shalt  }
0x4e: {  	_ =	shalt  }
0x4f: {  	_ =	shalt  }
0x50: {  	_ =	shalt  }
0x51: {  	_ =	shalt  }
0x52: {  	_ =	shalt  }
0x53: {  	_ =	shalt  }
0x54: {  	_ =	shalt  }
0x55: {  	_ =	shalt  }
0x56: {  	_ =	shalt  }
0x57: {  	_ =	shalt  }
0x58: {  	_ =	shalt  }
0x59: {  	_ =	shalt  }
0x5a: {  	_ =	shalt  }
0x5b: {  	_ =	shalt  }
0x5c: {  	_ =	shalt  }
0x5d: {  	_ =	shalt  }
0x5e: {  	_ =	shalt  }
0x5f: {  	_ =	shalt  }
0x60: {  	_ =	shalt  }
0x61: {  	_ =	shalt  }
0x62: {  	_ =	shalt  }
0x63: {  	_ =	shalt  }
0x64: {  	_ =	shalt  }
0x65: {  	_ =	shalt  }
0x66: {  	_ =	shalt  }
0x67: {  	_ =	shalt  }
0x68: {  	_ =	shalt  }
0x69: {  	_ =	shalt  }
0x6a: {  	_ =	shalt  }
0x6b: {  	_ =	shalt  }
0x6c: {  	_ =	shalt  }
0x6d: {  	_ =	shalt  }
0x6e: {  	_ =	shalt  }
0x6f: {  	_ =	shalt  }
0x70: {  	_ =	shalt  }
0x71: {  	_ =	shalt  }
0x72: {  	_ =	shalt  }
0x73: {  	_ =	shalt  }
0x74: {  	_ =	shalt  }
0x75: {  	_ =	shalt  }
0x76: {  	_ =	shalt  }
0x77: {  	_ =	shalt  }
0x78: {  	_ =	shalt  }
0x79: {  	_ =	shalt  }
0x7a: {  	_ =	shalt  }
0x7b: {  	_ =	shalt  }
0x7c: {  	_ =	shalt  }
0x7d: {  	_ =	shalt  }
0x7e: {  	_ =	shalt  }
0x7f: {  	_ =	shalt  }
0x80: {  	_ =	shalt  }
0x81: {  	_ =	shalt  }
0x82: {  	_ =	shalt  }
0x83: {  	_ =	shalt  }
0x84: {  	_ =	shalt  }
0x85: {  	_ =	shalt  }
0x86: {  	_ =	shalt  }
0x87: {  	_ =	shalt  }
.Lfunc_end0:
.L_simem_size_0:
called_computation.7_lowered:
.L_overlay_start_0:
0x88: {  	s2 =	sld [smem:$0x3FD9]  }
0x89: {  	s3 =	sld [smem:$0x3FFE];
	_ =	sdelay $0x1  }
0x8a: {  	s1 =	srdreg.scid  }
0x8b: {  	s0 =	sand.u32 $0x1, s1  }
0x8c: {  	s17 =	sshll.u32 s0, $0xA;
	s2 =	sadd.s32 s3, s2  }
0x8d: {  	s2 =	sadd.s32 s2, s17  }
0x8e: {  	[smem:$0x3FB7] =	sst s2  }
0x8f: {  	_ = 	snop  }
0x90: {  	s18 =	sld [smem:$0x3FD0];
	(tm) =	ssettm $0x1  }
0x91: {  	s19 =	sld [smem:$0x3FFB];
	_ =	sdelay $0x3  }
0x92: {  	_ =	strace s19  }
0x93: {  	s2 =	sld [smem:$0x3FFC];
	_ =	sdelay $0x3  }
0x94: {  	_ =	strace s2  }
0x95: {  	s2 =	sld [smem:$0x3FFD];
	_ =	sdelay $0x3  }
0x96: {  	_ =	strace s2  }
0x97: {  	_ =	strace $0x8FFFFFFF  }
0x98: {  	s20 =	sld [smem:$0x3FDB];
	_ =	sdelay $0x1  }
0x99: {  	s4 =	simm.s32 $_scs_section_size  }
0x9a: {  	s5 =	simm.s32 $_size__tile_overlayer_lowered;
	s6 =	simm.s32 $_tile_overlayer_lowered  }
0x9b: {  	s7 =	simm.s32 $0x1BFF;
	s21 =	sshll.u32 s6, $0x1;
	s4 =	sadd.s32 s4, s20  }
0x9c: {  	s22 =	simm.s32 $0x0;
	s5 =	sshll.u32 s5, $0x1;
	s6 =	sadd.s32 s21, s4  }
0x9d: {  	[timem:s22], [sflag:s7] =	dma.local [hbm:s6], s5  }
0x9e: {  	_ =	swait.ge [sflag:s7], s5  }
0x9f: {  	s5 =	ssub.s32 $0x0, s5;
	[sflag:s7] =	ssyncset.done $0x0  }
0xa0: {  	[sflag:s7] =	ssyncadd.s32 s5;
	_ =	sdelay $0x1  }
0xa1: {  	s23 =	simm.s32 $0x1B8B  }
0xa2: {  	_ =	swait.ge [sflag:s23], $0x1  }
0xa3: {  	[sflag:s23] =	ssyncset.done $0x0  }
0xa4: {  	[sflag:s23] =	ssyncadd.s32 $0xFFFFFFFF  }
0xa5: {  	s5 =	sld [smem:$0x0]  }
0xa6: {  	s6 =	sand.u32 $0xFFFFFFFE, s1  }
0xa7: {  	p0 =	sne.s32 s1, s6  }
0xa8: {  	s6 =	sshll.u32 @p0 s6, $0xE  }
0xa9: {  	s6 =	sadd.s32 @p0 $0x11B8D, s6;
	s7 =	sshll.u32 @p0 s5, $0x11  }
0xaa: {  	s6 =	sor.u32 @p0 s7, s6  }
0xab: {  	[sflag:s6] =	ssyncadd.remote.s32 @p0 $0x1;
	_ =	sdelay $0x1  }
0xac: {  	s6 =	simm.s32 @p0 $0x1B8D  }
0xad: {  	_ =	swait.eq @p0 [sflag:s6], $0x1  }
0xae: {  	[sflag:s6] =	ssyncadd.s32 @p0 $0xFFFFFFFF  }
0xaf: {  	s7 =	sshll.u32 @!p0 s1, $0xE  }
0xb0: {  	s7 =	sor.u32 @!p0 $0x4000, s7;
	s6 =	simm.s32 @!p0 $0x1B8D  }
0xb1: {  	s5 =	sshll.u32 @!p0 s5, $0x11;
	s7 =	sadd.s32 @!p0 $0x11B8D, s7;
	_ =	swait.eq @!p0 [sflag:s6], $0x1  }
0xb2: {  	s5 =	sor.u32 @!p0 s5, s7;
	[sflag:s6] =	ssyncadd.s32 @!p0 $0xFFFFFFFF  }
0xb3: {  	s25 =	simm.s32 $0x1B8E;
	s24 =	sld [smem:$0x3FFE];
	[sflag:s5] =	ssyncadd.remote.s32 @!p0 $0x1  }
0xb4: {  	s26 =	simm.s32 $execute0_lowered;
	[smem:$0x3FD2] =	sst s25  }
0xb5: {  	s6 =	sshll.u32 s26, $0x1;
	_ =	strace $0x8000005B;
	[dreg:$0x1] =	wrdreg $0xFFFFFFFF  }
0xb6: {  	s28 =	simm.s32 $_size_execute0_lowered;
	s4 =	sadd.s32 s4, s6;
	[dreg:$0x0] =	wrdreg $0x0  }
0xb7: {  	s6 =	sshll.u32 s28, $0x1;
	[dreg:$0x2] =	wrdreg s4  }
0xb8: {  	[dreg:$0x3] =	wrdreg s6  }
0xb9: {  	[dreg:$0x4] =	wrdreg $0xC0  }
0xba: {  	_ =	task [dreg:s22], $0x5FFFF  }
0xbb: {  	[dreg:$0x1] =	wrdreg $0xFFFFFFFF  }
0xbc: {  	[dreg:$0x0] =	wrdreg $0x60  }
0xbd: {  	[dreg:$0x2] =	wrdreg s24  }
0xbe: {  	[dreg:$0x3] =	wrdreg s18  }
0xbf: {  	[dreg:$0x4] =	wrdreg $0xA  }
0xc0: {  	_ =	task.clear_ibuf [dreg:s22], $0x5FFFF;
	_ =	strace $0x9000005B  }
0xc1: {  	s29 =	simm.s32 $0xA;
	_ =	strace $0x8000005D  }
0xc2: {  	_ =	swait.ge [sflag:s29], $0x1  }
0xc3: {  	[sflag:s29] =	ssyncadd.s32 $0xFFFFFFFF  }
0xc4: {  	_ =	strace $0x9000005D  }
0xc5: {  	_ =	sfence  }
0xc6: {  	s30 =	sld [smem:$0x0];
	_ =	sdelay $0x2  }
0xc7: {  	s31 =	sshll.u32 s1, $0xD;
	s1 =	sshrl.u32 s1, $0x2  }
0xc8: {  	s4 =	sand.u32 $0x4000, s31;
	s1 =	sadd.s32 s1, s30  }
0xc9: {  	s0 =	sor.u32 s4, s0;
	s1 =	sshll.u32 s1, $0x11  }
0xca: {  	s0 =	sor.u32 s1, s0  }
0xcb: {  	s0 =	sadd.s32 $0x8F2B, s0  }
0xcc: {  	[sflag:s0] =	ssyncadd.remote.s32 $0x1  }
0xcd: {  	_ =	sfence.sel $0xFFFF  }
0xce: {  	[dreg:$0x0] =	wrdreg $0xFFFFFFFF;
	(pc) =	sbr.abs _section_cstart, $3  }
0xcf: {  	[dreg:$0x1] =	wrdreg $0xFFFFFFFF  }
0xd0: {  	_ =	task.clear_ibuf [dreg:s22], $0x2FFFF;
	_ =	strace $0x9FFFFFFF  }
0xd1: {  	(tm) =	ssettm $0x7FFFFFFF  }
tec
execute0_lowered:
.L_overlay_start_1:
0x0: {  	(tag) =	ssettag $0x1  }
0x1: {  	s1 =	srdreg.scid  }
0x2: {  	s8 =	rddreg [dreg:$0x0];
	s0 =	stileid.u32;
	s14 =	sand.u32 $0x1, s1  }
0x3: {  	s13 =	rddreg [dreg:$0x1];
	s3 =	sshll.u32 s0, $0xC;
	s4 =	sshll.u32 s14, $0xB  }
0x4: {  	s2 =	simm.s32 $0x0;
	s1 =	rddreg [dreg:$0x2];
	s15 =	sor.u32 s4, s3  }
0x5: {  	[smem:$0x7FF] =	sst s2;
	s3 =	sshrl.u32 s15, $0x3  }
0x6: {  	_ =	strace $0x8000005C;
	s4 =	sadd.s32 s13, s3;
	s3 =	simm.s32 $0x2  }
0x7: {  	[tilespmem:s2], [sflag:$0x2] =	stream.linear.gather [hbm4b:s4+s2], $0x200, $0x38;
	[tilespmem:$0x10200] =	vst v63  }
0x8: {  	_ =	swait.ge [sflag:s3], $0x200  }
0x9: {  	s6 =	simm.s32 $0x200;
	[sflag:s3] =	ssyncset.done $0x0  }
0xa: {  	s7 =	simm.s32 $0x1;
	s5 =	sadd.s32 $0x33E00, s8;
	[sflag:s3] =	ssyncadd.s32 $0xFFFFFE00  }
0xb: {  	[tilespmem:s6], [sflag:$0x1] =	stream.indirect.gather [hbm4b:s5+s6], $0x80, s2, s6, $0xb8;
	[tilespmem:$0x10200] =	vst v63  }
0xc: {  	_ =	swait.ge [sflag:s7], $0x10000  }
0xd: {  	s16 =	sadd.s32 $0x43E00, s8;
	s28 =	sshll.u32 s15, $0x4;
	[sflag:s7] =	ssyncset.done $0x0  }
0xe: {  	s8 =	sadd.s32 s16, s28;
	[sflag:s7] =	ssyncadd.s32 $0xFFFF0000  }
0xf: {  	[hbm4b:s8+s2] =	stream.linear.scatter [tilespmem:s6], [sflag:$0x2], $0x10000, $0x38;
	[tilespmem:$0x10200] =	vst v63  }
0x10: {  	s10 =	sor.u32 $0x200, s15;
	_ =	swait.ge [sflag:s3], $0x10000  }
0x11: {  	s9 =	sshrl.u32 s10, $0x3;
	[sflag:s3] =	ssyncset.done $0x0  }
0x12: {  	s9 =	sadd.s32 s13, s9;
	[sflag:s3] =	ssyncadd.s32 $0xFFFF0000  }
0x13: {  	[tilespmem:s2], [sflag:$0x2] =	stream.linear.gather [hbm4b:s9+s2], $0x200, $0x38;
	[tilespmem:$0x10200] =	vst v63  }
0x14: {  	_ =	swait.ge [sflag:s3], $0x200  }
0x15: {  	[sflag:s3] =	ssyncset.done $0x0  }
0x16: {  	[sflag:s3] =	ssyncadd.s32 $0xFFFFFE00  }
0x17: {  	[tilespmem:s6], [sflag:$0x1] =	stream.indirect.gather [hbm4b:s5+s6], $0x80, s2, s6, $0xb8;
	[tilespmem:$0x10200] =	vst v63  }
0x18: {  	_ =	swait.ge [sflag:s7], $0x10000  }
0x19: {  	s10 =	sshll.u32 s10, $0x4;
	[sflag:s7] =	ssyncset.done $0x0  }
0x1a: {  	s10 =	sadd.s32 s16, s10;
	[sflag:s7] =	ssyncadd.s32 $0xFFFF0000  }
0x1b: {  	[hbm4b:s10+s2] =	stream.linear.scatter [tilespmem:s6], [sflag:$0x2], $0x10000, $0x38;
	[tilespmem:$0x10200] =	vst v63  }
0x1c: {  	s12 =	sor.u32 $0x400, s15;
	_ =	swait.ge [sflag:s3], $0x10000  }
0x1d: {  	s11 =	sshrl.u32 s12, $0x3;
	[sflag:s3] =	ssyncset.done $0x0  }
0x1e: {  	s11 =	sadd.s32 s13, s11;
	[sflag:s3] =	ssyncadd.s32 $0xFFFF0000  }
0x1f: {  	[tilespmem:s2], [sflag:$0x2] =	stream.linear.gather [hbm4b:s11+s2], $0x200, $0x38;
	[tilespmem:$0x10200] =	vst v63  }
0x20: {  	_ =	swait.ge [sflag:s3], $0x200  }
0x21: {  	[sflag:s3] =	ssyncset.done $0x0  }
0x22: {  	[sflag:s3] =	ssyncadd.s32 $0xFFFFFE00  }
0x23: {  	[tilespmem:s6], [sflag:$0x1] =	stream.indirect.gather [hbm4b:s5+s6], $0x80, s2, s6, $0xb8;
	[tilespmem:$0x10200] =	vst v63  }
0x24: {  	_ =	swait.ge [sflag:s7], $0x10000  }
0x25: {  	s12 =	sshll.u32 s12, $0x4;
	[sflag:s7] =	ssyncset.done $0x0  }
0x26: {  	s12 =	sadd.s32 s16, s12;
	[sflag:s7] =	ssyncadd.s32 $0xFFFF0000  }
0x27: {  	[hbm4b:s12+s2] =	stream.linear.scatter [tilespmem:s6], [sflag:$0x2], $0x10000, $0x38;
	[tilespmem:$0x10200] =	vst v63  }
0x28: {  	s15 =	sor.u32 $0x600, s15;
	_ =	swait.ge [sflag:s3], $0x10000  }
0x29: {  	s17 =	sshrl.u32 s15, $0x3;
	[sflag:s3] =	ssyncset.done $0x0  }
0x2a: {  	s14 =	ssub.s32 $0x2, s14;
	s13 =	sadd.s32 s13, s17;
	[sflag:s3] =	ssyncadd.s32 $0xFFFF0000  }
0x2b: {  	[tilespmem:s2], [sflag:$0x2] =	stream.linear.gather [hbm4b:s13+s2], $0x200, $0x38;
	[tilespmem:$0x10200] =	vst v63  }
0x2c: {  	s29 =	sshrl.u32 s14, $0x1;
	_ =	swait.ge [sflag:s3], $0x200  }
0x2d: {  	s17 =	ssub.s32 s14, s29;
	[sflag:s3] =	ssyncset.done $0x0  }
0x2e: {  	s31 =	smax.u32 s17, $0x1;
	[sflag:s3] =	ssyncadd.s32 $0xFFFFFE00  }
0x2f: {  	[tilespmem:s6], [sflag:$0x1] =	stream.indirect.gather [hbm4b:s5+s6], $0x80, s2, s6, $0xb8;
	[tilespmem:$0x10200] =	vst v63  }
0x30: {  	p0 =	sne.s32 s31, $0x1;
	_ =	swait.ge [sflag:s7], $0x10000  }
.Ltmp0:
0x31: {  	s30 =	sshll.u32 s15, $0x4;
	[sflag:s7] =	ssyncset.done $0x0;
	(pc) =	sbr.rel @!p0 .LBB2_2-.Ltmp0, $4  }
0x32: {  	s14 =	sadd.s32 s16, s30;
	[sflag:s7] =	ssyncadd.s32 $0xFFFF0000  }
0x33: {  	[hbm4b:s14+s2] =	stream.linear.scatter [tilespmem:s6], [sflag:$0x2], $0x10000, $0x38;
	[tilespmem:$0x10200] =	vst v63  }
0x34: {  	_ =	swait.ge [sflag:s3], $0x10000  }
0x35: {  	s15 =	sadd.s32 $0xFFFFFFFF, s31;
	[sflag:s3] =	ssyncset.done $0x0  }
.LBB2_1:
0x36: {  	p0 =	sne.s32 s15, $0x1;
	s15 =	sadd.s32 $0xFFFFFFFF, s15;
	[sflag:s3] =	ssyncadd.s32 $0xFFFF0000  }
0x37: {  	[tilespmem:s2], [sflag:$0x2] =	stream.linear.gather [hbm4b:s4+s2], $0x200, $0x38;
	[tilespmem:$0x10200] =	vst v63  }
0x38: {  	_ =	swait.ge [sflag:s3], $0x200  }
0x39: {  	[sflag:s3] =	ssyncset.done $0x0  }
0x3a: {  	[sflag:s3] =	ssyncadd.s32 $0xFFFFFE00  }
0x3b: {  	[tilespmem:s6], [sflag:$0x1] =	stream.indirect.gather [hbm4b:s5+s6], $0x80, s2, s6, $0xb8;
	[tilespmem:$0x10200] =	vst v63  }
0x3c: {  	_ =	swait.ge [sflag:s7], $0x10000  }
0x3d: {  	[sflag:s7] =	ssyncset.done $0x0  }
0x3e: {  	[sflag:s7] =	ssyncadd.s32 $0xFFFF0000  }
0x3f: {  	[hbm4b:s8+s2] =	stream.linear.scatter [tilespmem:s6], [sflag:$0x2], $0x10000, $0x38;
	[tilespmem:$0x10200] =	vst v63  }
0x40: {  	_ =	swait.ge [sflag:s3], $0x10000  }
0x41: {  	[sflag:s3] =	ssyncset.done $0x0  }
0x42: {  	[sflag:s3] =	ssyncadd.s32 $0xFFFF0000  }
0x43: {  	[tilespmem:s2], [sflag:$0x2] =	stream.linear.gather [hbm4b:s9+s2], $0x200, $0x38;
	[tilespmem:$0x10200] =	vst v63  }
0x44: {  	_ =	swait.ge [sflag:s3], $0x200  }
0x45: {  	[sflag:s3] =	ssyncset.done $0x0  }
0x46: {  	[sflag:s3] =	ssyncadd.s32 $0xFFFFFE00  }
0x47: {  	[tilespmem:s6], [sflag:$0x1] =	stream.indirect.gather [hbm4b:s5+s6], $0x80, s2, s6, $0xb8;
	[tilespmem:$0x10200] =	vst v63  }
0x48: {  	_ =	swait.ge [sflag:s7], $0x10000  }
0x49: {  	[sflag:s7] =	ssyncset.done $0x0  }
0x4a: {  	[sflag:s7] =	ssyncadd.s32 $0xFFFF0000  }
0x4b: {  	[hbm4b:s10+s2] =	stream.linear.scatter [tilespmem:s6], [sflag:$0x2], $0x10000, $0x38;
	[tilespmem:$0x10200] =	vst v63  }
0x4c: {  	_ =	swait.ge [sflag:s3], $0x10000  }
0x4d: {  	[sflag:s3] =	ssyncset.done $0x0  }
0x4e: {  	[sflag:s3] =	ssyncadd.s32 $0xFFFF0000  }
0x4f: {  	[tilespmem:s2], [sflag:$0x2] =	stream.linear.gather [hbm4b:s11+s2], $0x200, $0x38;
	[tilespmem:$0x10200] =	vst v63  }
0x50: {  	_ =	swait.ge [sflag:s3], $0x200  }
0x51: {  	[sflag:s3] =	ssyncset.done $0x0  }
0x52: {  	[sflag:s3] =	ssyncadd.s32 $0xFFFFFE00  }
0x53: {  	[tilespmem:s6], [sflag:$0x1] =	stream.indirect.gather [hbm4b:s5+s6], $0x80, s2, s6, $0xb8;
	[tilespmem:$0x10200] =	vst v63  }
0x54: {  	_ =	swait.ge [sflag:s7], $0x10000  }
0x55: {  	[sflag:s7] =	ssyncset.done $0x0  }
0x56: {  	[sflag:s7] =	ssyncadd.s32 $0xFFFF0000  }
0x57: {  	[hbm4b:s12+s2] =	stream.linear.scatter [tilespmem:s6], [sflag:$0x2], $0x10000, $0x38;
	[tilespmem:$0x10200] =	vst v63  }
0x58: {  	_ =	swait.ge [sflag:s3], $0x10000  }
0x59: {  	[sflag:s3] =	ssyncset.done $0x0  }
0x5a: {  	[sflag:s3] =	ssyncadd.s32 $0xFFFF0000  }
0x5b: {  	[tilespmem:s2], [sflag:$0x2] =	stream.linear.gather [hbm4b:s13+s2], $0x200, $0x38;
	[tilespmem:$0x10200] =	vst v63  }
0x5c: {  	_ =	swait.ge [sflag:s3], $0x200  }
0x5d: {  	[sflag:s3] =	ssyncset.done $0x0  }
0x5e: {  	[sflag:s3] =	ssyncadd.s32 $0xFFFFFE00  }
0x5f: {  	[tilespmem:s6], [sflag:$0x1] =	stream.indirect.gather [hbm4b:s5+s6], $0x80, s2, s6, $0xb8;
	[tilespmem:$0x10200] =	vst v63  }
0x60: {  	_ =	swait.ge [sflag:s7], $0x10000  }
.Ltmp1:
0x61: {  	[sflag:s7] =	ssyncset.done $0x0;
	(pc) =	sbr.rel @p0 .LBB2_1-.Ltmp1, $4  }
0x62: {  	[sflag:s7] =	ssyncadd.s32 $0xFFFF0000  }
0x63: {  	[hbm4b:s14+s2] =	stream.linear.scatter [tilespmem:s6], [sflag:$0x2], $0x10000, $0x38;
	[tilespmem:$0x10200] =	vst v63  }
0x64: {  	_ =	swait.ge [sflag:s3], $0x10000  }
0x65: {  	[sflag:s3] =	ssyncset.done $0x0  }
.LBB2_2:
0x66: {  	[sflag:s3] =	ssyncadd.s32 $0xFFFF0000  }
0x67: {  	_ =	sfence.sel $0x180000  }
0x68: {  	[bflag:$0x0] =	sbarrier.arrive $0xFFFF  }
0x69: {  	p0 =	sne.s32 s0, $0x0;
	_ =	strace $0x9000005C  }
0x6a: {  	s0 =	sadd.s32 @!p0 $0x100000, s1;
	[bflag:$0x2] =	sbarrier.arrive $0xFFFF  }
0x6b: {  	[sflag:s0] =	ssyncadd.tile.s32 @!p0 $0x1;
	_ =	shalt  }
.Lfunc_end2:
_tile_overlayer_lowered:
.L_overlay_start_2:
0x6c: {  	(tag) =	ssettag $0x2  }
0x6d: {  	s0 =	rddreg [dreg:$0x0];
	s2 =	stileid.u32  }
0x6e: {  	s1 =	rddreg [dreg:$0x1];
	p0 =	sne.s32 s2, $0x0  }
0x6f: {  	s3 =	rddreg [dreg:$0x2];
	[bflag:$0x3] =	sbarrier.arrive $0xFFFF;
	s2 =	simm.s32 @!p0 $0x1C02  }
0x70: {  	[timem:s3], [sflag:s2] =	dma.local @!p0 [hbm:s0], s1  }
0x71: {  	s0 =	simm.s32 @!p0 $0x2  }
0x72: {  	_ =	swait.ge @!p0 [sflag:s0], s1  }
0x73: {  	s1 =	ssub.s32 @!p0 $0x0, s1;
	[sflag:s0] =	ssyncset.done @!p0 $0x0  }
0x74: {  	[sflag:s0] =	ssyncadd.s32 @!p0 s1  }
0x75: {  	[bflag:$0x3] =	sbarrier.arrive $0xFFFF  }
0x76: {  	_ =	shalt  }

</sc_bundles>
